<compile_context>
chip_gen: v7x
topology: tpu7x:2x2x1
jax: 0.10.2.dev20260603
libtpu: 0.0.44.dev20260713+nightly
codegen_flags: <defaults>
</compile_context>

<pallas_src>
import functools
import jax
import jax.numpy as jnp
from jax import lax
from jax.experimental import pallas as pl
from jax.experimental.pallas import tpu as pltpu
from jax.experimental.pallas import tpu_sc as plsc

LANES = 128
GATHERS_PER_CHUNK = 2
CHUNK = LANES * GATHERS_PER_CHUNK
NBUF = 3
NIB = 6
PF = 3
UNROLL = 6


@functools.cache
def _build(n_rows: int, vocab: int, d: int):
  info = plsc.get_sparse_core_info()
  nw = info.num_cores * info.num_subcores
  per_w = n_rows // nw
  n_chunks = per_w // CHUNK
  n_groups = n_chunks // UNROLL
  assert n_rows == nw * n_chunks * CHUNK
  assert n_groups >= 2 and n_chunks >= 2 * UNROLL
  mesh = plsc.VectorSubcoreMesh(core_axis_name="c", subcore_axis_name="s")

  @functools.partial(
      pl.kernel,
      mesh=mesh,
      out_type=jax.ShapeDtypeStruct((n_rows, d), jnp.float32),
      scratch_types=[
          pltpu.VMEM((NIB * GATHERS_PER_CHUNK, LANES), jnp.int32),
          pltpu.VMEM((NBUF, CHUNK, d), jnp.float32),
          pltpu.VMEM_SHARED((vocab, d), jnp.float32),
          pltpu.SemaphoreType.DMA((NIB,)),
          pltpu.SemaphoreType.DMA((NBUF,)),
          pltpu.SemaphoreType.DMA((NBUF,)),
      ],
  )
  def k(table_hbm, idx_hbm, out_hbm, idx_v, rows_v, table_sp, isem, gsem,
        wsem):
    wid = lax.axis_index("s") * info.num_cores + lax.axis_index("c")
    base = wid * per_w

    @pl.when(lax.axis_index("s") == 0)
    def _stage():
      pltpu.sync_copy(table_hbm, table_sp)

    def idx_start(c, ib):
      for j in range(GATHERS_PER_CHUNK):
        pltpu.async_copy(
            idx_hbm.at[pl.ds(base + c * CHUNK + j * LANES, LANES)],
            idx_v.at[ib * GATHERS_PER_CHUNK + j], isem.at[ib])

    def idx_wait(c, ib):
      for j in range(GATHERS_PER_CHUNK):
        pltpu.make_async_copy(
            idx_hbm.at[pl.ds(base + c * CHUNK + j * LANES, LANES)],
            idx_v.at[ib * GATHERS_PER_CHUNK + j], isem.at[ib]).wait()

    def gather_start(b, ib):
      for j in range(GATHERS_PER_CHUNK):
        pltpu.async_copy(
            table_sp.at[idx_v.at[ib * GATHERS_PER_CHUNK + j]],
            rows_v.at[b, pl.ds(j * LANES, LANES)], gsem.at[b])

    def gather_wait(b, ib):
      for j in range(GATHERS_PER_CHUNK):
        pltpu.make_async_copy(
            table_sp.at[idx_v.at[ib * GATHERS_PER_CHUNK + j]],
            rows_v.at[b, pl.ds(j * LANES, LANES)], gsem.at[b]).wait()

    def write_start(c, b):
      pltpu.async_copy(rows_v.at[b],
                       out_hbm.at[pl.ds(base + c * CHUNK, CHUNK)],
                       wsem.at[b])

    def write_wait(c, b):
      pltpu.make_async_copy(rows_v.at[b],
                            out_hbm.at[pl.ds(base + c * CHUNK, CHUNK)],
                            wsem.at[b]).wait()

    def step(c, u, first_round):
      b = u % NBUF
      ib = u % NIB
      if not first_round:
        write_wait(c - NBUF, b)
      elif u >= NBUF:
        write_wait(c - NBUF, b)
      idx_wait(c, ib)
      gather_start(b, ib)
      if isinstance(c, int):
        if c + PF < n_chunks:
          idx_start(c + PF, (u + PF) % NIB)
      else:
        @pl.when(c + PF < n_chunks)
        def _():
          idx_start(c + PF, (u + PF) % NIB)
      if not first_round or u >= 1:
        gather_wait((u - 1) % NBUF, (u - 1) % NIB)
        write_start(c - 1, (u - 1) % NBUF)

    for c in range(PF):
      idx_start(c, c % NIB)
    plsc.subcore_barrier()
    for u in range(UNROLL):
      step(u, u, True)

    def body(g, carry):
      c0 = g * UNROLL
      for u in range(UNROLL):
        step(c0 + u, u, False)
      return carry

    lax.fori_loop(1, n_groups, body, 0)

    for c in range(n_groups * UNROLL, n_chunks):
      step(c, c % UNROLL, False)

    last = n_chunks - 1
    gather_wait(last % NBUF, last % NIB)
    write_start(last, last % NBUF)
    for c in range(n_chunks - NBUF, n_chunks):
      write_wait(c, c % NBUF)

  return k


def kernel(x, table):
  b, h = x.shape
  v, d = table.shape
  n = b * h
  x_flat = x.reshape(n).astype(jnp.int32)
  out = _build(n, v, d)(table, x_flat)
  return out.reshape(b, h, d)

# --- scband reference (transcript-rebuilt; emitter-appended) ---
"""Pipeline reference for scband-discrete-embedding-layer-53678501266157 (READ-ONLY COPY).

The authoritative reference and input builder live on the scoring server;
editing this copy changes nothing except your own understanding.
"""

import jax, jax.numpy as jnp
import numpy as np

NUM_MAX_TOKENS = 1000
EMBED_DIM = 128
BATCH = 16384
HIST_LEN = 200

def setup_inputs(seed: int = 0) -> dict:
    key = jax.random.key(seed)
    k_idx, k_tab = jax.random.split(key)
    x = jax.random.randint(k_idx, (BATCH, HIST_LEN), 0, NUM_MAX_TOKENS, dtype=jnp.int64 if jax.config.read('jax_enable_x64') else jnp.int32)
    # embedding table, init normal(0, 0.02) per module's _init_weights
    table = jax.random.normal(k_tab, (NUM_MAX_TOKENS, EMBED_DIM), dtype=jnp.float32) * 0.02
    return {"x": x, "table": table}

def reference(x, table):
    # nn.Embedding lookup -> gather rows of table
    return jnp.take(table, x, axis=0)

if __name__ == "__main__":
    import jax
    _d = setup_inputs()
    print(jax.jit(kernel)(*tuple(_d.values())))

</pallas_src>

<mosaic_0001>
#map = affine_map<(d0, d1) -> (0, 0)>
#map1 = affine_map<(d0, d1) -> (0)>
module attributes {stable_mosaic.version = 14 : i64} {
  func.func @k(%arg0: i32, %arg1: i32, %arg2: memref<1000x128xf32, #tpu.memory_space<hbm>>, %arg3: memref<3276800xi32, #tpu.memory_space<hbm>>, %arg4: memref<3276800x128xf32, #tpu.memory_space<hbm>>, %arg5: memref<12x128xi32, #tpu.memory_space<vmem>>, %arg6: memref<3x256x128xf32, #tpu.memory_space<vmem>>, %arg7: memref<1000x128xf32, #tpu.memory_space<vmem_shared>>, %arg8: memref<6x!tpu.dma_semaphore, #tpu.memory_space<semaphore_mem>>, %arg9: memref<3x!tpu.dma_semaphore, #tpu.memory_space<semaphore_mem>>, %arg10: memref<3x!tpu.dma_semaphore, #tpu.memory_space<semaphore_mem>>) attributes {dimension_semantics = [#tpu.dimension_semantics<core_parallel>, #tpu.dimension_semantics<subcore_parallel>], iteration_bounds = array<i64: 2, 16>, scalar_prefetch = 0 : i64, scratch_operands = 6 : i64, tpu.core_type = #tpu.core_type<sc_vector_subcore>, window_params = [{transform_indices = #map}, {transform_indices = #map1}, {transform_indices = #map}]} {
    %mul3A = arith.constant 2 : i32
    %mul3A_0 = arith.muli %arg1, %mul3A : i32
    %add3A = arith.addi %mul3A_0, %arg0 : i32
    %mul3A_1 = arith.constant 102400 : i32
    %mul3A_2 = arith.muli %add3A, %mul3A_1 : i32
    %eq3A = arith.constant 0 : i32
    %eq3A_3 = arith.cmpi eq, %arg1, %eq3A : i32
    %convert_element_type3A = arith.extui %eq3A_3 : i1 to i32
    %cond3A = arith.constant 0 : i32
    %cond3A_4 = arith.cmpi ne, %convert_element_type3A, %cond3A : i32
    scf.if %cond3A_4 {
      "tpu.region"() ({
        %run_scoped3A = tpu.sem_alloc : memref<!tpu.dma_semaphore, #tpu.memory_space<semaphore_mem>>
        tpu.enqueue_dma source(%arg2 : memref<1000x128xf32, #tpu.memory_space<hbm>>) target(%arg7 : memref<1000x128xf32, #tpu.memory_space<vmem_shared>>) target_semaphore(%run_scoped3A : memref<!tpu.dma_semaphore, #tpu.memory_space<semaphore_mem>>)
        tpu.wait_dma2 semaphore(%run_scoped3A : memref<!tpu.dma_semaphore, #tpu.memory_space<semaphore_mem>>) src(%arg2 : memref<1000x128xf32, #tpu.memory_space<hbm>>) dst(%arg7 : memref<1000x128xf32, #tpu.memory_space<vmem_shared>>)
        tpu.yield
      }) : () -> ()
    } else {
    }
    %add3A_5 = arith.constant 0 : i32
    %add3A_6 = arith.addi %mul3A_2, %add3A_5 : i32
    %add3A_7 = arith.constant 0 : i32
    %add3A_8 = arith.addi %add3A_6, %add3A_7 : i32
    %dma_start3A = arith.constant 0 : i32
    %dma_start3A_9 = arith.constant 0 : i32
    %dma_start3A_10 = arith.constant 0 : i32
    %dma_start3A_11 = tpu.memref_slice %arg5[%dma_start3A, %dma_start3A_10] : memref<12x128xi32, #tpu.memory_space<vmem>> -> memref<1x128xi32, #tpu.memory_space<vmem>>
    %dma_start3A_12 = tpu.memref_squeeze %dma_start3A_11 : memref<1x128xi32, #tpu.memory_space<vmem>> -> memref<128xi32, #tpu.memory_space<vmem>>
    %dma_start3A_13 = tpu.memref_slice %arg3[%add3A_8] : memref<3276800xi32, #tpu.memory_space<hbm>> -> memref<128xi32, #tpu.memory_space<hbm>>
    %dma_start3A_14 = tpu.memref_slice %arg8[%dma_start3A_9] : memref<6x!tpu.dma_semaphore, #tpu.memory_space<semaphore_mem>> -> memref<1x!tpu.dma_semaphore, #tpu.memory_space<semaphore_mem>>
    %dma_start3A_15 = tpu.memref_squeeze %dma_start3A_14 : memref<1x!tpu.dma_semaphore, #tpu.memory_space<semaphore_mem>> -> memref<!tpu.dma_semaphore, #tpu.memory_space<semaphore_mem>>
    %dma_start3A_16 = arith.constant 0 : i32
    %dma_start3A_17 = tpu.memref_slice %arg5[%dma_start3A, %dma_start3A_16] : memref<12x128xi32, #tpu.memory_space<vmem>> -> memref<1x128xi32, #tpu.memory_space<vmem>>
    %dma_start3A_18 = tpu.memref_squeeze %dma_start3A_17 : memref<1x128xi32, #tpu.memory_space<vmem>> -> memref<128xi32, #tpu.memory_space<vmem>>
    %dma_start3A_19 = tpu.memref_slice %arg3[%add3A_8] : memref<3276800xi32, #tpu.memory_space<hbm>> -> memref<128xi32, #tpu.memory_space<hbm>>
    tpu.enqueue_dma source(%dma_start3A_19 : memref<128xi32, #tpu.memory_space<hbm>>) target(%dma_start3A_18 : memref<128xi32, #tpu.memory_space<vmem>>) target_semaphore(%dma_start3A_15 : memref<!tpu.dma_semaphore, #tpu.memory_space<semaphore_mem>>)
    %add3A_20 = arith.constant 0 : i32
    %add3A_21 = arith.addi %mul3A_2, %add3A_20 : i32
    %add3A_22 = arith.constant 128 : i32
    %add3A_23 = arith.addi %add3A_21, %add3A_22 : i32
    %dma_start3A_24 = arith.constant 1 : i32
    %dma_start3A_25 = arith.constant 0 : i32
    %dma_start3A_26 = arith.constant 0 : i32
    %dma_start3A_27 = tpu.memref_slice %arg5[%dma_start3A_24, %dma_start3A_26] : memref<12x128xi32, #tpu.memory_space<vmem>> -> memref<1x128xi32, #tpu.memory_space<vmem>>
    %dma_start3A_28 = tpu.memref_squeeze %dma_start3A_27 : memref<1x128xi32, #tpu.memory_space<vmem>> -> memref<128xi32, #tpu.memory_space<vmem>>
    %dma_start3A_29 = tpu.memref_slice %arg3[%add3A_23] : memref<3276800xi32, #tpu.memory_space<hbm>> -> memref<128xi32, #tpu.memory_space<hbm>>
    %dma_start3A_30 = tpu.memref_slice %arg8[%dma_start3A_25] : memref<6x!tpu.dma_semaphore, #tpu.memory_space<semaphore_mem>> -> memref<1x!tpu.dma_semaphore, #tpu.memory_space<semaphore_mem>>
    %dma_start3A_31 = tpu.memref_squeeze %dma_start3A_30 : memref<1x!tpu.dma_semaphore, #tpu.memory_space<semaphore_mem>> -> memref<!tpu.dma_semaphore, #tpu.memory_space<semaphore_mem>>
    %dma_start3A_32 = arith.constant 0 : i32
    %dma_start3A_33 = tpu.memref_slice %arg5[%dma_start3A_24, %dma_start3A_32] : memref<12x128xi32, #tpu.memory_space<vmem>> -> memref<1x128xi32, #tpu.memory_space<vmem>>
    %dma_start3A_34 = tpu.memref_squeeze %dma_start3A_33 : memref<1x128xi32, #tpu.memory_space<vmem>> -> memref<128xi32, #tpu.memory_space<vmem>>
    %dma_start3A_35 = tpu.memref_slice %arg3[%add3A_23] : memref<3276800xi32, #tpu.memory_space<hbm>> -> memref<128xi32, #tpu.memory_space<hbm>>
    tpu.enqueue_dma source(%dma_start3A_35 : memref<128xi32, #tpu.memory_space<hbm>>) target(%dma_start3A_34 : memref<128xi32, #tpu.memory_space<vmem>>) target_semaphore(%dma_start3A_31 : memref<!tpu.dma_semaphore, #tpu.memory_space<semaphore_mem>>)
    %add3A_36 = arith.constant 256 : i32
    %add3A_37 = arith.addi %mul3A_2, %add3A_36 : i32
    %add3A_38 = arith.constant 0 : i32
    %add3A_39 = arith.addi %add3A_37, %add3A_38 : i32
    %dma_start3A_40 = arith.constant 2 : i32
    %dma_start3A_41 = arith.constant 1 : i32
    %dma_start3A_42 = arith.constant 0 : i32
    %dma_start3A_43 = tpu.memref_slice %arg5[%dma_start3A_40, %dma_start3A_42] : memref<12x128xi32, #tpu.memory_space<vmem>> -> memref<1x128xi32, #tpu.memory_space<vmem>>
    %dma_start3A_44 = tpu.memref_squeeze %dma_start3A_43 : memref<1x128xi32, #tpu.memory_space<vmem>> -> memref<128xi32, #tpu.memory_space<vmem>>
    %dma_start3A_45 = tpu.memref_slice %arg3[%add3A_39] : memref<3276800xi32, #tpu.memory_space<hbm>> -> memref<128xi32, #tpu.memory_space<hbm>>
    %dma_start3A_46 = tpu.memref_slice %arg8[%dma_start3A_41] : memref<6x!tpu.dma_semaphore, #tpu.memory_space<semaphore_mem>> -> memref<1x!tpu.dma_semaphore, #tpu.memory_space<semaphore_mem>>
    %dma_start3A_47 = tpu.memref_squeeze %dma_start3A_46 : memref<1x!tpu.dma_semaphore, #tpu.memory_space<semaphore_mem>> -> memref<!tpu.dma_semaphore, #tpu.memory_space<semaphore_mem>>
    %dma_start3A_48 = arith.constant 0 : i32
    %dma_start3A_49 = tpu.memref_slice %arg5[%dma_start3A_40, %dma_start3A_48] : memref<12x128xi32, #tpu.memory_space<vmem>> -> memref<1x128xi32, #tpu.memory_space<vmem>>
    %dma_start3A_50 = tpu.memref_squeeze %dma_start3A_49 : memref<1x128xi32, #tpu.memory_space<vmem>> -> memref<128xi32, #tpu.memory_space<vmem>>
    %dma_start3A_51 = tpu.memref_slice %arg3[%add3A_39] : memref<3276800xi32, #tpu.memory_space<hbm>> -> memref<128xi32, #tpu.memory_space<hbm>>
    tpu.enqueue_dma source(%dma_start3A_51 : memref<128xi32, #tpu.memory_space<hbm>>) target(%dma_start3A_50 : memref<128xi32, #tpu.memory_space<vmem>>) target_semaphore(%dma_start3A_47 : memref<!tpu.dma_semaphore, #tpu.memory_space<semaphore_mem>>)
    %add3A_52 = arith.constant 256 : i32
    %add3A_53 = arith.addi %mul3A_2, %add3A_52 : i32
    %add3A_54 = arith.constant 128 : i32
    %add3A_55 = arith.addi %add3A_53, %add3A_54 : i32
    %dma_start3A_56 = arith.constant 3 : i32
    %dma_start3A_57 = arith.constant 1 : i32
    %dma_start3A_58 = arith.constant 0 : i32
    %dma_start3A_59 = tpu.memref_slice %arg5[%dma_start3A_56, %dma_start3A_58] : memref<12x128xi32, #tpu.memory_space<vmem>> -> memref<1x128xi32, #tpu.memory_space<vmem>>
    %dma_start3A_60 = tpu.memref_squeeze %dma_start3A_59 : memref<1x128xi32, #tpu.memory_space<vmem>> -> memref<128xi32, #tpu.memory_space<vmem>>
    %dma_start3A_61 = tpu.memref_slice %arg3[%add3A_55] : memref<3276800xi32, #tpu.memory_space<hbm>> -> memref<128xi32, #tpu.memory_space<hbm>>
    %dma_start3A_62 = tpu.memref_slice %arg8[%dma_start3A_57] : memref<6x!tpu.dma_semaphore, #tpu.memory_space<semaphore_mem>> -> memref<1x!tpu.dma_semaphore, #tpu.memory_space<semaphore_mem>>
    %dma_start3A_63 = tpu.memref_squeeze %dma_start3A_62 : memref<1x!tpu.dma_semaphore, #tpu.memory_space<semaphore_mem>> -> memref<!tpu.dma_semaphore, #tpu.memory_space<semaphore_mem>>
    %dma_start3A_64 = arith.constant 0 : i32
    %dma_start3A_65 = tpu.memref_slice %arg5[%dma_start3A_56, %dma_start3A_64] : memref<12x128xi32, #tpu.memory_space<vmem>> -> memref<1x128xi32, #tpu.memory_space<vmem>>
    %dma_start3A_66 = tpu.memref_squeeze %dma_start3A_65 : memref<1x128xi32, #tpu.memory_space<vmem>> -> memref<128xi32, #tpu.memory_space<vmem>>
    %dma_start3A_67 = tpu.memref_slice %arg3[%add3A_55] : memref<3276800xi32, #tpu.memory_space<hbm>> -> memref<128xi32, #tpu.memory_space<hbm>>
    tpu.enqueue_dma source(%dma_start3A_67 : memref<128xi32, #tpu.memory_space<hbm>>) target(%dma_start3A_66 : memref<128xi32, #tpu.memory_space<vmem>>) target_semaphore(%dma_start3A_63 : memref<!tpu.dma_semaphore, #tpu.memory_space<semaphore_mem>>)
    %add3A_68 = arith.constant 512 : i32
    %add3A_69 = arith.addi %mul3A_2, %add3A_68 : i32
    %add3A_70 = arith.constant 0 : i32
    %add3A_71 = arith.addi %add3A_69, %add3A_70 : i32
    %dma_start3A_72 = arith.constant 4 : i32
    %dma_start3A_73 = arith.constant 2 : i32
    %dma_start3A_74 = arith.constant 0 : i32
    %dma_start3A_75 = tpu.memref_slice %arg5[%dma_start3A_72, %dma_start3A_74] : memref<12x128xi32, #tpu.memory_space<vmem>> -> memref<1x128xi32, #tpu.memory_space<vmem>>
    %dma_start3A_76 = tpu.memref_squeeze %dma_start3A_75 : memref<1x128xi32, #tpu.memory_space<vmem>> -> memref<128xi32, #tpu.memory_space<vmem>>
    %dma_start3A_77 = tpu.memref_slice %arg3[%add3A_71] : memref<3276800xi32, #tpu.memory_space<hbm>> -> memref<128xi32, #tpu.memory_space<hbm>>
    %dma_start3A_78 = tpu.memref_slice %arg8[%dma_start3A_73] : memref<6x!tpu.dma_semaphore, #tpu.memory_space<semaphore_mem>> -> memref<1x!tpu.dma_semaphore, #tpu.memory_space<semaphore_mem>>
    %dma_start3A_79 = tpu.memref_squeeze %dma_start3A_78 : memref<1x!tpu.dma_semaphore, #tpu.memory_space<semaphore_mem>> -> memref<!tpu.dma_semaphore, #tpu.memory_space<semaphore_mem>>
    %dma_start3A_80 = arith.constant 0 : i32
    %dma_start3A_81 = tpu.memref_slice %arg5[%dma_start3A_72, %dma_start3A_80] : memref<12x128xi32, #tpu.memory_space<vmem>> -> memref<1x128xi32, #tpu.memory_space<vmem>>
    %dma_start3A_82 = tpu.memref_squeeze %dma_start3A_81 : memref<1x128xi32, #tpu.memory_space<vmem>> -> memref<128xi32, #tpu.memory_space<vmem>>
    %dma_start3A_83 = tpu.memref_slice %arg3[%add3A_71] : memref<3276800xi32, #tpu.memory_space<hbm>> -> memref<128xi32, #tpu.memory_space<hbm>>
    tpu.enqueue_dma source(%dma_start3A_83 : memref<128xi32, #tpu.memory_space<hbm>>) target(%dma_start3A_82 : memref<128xi32, #tpu.memory_space<vmem>>) target_semaphore(%dma_start3A_79 : memref<!tpu.dma_semaphore, #tpu.memory_space<semaphore_mem>>)
    %add3A_84 = arith.constant 512 : i32
    %add3A_85 = arith.addi %mul3A_2, %add3A_84 : i32
    %add3A_86 = arith.constant 128 : i32
    %add3A_87 = arith.addi %add3A_85, %add3A_86 : i32
    %dma_start3A_88 = arith.constant 5 : i32
    %dma_start3A_89 = arith.constant 2 : i32
    %dma_start3A_90 = arith.constant 0 : i32
    %dma_start3A_91 = tpu.memref_slice %arg5[%dma_start3A_88, %dma_start3A_90] : memref<12x128xi32, #tpu.memory_space<vmem>> -> memref<1x128xi32, #tpu.memory_space<vmem>>
    %dma_start3A_92 = tpu.memref_squeeze %dma_start3A_91 : memref<1x128xi32, #tpu.memory_space<vmem>> -> memref<128xi32, #tpu.memory_space<vmem>>
    %dma_start3A_93 = tpu.memref_slice %arg3[%add3A_87] : memref<3276800xi32, #tpu.memory_space<hbm>> -> memref<128xi32, #tpu.memory_space<hbm>>
    %dma_start3A_94 = tpu.memref_slice %arg8[%dma_start3A_89] : memref<6x!tpu.dma_semaphore, #tpu.memory_space<semaphore_mem>> -> memref<1x!tpu.dma_semaphore, #tpu.memory_space<semaphore_mem>>
    %dma_start3A_95 = tpu.memref_squeeze %dma_start3A_94 : memref<1x!tpu.dma_semaphore, #tpu.memory_space<semaphore_mem>> -> memref<!tpu.dma_semaphore, #tpu.memory_space<semaphore_mem>>
    %dma_start3A_96 = arith.constant 0 : i32
    %dma_start3A_97 = tpu.memref_slice %arg5[%dma_start3A_88, %dma_start3A_96] : memref<12x128xi32, #tpu.memory_space<vmem>> -> memref<1x128xi32, #tpu.memory_space<vmem>>
    %dma_start3A_98 = tpu.memref_squeeze %dma_start3A_97 : memref<1x128xi32, #tpu.memory_space<vmem>> -> memref<128xi32, #tpu.memory_space<vmem>>
    %dma_start3A_99 = tpu.memref_slice %arg3[%add3A_87] : memref<3276800xi32, #tpu.memory_space<hbm>> -> memref<128xi32, #tpu.memory_space<hbm>>
    tpu.enqueue_dma source(%dma_start3A_99 : memref<128xi32, #tpu.memory_space<hbm>>) target(%dma_start3A_98 : memref<128xi32, #tpu.memory_space<vmem>>) target_semaphore(%dma_start3A_95 : memref<!tpu.dma_semaphore, #tpu.memory_space<semaphore_mem>>)
    %barrier3A = arith.constant 0 : index
    tpu.barrier barrier_id(%barrier3A)
    %add3A_100 = arith.constant 0 : i32
    %add3A_101 = arith.addi %mul3A_2, %add3A_100 : i32
    %add3A_102 = arith.constant 0 : i32
    %add3A_103 = arith.addi %add3A_101, %add3A_102 : i32
    %dma_wait3A = arith.constant 0 : i32
    %dma_wait3A_104 = arith.constant 0 : i32
    %dma_wait3A_105 = arith.constant 0 : i32
    %dma_wait3A_106 = tpu.memref_slice %arg5[%dma_wait3A, %dma_wait3A_105] : memref<12x128xi32, #tpu.memory_space<vmem>> -> memref<1x128xi32, #tpu.memory_space<vmem>>
    %dma_wait3A_107 = tpu.memref_squeeze %dma_wait3A_106 : memref<1x128xi32, #tpu.memory_space<vmem>> -> memref<128xi32, #tpu.memory_space<vmem>>
    %dma_wait3A_108 = tpu.memref_slice %arg3[%add3A_103] : memref<3276800xi32, #tpu.memory_space<hbm>> -> memref<128xi32, #tpu.memory_space<hbm>>
    %dma_wait3A_109 = tpu.memref_slice %arg8[%dma_wait3A_104] : memref<6x!tpu.dma_semaphore, #tpu.memory_space<semaphore_mem>> -> memref<1x!tpu.dma_semaphore, #tpu.memory_space<semaphore_mem>>
    %dma_wait3A_110 = tpu.memref_squeeze %dma_wait3A_109 : memref<1x!tpu.dma_semaphore, #tpu.memory_space<semaphore_mem>> -> memref<!tpu.dma_semaphore, #tpu.memory_space<semaphore_mem>>
    %dma_wait3A_111 = arith.constant 0 : i32
    %dma_wait3A_112 = tpu.memref_slice %arg5[%dma_wait3A, %dma_wait3A_111] : memref<12x128xi32, #tpu.memory_space<vmem>> -> memref<1x128xi32, #tpu.memory_space<vmem>>
    %dma_wait3A_113 = tpu.memref_squeeze %dma_wait3A_112 : memref<1x128xi32, #tpu.memory_space<vmem>> -> memref<128xi32, #tpu.memory_space<vmem>>
    %dma_wait3A_114 = tpu.memref_slice %arg3[%add3A_103] : memref<3276800xi32, #tpu.memory_space<hbm>> -> memref<128xi32, #tpu.memory_space<hbm>>
    tpu.wait_dma2 semaphore(%dma_wait3A_110 : memref<!tpu.dma_semaphore, #tpu.memory_space<semaphore_mem>>) src(%dma_wait3A_114 : memref<128xi32, #tpu.memory_space<hbm>>) dst(%dma_wait3A_113 : memref<128xi32, #tpu.memory_space<vmem>>)
    %add3A_115 = arith.constant 0 : i32
    %add3A_116 = arith.addi %mul3A_2, %add3A_115 : i32
    %add3A_117 = arith.constant 128 : i32
    %add3A_118 = arith.addi %add3A_116, %add3A_117 : i32
    %dma_wait3A_119 = arith.constant 1 : i32
    %dma_wait3A_120 = arith.constant 0 : i32
    %dma_wait3A_121 = arith.constant 0 : i32
    %dma_wait3A_122 = tpu.memref_slice %arg5[%dma_wait3A_119, %dma_wait3A_121] : memref<12x128xi32, #tpu.memory_space<vmem>> -> memref<1x128xi32, #tpu.memory_space<vmem>>
    %dma_wait3A_123 = tpu.memref_squeeze %dma_wait3A_122 : memref<1x128xi32, #tpu.memory_space<vmem>> -> memref<128xi32, #tpu.memory_space<vmem>>
    %dma_wait3A_124 = tpu.memref_slice %arg3[%add3A_118] : memref<3276800xi32, #tpu.memory_space<hbm>> -> memref<128xi32, #tpu.memory_space<hbm>>
    %dma_wait3A_125 = tpu.memref_slice %arg8[%dma_wait3A_120] : memref<6x!tpu.dma_semaphore, #tpu.memory_space<semaphore_mem>> -> memref<1x!tpu.dma_semaphore, #tpu.memory_space<semaphore_mem>>
    %dma_wait3A_126 = tpu.memref_squeeze %dma_wait3A_125 : memref<1x!tpu.dma_semaphore, #tpu.memory_space<semaphore_mem>> -> memref<!tpu.dma_semaphore, #tpu.memory_space<semaphore_mem>>
    %dma_wait3A_127 = arith.constant 0 : i32
    %dma_wait3A_128 = tpu.memref_slice %arg5[%dma_wait3A_119, %dma_wait3A_127] : memref<12x128xi32, #tpu.memory_space<vmem>> -> memref<1x128xi32, #tpu.memory_space<vmem>>
    %dma_wait3A_129 = tpu.memref_squeeze %dma_wait3A_128 : memref<1x128xi32, #tpu.memory_space<vmem>> -> memref<128xi32, #tpu.memory_space<vmem>>
    %dma_wait3A_130 = tpu.memref_slice %arg3[%add3A_118] : memref<3276800xi32, #tpu.memory_space<hbm>> -> memref<128xi32, #tpu.memory_space<hbm>>
    tpu.wait_dma2 semaphore(%dma_wait3A_126 : memref<!tpu.dma_semaphore, #tpu.memory_space<semaphore_mem>>) src(%dma_wait3A_130 : memref<128xi32, #tpu.memory_space<hbm>>) dst(%dma_wait3A_129 : memref<128xi32, #tpu.memory_space<vmem>>)
    %dma_start3A_131 = arith.constant 0 : i32
    %dma_start3A_132 = arith.constant 0 : i32
    %dma_start3A_133 = arith.constant 0 : i32
    %dma_start3A_134 = arith.constant 0 : i32
    %dma_start3A_135 = arith.constant 0 : i32
    %dma_start3A_136 = tpu.memref_slice %arg6[%dma_start3A_132, %dma_start3A_134, %dma_start3A_135] : memref<3x256x128xf32, #tpu.memory_space<vmem>> -> memref<1x128x128xf32, #tpu.memory_space<vmem>>
    %dma_start3A_137 = tpu.memref_squeeze %dma_start3A_136 : memref<1x128x128xf32, #tpu.memory_space<vmem>> -> memref<128x128xf32, #tpu.memory_space<vmem>>
    %dma_start3A_138 = arith.constant 0 : i32
    %dma_start3A_139 = tpu.memref_slice %arg5[%dma_start3A_131, %dma_start3A_138] : memref<12x128xi32, #tpu.memory_space<vmem>> -> memref<1x128xi32, #tpu.memory_space<vmem>>
    %dma_start3A_140 = tpu.memref_squeeze %dma_start3A_139 : memref<1x128xi32, #tpu.memory_space<vmem>> -> memref<128xi32, #tpu.memory_space<vmem>>
    %dma_start3A_141 = arith.constant 0 : i32
    %dma_start3A_142 = arith.constant 0 : i32
    %dma_start3A_143 = tpu.memref_slice %arg7[%dma_start3A_141, %dma_start3A_142] : memref<1000x128xf32, #tpu.memory_space<vmem_shared>> -> memref<1000x128xf32, #tpu.memory_space<vmem_shared>>
    %dma_start3A_144 = tpu.memref_slice %arg9[%dma_start3A_133] : memref<3x!tpu.dma_semaphore, #tpu.memory_space<semaphore_mem>> -> memref<1x!tpu.dma_semaphore, #tpu.memory_space<semaphore_mem>>
    %dma_start3A_145 = tpu.memref_squeeze %dma_start3A_144 : memref<1x!tpu.dma_semaphore, #tpu.memory_space<semaphore_mem>> -> memref<!tpu.dma_semaphore, #tpu.memory_space<semaphore_mem>>
    tpu.enqueue_indirect_dma source(%dma_start3A_143 : memref<1000x128xf32, #tpu.memory_space<vmem_shared>>) target(%dma_start3A_137 : memref<128x128xf32, #tpu.memory_space<vmem>>) offsets(%dma_start3A_140 : memref<128xi32, #tpu.memory_space<vmem>>) semaphore(%dma_start3A_145 : memref<!tpu.dma_semaphore, #tpu.memory_space<semaphore_mem>>)
    %dma_start3A_146 = arith.constant 1 : i32
    %dma_start3A_147 = arith.constant 0 : i32
    %dma_start3A_148 = arith.constant 0 : i32
    %dma_start3A_149 = arith.constant 128 : i32
    %dma_start3A_150 = arith.constant 0 : i32
    %dma_start3A_151 = tpu.memref_slice %arg6[%dma_start3A_147, %dma_start3A_149, %dma_start3A_150] : memref<3x256x128xf32, #tpu.memory_space<vmem>> -> memref<1x128x128xf32, #tpu.memory_space<vmem>>
    %dma_start3A_152 = tpu.memref_squeeze %dma_start3A_151 : memref<1x128x128xf32, #tpu.memory_space<vmem>> -> memref<128x128xf32, #tpu.memory_space<vmem>>
    %dma_start3A_153 = arith.constant 0 : i32
    %dma_start3A_154 = tpu.memref_slice %arg5[%dma_start3A_146, %dma_start3A_153] : memref<12x128xi32, #tpu.memory_space<vmem>> -> memref<1x128xi32, #tpu.memory_space<vmem>>
    %dma_start3A_155 = tpu.memref_squeeze %dma_start3A_154 : memref<1x128xi32, #tpu.memory_space<vmem>> -> memref<128xi32, #tpu.memory_space<vmem>>
    %dma_start3A_156 = arith.constant 0 : i32
    %dma_start3A_157 = arith.constant 0 : i32
    %dma_start3A_158 = tpu.memref_slice %arg7[%dma_start3A_156, %dma_start3A_157] : memref<1000x128xf32, #tpu.memory_space<vmem_shared>> -> memref<1000x128xf32, #tpu.memory_space<vmem_shared>>
    %dma_start3A_159 = tpu.memref_slice %arg9[%dma_start3A_148] : memref<3x!tpu.dma_semaphore, #tpu.memory_space<semaphore_mem>> -> memref<1x!tpu.dma_semaphore, #tpu.memory_space<semaphore_mem>>
    %dma_start3A_160 = tpu.memref_squeeze %dma_start3A_159 : memref<1x!tpu.dma_semaphore, #tpu.memory_space<semaphore_mem>> -> memref<!tpu.dma_semaphore, #tpu.memory_space<semaphore_mem>>
    tpu.enqueue_indirect_dma source(%dma_start3A_158 : memref<1000x128xf32, #tpu.memory_space<vmem_shared>>) target(%dma_start3A_152 : memref<128x128xf32, #tpu.memory_space<vmem>>) offsets(%dma_start3A_155 : memref<128xi32, #tpu.memory_space<vmem>>) semaphore(%dma_start3A_160 : memref<!tpu.dma_semaphore, #tpu.memory_space<semaphore_mem>>)
    %add3A_161 = arith.constant 768 : i32
    %add3A_162 = arith.addi %mul3A_2, %add3A_161 : i32
    %add3A_163 = arith.constant 0 : i32
    %add3A_164 = arith.addi %add3A_162, %add3A_163 : i32
    %dma_start3A_165 = arith.constant 6 : i32
    %dma_start3A_166 = arith.constant 3 : i32
    %dma_start3A_167 = arith.constant 0 : i32
    %dma_start3A_168 = tpu.memref_slice %arg5[%dma_start3A_165, %dma_start3A_167] : memref<12x128xi32, #tpu.memory_space<vmem>> -> memref<1x128xi32, #tpu.memory_space<vmem>>
    %dma_start3A_169 = tpu.memref_squeeze %dma_start3A_168 : memref<1x128xi32, #tpu.memory_space<vmem>> -> memref<128xi32, #tpu.memory_space<vmem>>
    %dma_start3A_170 = tpu.memref_slice %arg3[%add3A_164] : memref<3276800xi32, #tpu.memory_space<hbm>> -> memref<128xi32, #tpu.memory_space<hbm>>
    %dma_start3A_171 = tpu.memref_slice %arg8[%dma_start3A_166] : memref<6x!tpu.dma_semaphore, #tpu.memory_space<semaphore_mem>> -> memref<1x!tpu.dma_semaphore, #tpu.memory_space<semaphore_mem>>
    %dma_start3A_172 = tpu.memref_squeeze %dma_start3A_171 : memref<1x!tpu.dma_semaphore, #tpu.memory_space<semaphore_mem>> -> memref<!tpu.dma_semaphore, #tpu.memory_space<semaphore_mem>>
    %dma_start3A_173 = arith.constant 0 : i32
    %dma_start3A_174 = tpu.memref_slice %arg5[%dma_start3A_165, %dma_start3A_173] : memref<12x128xi32, #tpu.memory_space<vmem>> -> memref<1x128xi32, #tpu.memory_space<vmem>>
    %dma_start3A_175 = tpu.memref_squeeze %dma_start3A_174 : memref<1x128xi32, #tpu.memory_space<vmem>> -> memref<128xi32, #tpu.memory_space<vmem>>
    %dma_start3A_176 = tpu.memref_slice %arg3[%add3A_164] : memref<3276800xi32, #tpu.memory_space<hbm>> -> memref<128xi32, #tpu.memory_space<hbm>>
    tpu.enqueue_dma source(%dma_start3A_176 : memref<128xi32, #tpu.memory_space<hbm>>) target(%dma_start3A_175 : memref<128xi32, #tpu.memory_space<vmem>>) target_semaphore(%dma_start3A_172 : memref<!tpu.dma_semaphore, #tpu.memory_space<semaphore_mem>>)
    %add3A_177 = arith.constant 768 : i32
    %add3A_178 = arith.addi %mul3A_2, %add3A_177 : i32
    %add3A_179 = arith.constant 128 : i32
    %add3A_180 = arith.addi %add3A_178, %add3A_179 : i32
    %dma_start3A_181 = arith.constant 7 : i32
    %dma_start3A_182 = arith.constant 3 : i32
    %dma_start3A_183 = arith.constant 0 : i32
    %dma_start3A_184 = tpu.memref_slice %arg5[%dma_start3A_181, %dma_start3A_183] : memref<12x128xi32, #tpu.memory_space<vmem>> -> memref<1x128xi32, #tpu.memory_space<vmem>>
    %dma_start3A_185 = tpu.memref_squeeze %dma_start3A_184 : memref<1x128xi32, #tpu.memory_space<vmem>> -> memref<128xi32, #tpu.memory_space<vmem>>
    %dma_start3A_186 = tpu.memref_slice %arg3[%add3A_180] : memref<3276800xi32, #tpu.memory_space<hbm>> -> memref<128xi32, #tpu.memory_space<hbm>>
    %dma_start3A_187 = tpu.memref_slice %arg8[%dma_start3A_182] : memref<6x!tpu.dma_semaphore, #tpu.memory_space<semaphore_mem>> -> memref<1x!tpu.dma_semaphore, #tpu.memory_space<semaphore_mem>>
    %dma_start3A_188 = tpu.memref_squeeze %dma_start3A_187 : memref<1x!tpu.dma_semaphore, #tpu.memory_space<semaphore_mem>> -> memref<!tpu.dma_semaphore, #tpu.memory_space<semaphore_mem>>
    %dma_start3A_189 = arith.constant 0 : i32
    %dma_start3A_190 = tpu.memref_slice %arg5[%dma_start3A_181, %dma_start3A_189] : memref<12x128xi32, #tpu.memory_space<vmem>> -> memref<1x128xi32, #tpu.memory_space<vmem>>
    %dma_start3A_191 = tpu.memref_squeeze %dma_start3A_190 : memref<1x128xi32, #tpu.memory_space<vmem>> -> memref<128xi32, #tpu.memory_space<vmem>>
    %dma_start3A_192 = tpu.memref_slice %arg3[%add3A_180] : memref<3276800xi32, #tpu.memory_space<hbm>> -> memref<128xi32, #tpu.memory_space<hbm>>
    tpu.enqueue_dma source(%dma_start3A_192 : memref<128xi32, #tpu.memory_space<hbm>>) target(%dma_start3A_191 : memref<128xi32, #tpu.memory_space<vmem>>) target_semaphore(%dma_start3A_188 : memref<!tpu.dma_semaphore, #tpu.memory_space<semaphore_mem>>)
    %add3A_193 = arith.constant 256 : i32
    %add3A_194 = arith.addi %mul3A_2, %add3A_193 : i32
    %add3A_195 = arith.constant 0 : i32
    %add3A_196 = arith.addi %add3A_194, %add3A_195 : i32
    %dma_wait3A_197 = arith.constant 2 : i32
    %dma_wait3A_198 = arith.constant 1 : i32
    %dma_wait3A_199 = arith.constant 0 : i32
    %dma_wait3A_200 = tpu.memref_slice %arg5[%dma_wait3A_197, %dma_wait3A_199] : memref<12x128xi32, #tpu.memory_space<vmem>> -> memref<1x128xi32, #tpu.memory_space<vmem>>
    %dma_wait3A_201 = tpu.memref_squeeze %dma_wait3A_200 : memref<1x128xi32, #tpu.memory_space<vmem>> -> memref<128xi32, #tpu.memory_space<vmem>>
    %dma_wait3A_202 = tpu.memref_slice %arg3[%add3A_196] : memref<3276800xi32, #tpu.memory_space<hbm>> -> memref<128xi32, #tpu.memory_space<hbm>>
    %dma_wait3A_203 = tpu.memref_slice %arg8[%dma_wait3A_198] : memref<6x!tpu.dma_semaphore, #tpu.memory_space<semaphore_mem>> -> memref<1x!tpu.dma_semaphore, #tpu.memory_space<semaphore_mem>>
    %dma_wait3A_204 = tpu.memref_squeeze %dma_wait3A_203 : memref<1x!tpu.dma_semaphore, #tpu.memory_space<semaphore_mem>> -> memref<!tpu.dma_semaphore, #tpu.memory_space<semaphore_mem>>
    %dma_wait3A_205 = arith.constant 0 : i32
    %dma_wait3A_206 = tpu.memref_slice %arg5[%dma_wait3A_197, %dma_wait3A_205] : memref<12x128xi32, #tpu.memory_space<vmem>> -> memref<1x128xi32, #tpu.memory_space<vmem>>
    %dma_wait3A_207 = tpu.memref_squeeze %dma_wait3A_206 : memref<1x128xi32, #tpu.memory_space<vmem>> -> memref<128xi32, #tpu.memory_space<vmem>>
    %dma_wait3A_208 = tpu.memref_slice %arg3[%add3A_196] : memref<3276800xi32, #tpu.memory_space<hbm>> -> memref<128xi32, #tpu.memory_space<hbm>>
    tpu.wait_dma2 semaphore(%dma_wait3A_204 : memref<!tpu.dma_semaphore, #tpu.memory_space<semaphore_mem>>) src(%dma_wait3A_208 : memref<128xi32, #tpu.memory_space<hbm>>) dst(%dma_wait3A_207 : memref<128xi32, #tpu.memory_space<vmem>>)
    %add3A_209 = arith.constant 256 : i32
    %add3A_210 = arith.addi %mul3A_2, %add3A_209 : i32
    %add3A_211 = arith.constant 128 : i32
    %add3A_212 = arith.addi %add3A_210, %add3A_211 : i32
    %dma_wait3A_213 = arith.constant 3 : i32
    %dma_wait3A_214 = arith.constant 1 : i32
    %dma_wait3A_215 = arith.constant 0 : i32
    %dma_wait3A_216 = tpu.memref_slice %arg5[%dma_wait3A_213, %dma_wait3A_215] : memref<12x128xi32, #tpu.memory_space<vmem>> -> memref<1x128xi32, #tpu.memory_space<vmem>>
    %dma_wait3A_217 = tpu.memref_squeeze %dma_wait3A_216 : memref<1x128xi32, #tpu.memory_space<vmem>> -> memref<128xi32, #tpu.memory_space<vmem>>
    %dma_wait3A_218 = tpu.memref_slice %arg3[%add3A_212] : memref<3276800xi32, #tpu.memory_space<hbm>> -> memref<128xi32, #tpu.memory_space<hbm>>
    %dma_wait3A_219 = tpu.memref_slice %arg8[%dma_wait3A_214] : memref<6x!tpu.dma_semaphore, #tpu.memory_space<semaphore_mem>> -> memref<1x!tpu.dma_semaphore, #tpu.memory_space<semaphore_mem>>
    %dma_wait3A_220 = tpu.memref_squeeze %dma_wait3A_219 : memref<1x!tpu.dma_semaphore, #tpu.memory_space<semaphore_mem>> -> memref<!tpu.dma_semaphore, #tpu.memory_space<semaphore_mem>>
    %dma_wait3A_221 = arith.constant 0 : i32
    %dma_wait3A_222 = tpu.memref_slice %arg5[%dma_wait3A_213, %dma_wait3A_221] : memref<12x128xi32, #tpu.memory_space<vmem>> -> memref<1x128xi32, #tpu.memory_space<vmem>>
    %dma_wait3A_223 = tpu.memref_squeeze %dma_wait3A_222 : memref<1x128xi32, #tpu.memory_space<vmem>> -> memref<128xi32, #tpu.memory_space<vmem>>
    %dma_wait3A_224 = tpu.memref_slice %arg3[%add3A_212] : memref<3276800xi32, #tpu.memory_space<hbm>> -> memref<128xi32, #tpu.memory_space<hbm>>
    tpu.wait_dma2 semaphore(%dma_wait3A_220 : memref<!tpu.dma_semaphore, #tpu.memory_space<semaphore_mem>>) src(%dma_wait3A_224 : memref<128xi32, #tpu.memory_space<hbm>>) dst(%dma_wait3A_223 : memref<128xi32, #tpu.memory_space<vmem>>)
    %dma_start3A_225 = arith.constant 2 : i32
    %dma_start3A_226 = arith.constant 1 : i32
    %dma_start3A_227 = arith.constant 1 : i32
    %dma_start3A_228 = arith.constant 0 : i32
    %dma_start3A_229 = arith.constant 0 : i32
    %dma_start3A_230 = tpu.memref_slice %arg6[%dma_start3A_226, %dma_start3A_228, %dma_start3A_229] : memref<3x256x128xf32, #tpu.memory_space<vmem>> -> memref<1x128x128xf32, #tpu.memory_space<vmem>>
    %dma_start3A_231 = tpu.memref_squeeze %dma_start3A_230 : memref<1x128x128xf32, #tpu.memory_space<vmem>> -> memref<128x128xf32, #tpu.memory_space<vmem>>
    %dma_start3A_232 = arith.constant 0 : i32
    %dma_start3A_233 = tpu.memref_slice %arg5[%dma_start3A_225, %dma_start3A_232] : memref<12x128xi32, #tpu.memory_space<vmem>> -> memref<1x128xi32, #tpu.memory_space<vmem>>
    %dma_start3A_234 = tpu.memref_squeeze %dma_start3A_233 : memref<1x128xi32, #tpu.memory_space<vmem>> -> memref<128xi32, #tpu.memory_space<vmem>>
    %dma_start3A_235 = arith.constant 0 : i32
    %dma_start3A_236 = arith.constant 0 : i32
    %dma_start3A_237 = tpu.memref_slice %arg7[%dma_start3A_235, %dma_start3A_236] : memref<1000x128xf32, #tpu.memory_space<vmem_shared>> -> memref<1000x128xf32, #tpu.memory_space<vmem_shared>>
    %dma_start3A_238 = tpu.memref_slice %arg9[%dma_start3A_227] : memref<3x!tpu.dma_semaphore, #tpu.memory_space<semaphore_mem>> -> memref<1x!tpu.dma_semaphore, #tpu.memory_space<semaphore_mem>>
    %dma_start3A_239 = tpu.memref_squeeze %dma_start3A_238 : memref<1x!tpu.dma_semaphore, #tpu.memory_space<semaphore_mem>> -> memref<!tpu.dma_semaphore, #tpu.memory_space<semaphore_mem>>
    tpu.enqueue_indirect_dma source(%dma_start3A_237 : memref<1000x128xf32, #tpu.memory_space<vmem_shared>>) target(%dma_start3A_231 : memref<128x128xf32, #tpu.memory_space<vmem>>) offsets(%dma_start3A_234 : memref<128xi32, #tpu.memory_space<vmem>>) semaphore(%dma_start3A_239 : memref<!tpu.dma_semaphore, #tpu.memory_space<semaphore_mem>>)
    %dma_start3A_240 = arith.constant 3 : i32
    %dma_start3A_241 = arith.constant 1 : i32
    %dma_start3A_242 = arith.constant 1 : i32
    %dma_start3A_243 = arith.constant 128 : i32
    %dma_start3A_244 = arith.constant 0 : i32
    %dma_start3A_245 = tpu.memref_slice %arg6[%dma_start3A_241, %dma_start3A_243, %dma_start3A_244] : memref<3x256x128xf32, #tpu.memory_space<vmem>> -> memref<1x128x128xf32, #tpu.memory_space<vmem>>
    %dma_start3A_246 = tpu.memref_squeeze %dma_start3A_245 : memref<1x128x128xf32, #tpu.memory_space<vmem>> -> memref<128x128xf32, #tpu.memory_space<vmem>>
    %dma_start3A_247 = arith.constant 0 : i32
    %dma_start3A_248 = tpu.memref_slice %arg5[%dma_start3A_240, %dma_start3A_247] : memref<12x128xi32, #tpu.memory_space<vmem>> -> memref<1x128xi32, #tpu.memory_space<vmem>>
    %dma_start3A_249 = tpu.memref_squeeze %dma_start3A_248 : memref<1x128xi32, #tpu.memory_space<vmem>> -> memref<128xi32, #tpu.memory_space<vmem>>
    %dma_start3A_250 = arith.constant 0 : i32
    %dma_start3A_251 = arith.constant 0 : i32
    %dma_start3A_252 = tpu.memref_slice %arg7[%dma_start3A_250, %dma_start3A_251] : memref<1000x128xf32, #tpu.memory_space<vmem_shared>> -> memref<1000x128xf32, #tpu.memory_space<vmem_shared>>
    %dma_start3A_253 = tpu.memref_slice %arg9[%dma_start3A_242] : memref<3x!tpu.dma_semaphore, #tpu.memory_space<semaphore_mem>> -> memref<1x!tpu.dma_semaphore, #tpu.memory_space<semaphore_mem>>
    %dma_start3A_254 = tpu.memref_squeeze %dma_start3A_253 : memref<1x!tpu.dma_semaphore, #tpu.memory_space<semaphore_mem>> -> memref<!tpu.dma_semaphore, #tpu.memory_space<semaphore_mem>>
    tpu.enqueue_indirect_dma source(%dma_start3A_252 : memref<1000x128xf32, #tpu.memory_space<vmem_shared>>) target(%dma_start3A_246 : memref<128x128xf32, #tpu.memory_space<vmem>>) offsets(%dma_start3A_249 : memref<128xi32, #tpu.memory_space<vmem>>) semaphore(%dma_start3A_254 : memref<!tpu.dma_semaphore, #tpu.memory_space<semaphore_mem>>)
    %add3A_255 = arith.constant 1024 : i32
    %add3A_256 = arith.addi %mul3A_2, %add3A_255 : i32
    %add3A_257 = arith.constant 0 : i32
    %add3A_258 = arith.addi %add3A_256, %add3A_257 : i32
    %dma_start3A_259 = arith.constant 8 : i32
    %dma_start3A_260 = arith.constant 4 : i32
    %dma_start3A_261 = arith.constant 0 : i32
    %dma_start3A_262 = tpu.memref_slice %arg5[%dma_start3A_259, %dma_start3A_261] : memref<12x128xi32, #tpu.memory_space<vmem>> -> memref<1x128xi32, #tpu.memory_space<vmem>>
    %dma_start3A_263 = tpu.memref_squeeze %dma_start3A_262 : memref<1x128xi32, #tpu.memory_space<vmem>> -> memref<128xi32, #tpu.memory_space<vmem>>
    %dma_start3A_264 = tpu.memref_slice %arg3[%add3A_258] : memref<3276800xi32, #tpu.memory_space<hbm>> -> memref<128xi32, #tpu.memory_space<hbm>>
    %dma_start3A_265 = tpu.memref_slice %arg8[%dma_start3A_260] : memref<6x!tpu.dma_semaphore, #tpu.memory_space<semaphore_mem>> -> memref<1x!tpu.dma_semaphore, #tpu.memory_space<semaphore_mem>>
    %dma_start3A_266 = tpu.memref_squeeze %dma_start3A_265 : memref<1x!tpu.dma_semaphore, #tpu.memory_space<semaphore_mem>> -> memref<!tpu.dma_semaphore, #tpu.memory_space<semaphore_mem>>
    %dma_start3A_267 = arith.constant 0 : i32
    %dma_start3A_268 = tpu.memref_slice %arg5[%dma_start3A_259, %dma_start3A_267] : memref<12x128xi32, #tpu.memory_space<vmem>> -> memref<1x128xi32, #tpu.memory_space<vmem>>
    %dma_start3A_269 = tpu.memref_squeeze %dma_start3A_268 : memref<1x128xi32, #tpu.memory_space<vmem>> -> memref<128xi32, #tpu.memory_space<vmem>>
    %dma_start3A_270 = tpu.memref_slice %arg3[%add3A_258] : memref<3276800xi32, #tpu.memory_space<hbm>> -> memref<128xi32, #tpu.memory_space<hbm>>
    tpu.enqueue_dma source(%dma_start3A_270 : memref<128xi32, #tpu.memory_space<hbm>>) target(%dma_start3A_269 : memref<128xi32, #tpu.memory_space<vmem>>) target_semaphore(%dma_start3A_266 : memref<!tpu.dma_semaphore, #tpu.memory_space<semaphore_mem>>)
    %add3A_271 = arith.constant 1024 : i32
    %add3A_272 = arith.addi %mul3A_2, %add3A_271 : i32
    %add3A_273 = arith.constant 128 : i32
    %add3A_274 = arith.addi %add3A_272, %add3A_273 : i32
    %dma_start3A_275 = arith.constant 9 : i32
    %dma_start3A_276 = arith.constant 4 : i32
    %dma_start3A_277 = arith.constant 0 : i32
    %dma_start3A_278 = tpu.memref_slice %arg5[%dma_start3A_275, %dma_start3A_277] : memref<12x128xi32, #tpu.memory_space<vmem>> -> memref<1x128xi32, #tpu.memory_space<vmem>>
    %dma_start3A_279 = tpu.memref_squeeze %dma_start3A_278 : memref<1x128xi32, #tpu.memory_space<vmem>> -> memref<128xi32, #tpu.memory_space<vmem>>
    %dma_start3A_280 = tpu.memref_slice %arg3[%add3A_274] : memref<3276800xi32, #tpu.memory_space<hbm>> -> memref<128xi32, #tpu.memory_space<hbm>>
    %dma_start3A_281 = tpu.memref_slice %arg8[%dma_start3A_276] : memref<6x!tpu.dma_semaphore, #tpu.memory_space<semaphore_mem>> -> memref<1x!tpu.dma_semaphore, #tpu.memory_space<semaphore_mem>>
    %dma_start3A_282 = tpu.memref_squeeze %dma_start3A_281 : memref<1x!tpu.dma_semaphore, #tpu.memory_space<semaphore_mem>> -> memref<!tpu.dma_semaphore, #tpu.memory_space<semaphore_mem>>
    %dma_start3A_283 = arith.constant 0 : i32
    %dma_start3A_284 = tpu.memref_slice %arg5[%dma_start3A_275, %dma_start3A_283] : memref<12x128xi32, #tpu.memory_space<vmem>> -> memref<1x128xi32, #tpu.memory_space<vmem>>
    %dma_start3A_285 = tpu.memref_squeeze %dma_start3A_284 : memref<1x128xi32, #tpu.memory_space<vmem>> -> memref<128xi32, #tpu.memory_space<vmem>>
    %dma_start3A_286 = tpu.memref_slice %arg3[%add3A_274] : memref<3276800xi32, #tpu.memory_space<hbm>> -> memref<128xi32, #tpu.memory_space<hbm>>
    tpu.enqueue_dma source(%dma_start3A_286 : memref<128xi32, #tpu.memory_space<hbm>>) target(%dma_start3A_285 : memref<128xi32, #tpu.memory_space<vmem>>) target_semaphore(%dma_start3A_282 : memref<!tpu.dma_semaphore, #tpu.memory_space<semaphore_mem>>)
    %dma_wait3A_287 = arith.constant 0 : i32
    %dma_wait3A_288 = arith.constant 0 : i32
    %dma_wait3A_289 = arith.constant 0 : i32
    %dma_wait3A_290 = arith.constant 0 : i32
    %dma_wait3A_291 = arith.constant 0 : i32
    %dma_wait3A_292 = tpu.memref_slice %arg6[%dma_wait3A_288, %dma_wait3A_290, %dma_wait3A_291] : memref<3x256x128xf32, #tpu.memory_space<vmem>> -> memref<1x128x128xf32, #tpu.memory_space<vmem>>
    %dma_wait3A_293 = tpu.memref_squeeze %dma_wait3A_292 : memref<1x128x128xf32, #tpu.memory_space<vmem>> -> memref<128x128xf32, #tpu.memory_space<vmem>>
    %dma_wait3A_294 = arith.constant 0 : i32
    %dma_wait3A_295 = tpu.memref_slice %arg5[%dma_wait3A_287, %dma_wait3A_294] : memref<12x128xi32, #tpu.memory_space<vmem>> -> memref<1x128xi32, #tpu.memory_space<vmem>>
    %dma_wait3A_296 = tpu.memref_squeeze %dma_wait3A_295 : memref<1x128xi32, #tpu.memory_space<vmem>> -> memref<128xi32, #tpu.memory_space<vmem>>
    %dma_wait3A_297 = arith.constant 0 : i32
    %dma_wait3A_298 = arith.constant 0 : i32
    %dma_wait3A_299 = tpu.memref_slice %arg7[%dma_wait3A_297, %dma_wait3A_298] : memref<1000x128xf32, #tpu.memory_space<vmem_shared>> -> memref<1000x128xf32, #tpu.memory_space<vmem_shared>>
    %dma_wait3A_300 = tpu.memref_slice %arg9[%dma_wait3A_289] : memref<3x!tpu.dma_semaphore, #tpu.memory_space<semaphore_mem>> -> memref<1x!tpu.dma_semaphore, #tpu.memory_space<semaphore_mem>>
    %dma_wait3A_301 = tpu.memref_squeeze %dma_wait3A_300 : memref<1x!tpu.dma_semaphore, #tpu.memory_space<semaphore_mem>> -> memref<!tpu.dma_semaphore, #tpu.memory_space<semaphore_mem>>
    tpu.wait_indirect_dma semaphore(%dma_wait3A_301 : memref<!tpu.dma_semaphore, #tpu.memory_space<semaphore_mem>>) src(%dma_wait3A_299 : memref<1000x128xf32, #tpu.memory_space<vmem_shared>>) dst(%dma_wait3A_293 : memref<128x128xf32, #tpu.memory_space<vmem>>)
    %dma_wait3A_302 = arith.constant 1 : i32
    %dma_wait3A_303 = arith.constant 0 : i32
    %dma_wait3A_304 = arith.constant 0 : i32
    %dma_wait3A_305 = arith.constant 128 : i32
    %dma_wait3A_306 = arith.constant 0 : i32
    %dma_wait3A_307 = tpu.memref_slice %arg6[%dma_wait3A_303, %dma_wait3A_305, %dma_wait3A_306] : memref<3x256x128xf32, #tpu.memory_space<vmem>> -> memref<1x128x128xf32, #tpu.memory_space<vmem>>
    %dma_wait3A_308 = tpu.memref_squeeze %dma_wait3A_307 : memref<1x128x128xf32, #tpu.memory_space<vmem>> -> memref<128x128xf32, #tpu.memory_space<vmem>>
    %dma_wait3A_309 = arith.constant 0 : i32
    %dma_wait3A_310 = tpu.memref_slice %arg5[%dma_wait3A_302, %dma_wait3A_309] : memref<12x128xi32, #tpu.memory_space<vmem>> -> memref<1x128xi32, #tpu.memory_space<vmem>>
    %dma_wait3A_311 = tpu.memref_squeeze %dma_wait3A_310 : memref<1x128xi32, #tpu.memory_space<vmem>> -> memref<128xi32, #tpu.memory_space<vmem>>
    %dma_wait3A_312 = arith.constant 0 : i32
    %dma_wait3A_313 = arith.constant 0 : i32
    %dma_wait3A_314 = tpu.memref_slice %arg7[%dma_wait3A_312, %dma_wait3A_313] : memref<1000x128xf32, #tpu.memory_space<vmem_shared>> -> memref<1000x128xf32, #tpu.memory_space<vmem_shared>>
    %dma_wait3A_315 = tpu.memref_slice %arg9[%dma_wait3A_304] : memref<3x!tpu.dma_semaphore, #tpu.memory_space<semaphore_mem>> -> memref<1x!tpu.dma_semaphore, #tpu.memory_space<semaphore_mem>>
    %dma_wait3A_316 = tpu.memref_squeeze %dma_wait3A_315 : memref<1x!tpu.dma_semaphore, #tpu.memory_space<semaphore_mem>> -> memref<!tpu.dma_semaphore, #tpu.memory_space<semaphore_mem>>
    tpu.wait_indirect_dma semaphore(%dma_wait3A_316 : memref<!tpu.dma_semaphore, #tpu.memory_space<semaphore_mem>>) src(%dma_wait3A_314 : memref<1000x128xf32, #tpu.memory_space<vmem_shared>>) dst(%dma_wait3A_308 : memref<128x128xf32, #tpu.memory_space<vmem>>)
    %add3A_317 = arith.constant 0 : i32
    %add3A_318 = arith.addi %mul3A_2, %add3A_317 : i32
    %dma_start3A_319 = arith.constant 0 : i32
    %dma_start3A_320 = arith.constant 0 : i32
    %dma_start3A_321 = arith.constant 0 : i32
    %dma_start3A_322 = arith.constant 0 : i32
    %dma_start3A_323 = tpu.memref_slice %arg6[%dma_start3A_319, %dma_start3A_321, %dma_start3A_322] : memref<3x256x128xf32, #tpu.memory_space<vmem>> -> memref<1x256x128xf32, #tpu.memory_space<vmem>>
    %dma_start3A_324 = tpu.memref_squeeze %dma_start3A_323 : memref<1x256x128xf32, #tpu.memory_space<vmem>> -> memref<256x128xf32, #tpu.memory_space<vmem>>
    %dma_start3A_325 = arith.constant 0 : i32
    %dma_start3A_326 = tpu.memref_slice %arg4[%add3A_318, %dma_start3A_325] : memref<3276800x128xf32, #tpu.memory_space<hbm>> -> memref<256x128xf32, #tpu.memory_space<hbm>>
    %dma_start3A_327 = tpu.memref_slice %arg10[%dma_start3A_320] : memref<3x!tpu.dma_semaphore, #tpu.memory_space<semaphore_mem>> -> memref<1x!tpu.dma_semaphore, #tpu.memory_space<semaphore_mem>>
    %dma_start3A_328 = tpu.memref_squeeze %dma_start3A_327 : memref<1x!tpu.dma_semaphore, #tpu.memory_space<semaphore_mem>> -> memref<!tpu.dma_semaphore, #tpu.memory_space<semaphore_mem>>
    %dma_start3A_329 = arith.constant 0 : i32
    %dma_start3A_330 = tpu.memref_slice %arg4[%add3A_318, %dma_start3A_329] : memref<3276800x128xf32, #tpu.memory_space<hbm>> -> memref<256x128xf32, #tpu.memory_space<hbm>>
    %dma_start3A_331 = arith.constant 0 : i32
    %dma_start3A_332 = arith.constant 0 : i32
    %dma_start3A_333 = tpu.memref_slice %arg6[%dma_start3A_319, %dma_start3A_331, %dma_start3A_332] : memref<3x256x128xf32, #tpu.memory_space<vmem>> -> memref<1x256x128xf32, #tpu.memory_space<vmem>>
    %dma_start3A_334 = tpu.memref_squeeze %dma_start3A_333 : memref<1x256x128xf32, #tpu.memory_space<vmem>> -> memref<256x128xf32, #tpu.memory_space<vmem>>
    tpu.enqueue_dma source(%dma_start3A_334 : memref<256x128xf32, #tpu.memory_space<vmem>>) target(%dma_start3A_330 : memref<256x128xf32, #tpu.memory_space<hbm>>) target_semaphore(%dma_start3A_328 : memref<!tpu.dma_semaphore, #tpu.memory_space<semaphore_mem>>)
    %add3A_335 = arith.constant 512 : i32
    %add3A_336 = arith.addi %mul3A_2, %add3A_335 : i32
    %add3A_337 = arith.constant 0 : i32
    %add3A_338 = arith.addi %add3A_336, %add3A_337 : i32
    %dma_wait3A_339 = arith.constant 4 : i32
    %dma_wait3A_340 = arith.constant 2 : i32
    %dma_wait3A_341 = arith.constant 0 : i32
    %dma_wait3A_342 = tpu.memref_slice %arg5[%dma_wait3A_339, %dma_wait3A_341] : memref<12x128xi32, #tpu.memory_space<vmem>> -> memref<1x128xi32, #tpu.memory_space<vmem>>
    %dma_wait3A_343 = tpu.memref_squeeze %dma_wait3A_342 : memref<1x128xi32, #tpu.memory_space<vmem>> -> memref<128xi32, #tpu.memory_space<vmem>>
    %dma_wait3A_344 = tpu.memref_slice %arg3[%add3A_338] : memref<3276800xi32, #tpu.memory_space<hbm>> -> memref<128xi32, #tpu.memory_space<hbm>>
    %dma_wait3A_345 = tpu.memref_slice %arg8[%dma_wait3A_340] : memref<6x!tpu.dma_semaphore, #tpu.memory_space<semaphore_mem>> -> memref<1x!tpu.dma_semaphore, #tpu.memory_space<semaphore_mem>>
    %dma_wait3A_346 = tpu.memref_squeeze %dma_wait3A_345 : memref<1x!tpu.dma_semaphore, #tpu.memory_space<semaphore_mem>> -> memref<!tpu.dma_semaphore, #tpu.memory_space<semaphore_mem>>
    %dma_wait3A_347 = arith.constant 0 : i32
    %dma_wait3A_348 = tpu.memref_slice %arg5[%dma_wait3A_339, %dma_wait3A_347] : memref<12x128xi32, #tpu.memory_space<vmem>> -> memref<1x128xi32, #tpu.memory_space<vmem>>
    %dma_wait3A_349 = tpu.memref_squeeze %dma_wait3A_348 : memref<1x128xi32, #tpu.memory_space<vmem>> -> memref<128xi32, #tpu.memory_space<vmem>>
    %dma_wait3A_350 = tpu.memref_slice %arg3[%add3A_338] : memref<3276800xi32, #tpu.memory_space<hbm>> -> memref<128xi32, #tpu.memory_space<hbm>>
    tpu.wait_dma2 semaphore(%dma_wait3A_346 : memref<!tpu.dma_semaphore, #tpu.memory_space<semaphore_mem>>) src(%dma_wait3A_350 : memref<128xi32, #tpu.memory_space<hbm>>) dst(%dma_wait3A_349 : memref<128xi32, #tpu.memory_space<vmem>>)
    %add3A_351 = arith.constant 512 : i32
    %add3A_352 = arith.addi %mul3A_2, %add3A_351 : i32
    %add3A_353 = arith.constant 128 : i32
    %add3A_354 = arith.addi %add3A_352, %add3A_353 : i32
    %dma_wait3A_355 = arith.constant 5 : i32
    %dma_wait3A_356 = arith.constant 2 : i32
    %dma_wait3A_357 = arith.constant 0 : i32
    %dma_wait3A_358 = tpu.memref_slice %arg5[%dma_wait3A_355, %dma_wait3A_357] : memref<12x128xi32, #tpu.memory_space<vmem>> -> memref<1x128xi32, #tpu.memory_space<vmem>>
    %dma_wait3A_359 = tpu.memref_squeeze %dma_wait3A_358 : memref<1x128xi32, #tpu.memory_space<vmem>> -> memref<128xi32, #tpu.memory_space<vmem>>
    %dma_wait3A_360 = tpu.memref_slice %arg3[%add3A_354] : memref<3276800xi32, #tpu.memory_space<hbm>> -> memref<128xi32, #tpu.memory_space<hbm>>
    %dma_wait3A_361 = tpu.memref_slice %arg8[%dma_wait3A_356] : memref<6x!tpu.dma_semaphore, #tpu.memory_space<semaphore_mem>> -> memref<1x!tpu.dma_semaphore, #tpu.memory_space<semaphore_mem>>
    %dma_wait3A_362 = tpu.memref_squeeze %dma_wait3A_361 : memref<1x!tpu.dma_semaphore, #tpu.memory_space<semaphore_mem>> -> memref<!tpu.dma_semaphore, #tpu.memory_space<semaphore_mem>>
    %dma_wait3A_363 = arith.constant 0 : i32
    %dma_wait3A_364 = tpu.memref_slice %arg5[%dma_wait3A_355, %dma_wait3A_363] : memref<12x128xi32, #tpu.memory_space<vmem>> -> memref<1x128xi32, #tpu.memory_space<vmem>>
    %dma_wait3A_365 = tpu.memref_squeeze %dma_wait3A_364 : memref<1x128xi32, #tpu.memory_space<vmem>> -> memref<128xi32, #tpu.memory_space<vmem>>
    %dma_wait3A_366 = tpu.memref_slice %arg3[%add3A_354] : memref<3276800xi32, #tpu.memory_space<hbm>> -> memref<128xi32, #tpu.memory_space<hbm>>
    tpu.wait_dma2 semaphore(%dma_wait3A_362 : memref<!tpu.dma_semaphore, #tpu.memory_space<semaphore_mem>>) src(%dma_wait3A_366 : memref<128xi32, #tpu.memory_space<hbm>>) dst(%dma_wait3A_365 : memref<128xi32, #tpu.memory_space<vmem>>)
    %dma_start3A_367 = arith.constant 4 : i32
    %dma_start3A_368 = arith.constant 2 : i32
    %dma_start3A_369 = arith.constant 2 : i32
    %dma_start3A_370 = arith.constant 0 : i32
    %dma_start3A_371 = arith.constant 0 : i32
    %dma_start3A_372 = tpu.memref_slice %arg6[%dma_start3A_368, %dma_start3A_370, %dma_start3A_371] : memref<3x256x128xf32, #tpu.memory_space<vmem>> -> memref<1x128x128xf32, #tpu.memory_space<vmem>>
    %dma_start3A_373 = tpu.memref_squeeze %dma_start3A_372 : memref<1x128x128xf32, #tpu.memory_space<vmem>> -> memref<128x128xf32, #tpu.memory_space<vmem>>
    %dma_start3A_374 = arith.constant 0 : i32
    %dma_start3A_375 = tpu.memref_slice %arg5[%dma_start3A_367, %dma_start3A_374] : memref<12x128xi32, #tpu.memory_space<vmem>> -> memref<1x128xi32, #tpu.memory_space<vmem>>
    %dma_start3A_376 = tpu.memref_squeeze %dma_start3A_375 : memref<1x128xi32, #tpu.memory_space<vmem>> -> memref<128xi32, #tpu.memory_space<vmem>>
    %dma_start3A_377 = arith.constant 0 : i32
    %dma_start3A_378 = arith.constant 0 : i32
    %dma_start3A_379 = tpu.memref_slice %arg7[%dma_start3A_377, %dma_start3A_378] : memref<1000x128xf32, #tpu.memory_space<vmem_shared>> -> memref<1000x128xf32, #tpu.memory_space<vmem_shared>>
    %dma_start3A_380 = tpu.memref_slice %arg9[%dma_start3A_369] : memref<3x!tpu.dma_semaphore, #tpu.memory_space<semaphore_mem>> -> memref<1x!tpu.dma_semaphore, #tpu.memory_space<semaphore_mem>>
    %dma_start3A_381 = tpu.memref_squeeze %dma_start3A_380 : memref<1x!tpu.dma_semaphore, #tpu.memory_space<semaphore_mem>> -> memref<!tpu.dma_semaphore, #tpu.memory_space<semaphore_mem>>
    tpu.enqueue_indirect_dma source(%dma_start3A_379 : memref<1000x128xf32, #tpu.memory_space<vmem_shared>>) target(%dma_start3A_373 : memref<128x128xf32, #tpu.memory_space<vmem>>) offsets(%dma_start3A_376 : memref<128xi32, #tpu.memory_space<vmem>>) semaphore(%dma_start3A_381 : memref<!tpu.dma_semaphore, #tpu.memory_space<semaphore_mem>>)
    %dma_start3A_382 = arith.constant 5 : i32
    %dma_start3A_383 = arith.constant 2 : i32
    %dma_start3A_384 = arith.constant 2 : i32
    %dma_start3A_385 = arith.constant 128 : i32
    %dma_start3A_386 = arith.constant 0 : i32
    %dma_start3A_387 = tpu.memref_slice %arg6[%dma_start3A_383, %dma_start3A_385, %dma_start3A_386] : memref<3x256x128xf32, #tpu.memory_space<vmem>> -> memref<1x128x128xf32, #tpu.memory_space<vmem>>
    %dma_start3A_388 = tpu.memref_squeeze %dma_start3A_387 : memref<1x128x128xf32, #tpu.memory_space<vmem>> -> memref<128x128xf32, #tpu.memory_space<vmem>>
    %dma_start3A_389 = arith.constant 0 : i32
    %dma_start3A_390 = tpu.memref_slice %arg5[%dma_start3A_382, %dma_start3A_389] : memref<12x128xi32, #tpu.memory_space<vmem>> -> memref<1x128xi32, #tpu.memory_space<vmem>>
    %dma_start3A_391 = tpu.memref_squeeze %dma_start3A_390 : memref<1x128xi32, #tpu.memory_space<vmem>> -> memref<128xi32, #tpu.memory_space<vmem>>
    %dma_start3A_392 = arith.constant 0 : i32
    %dma_start3A_393 = arith.constant 0 : i32
    %dma_start3A_394 = tpu.memref_slice %arg7[%dma_start3A_392, %dma_start3A_393] : memref<1000x128xf32, #tpu.memory_space<vmem_shared>> -> memref<1000x128xf32, #tpu.memory_space<vmem_shared>>
    %dma_start3A_395 = tpu.memref_slice %arg9[%dma_start3A_384] : memref<3x!tpu.dma_semaphore, #tpu.memory_space<semaphore_mem>> -> memref<1x!tpu.dma_semaphore, #tpu.memory_space<semaphore_mem>>
    %dma_start3A_396 = tpu.memref_squeeze %dma_start3A_395 : memref<1x!tpu.dma_semaphore, #tpu.memory_space<semaphore_mem>> -> memref<!tpu.dma_semaphore, #tpu.memory_space<semaphore_mem>>
    tpu.enqueue_indirect_dma source(%dma_start3A_394 : memref<1000x128xf32, #tpu.memory_space<vmem_shared>>) target(%dma_start3A_388 : memref<128x128xf32, #tpu.memory_space<vmem>>) offsets(%dma_start3A_391 : memref<128xi32, #tpu.memory_space<vmem>>) semaphore(%dma_start3A_396 : memref<!tpu.dma_semaphore, #tpu.memory_space<semaphore_mem>>)
    %add3A_397 = arith.constant 1280 : i32
    %add3A_398 = arith.addi %mul3A_2, %add3A_397 : i32
    %add3A_399 = arith.constant 0 : i32
    %add3A_400 = arith.addi %add3A_398, %add3A_399 : i32
    %dma_start3A_401 = arith.constant 10 : i32
    %dma_start3A_402 = arith.constant 5 : i32
    %dma_start3A_403 = arith.constant 0 : i32
    %dma_start3A_404 = tpu.memref_slice %arg5[%dma_start3A_401, %dma_start3A_403] : memref<12x128xi32, #tpu.memory_space<vmem>> -> memref<1x128xi32, #tpu.memory_space<vmem>>
    %dma_start3A_405 = tpu.memref_squeeze %dma_start3A_404 : memref<1x128xi32, #tpu.memory_space<vmem>> -> memref<128xi32, #tpu.memory_space<vmem>>
    %dma_start3A_406 = tpu.memref_slice %arg3[%add3A_400] : memref<3276800xi32, #tpu.memory_space<hbm>> -> memref<128xi32, #tpu.memory_space<hbm>>
    %dma_start3A_407 = tpu.memref_slice %arg8[%dma_start3A_402] : memref<6x!tpu.dma_semaphore, #tpu.memory_space<semaphore_mem>> -> memref<1x!tpu.dma_semaphore, #tpu.memory_space<semaphore_mem>>
    %dma_start3A_408 = tpu.memref_squeeze %dma_start3A_407 : memref<1x!tpu.dma_semaphore, #tpu.memory_space<semaphore_mem>> -> memref<!tpu.dma_semaphore, #tpu.memory_space<semaphore_mem>>
    %dma_start3A_409 = arith.constant 0 : i32
    %dma_start3A_410 = tpu.memref_slice %arg5[%dma_start3A_401, %dma_start3A_409] : memref<12x128xi32, #tpu.memory_space<vmem>> -> memref<1x128xi32, #tpu.memory_space<vmem>>
    %dma_start3A_411 = tpu.memref_squeeze %dma_start3A_410 : memref<1x128xi32, #tpu.memory_space<vmem>> -> memref<128xi32, #tpu.memory_space<vmem>>
    %dma_start3A_412 = tpu.memref_slice %arg3[%add3A_400] : memref<3276800xi32, #tpu.memory_space<hbm>> -> memref<128xi32, #tpu.memory_space<hbm>>
    tpu.enqueue_dma source(%dma_start3A_412 : memref<128xi32, #tpu.memory_space<hbm>>) target(%dma_start3A_411 : memref<128xi32, #tpu.memory_space<vmem>>) target_semaphore(%dma_start3A_408 : memref<!tpu.dma_semaphore, #tpu.memory_space<semaphore_mem>>)
    %add3A_413 = arith.constant 1280 : i32
    %add3A_414 = arith.addi %mul3A_2, %add3A_413 : i32
    %add3A_415 = arith.constant 128 : i32
    %add3A_416 = arith.addi %add3A_414, %add3A_415 : i32
    %dma_start3A_417 = arith.constant 11 : i32
    %dma_start3A_418 = arith.constant 5 : i32
    %dma_start3A_419 = arith.constant 0 : i32
    %dma_start3A_420 = tpu.memref_slice %arg5[%dma_start3A_417, %dma_start3A_419] : memref<12x128xi32, #tpu.memory_space<vmem>> -> memref<1x128xi32, #tpu.memory_space<vmem>>
    %dma_start3A_421 = tpu.memref_squeeze %dma_start3A_420 : memref<1x128xi32, #tpu.memory_space<vmem>> -> memref<128xi32, #tpu.memory_space<vmem>>
    %dma_start3A_422 = tpu.memref_slice %arg3[%add3A_416] : memref<3276800xi32, #tpu.memory_space<hbm>> -> memref<128xi32, #tpu.memory_space<hbm>>
    %dma_start3A_423 = tpu.memref_slice %arg8[%dma_start3A_418] : memref<6x!tpu.dma_semaphore, #tpu.memory_space<semaphore_mem>> -> memref<1x!tpu.dma_semaphore, #tpu.memory_space<semaphore_mem>>
    %dma_start3A_424 = tpu.memref_squeeze %dma_start3A_423 : memref<1x!tpu.dma_semaphore, #tpu.memory_space<semaphore_mem>> -> memref<!tpu.dma_semaphore, #tpu.memory_space<semaphore_mem>>
    %dma_start3A_425 = arith.constant 0 : i32
    %dma_start3A_426 = tpu.memref_slice %arg5[%dma_start3A_417, %dma_start3A_425] : memref<12x128xi32, #tpu.memory_space<vmem>> -> memref<1x128xi32, #tpu.memory_space<vmem>>
    %dma_start3A_427 = tpu.memref_squeeze %dma_start3A_426 : memref<1x128xi32, #tpu.memory_space<vmem>> -> memref<128xi32, #tpu.memory_space<vmem>>
    %dma_start3A_428 = tpu.memref_slice %arg3[%add3A_416] : memref<3276800xi32, #tpu.memory_space<hbm>> -> memref<128xi32, #tpu.memory_space<hbm>>
    tpu.enqueue_dma source(%dma_start3A_428 : memref<128xi32, #tpu.memory_space<hbm>>) target(%dma_start3A_427 : memref<128xi32, #tpu.memory_space<vmem>>) target_semaphore(%dma_start3A_424 : memref<!tpu.dma_semaphore, #tpu.memory_space<semaphore_mem>>)
    %dma_wait3A_429 = arith.constant 2 : i32
    %dma_wait3A_430 = arith.constant 1 : i32
    %dma_wait3A_431 = arith.constant 1 : i32
    %dma_wait3A_432 = arith.constant 0 : i32
    %dma_wait3A_433 = arith.constant 0 : i32
    %dma_wait3A_434 = tpu.memref_slice %arg6[%dma_wait3A_430, %dma_wait3A_432, %dma_wait3A_433] : memref<3x256x128xf32, #tpu.memory_space<vmem>> -> memref<1x128x128xf32, #tpu.memory_space<vmem>>
    %dma_wait3A_435 = tpu.memref_squeeze %dma_wait3A_434 : memref<1x128x128xf32, #tpu.memory_space<vmem>> -> memref<128x128xf32, #tpu.memory_space<vmem>>
    %dma_wait3A_436 = arith.constant 0 : i32
    %dma_wait3A_437 = tpu.memref_slice %arg5[%dma_wait3A_429, %dma_wait3A_436] : memref<12x128xi32, #tpu.memory_space<vmem>> -> memref<1x128xi32, #tpu.memory_space<vmem>>
    %dma_wait3A_438 = tpu.memref_squeeze %dma_wait3A_437 : memref<1x128xi32, #tpu.memory_space<vmem>> -> memref<128xi32, #tpu.memory_space<vmem>>
    %dma_wait3A_439 = arith.constant 0 : i32
    %dma_wait3A_440 = arith.constant 0 : i32
    %dma_wait3A_441 = tpu.memref_slice %arg7[%dma_wait3A_439, %dma_wait3A_440] : memref<1000x128xf32, #tpu.memory_space<vmem_shared>> -> memref<1000x128xf32, #tpu.memory_space<vmem_shared>>
    %dma_wait3A_442 = tpu.memref_slice %arg9[%dma_wait3A_431] : memref<3x!tpu.dma_semaphore, #tpu.memory_space<semaphore_mem>> -> memref<1x!tpu.dma_semaphore, #tpu.memory_space<semaphore_mem>>
    %dma_wait3A_443 = tpu.memref_squeeze %dma_wait3A_442 : memref<1x!tpu.dma_semaphore, #tpu.memory_space<semaphore_mem>> -> memref<!tpu.dma_semaphore, #tpu.memory_space<semaphore_mem>>
    tpu.wait_indirect_dma semaphore(%dma_wait3A_443 : memref<!tpu.dma_semaphore, #tpu.memory_space<semaphore_mem>>) src(%dma_wait3A_441 : memref<1000x128xf32, #tpu.memory_space<vmem_shared>>) dst(%dma_wait3A_435 : memref<128x128xf32, #tpu.memory_space<vmem>>)
    %dma_wait3A_444 = arith.constant 3 : i32
    %dma_wait3A_445 = arith.constant 1 : i32
    %dma_wait3A_446 = arith.constant 1 : i32
    %dma_wait3A_447 = arith.constant 128 : i32
    %dma_wait3A_448 = arith.constant 0 : i32
    %dma_wait3A_449 = tpu.memref_slice %arg6[%dma_wait3A_445, %dma_wait3A_447, %dma_wait3A_448] : memref<3x256x128xf32, #tpu.memory_space<vmem>> -> memref<1x128x128xf32, #tpu.memory_space<vmem>>
    %dma_wait3A_450 = tpu.memref_squeeze %dma_wait3A_449 : memref<1x128x128xf32, #tpu.memory_space<vmem>> -> memref<128x128xf32, #tpu.memory_space<vmem>>
    %dma_wait3A_451 = arith.constant 0 : i32
    %dma_wait3A_452 = tpu.memref_slice %arg5[%dma_wait3A_444, %dma_wait3A_451] : memref<12x128xi32, #tpu.memory_space<vmem>> -> memref<1x128xi32, #tpu.memory_space<vmem>>
    %dma_wait3A_453 = tpu.memref_squeeze %dma_wait3A_452 : memref<1x128xi32, #tpu.memory_space<vmem>> -> memref<128xi32, #tpu.memory_space<vmem>>
    %dma_wait3A_454 = arith.constant 0 : i32
    %dma_wait3A_455 = arith.constant 0 : i32
    %dma_wait3A_456 = tpu.memref_slice %arg7[%dma_wait3A_454, %dma_wait3A_455] : memref<1000x128xf32, #tpu.memory_space<vmem_shared>> -> memref<1000x128xf32, #tpu.memory_space<vmem_shared>>
    %dma_wait3A_457 = tpu.memref_slice %arg9[%dma_wait3A_446] : memref<3x!tpu.dma_semaphore, #tpu.memory_space<semaphore_mem>> -> memref<1x!tpu.dma_semaphore, #tpu.memory_space<semaphore_mem>>
    %dma_wait3A_458 = tpu.memref_squeeze %dma_wait3A_457 : memref<1x!tpu.dma_semaphore, #tpu.memory_space<semaphore_mem>> -> memref<!tpu.dma_semaphore, #tpu.memory_space<semaphore_mem>>
    tpu.wait_indirect_dma semaphore(%dma_wait3A_458 : memref<!tpu.dma_semaphore, #tpu.memory_space<semaphore_mem>>) src(%dma_wait3A_456 : memref<1000x128xf32, #tpu.memory_space<vmem_shared>>) dst(%dma_wait3A_450 : memref<128x128xf32, #tpu.memory_space<vmem>>)
    %add3A_459 = arith.constant 256 : i32
    %add3A_460 = arith.addi %mul3A_2, %add3A_459 : i32
    %dma_start3A_461 = arith.constant 1 : i32
    %dma_start3A_462 = arith.constant 1 : i32
    %dma_start3A_463 = arith.constant 0 : i32
    %dma_start3A_464 = arith.constant 0 : i32
    %dma_start3A_465 = tpu.memref_slice %arg6[%dma_start3A_461, %dma_start3A_463, %dma_start3A_464] : memref<3x256x128xf32, #tpu.memory_space<vmem>> -> memref<1x256x128xf32, #tpu.memory_space<vmem>>
    %dma_start3A_466 = tpu.memref_squeeze %dma_start3A_465 : memref<1x256x128xf32, #tpu.memory_space<vmem>> -> memref<256x128xf32, #tpu.memory_space<vmem>>
    %dma_start3A_467 = arith.constant 0 : i32
    %dma_start3A_468 = tpu.memref_slice %arg4[%add3A_460, %dma_start3A_467] : memref<3276800x128xf32, #tpu.memory_space<hbm>> -> memref<256x128xf32, #tpu.memory_space<hbm>>
    %dma_start3A_469 = tpu.memref_slice %arg10[%dma_start3A_462] : memref<3x!tpu.dma_semaphore, #tpu.memory_space<semaphore_mem>> -> memref<1x!tpu.dma_semaphore, #tpu.memory_space<semaphore_mem>>
    %dma_start3A_470 = tpu.memref_squeeze %dma_start3A_469 : memref<1x!tpu.dma_semaphore, #tpu.memory_space<semaphore_mem>> -> memref<!tpu.dma_semaphore, #tpu.memory_space<semaphore_mem>>
    %dma_start3A_471 = arith.constant 0 : i32
    %dma_start3A_472 = tpu.memref_slice %arg4[%add3A_460, %dma_start3A_471] : memref<3276800x128xf32, #tpu.memory_space<hbm>> -> memref<256x128xf32, #tpu.memory_space<hbm>>
    %dma_start3A_473 = arith.constant 0 : i32
    %dma_start3A_474 = arith.constant 0 : i32
    %dma_start3A_475 = tpu.memref_slice %arg6[%dma_start3A_461, %dma_start3A_473, %dma_start3A_474] : memref<3x256x128xf32, #tpu.memory_space<vmem>> -> memref<1x256x128xf32, #tpu.memory_space<vmem>>
    %dma_start3A_476 = tpu.memref_squeeze %dma_start3A_475 : memref<1x256x128xf32, #tpu.memory_space<vmem>> -> memref<256x128xf32, #tpu.memory_space<vmem>>
    tpu.enqueue_dma source(%dma_start3A_476 : memref<256x128xf32, #tpu.memory_space<vmem>>) target(%dma_start3A_472 : memref<256x128xf32, #tpu.memory_space<hbm>>) target_semaphore(%dma_start3A_470 : memref<!tpu.dma_semaphore, #tpu.memory_space<semaphore_mem>>)
    %add3A_477 = arith.constant 0 : i32
    %add3A_478 = arith.addi %mul3A_2, %add3A_477 : i32
    %dma_wait3A_479 = arith.constant 0 : i32
    %dma_wait3A_480 = arith.constant 0 : i32
    %dma_wait3A_481 = arith.constant 0 : i32
    %dma_wait3A_482 = arith.constant 0 : i32
    %dma_wait3A_483 = tpu.memref_slice %arg6[%dma_wait3A_479, %dma_wait3A_481, %dma_wait3A_482] : memref<3x256x128xf32, #tpu.memory_space<vmem>> -> memref<1x256x128xf32, #tpu.memory_space<vmem>>
    %dma_wait3A_484 = tpu.memref_squeeze %dma_wait3A_483 : memref<1x256x128xf32, #tpu.memory_space<vmem>> -> memref<256x128xf32, #tpu.memory_space<vmem>>
    %dma_wait3A_485 = arith.constant 0 : i32
    %dma_wait3A_486 = tpu.memref_slice %arg4[%add3A_478, %dma_wait3A_485] : memref<3276800x128xf32, #tpu.memory_space<hbm>> -> memref<256x128xf32, #tpu.memory_space<hbm>>
    %dma_wait3A_487 = tpu.memref_slice %arg10[%dma_wait3A_480] : memref<3x!tpu.dma_semaphore, #tpu.memory_space<semaphore_mem>> -> memref<1x!tpu.dma_semaphore, #tpu.memory_space<semaphore_mem>>
    %dma_wait3A_488 = tpu.memref_squeeze %dma_wait3A_487 : memref<1x!tpu.dma_semaphore, #tpu.memory_space<semaphore_mem>> -> memref<!tpu.dma_semaphore, #tpu.memory_space<semaphore_mem>>
    %dma_wait3A_489 = arith.constant 0 : i32
    %dma_wait3A_490 = tpu.memref_slice %arg4[%add3A_478, %dma_wait3A_489] : memref<3276800x128xf32, #tpu.memory_space<hbm>> -> memref<256x128xf32, #tpu.memory_space<hbm>>
    %dma_wait3A_491 = arith.constant 0 : i32
    %dma_wait3A_492 = arith.constant 0 : i32
    %dma_wait3A_493 = tpu.memref_slice %arg6[%dma_wait3A_479, %dma_wait3A_491, %dma_wait3A_492] : memref<3x256x128xf32, #tpu.memory_space<vmem>> -> memref<1x256x128xf32, #tpu.memory_space<vmem>>
    %dma_wait3A_494 = tpu.memref_squeeze %dma_wait3A_493 : memref<1x256x128xf32, #tpu.memory_space<vmem>> -> memref<256x128xf32, #tpu.memory_space<vmem>>
    tpu.wait_dma2 semaphore(%dma_wait3A_488 : memref<!tpu.dma_semaphore, #tpu.memory_space<semaphore_mem>>) src(%dma_wait3A_494 : memref<256x128xf32, #tpu.memory_space<vmem>>) dst(%dma_wait3A_490 : memref<256x128xf32, #tpu.memory_space<hbm>>)
    %add3A_495 = arith.constant 768 : i32
    %add3A_496 = arith.addi %mul3A_2, %add3A_495 : i32
    %add3A_497 = arith.constant 0 : i32
    %add3A_498 = arith.addi %add3A_496, %add3A_497 : i32
    %dma_wait3A_499 = arith.constant 6 : i32
    %dma_wait3A_500 = arith.constant 3 : i32
    %dma_wait3A_501 = arith.constant 0 : i32
    %dma_wait3A_502 = tpu.memref_slice %arg5[%dma_wait3A_499, %dma_wait3A_501] : memref<12x128xi32, #tpu.memory_space<vmem>> -> memref<1x128xi32, #tpu.memory_space<vmem>>
    %dma_wait3A_503 = tpu.memref_squeeze %dma_wait3A_502 : memref<1x128xi32, #tpu.memory_space<vmem>> -> memref<128xi32, #tpu.memory_space<vmem>>
    %dma_wait3A_504 = tpu.memref_slice %arg3[%add3A_498] : memref<3276800xi32, #tpu.memory_space<hbm>> -> memref<128xi32, #tpu.memory_space<hbm>>
    %dma_wait3A_505 = tpu.memref_slice %arg8[%dma_wait3A_500] : memref<6x!tpu.dma_semaphore, #tpu.memory_space<semaphore_mem>> -> memref<1x!tpu.dma_semaphore, #tpu.memory_space<semaphore_mem>>
    %dma_wait3A_506 = tpu.memref_squeeze %dma_wait3A_505 : memref<1x!tpu.dma_semaphore, #tpu.memory_space<semaphore_mem>> -> memref<!tpu.dma_semaphore, #tpu.memory_space<semaphore_mem>>
    %dma_wait3A_507 = arith.constant 0 : i32
    %dma_wait3A_508 = tpu.memref_slice %arg5[%dma_wait3A_499, %dma_wait3A_507] : memref<12x128xi32, #tpu.memory_space<vmem>> -> memref<1x128xi32, #tpu.memory_space<vmem>>
    %dma_wait3A_509 = tpu.memref_squeeze %dma_wait3A_508 : memref<1x128xi32, #tpu.memory_space<vmem>> -> memref<128xi32, #tpu.memory_space<vmem>>
    %dma_wait3A_510 = tpu.memref_slice %arg3[%add3A_498] : memref<3276800xi32, #tpu.memory_space<hbm>> -> memref<128xi32, #tpu.memory_space<hbm>>
    tpu.wait_dma2 semaphore(%dma_wait3A_506 : memref<!tpu.dma_semaphore, #tpu.memory_space<semaphore_mem>>) src(%dma_wait3A_510 : memref<128xi32, #tpu.memory_space<hbm>>) dst(%dma_wait3A_509 : memref<128xi32, #tpu.memory_space<vmem>>)
    %add3A_511 = arith.constant 768 : i32
    %add3A_512 = arith.addi %mul3A_2, %add3A_511 : i32
    %add3A_513 = arith.constant 128 : i32
    %add3A_514 = arith.addi %add3A_512, %add3A_513 : i32
    %dma_wait3A_515 = arith.constant 7 : i32
    %dma_wait3A_516 = arith.constant 3 : i32
    %dma_wait3A_517 = arith.constant 0 : i32
    %dma_wait3A_518 = tpu.memref_slice %arg5[%dma_wait3A_515, %dma_wait3A_517] : memref<12x128xi32, #tpu.memory_space<vmem>> -> memref<1x128xi32, #tpu.memory_space<vmem>>
    %dma_wait3A_519 = tpu.memref_squeeze %dma_wait3A_518 : memref<1x128xi32, #tpu.memory_space<vmem>> -> memref<128xi32, #tpu.memory_space<vmem>>
    %dma_wait3A_520 = tpu.memref_slice %arg3[%add3A_514] : memref<3276800xi32, #tpu.memory_space<hbm>> -> memref<128xi32, #tpu.memory_space<hbm>>
    %dma_wait3A_521 = tpu.memref_slice %arg8[%dma_wait3A_516] : memref<6x!tpu.dma_semaphore, #tpu.memory_space<semaphore_mem>> -> memref<1x!tpu.dma_semaphore, #tpu.memory_space<semaphore_mem>>
    %dma_wait3A_522 = tpu.memref_squeeze %dma_wait3A_521 : memref<1x!tpu.dma_semaphore, #tpu.memory_space<semaphore_mem>> -> memref<!tpu.dma_semaphore, #tpu.memory_space<semaphore_mem>>
    %dma_wait3A_523 = arith.constant 0 : i32
    %dma_wait3A_524 = tpu.memref_slice %arg5[%dma_wait3A_515, %dma_wait3A_523] : memref<12x128xi32, #tpu.memory_space<vmem>> -> memref<1x128xi32, #tpu.memory_space<vmem>>
    %dma_wait3A_525 = tpu.memref_squeeze %dma_wait3A_524 : memref<1x128xi32, #tpu.memory_space<vmem>> -> memref<128xi32, #tpu.memory_space<vmem>>
    %dma_wait3A_526 = tpu.memref_slice %arg3[%add3A_514] : memref<3276800xi32, #tpu.memory_space<hbm>> -> memref<128xi32, #tpu.memory_space<hbm>>
    tpu.wait_dma2 semaphore(%dma_wait3A_522 : memref<!tpu.dma_semaphore, #tpu.memory_space<semaphore_mem>>) src(%dma_wait3A_526 : memref<128xi32, #tpu.memory_space<hbm>>) dst(%dma_wait3A_525 : memref<128xi32, #tpu.memory_space<vmem>>)
    %dma_start3A_527 = arith.constant 6 : i32
    %dma_start3A_528 = arith.constant 0 : i32
    %dma_start3A_529 = arith.constant 0 : i32
    %dma_start3A_530 = arith.constant 0 : i32
    %dma_start3A_531 = arith.constant 0 : i32
    %dma_start3A_532 = tpu.memref_slice %arg6[%dma_start3A_528, %dma_start3A_530, %dma_start3A_531] : memref<3x256x128xf32, #tpu.memory_space<vmem>> -> memref<1x128x128xf32, #tpu.memory_space<vmem>>
    %dma_start3A_533 = tpu.memref_squeeze %dma_start3A_532 : memref<1x128x128xf32, #tpu.memory_space<vmem>> -> memref<128x128xf32, #tpu.memory_space<vmem>>
    %dma_start3A_534 = arith.constant 0 : i32
    %dma_start3A_535 = tpu.memref_slice %arg5[%dma_start3A_527, %dma_start3A_534] : memref<12x128xi32, #tpu.memory_space<vmem>> -> memref<1x128xi32, #tpu.memory_space<vmem>>
    %dma_start3A_536 = tpu.memref_squeeze %dma_start3A_535 : memref<1x128xi32, #tpu.memory_space<vmem>> -> memref<128xi32, #tpu.memory_space<vmem>>
    %dma_start3A_537 = arith.constant 0 : i32
    %dma_start3A_538 = arith.constant 0 : i32
    %dma_start3A_539 = tpu.memref_slice %arg7[%dma_start3A_537, %dma_start3A_538] : memref<1000x128xf32, #tpu.memory_space<vmem_shared>> -> memref<1000x128xf32, #tpu.memory_space<vmem_shared>>
    %dma_start3A_540 = tpu.memref_slice %arg9[%dma_start3A_529] : memref<3x!tpu.dma_semaphore, #tpu.memory_space<semaphore_mem>> -> memref<1x!tpu.dma_semaphore, #tpu.memory_space<semaphore_mem>>
    %dma_start3A_541 = tpu.memref_squeeze %dma_start3A_540 : memref<1x!tpu.dma_semaphore, #tpu.memory_space<semaphore_mem>> -> memref<!tpu.dma_semaphore, #tpu.memory_space<semaphore_mem>>
    tpu.enqueue_indirect_dma source(%dma_start3A_539 : memref<1000x128xf32, #tpu.memory_space<vmem_shared>>) target(%dma_start3A_533 : memref<128x128xf32, #tpu.memory_space<vmem>>) offsets(%dma_start3A_536 : memref<128xi32, #tpu.memory_space<vmem>>) semaphore(%dma_start3A_541 : memref<!tpu.dma_semaphore, #tpu.memory_space<semaphore_mem>>)
    %dma_start3A_542 = arith.constant 7 : i32
    %dma_start3A_543 = arith.constant 0 : i32
    %dma_start3A_544 = arith.constant 0 : i32
    %dma_start3A_545 = arith.constant 128 : i32
    %dma_start3A_546 = arith.constant 0 : i32
    %dma_start3A_547 = tpu.memref_slice %arg6[%dma_start3A_543, %dma_start3A_545, %dma_start3A_546] : memref<3x256x128xf32, #tpu.memory_space<vmem>> -> memref<1x128x128xf32, #tpu.memory_space<vmem>>
    %dma_start3A_548 = tpu.memref_squeeze %dma_start3A_547 : memref<1x128x128xf32, #tpu.memory_space<vmem>> -> memref<128x128xf32, #tpu.memory_space<vmem>>
    %dma_start3A_549 = arith.constant 0 : i32
    %dma_start3A_550 = tpu.memref_slice %arg5[%dma_start3A_542, %dma_start3A_549] : memref<12x128xi32, #tpu.memory_space<vmem>> -> memref<1x128xi32, #tpu.memory_space<vmem>>
    %dma_start3A_551 = tpu.memref_squeeze %dma_start3A_550 : memref<1x128xi32, #tpu.memory_space<vmem>> -> memref<128xi32, #tpu.memory_space<vmem>>
    %dma_start3A_552 = arith.constant 0 : i32
    %dma_start3A_553 = arith.constant 0 : i32
    %dma_start3A_554 = tpu.memref_slice %arg7[%dma_start3A_552, %dma_start3A_553] : memref<1000x128xf32, #tpu.memory_space<vmem_shared>> -> memref<1000x128xf32, #tpu.memory_space<vmem_shared>>
    %dma_start3A_555 = tpu.memref_slice %arg9[%dma_start3A_544] : memref<3x!tpu.dma_semaphore, #tpu.memory_space<semaphore_mem>> -> memref<1x!tpu.dma_semaphore, #tpu.memory_space<semaphore_mem>>
    %dma_start3A_556 = tpu.memref_squeeze %dma_start3A_555 : memref<1x!tpu.dma_semaphore, #tpu.memory_space<semaphore_mem>> -> memref<!tpu.dma_semaphore, #tpu.memory_space<semaphore_mem>>
    tpu.enqueue_indirect_dma source(%dma_start3A_554 : memref<1000x128xf32, #tpu.memory_space<vmem_shared>>) target(%dma_start3A_548 : memref<128x128xf32, #tpu.memory_space<vmem>>) offsets(%dma_start3A_551 : memref<128xi32, #tpu.memory_space<vmem>>) semaphore(%dma_start3A_556 : memref<!tpu.dma_semaphore, #tpu.memory_space<semaphore_mem>>)
    %add3A_557 = arith.constant 1536 : i32
    %add3A_558 = arith.addi %mul3A_2, %add3A_557 : i32
    %add3A_559 = arith.constant 0 : i32
    %add3A_560 = arith.addi %add3A_558, %add3A_559 : i32
    %dma_start3A_561 = arith.constant 0 : i32
    %dma_start3A_562 = arith.constant 0 : i32
    %dma_start3A_563 = arith.constant 0 : i32
    %dma_start3A_564 = tpu.memref_slice %arg5[%dma_start3A_561, %dma_start3A_563] : memref<12x128xi32, #tpu.memory_space<vmem>> -> memref<1x128xi32, #tpu.memory_space<vmem>>
    %dma_start3A_565 = tpu.memref_squeeze %dma_start3A_564 : memref<1x128xi32, #tpu.memory_space<vmem>> -> memref<128xi32, #tpu.memory_space<vmem>>
    %dma_start3A_566 = tpu.memref_slice %arg3[%add3A_560] : memref<3276800xi32, #tpu.memory_space<hbm>> -> memref<128xi32, #tpu.memory_space<hbm>>
    %dma_start3A_567 = tpu.memref_slice %arg8[%dma_start3A_562] : memref<6x!tpu.dma_semaphore, #tpu.memory_space<semaphore_mem>> -> memref<1x!tpu.dma_semaphore, #tpu.memory_space<semaphore_mem>>
    %dma_start3A_568 = tpu.memref_squeeze %dma_start3A_567 : memref<1x!tpu.dma_semaphore, #tpu.memory_space<semaphore_mem>> -> memref<!tpu.dma_semaphore, #tpu.memory_space<semaphore_mem>>
    %dma_start3A_569 = arith.constant 0 : i32
    %dma_start3A_570 = tpu.memref_slice %arg5[%dma_start3A_561, %dma_start3A_569] : memref<12x128xi32, #tpu.memory_space<vmem>> -> memref<1x128xi32, #tpu.memory_space<vmem>>
    %dma_start3A_571 = tpu.memref_squeeze %dma_start3A_570 : memref<1x128xi32, #tpu.memory_space<vmem>> -> memref<128xi32, #tpu.memory_space<vmem>>
    %dma_start3A_572 = tpu.memref_slice %arg3[%add3A_560] : memref<3276800xi32, #tpu.memory_space<hbm>> -> memref<128xi32, #tpu.memory_space<hbm>>
    tpu.enqueue_dma source(%dma_start3A_572 : memref<128xi32, #tpu.memory_space<hbm>>) target(%dma_start3A_571 : memref<128xi32, #tpu.memory_space<vmem>>) target_semaphore(%dma_start3A_568 : memref<!tpu.dma_semaphore, #tpu.memory_space<semaphore_mem>>)
    %add3A_573 = arith.constant 1536 : i32
    %add3A_574 = arith.addi %mul3A_2, %add3A_573 : i32
    %add3A_575 = arith.constant 128 : i32
    %add3A_576 = arith.addi %add3A_574, %add3A_575 : i32
    %dma_start3A_577 = arith.constant 1 : i32
    %dma_start3A_578 = arith.constant 0 : i32
    %dma_start3A_579 = arith.constant 0 : i32
    %dma_start3A_580 = tpu.memref_slice %arg5[%dma_start3A_577, %dma_start3A_579] : memref<12x128xi32, #tpu.memory_space<vmem>> -> memref<1x128xi32, #tpu.memory_space<vmem>>
    %dma_start3A_581 = tpu.memref_squeeze %dma_start3A_580 : memref<1x128xi32, #tpu.memory_space<vmem>> -> memref<128xi32, #tpu.memory_space<vmem>>
    %dma_start3A_582 = tpu.memref_slice %arg3[%add3A_576] : memref<3276800xi32, #tpu.memory_space<hbm>> -> memref<128xi32, #tpu.memory_space<hbm>>
    %dma_start3A_583 = tpu.memref_slice %arg8[%dma_start3A_578] : memref<6x!tpu.dma_semaphore, #tpu.memory_space<semaphore_mem>> -> memref<1x!tpu.dma_semaphore, #tpu.memory_space<semaphore_mem>>
    %dma_start3A_584 = tpu.memref_squeeze %dma_start3A_583 : memref<1x!tpu.dma_semaphore, #tpu.memory_space<semaphore_mem>> -> memref<!tpu.dma_semaphore, #tpu.memory_space<semaphore_mem>>
    %dma_start3A_585 = arith.constant 0 : i32
    %dma_start3A_586 = tpu.memref_slice %arg5[%dma_start3A_577, %dma_start3A_585] : memref<12x128xi32, #tpu.memory_space<vmem>> -> memref<1x128xi32, #tpu.memory_space<vmem>>
    %dma_start3A_587 = tpu.memref_squeeze %dma_start3A_586 : memref<1x128xi32, #tpu.memory_space<vmem>> -> memref<128xi32, #tpu.memory_space<vmem>>
    %dma_start3A_588 = tpu.memref_slice %arg3[%add3A_576] : memref<3276800xi32, #tpu.memory_space<hbm>> -> memref<128xi32, #tpu.memory_space<hbm>>
    tpu.enqueue_dma source(%dma_start3A_588 : memref<128xi32, #tpu.memory_space<hbm>>) target(%dma_start3A_587 : memref<128xi32, #tpu.memory_space<vmem>>) target_semaphore(%dma_start3A_584 : memref<!tpu.dma_semaphore, #tpu.memory_space<semaphore_mem>>)
    %dma_wait3A_589 = arith.constant 4 : i32
    %dma_wait3A_590 = arith.constant 2 : i32
    %dma_wait3A_591 = arith.constant 2 : i32
    %dma_wait3A_592 = arith.constant 0 : i32
    %dma_wait3A_593 = arith.constant 0 : i32
    %dma_wait3A_594 = tpu.memref_slice %arg6[%dma_wait3A_590, %dma_wait3A_592, %dma_wait3A_593] : memref<3x256x128xf32, #tpu.memory_space<vmem>> -> memref<1x128x128xf32, #tpu.memory_space<vmem>>
    %dma_wait3A_595 = tpu.memref_squeeze %dma_wait3A_594 : memref<1x128x128xf32, #tpu.memory_space<vmem>> -> memref<128x128xf32, #tpu.memory_space<vmem>>
    %dma_wait3A_596 = arith.constant 0 : i32
    %dma_wait3A_597 = tpu.memref_slice %arg5[%dma_wait3A_589, %dma_wait3A_596] : memref<12x128xi32, #tpu.memory_space<vmem>> -> memref<1x128xi32, #tpu.memory_space<vmem>>
    %dma_wait3A_598 = tpu.memref_squeeze %dma_wait3A_597 : memref<1x128xi32, #tpu.memory_space<vmem>> -> memref<128xi32, #tpu.memory_space<vmem>>
    %dma_wait3A_599 = arith.constant 0 : i32
    %dma_wait3A_600 = arith.constant 0 : i32
    %dma_wait3A_601 = tpu.memref_slice %arg7[%dma_wait3A_599, %dma_wait3A_600] : memref<1000x128xf32, #tpu.memory_space<vmem_shared>> -> memref<1000x128xf32, #tpu.memory_space<vmem_shared>>
    %dma_wait3A_602 = tpu.memref_slice %arg9[%dma_wait3A_591] : memref<3x!tpu.dma_semaphore, #tpu.memory_space<semaphore_mem>> -> memref<1x!tpu.dma_semaphore, #tpu.memory_space<semaphore_mem>>
    %dma_wait3A_603 = tpu.memref_squeeze %dma_wait3A_602 : memref<1x!tpu.dma_semaphore, #tpu.memory_space<semaphore_mem>> -> memref<!tpu.dma_semaphore, #tpu.memory_space<semaphore_mem>>
    tpu.wait_indirect_dma semaphore(%dma_wait3A_603 : memref<!tpu.dma_semaphore, #tpu.memory_space<semaphore_mem>>) src(%dma_wait3A_601 : memref<1000x128xf32, #tpu.memory_space<vmem_shared>>) dst(%dma_wait3A_595 : memref<128x128xf32, #tpu.memory_space<vmem>>)
    %dma_wait3A_604 = arith.constant 5 : i32
    %dma_wait3A_605 = arith.constant 2 : i32
    %dma_wait3A_606 = arith.constant 2 : i32
    %dma_wait3A_607 = arith.constant 128 : i32
    %dma_wait3A_608 = arith.constant 0 : i32
    %dma_wait3A_609 = tpu.memref_slice %arg6[%dma_wait3A_605, %dma_wait3A_607, %dma_wait3A_608] : memref<3x256x128xf32, #tpu.memory_space<vmem>> -> memref<1x128x128xf32, #tpu.memory_space<vmem>>
    %dma_wait3A_610 = tpu.memref_squeeze %dma_wait3A_609 : memref<1x128x128xf32, #tpu.memory_space<vmem>> -> memref<128x128xf32, #tpu.memory_space<vmem>>
    %dma_wait3A_611 = arith.constant 0 : i32
    %dma_wait3A_612 = tpu.memref_slice %arg5[%dma_wait3A_604, %dma_wait3A_611] : memref<12x128xi32, #tpu.memory_space<vmem>> -> memref<1x128xi32, #tpu.memory_space<vmem>>
    %dma_wait3A_613 = tpu.memref_squeeze %dma_wait3A_612 : memref<1x128xi32, #tpu.memory_space<vmem>> -> memref<128xi32, #tpu.memory_space<vmem>>
    %dma_wait3A_614 = arith.constant 0 : i32
    %dma_wait3A_615 = arith.constant 0 : i32
    %dma_wait3A_616 = tpu.memref_slice %arg7[%dma_wait3A_614, %dma_wait3A_615] : memref<1000x128xf32, #tpu.memory_space<vmem_shared>> -> memref<1000x128xf32, #tpu.memory_space<vmem_shared>>
    %dma_wait3A_617 = tpu.memref_slice %arg9[%dma_wait3A_606] : memref<3x!tpu.dma_semaphore, #tpu.memory_space<semaphore_mem>> -> memref<1x!tpu.dma_semaphore, #tpu.memory_space<semaphore_mem>>
    %dma_wait3A_618 = tpu.memref_squeeze %dma_wait3A_617 : memref<1x!tpu.dma_semaphore, #tpu.memory_space<semaphore_mem>> -> memref<!tpu.dma_semaphore, #tpu.memory_space<semaphore_mem>>
    tpu.wait_indirect_dma semaphore(%dma_wait3A_618 : memref<!tpu.dma_semaphore, #tpu.memory_space<semaphore_mem>>) src(%dma_wait3A_616 : memref<1000x128xf32, #tpu.memory_space<vmem_shared>>) dst(%dma_wait3A_610 : memref<128x128xf32, #tpu.memory_space<vmem>>)
    %add3A_619 = arith.constant 512 : i32
    %add3A_620 = arith.addi %mul3A_2, %add3A_619 : i32
    %dma_start3A_621 = arith.constant 2 : i32
    %dma_start3A_622 = arith.constant 2 : i32
    %dma_start3A_623 = arith.constant 0 : i32
    %dma_start3A_624 = arith.constant 0 : i32
    %dma_start3A_625 = tpu.memref_slice %arg6[%dma_start3A_621, %dma_start3A_623, %dma_start3A_624] : memref<3x256x128xf32, #tpu.memory_space<vmem>> -> memref<1x256x128xf32, #tpu.memory_space<vmem>>
    %dma_start3A_626 = tpu.memref_squeeze %dma_start3A_625 : memref<1x256x128xf32, #tpu.memory_space<vmem>> -> memref<256x128xf32, #tpu.memory_space<vmem>>
    %dma_start3A_627 = arith.constant 0 : i32
    %dma_start3A_628 = tpu.memref_slice %arg4[%add3A_620, %dma_start3A_627] : memref<3276800x128xf32, #tpu.memory_space<hbm>> -> memref<256x128xf32, #tpu.memory_space<hbm>>
    %dma_start3A_629 = tpu.memref_slice %arg10[%dma_start3A_622] : memref<3x!tpu.dma_semaphore, #tpu.memory_space<semaphore_mem>> -> memref<1x!tpu.dma_semaphore, #tpu.memory_space<semaphore_mem>>
    %dma_start3A_630 = tpu.memref_squeeze %dma_start3A_629 : memref<1x!tpu.dma_semaphore, #tpu.memory_space<semaphore_mem>> -> memref<!tpu.dma_semaphore, #tpu.memory_space<semaphore_mem>>
    %dma_start3A_631 = arith.constant 0 : i32
    %dma_start3A_632 = tpu.memref_slice %arg4[%add3A_620, %dma_start3A_631] : memref<3276800x128xf32, #tpu.memory_space<hbm>> -> memref<256x128xf32, #tpu.memory_space<hbm>>
    %dma_start3A_633 = arith.constant 0 : i32
    %dma_start3A_634 = arith.constant 0 : i32
    %dma_start3A_635 = tpu.memref_slice %arg6[%dma_start3A_621, %dma_start3A_633, %dma_start3A_634] : memref<3x256x128xf32, #tpu.memory_space<vmem>> -> memref<1x256x128xf32, #tpu.memory_space<vmem>>
    %dma_start3A_636 = tpu.memref_squeeze %dma_start3A_635 : memref<1x256x128xf32, #tpu.memory_space<vmem>> -> memref<256x128xf32, #tpu.memory_space<vmem>>
    tpu.enqueue_dma source(%dma_start3A_636 : memref<256x128xf32, #tpu.memory_space<vmem>>) target(%dma_start3A_632 : memref<256x128xf32, #tpu.memory_space<hbm>>) target_semaphore(%dma_start3A_630 : memref<!tpu.dma_semaphore, #tpu.memory_space<semaphore_mem>>)
    %add3A_637 = arith.constant 256 : i32
    %add3A_638 = arith.addi %mul3A_2, %add3A_637 : i32
    %dma_wait3A_639 = arith.constant 1 : i32
    %dma_wait3A_640 = arith.constant 1 : i32
    %dma_wait3A_641 = arith.constant 0 : i32
    %dma_wait3A_642 = arith.constant 0 : i32
    %dma_wait3A_643 = tpu.memref_slice %arg6[%dma_wait3A_639, %dma_wait3A_641, %dma_wait3A_642] : memref<3x256x128xf32, #tpu.memory_space<vmem>> -> memref<1x256x128xf32, #tpu.memory_space<vmem>>
    %dma_wait3A_644 = tpu.memref_squeeze %dma_wait3A_643 : memref<1x256x128xf32, #tpu.memory_space<vmem>> -> memref<256x128xf32, #tpu.memory_space<vmem>>
    %dma_wait3A_645 = arith.constant 0 : i32
    %dma_wait3A_646 = tpu.memref_slice %arg4[%add3A_638, %dma_wait3A_645] : memref<3276800x128xf32, #tpu.memory_space<hbm>> -> memref<256x128xf32, #tpu.memory_space<hbm>>
    %dma_wait3A_647 = tpu.memref_slice %arg10[%dma_wait3A_640] : memref<3x!tpu.dma_semaphore, #tpu.memory_space<semaphore_mem>> -> memref<1x!tpu.dma_semaphore, #tpu.memory_space<semaphore_mem>>
    %dma_wait3A_648 = tpu.memref_squeeze %dma_wait3A_647 : memref<1x!tpu.dma_semaphore, #tpu.memory_space<semaphore_mem>> -> memref<!tpu.dma_semaphore, #tpu.memory_space<semaphore_mem>>
    %dma_wait3A_649 = arith.constant 0 : i32
    %dma_wait3A_650 = tpu.memref_slice %arg4[%add3A_638, %dma_wait3A_649] : memref<3276800x128xf32, #tpu.memory_space<hbm>> -> memref<256x128xf32, #tpu.memory_space<hbm>>
    %dma_wait3A_651 = arith.constant 0 : i32
    %dma_wait3A_652 = arith.constant 0 : i32
    %dma_wait3A_653 = tpu.memref_slice %arg6[%dma_wait3A_639, %dma_wait3A_651, %dma_wait3A_652] : memref<3x256x128xf32, #tpu.memory_space<vmem>> -> memref<1x256x128xf32, #tpu.memory_space<vmem>>
    %dma_wait3A_654 = tpu.memref_squeeze %dma_wait3A_653 : memref<1x256x128xf32, #tpu.memory_space<vmem>> -> memref<256x128xf32, #tpu.memory_space<vmem>>
    tpu.wait_dma2 semaphore(%dma_wait3A_648 : memref<!tpu.dma_semaphore, #tpu.memory_space<semaphore_mem>>) src(%dma_wait3A_654 : memref<256x128xf32, #tpu.memory_space<vmem>>) dst(%dma_wait3A_650 : memref<256x128xf32, #tpu.memory_space<hbm>>)
    %add3A_655 = arith.constant 1024 : i32
    %add3A_656 = arith.addi %mul3A_2, %add3A_655 : i32
    %add3A_657 = arith.constant 0 : i32
    %add3A_658 = arith.addi %add3A_656, %add3A_657 : i32
    %dma_wait3A_659 = arith.constant 8 : i32
    %dma_wait3A_660 = arith.constant 4 : i32
    %dma_wait3A_661 = arith.constant 0 : i32
    %dma_wait3A_662 = tpu.memref_slice %arg5[%dma_wait3A_659, %dma_wait3A_661] : memref<12x128xi32, #tpu.memory_space<vmem>> -> memref<1x128xi32, #tpu.memory_space<vmem>>
    %dma_wait3A_663 = tpu.memref_squeeze %dma_wait3A_662 : memref<1x128xi32, #tpu.memory_space<vmem>> -> memref<128xi32, #tpu.memory_space<vmem>>
    %dma_wait3A_664 = tpu.memref_slice %arg3[%add3A_658] : memref<3276800xi32, #tpu.memory_space<hbm>> -> memref<128xi32, #tpu.memory_space<hbm>>
    %dma_wait3A_665 = tpu.memref_slice %arg8[%dma_wait3A_660] : memref<6x!tpu.dma_semaphore, #tpu.memory_space<semaphore_mem>> -> memref<1x!tpu.dma_semaphore, #tpu.memory_space<semaphore_mem>>
    %dma_wait3A_666 = tpu.memref_squeeze %dma_wait3A_665 : memref<1x!tpu.dma_semaphore, #tpu.memory_space<semaphore_mem>> -> memref<!tpu.dma_semaphore, #tpu.memory_space<semaphore_mem>>
    %dma_wait3A_667 = arith.constant 0 : i32
    %dma_wait3A_668 = tpu.memref_slice %arg5[%dma_wait3A_659, %dma_wait3A_667] : memref<12x128xi32, #tpu.memory_space<vmem>> -> memref<1x128xi32, #tpu.memory_space<vmem>>
    %dma_wait3A_669 = tpu.memref_squeeze %dma_wait3A_668 : memref<1x128xi32, #tpu.memory_space<vmem>> -> memref<128xi32, #tpu.memory_space<vmem>>
    %dma_wait3A_670 = tpu.memref_slice %arg3[%add3A_658] : memref<3276800xi32, #tpu.memory_space<hbm>> -> memref<128xi32, #tpu.memory_space<hbm>>
    tpu.wait_dma2 semaphore(%dma_wait3A_666 : memref<!tpu.dma_semaphore, #tpu.memory_space<semaphore_mem>>) src(%dma_wait3A_670 : memref<128xi32, #tpu.memory_space<hbm>>) dst(%dma_wait3A_669 : memref<128xi32, #tpu.memory_space<vmem>>)
    %add3A_671 = arith.constant 1024 : i32
    %add3A_672 = arith.addi %mul3A_2, %add3A_671 : i32
    %add3A_673 = arith.constant 128 : i32
    %add3A_674 = arith.addi %add3A_672, %add3A_673 : i32
    %dma_wait3A_675 = arith.constant 9 : i32
    %dma_wait3A_676 = arith.constant 4 : i32
    %dma_wait3A_677 = arith.constant 0 : i32
    %dma_wait3A_678 = tpu.memref_slice %arg5[%dma_wait3A_675, %dma_wait3A_677] : memref<12x128xi32, #tpu.memory_space<vmem>> -> memref<1x128xi32, #tpu.memory_space<vmem>>
    %dma_wait3A_679 = tpu.memref_squeeze %dma_wait3A_678 : memref<1x128xi32, #tpu.memory_space<vmem>> -> memref<128xi32, #tpu.memory_space<vmem>>
    %dma_wait3A_680 = tpu.memref_slice %arg3[%add3A_674] : memref<3276800xi32, #tpu.memory_space<hbm>> -> memref<128xi32, #tpu.memory_space<hbm>>
    %dma_wait3A_681 = tpu.memref_slice %arg8[%dma_wait3A_676] : memref<6x!tpu.dma_semaphore, #tpu.memory_space<semaphore_mem>> -> memref<1x!tpu.dma_semaphore, #tpu.memory_space<semaphore_mem>>
    %dma_wait3A_682 = tpu.memref_squeeze %dma_wait3A_681 : memref<1x!tpu.dma_semaphore, #tpu.memory_space<semaphore_mem>> -> memref<!tpu.dma_semaphore, #tpu.memory_space<semaphore_mem>>
    %dma_wait3A_683 = arith.constant 0 : i32
    %dma_wait3A_684 = tpu.memref_slice %arg5[%dma_wait3A_675, %dma_wait3A_683] : memref<12x128xi32, #tpu.memory_space<vmem>> -> memref<1x128xi32, #tpu.memory_space<vmem>>
    %dma_wait3A_685 = tpu.memref_squeeze %dma_wait3A_684 : memref<1x128xi32, #tpu.memory_space<vmem>> -> memref<128xi32, #tpu.memory_space<vmem>>
    %dma_wait3A_686 = tpu.memref_slice %arg3[%add3A_674] : memref<3276800xi32, #tpu.memory_space<hbm>> -> memref<128xi32, #tpu.memory_space<hbm>>
    tpu.wait_dma2 semaphore(%dma_wait3A_682 : memref<!tpu.dma_semaphore, #tpu.memory_space<semaphore_mem>>) src(%dma_wait3A_686 : memref<128xi32, #tpu.memory_space<hbm>>) dst(%dma_wait3A_685 : memref<128xi32, #tpu.memory_space<vmem>>)
    %dma_start3A_687 = arith.constant 8 : i32
    %dma_start3A_688 = arith.constant 1 : i32
    %dma_start3A_689 = arith.constant 1 : i32
    %dma_start3A_690 = arith.constant 0 : i32
    %dma_start3A_691 = arith.constant 0 : i32
    %dma_start3A_692 = tpu.memref_slice %arg6[%dma_start3A_688, %dma_start3A_690, %dma_start3A_691] : memref<3x256x128xf32, #tpu.memory_space<vmem>> -> memref<1x128x128xf32, #tpu.memory_space<vmem>>
    %dma_start3A_693 = tpu.memref_squeeze %dma_start3A_692 : memref<1x128x128xf32, #tpu.memory_space<vmem>> -> memref<128x128xf32, #tpu.memory_space<vmem>>
    %dma_start3A_694 = arith.constant 0 : i32
    %dma_start3A_695 = tpu.memref_slice %arg5[%dma_start3A_687, %dma_start3A_694] : memref<12x128xi32, #tpu.memory_space<vmem>> -> memref<1x128xi32, #tpu.memory_space<vmem>>
    %dma_start3A_696 = tpu.memref_squeeze %dma_start3A_695 : memref<1x128xi32, #tpu.memory_space<vmem>> -> memref<128xi32, #tpu.memory_space<vmem>>
    %dma_start3A_697 = arith.constant 0 : i32
    %dma_start3A_698 = arith.constant 0 : i32
    %dma_start3A_699 = tpu.memref_slice %arg7[%dma_start3A_697, %dma_start3A_698] : memref<1000x128xf32, #tpu.memory_space<vmem_shared>> -> memref<1000x128xf32, #tpu.memory_space<vmem_shared>>
    %dma_start3A_700 = tpu.memref_slice %arg9[%dma_start3A_689] : memref<3x!tpu.dma_semaphore, #tpu.memory_space<semaphore_mem>> -> memref<1x!tpu.dma_semaphore, #tpu.memory_space<semaphore_mem>>
    %dma_start3A_701 = tpu.memref_squeeze %dma_start3A_700 : memref<1x!tpu.dma_semaphore, #tpu.memory_space<semaphore_mem>> -> memref<!tpu.dma_semaphore, #tpu.memory_space<semaphore_mem>>
    tpu.enqueue_indirect_dma source(%dma_start3A_699 : memref<1000x128xf32, #tpu.memory_space<vmem_shared>>) target(%dma_start3A_693 : memref<128x128xf32, #tpu.memory_space<vmem>>) offsets(%dma_start3A_696 : memref<128xi32, #tpu.memory_space<vmem>>) semaphore(%dma_start3A_701 : memref<!tpu.dma_semaphore, #tpu.memory_space<semaphore_mem>>)
    %dma_start3A_702 = arith.constant 9 : i32
    %dma_start3A_703 = arith.constant 1 : i32
    %dma_start3A_704 = arith.constant 1 : i32
    %dma_start3A_705 = arith.constant 128 : i32
    %dma_start3A_706 = arith.constant 0 : i32
    %dma_start3A_707 = tpu.memref_slice %arg6[%dma_start3A_703, %dma_start3A_705, %dma_start3A_706] : memref<3x256x128xf32, #tpu.memory_space<vmem>> -> memref<1x128x128xf32, #tpu.memory_space<vmem>>
    %dma_start3A_708 = tpu.memref_squeeze %dma_start3A_707 : memref<1x128x128xf32, #tpu.memory_space<vmem>> -> memref<128x128xf32, #tpu.memory_space<vmem>>
    %dma_start3A_709 = arith.constant 0 : i32
    %dma_start3A_710 = tpu.memref_slice %arg5[%dma_start3A_702, %dma_start3A_709] : memref<12x128xi32, #tpu.memory_space<vmem>> -> memref<1x128xi32, #tpu.memory_space<vmem>>
    %dma_start3A_711 = tpu.memref_squeeze %dma_start3A_710 : memref<1x128xi32, #tpu.memory_space<vmem>> -> memref<128xi32, #tpu.memory_space<vmem>>
    %dma_start3A_712 = arith.constant 0 : i32
    %dma_start3A_713 = arith.constant 0 : i32
    %dma_start3A_714 = tpu.memref_slice %arg7[%dma_start3A_712, %dma_start3A_713] : memref<1000x128xf32, #tpu.memory_space<vmem_shared>> -> memref<1000x128xf32, #tpu.memory_space<vmem_shared>>
    %dma_start3A_715 = tpu.memref_slice %arg9[%dma_start3A_704] : memref<3x!tpu.dma_semaphore, #tpu.memory_space<semaphore_mem>> -> memref<1x!tpu.dma_semaphore, #tpu.memory_space<semaphore_mem>>
    %dma_start3A_716 = tpu.memref_squeeze %dma_start3A_715 : memref<1x!tpu.dma_semaphore, #tpu.memory_space<semaphore_mem>> -> memref<!tpu.dma_semaphore, #tpu.memory_space<semaphore_mem>>
    tpu.enqueue_indirect_dma source(%dma_start3A_714 : memref<1000x128xf32, #tpu.memory_space<vmem_shared>>) target(%dma_start3A_708 : memref<128x128xf32, #tpu.memory_space<vmem>>) offsets(%dma_start3A_711 : memref<128xi32, #tpu.memory_space<vmem>>) semaphore(%dma_start3A_716 : memref<!tpu.dma_semaphore, #tpu.memory_space<semaphore_mem>>)
    %add3A_717 = arith.constant 1792 : i32
    %add3A_718 = arith.addi %mul3A_2, %add3A_717 : i32
    %add3A_719 = arith.constant 0 : i32
    %add3A_720 = arith.addi %add3A_718, %add3A_719 : i32
    %dma_start3A_721 = arith.constant 2 : i32
    %dma_start3A_722 = arith.constant 1 : i32
    %dma_start3A_723 = arith.constant 0 : i32
    %dma_start3A_724 = tpu.memref_slice %arg5[%dma_start3A_721, %dma_start3A_723] : memref<12x128xi32, #tpu.memory_space<vmem>> -> memref<1x128xi32, #tpu.memory_space<vmem>>
    %dma_start3A_725 = tpu.memref_squeeze %dma_start3A_724 : memref<1x128xi32, #tpu.memory_space<vmem>> -> memref<128xi32, #tpu.memory_space<vmem>>
    %dma_start3A_726 = tpu.memref_slice %arg3[%add3A_720] : memref<3276800xi32, #tpu.memory_space<hbm>> -> memref<128xi32, #tpu.memory_space<hbm>>
    %dma_start3A_727 = tpu.memref_slice %arg8[%dma_start3A_722] : memref<6x!tpu.dma_semaphore, #tpu.memory_space<semaphore_mem>> -> memref<1x!tpu.dma_semaphore, #tpu.memory_space<semaphore_mem>>
    %dma_start3A_728 = tpu.memref_squeeze %dma_start3A_727 : memref<1x!tpu.dma_semaphore, #tpu.memory_space<semaphore_mem>> -> memref<!tpu.dma_semaphore, #tpu.memory_space<semaphore_mem>>
    %dma_start3A_729 = arith.constant 0 : i32
    %dma_start3A_730 = tpu.memref_slice %arg5[%dma_start3A_721, %dma_start3A_729] : memref<12x128xi32, #tpu.memory_space<vmem>> -> memref<1x128xi32, #tpu.memory_space<vmem>>
    %dma_start3A_731 = tpu.memref_squeeze %dma_start3A_730 : memref<1x128xi32, #tpu.memory_space<vmem>> -> memref<128xi32, #tpu.memory_space<vmem>>
    %dma_start3A_732 = tpu.memref_slice %arg3[%add3A_720] : memref<3276800xi32, #tpu.memory_space<hbm>> -> memref<128xi32, #tpu.memory_space<hbm>>
    tpu.enqueue_dma source(%dma_start3A_732 : memref<128xi32, #tpu.memory_space<hbm>>) target(%dma_start3A_731 : memref<128xi32, #tpu.memory_space<vmem>>) target_semaphore(%dma_start3A_728 : memref<!tpu.dma_semaphore, #tpu.memory_space<semaphore_mem>>)
    %add3A_733 = arith.constant 1792 : i32
    %add3A_734 = arith.addi %mul3A_2, %add3A_733 : i32
    %add3A_735 = arith.constant 128 : i32
    %add3A_736 = arith.addi %add3A_734, %add3A_735 : i32
    %dma_start3A_737 = arith.constant 3 : i32
    %dma_start3A_738 = arith.constant 1 : i32
    %dma_start3A_739 = arith.constant 0 : i32
    %dma_start3A_740 = tpu.memref_slice %arg5[%dma_start3A_737, %dma_start3A_739] : memref<12x128xi32, #tpu.memory_space<vmem>> -> memref<1x128xi32, #tpu.memory_space<vmem>>
    %dma_start3A_741 = tpu.memref_squeeze %dma_start3A_740 : memref<1x128xi32, #tpu.memory_space<vmem>> -> memref<128xi32, #tpu.memory_space<vmem>>
    %dma_start3A_742 = tpu.memref_slice %arg3[%add3A_736] : memref<3276800xi32, #tpu.memory_space<hbm>> -> memref<128xi32, #tpu.memory_space<hbm>>
    %dma_start3A_743 = tpu.memref_slice %arg8[%dma_start3A_738] : memref<6x!tpu.dma_semaphore, #tpu.memory_space<semaphore_mem>> -> memref<1x!tpu.dma_semaphore, #tpu.memory_space<semaphore_mem>>
    %dma_start3A_744 = tpu.memref_squeeze %dma_start3A_743 : memref<1x!tpu.dma_semaphore, #tpu.memory_space<semaphore_mem>> -> memref<!tpu.dma_semaphore, #tpu.memory_space<semaphore_mem>>
    %dma_start3A_745 = arith.constant 0 : i32
    %dma_start3A_746 = tpu.memref_slice %arg5[%dma_start3A_737, %dma_start3A_745] : memref<12x128xi32, #tpu.memory_space<vmem>> -> memref<1x128xi32, #tpu.memory_space<vmem>>
    %dma_start3A_747 = tpu.memref_squeeze %dma_start3A_746 : memref<1x128xi32, #tpu.memory_space<vmem>> -> memref<128xi32, #tpu.memory_space<vmem>>
    %dma_start3A_748 = tpu.memref_slice %arg3[%add3A_736] : memref<3276800xi32, #tpu.memory_space<hbm>> -> memref<128xi32, #tpu.memory_space<hbm>>
    tpu.enqueue_dma source(%dma_start3A_748 : memref<128xi32, #tpu.memory_space<hbm>>) target(%dma_start3A_747 : memref<128xi32, #tpu.memory_space<vmem>>) target_semaphore(%dma_start3A_744 : memref<!tpu.dma_semaphore, #tpu.memory_space<semaphore_mem>>)
    %dma_wait3A_749 = arith.constant 6 : i32
    %dma_wait3A_750 = arith.constant 0 : i32
    %dma_wait3A_751 = arith.constant 0 : i32
    %dma_wait3A_752 = arith.constant 0 : i32
    %dma_wait3A_753 = arith.constant 0 : i32
    %dma_wait3A_754 = tpu.memref_slice %arg6[%dma_wait3A_750, %dma_wait3A_752, %dma_wait3A_753] : memref<3x256x128xf32, #tpu.memory_space<vmem>> -> memref<1x128x128xf32, #tpu.memory_space<vmem>>
    %dma_wait3A_755 = tpu.memref_squeeze %dma_wait3A_754 : memref<1x128x128xf32, #tpu.memory_space<vmem>> -> memref<128x128xf32, #tpu.memory_space<vmem>>
    %dma_wait3A_756 = arith.constant 0 : i32
    %dma_wait3A_757 = tpu.memref_slice %arg5[%dma_wait3A_749, %dma_wait3A_756] : memref<12x128xi32, #tpu.memory_space<vmem>> -> memref<1x128xi32, #tpu.memory_space<vmem>>
    %dma_wait3A_758 = tpu.memref_squeeze %dma_wait3A_757 : memref<1x128xi32, #tpu.memory_space<vmem>> -> memref<128xi32, #tpu.memory_space<vmem>>
    %dma_wait3A_759 = arith.constant 0 : i32
    %dma_wait3A_760 = arith.constant 0 : i32
    %dma_wait3A_761 = tpu.memref_slice %arg7[%dma_wait3A_759, %dma_wait3A_760] : memref<1000x128xf32, #tpu.memory_space<vmem_shared>> -> memref<1000x128xf32, #tpu.memory_space<vmem_shared>>
    %dma_wait3A_762 = tpu.memref_slice %arg9[%dma_wait3A_751] : memref<3x!tpu.dma_semaphore, #tpu.memory_space<semaphore_mem>> -> memref<1x!tpu.dma_semaphore, #tpu.memory_space<semaphore_mem>>
    %dma_wait3A_763 = tpu.memref_squeeze %dma_wait3A_762 : memref<1x!tpu.dma_semaphore, #tpu.memory_space<semaphore_mem>> -> memref<!tpu.dma_semaphore, #tpu.memory_space<semaphore_mem>>
    tpu.wait_indirect_dma semaphore(%dma_wait3A_763 : memref<!tpu.dma_semaphore, #tpu.memory_space<semaphore_mem>>) src(%dma_wait3A_761 : memref<1000x128xf32, #tpu.memory_space<vmem_shared>>) dst(%dma_wait3A_755 : memref<128x128xf32, #tpu.memory_space<vmem>>)
    %dma_wait3A_764 = arith.constant 7 : i32
    %dma_wait3A_765 = arith.constant 0 : i32
    %dma_wait3A_766 = arith.constant 0 : i32
    %dma_wait3A_767 = arith.constant 128 : i32
    %dma_wait3A_768 = arith.constant 0 : i32
    %dma_wait3A_769 = tpu.memref_slice %arg6[%dma_wait3A_765, %dma_wait3A_767, %dma_wait3A_768] : memref<3x256x128xf32, #tpu.memory_space<vmem>> -> memref<1x128x128xf32, #tpu.memory_space<vmem>>
    %dma_wait3A_770 = tpu.memref_squeeze %dma_wait3A_769 : memref<1x128x128xf32, #tpu.memory_space<vmem>> -> memref<128x128xf32, #tpu.memory_space<vmem>>
    %dma_wait3A_771 = arith.constant 0 : i32
    %dma_wait3A_772 = tpu.memref_slice %arg5[%dma_wait3A_764, %dma_wait3A_771] : memref<12x128xi32, #tpu.memory_space<vmem>> -> memref<1x128xi32, #tpu.memory_space<vmem>>
    %dma_wait3A_773 = tpu.memref_squeeze %dma_wait3A_772 : memref<1x128xi32, #tpu.memory_space<vmem>> -> memref<128xi32, #tpu.memory_space<vmem>>
    %dma_wait3A_774 = arith.constant 0 : i32
    %dma_wait3A_775 = arith.constant 0 : i32
    %dma_wait3A_776 = tpu.memref_slice %arg7[%dma_wait3A_774, %dma_wait3A_775] : memref<1000x128xf32, #tpu.memory_space<vmem_shared>> -> memref<1000x128xf32, #tpu.memory_space<vmem_shared>>
    %dma_wait3A_777 = tpu.memref_slice %arg9[%dma_wait3A_766] : memref<3x!tpu.dma_semaphore, #tpu.memory_space<semaphore_mem>> -> memref<1x!tpu.dma_semaphore, #tpu.memory_space<semaphore_mem>>
    %dma_wait3A_778 = tpu.memref_squeeze %dma_wait3A_777 : memref<1x!tpu.dma_semaphore, #tpu.memory_space<semaphore_mem>> -> memref<!tpu.dma_semaphore, #tpu.memory_space<semaphore_mem>>
    tpu.wait_indirect_dma semaphore(%dma_wait3A_778 : memref<!tpu.dma_semaphore, #tpu.memory_space<semaphore_mem>>) src(%dma_wait3A_776 : memref<1000x128xf32, #tpu.memory_space<vmem_shared>>) dst(%dma_wait3A_770 : memref<128x128xf32, #tpu.memory_space<vmem>>)
    %add3A_779 = arith.constant 768 : i32
    %add3A_780 = arith.addi %mul3A_2, %add3A_779 : i32
    %dma_start3A_781 = arith.constant 0 : i32
    %dma_start3A_782 = arith.constant 0 : i32
    %dma_start3A_783 = arith.constant 0 : i32
    %dma_start3A_784 = arith.constant 0 : i32
    %dma_start3A_785 = tpu.memref_slice %arg6[%dma_start3A_781, %dma_start3A_783, %dma_start3A_784] : memref<3x256x128xf32, #tpu.memory_space<vmem>> -> memref<1x256x128xf32, #tpu.memory_space<vmem>>
    %dma_start3A_786 = tpu.memref_squeeze %dma_start3A_785 : memref<1x256x128xf32, #tpu.memory_space<vmem>> -> memref<256x128xf32, #tpu.memory_space<vmem>>
    %dma_start3A_787 = arith.constant 0 : i32
    %dma_start3A_788 = tpu.memref_slice %arg4[%add3A_780, %dma_start3A_787] : memref<3276800x128xf32, #tpu.memory_space<hbm>> -> memref<256x128xf32, #tpu.memory_space<hbm>>
    %dma_start3A_789 = tpu.memref_slice %arg10[%dma_start3A_782] : memref<3x!tpu.dma_semaphore, #tpu.memory_space<semaphore_mem>> -> memref<1x!tpu.dma_semaphore, #tpu.memory_space<semaphore_mem>>
    %dma_start3A_790 = tpu.memref_squeeze %dma_start3A_789 : memref<1x!tpu.dma_semaphore, #tpu.memory_space<semaphore_mem>> -> memref<!tpu.dma_semaphore, #tpu.memory_space<semaphore_mem>>
    %dma_start3A_791 = arith.constant 0 : i32
    %dma_start3A_792 = tpu.memref_slice %arg4[%add3A_780, %dma_start3A_791] : memref<3276800x128xf32, #tpu.memory_space<hbm>> -> memref<256x128xf32, #tpu.memory_space<hbm>>
    %dma_start3A_793 = arith.constant 0 : i32
    %dma_start3A_794 = arith.constant 0 : i32
    %dma_start3A_795 = tpu.memref_slice %arg6[%dma_start3A_781, %dma_start3A_793, %dma_start3A_794] : memref<3x256x128xf32, #tpu.memory_space<vmem>> -> memref<1x256x128xf32, #tpu.memory_space<vmem>>
    %dma_start3A_796 = tpu.memref_squeeze %dma_start3A_795 : memref<1x256x128xf32, #tpu.memory_space<vmem>> -> memref<256x128xf32, #tpu.memory_space<vmem>>
    tpu.enqueue_dma source(%dma_start3A_796 : memref<256x128xf32, #tpu.memory_space<vmem>>) target(%dma_start3A_792 : memref<256x128xf32, #tpu.memory_space<hbm>>) target_semaphore(%dma_start3A_790 : memref<!tpu.dma_semaphore, #tpu.memory_space<semaphore_mem>>)
    %add3A_797 = arith.constant 512 : i32
    %add3A_798 = arith.addi %mul3A_2, %add3A_797 : i32
    %dma_wait3A_799 = arith.constant 2 : i32
    %dma_wait3A_800 = arith.constant 2 : i32
    %dma_wait3A_801 = arith.constant 0 : i32
    %dma_wait3A_802 = arith.constant 0 : i32
    %dma_wait3A_803 = tpu.memref_slice %arg6[%dma_wait3A_799, %dma_wait3A_801, %dma_wait3A_802] : memref<3x256x128xf32, #tpu.memory_space<vmem>> -> memref<1x256x128xf32, #tpu.memory_space<vmem>>
    %dma_wait3A_804 = tpu.memref_squeeze %dma_wait3A_803 : memref<1x256x128xf32, #tpu.memory_space<vmem>> -> memref<256x128xf32, #tpu.memory_space<vmem>>
    %dma_wait3A_805 = arith.constant 0 : i32
    %dma_wait3A_806 = tpu.memref_slice %arg4[%add3A_798, %dma_wait3A_805] : memref<3276800x128xf32, #tpu.memory_space<hbm>> -> memref<256x128xf32, #tpu.memory_space<hbm>>
    %dma_wait3A_807 = tpu.memref_slice %arg10[%dma_wait3A_800] : memref<3x!tpu.dma_semaphore, #tpu.memory_space<semaphore_mem>> -> memref<1x!tpu.dma_semaphore, #tpu.memory_space<semaphore_mem>>
    %dma_wait3A_808 = tpu.memref_squeeze %dma_wait3A_807 : memref<1x!tpu.dma_semaphore, #tpu.memory_space<semaphore_mem>> -> memref<!tpu.dma_semaphore, #tpu.memory_space<semaphore_mem>>
    %dma_wait3A_809 = arith.constant 0 : i32
    %dma_wait3A_810 = tpu.memref_slice %arg4[%add3A_798, %dma_wait3A_809] : memref<3276800x128xf32, #tpu.memory_space<hbm>> -> memref<256x128xf32, #tpu.memory_space<hbm>>
    %dma_wait3A_811 = arith.constant 0 : i32
    %dma_wait3A_812 = arith.constant 0 : i32
    %dma_wait3A_813 = tpu.memref_slice %arg6[%dma_wait3A_799, %dma_wait3A_811, %dma_wait3A_812] : memref<3x256x128xf32, #tpu.memory_space<vmem>> -> memref<1x256x128xf32, #tpu.memory_space<vmem>>
    %dma_wait3A_814 = tpu.memref_squeeze %dma_wait3A_813 : memref<1x256x128xf32, #tpu.memory_space<vmem>> -> memref<256x128xf32, #tpu.memory_space<vmem>>
    tpu.wait_dma2 semaphore(%dma_wait3A_808 : memref<!tpu.dma_semaphore, #tpu.memory_space<semaphore_mem>>) src(%dma_wait3A_814 : memref<256x128xf32, #tpu.memory_space<vmem>>) dst(%dma_wait3A_810 : memref<256x128xf32, #tpu.memory_space<hbm>>)
    %add3A_815 = arith.constant 1280 : i32
    %add3A_816 = arith.addi %mul3A_2, %add3A_815 : i32
    %add3A_817 = arith.constant 0 : i32
    %add3A_818 = arith.addi %add3A_816, %add3A_817 : i32
    %dma_wait3A_819 = arith.constant 10 : i32
    %dma_wait3A_820 = arith.constant 5 : i32
    %dma_wait3A_821 = arith.constant 0 : i32
    %dma_wait3A_822 = tpu.memref_slice %arg5[%dma_wait3A_819, %dma_wait3A_821] : memref<12x128xi32, #tpu.memory_space<vmem>> -> memref<1x128xi32, #tpu.memory_space<vmem>>
    %dma_wait3A_823 = tpu.memref_squeeze %dma_wait3A_822 : memref<1x128xi32, #tpu.memory_space<vmem>> -> memref<128xi32, #tpu.memory_space<vmem>>
    %dma_wait3A_824 = tpu.memref_slice %arg3[%add3A_818] : memref<3276800xi32, #tpu.memory_space<hbm>> -> memref<128xi32, #tpu.memory_space<hbm>>
    %dma_wait3A_825 = tpu.memref_slice %arg8[%dma_wait3A_820] : memref<6x!tpu.dma_semaphore, #tpu.memory_space<semaphore_mem>> -> memref<1x!tpu.dma_semaphore, #tpu.memory_space<semaphore_mem>>
    %dma_wait3A_826 = tpu.memref_squeeze %dma_wait3A_825 : memref<1x!tpu.dma_semaphore, #tpu.memory_space<semaphore_mem>> -> memref<!tpu.dma_semaphore, #tpu.memory_space<semaphore_mem>>
    %dma_wait3A_827 = arith.constant 0 : i32
    %dma_wait3A_828 = tpu.memref_slice %arg5[%dma_wait3A_819, %dma_wait3A_827] : memref<12x128xi32, #tpu.memory_space<vmem>> -> memref<1x128xi32, #tpu.memory_space<vmem>>
    %dma_wait3A_829 = tpu.memref_squeeze %dma_wait3A_828 : memref<1x128xi32, #tpu.memory_space<vmem>> -> memref<128xi32, #tpu.memory_space<vmem>>
    %dma_wait3A_830 = tpu.memref_slice %arg3[%add3A_818] : memref<3276800xi32, #tpu.memory_space<hbm>> -> memref<128xi32, #tpu.memory_space<hbm>>
    tpu.wait_dma2 semaphore(%dma_wait3A_826 : memref<!tpu.dma_semaphore, #tpu.memory_space<semaphore_mem>>) src(%dma_wait3A_830 : memref<128xi32, #tpu.memory_space<hbm>>) dst(%dma_wait3A_829 : memref<128xi32, #tpu.memory_space<vmem>>)
    %add3A_831 = arith.constant 1280 : i32
    %add3A_832 = arith.addi %mul3A_2, %add3A_831 : i32
    %add3A_833 = arith.constant 128 : i32
    %add3A_834 = arith.addi %add3A_832, %add3A_833 : i32
    %dma_wait3A_835 = arith.constant 11 : i32
    %dma_wait3A_836 = arith.constant 5 : i32
    %dma_wait3A_837 = arith.constant 0 : i32
    %dma_wait3A_838 = tpu.memref_slice %arg5[%dma_wait3A_835, %dma_wait3A_837] : memref<12x128xi32, #tpu.memory_space<vmem>> -> memref<1x128xi32, #tpu.memory_space<vmem>>
    %dma_wait3A_839 = tpu.memref_squeeze %dma_wait3A_838 : memref<1x128xi32, #tpu.memory_space<vmem>> -> memref<128xi32, #tpu.memory_space<vmem>>
    %dma_wait3A_840 = tpu.memref_slice %arg3[%add3A_834] : memref<3276800xi32, #tpu.memory_space<hbm>> -> memref<128xi32, #tpu.memory_space<hbm>>
    %dma_wait3A_841 = tpu.memref_slice %arg8[%dma_wait3A_836] : memref<6x!tpu.dma_semaphore, #tpu.memory_space<semaphore_mem>> -> memref<1x!tpu.dma_semaphore, #tpu.memory_space<semaphore_mem>>
    %dma_wait3A_842 = tpu.memref_squeeze %dma_wait3A_841 : memref<1x!tpu.dma_semaphore, #tpu.memory_space<semaphore_mem>> -> memref<!tpu.dma_semaphore, #tpu.memory_space<semaphore_mem>>
    %dma_wait3A_843 = arith.constant 0 : i32
    %dma_wait3A_844 = tpu.memref_slice %arg5[%dma_wait3A_835, %dma_wait3A_843] : memref<12x128xi32, #tpu.memory_space<vmem>> -> memref<1x128xi32, #tpu.memory_space<vmem>>
    %dma_wait3A_845 = tpu.memref_squeeze %dma_wait3A_844 : memref<1x128xi32, #tpu.memory_space<vmem>> -> memref<128xi32, #tpu.memory_space<vmem>>
    %dma_wait3A_846 = tpu.memref_slice %arg3[%add3A_834] : memref<3276800xi32, #tpu.memory_space<hbm>> -> memref<128xi32, #tpu.memory_space<hbm>>
    tpu.wait_dma2 semaphore(%dma_wait3A_842 : memref<!tpu.dma_semaphore, #tpu.memory_space<semaphore_mem>>) src(%dma_wait3A_846 : memref<128xi32, #tpu.memory_space<hbm>>) dst(%dma_wait3A_845 : memref<128xi32, #tpu.memory_space<vmem>>)
    %dma_start3A_847 = arith.constant 10 : i32
    %dma_start3A_848 = arith.constant 2 : i32
    %dma_start3A_849 = arith.constant 2 : i32
    %dma_start3A_850 = arith.constant 0 : i32
    %dma_start3A_851 = arith.constant 0 : i32
    %dma_start3A_852 = tpu.memref_slice %arg6[%dma_start3A_848, %dma_start3A_850, %dma_start3A_851] : memref<3x256x128xf32, #tpu.memory_space<vmem>> -> memref<1x128x128xf32, #tpu.memory_space<vmem>>
    %dma_start3A_853 = tpu.memref_squeeze %dma_start3A_852 : memref<1x128x128xf32, #tpu.memory_space<vmem>> -> memref<128x128xf32, #tpu.memory_space<vmem>>
    %dma_start3A_854 = arith.constant 0 : i32
    %dma_start3A_855 = tpu.memref_slice %arg5[%dma_start3A_847, %dma_start3A_854] : memref<12x128xi32, #tpu.memory_space<vmem>> -> memref<1x128xi32, #tpu.memory_space<vmem>>
    %dma_start3A_856 = tpu.memref_squeeze %dma_start3A_855 : memref<1x128xi32, #tpu.memory_space<vmem>> -> memref<128xi32, #tpu.memory_space<vmem>>
    %dma_start3A_857 = arith.constant 0 : i32
    %dma_start3A_858 = arith.constant 0 : i32
    %dma_start3A_859 = tpu.memref_slice %arg7[%dma_start3A_857, %dma_start3A_858] : memref<1000x128xf32, #tpu.memory_space<vmem_shared>> -> memref<1000x128xf32, #tpu.memory_space<vmem_shared>>
    %dma_start3A_860 = tpu.memref_slice %arg9[%dma_start3A_849] : memref<3x!tpu.dma_semaphore, #tpu.memory_space<semaphore_mem>> -> memref<1x!tpu.dma_semaphore, #tpu.memory_space<semaphore_mem>>
    %dma_start3A_861 = tpu.memref_squeeze %dma_start3A_860 : memref<1x!tpu.dma_semaphore, #tpu.memory_space<semaphore_mem>> -> memref<!tpu.dma_semaphore, #tpu.memory_space<semaphore_mem>>
    tpu.enqueue_indirect_dma source(%dma_start3A_859 : memref<1000x128xf32, #tpu.memory_space<vmem_shared>>) target(%dma_start3A_853 : memref<128x128xf32, #tpu.memory_space<vmem>>) offsets(%dma_start3A_856 : memref<128xi32, #tpu.memory_space<vmem>>) semaphore(%dma_start3A_861 : memref<!tpu.dma_semaphore, #tpu.memory_space<semaphore_mem>>)
    %dma_start3A_862 = arith.constant 11 : i32
    %dma_start3A_863 = arith.constant 2 : i32
    %dma_start3A_864 = arith.constant 2 : i32
    %dma_start3A_865 = arith.constant 128 : i32
    %dma_start3A_866 = arith.constant 0 : i32
    %dma_start3A_867 = tpu.memref_slice %arg6[%dma_start3A_863, %dma_start3A_865, %dma_start3A_866] : memref<3x256x128xf32, #tpu.memory_space<vmem>> -> memref<1x128x128xf32, #tpu.memory_space<vmem>>
    %dma_start3A_868 = tpu.memref_squeeze %dma_start3A_867 : memref<1x128x128xf32, #tpu.memory_space<vmem>> -> memref<128x128xf32, #tpu.memory_space<vmem>>
    %dma_start3A_869 = arith.constant 0 : i32
    %dma_start3A_870 = tpu.memref_slice %arg5[%dma_start3A_862, %dma_start3A_869] : memref<12x128xi32, #tpu.memory_space<vmem>> -> memref<1x128xi32, #tpu.memory_space<vmem>>
    %dma_start3A_871 = tpu.memref_squeeze %dma_start3A_870 : memref<1x128xi32, #tpu.memory_space<vmem>> -> memref<128xi32, #tpu.memory_space<vmem>>
    %dma_start3A_872 = arith.constant 0 : i32
    %dma_start3A_873 = arith.constant 0 : i32
    %dma_start3A_874 = tpu.memref_slice %arg7[%dma_start3A_872, %dma_start3A_873] : memref<1000x128xf32, #tpu.memory_space<vmem_shared>> -> memref<1000x128xf32, #tpu.memory_space<vmem_shared>>
    %dma_start3A_875 = tpu.memref_slice %arg9[%dma_start3A_864] : memref<3x!tpu.dma_semaphore, #tpu.memory_space<semaphore_mem>> -> memref<1x!tpu.dma_semaphore, #tpu.memory_space<semaphore_mem>>
    %dma_start3A_876 = tpu.memref_squeeze %dma_start3A_875 : memref<1x!tpu.dma_semaphore, #tpu.memory_space<semaphore_mem>> -> memref<!tpu.dma_semaphore, #tpu.memory_space<semaphore_mem>>
    tpu.enqueue_indirect_dma source(%dma_start3A_874 : memref<1000x128xf32, #tpu.memory_space<vmem_shared>>) target(%dma_start3A_868 : memref<128x128xf32, #tpu.memory_space<vmem>>) offsets(%dma_start3A_871 : memref<128xi32, #tpu.memory_space<vmem>>) semaphore(%dma_start3A_876 : memref<!tpu.dma_semaphore, #tpu.memory_space<semaphore_mem>>)
    %add3A_877 = arith.constant 2048 : i32
    %add3A_878 = arith.addi %mul3A_2, %add3A_877 : i32
    %add3A_879 = arith.constant 0 : i32
    %add3A_880 = arith.addi %add3A_878, %add3A_879 : i32
    %dma_start3A_881 = arith.constant 4 : i32
    %dma_start3A_882 = arith.constant 2 : i32
    %dma_start3A_883 = arith.constant 0 : i32
    %dma_start3A_884 = tpu.memref_slice %arg5[%dma_start3A_881, %dma_start3A_883] : memref<12x128xi32, #tpu.memory_space<vmem>> -> memref<1x128xi32, #tpu.memory_space<vmem>>
    %dma_start3A_885 = tpu.memref_squeeze %dma_start3A_884 : memref<1x128xi32, #tpu.memory_space<vmem>> -> memref<128xi32, #tpu.memory_space<vmem>>
    %dma_start3A_886 = tpu.memref_slice %arg3[%add3A_880] : memref<3276800xi32, #tpu.memory_space<hbm>> -> memref<128xi32, #tpu.memory_space<hbm>>
    %dma_start3A_887 = tpu.memref_slice %arg8[%dma_start3A_882] : memref<6x!tpu.dma_semaphore, #tpu.memory_space<semaphore_mem>> -> memref<1x!tpu.dma_semaphore, #tpu.memory_space<semaphore_mem>>
    %dma_start3A_888 = tpu.memref_squeeze %dma_start3A_887 : memref<1x!tpu.dma_semaphore, #tpu.memory_space<semaphore_mem>> -> memref<!tpu.dma_semaphore, #tpu.memory_space<semaphore_mem>>
    %dma_start3A_889 = arith.constant 0 : i32
    %dma_start3A_890 = tpu.memref_slice %arg5[%dma_start3A_881, %dma_start3A_889] : memref<12x128xi32, #tpu.memory_space<vmem>> -> memref<1x128xi32, #tpu.memory_space<vmem>>
    %dma_start3A_891 = tpu.memref_squeeze %dma_start3A_890 : memref<1x128xi32, #tpu.memory_space<vmem>> -> memref<128xi32, #tpu.memory_space<vmem>>
    %dma_start3A_892 = tpu.memref_slice %arg3[%add3A_880] : memref<3276800xi32, #tpu.memory_space<hbm>> -> memref<128xi32, #tpu.memory_space<hbm>>
    tpu.enqueue_dma source(%dma_start3A_892 : memref<128xi32, #tpu.memory_space<hbm>>) target(%dma_start3A_891 : memref<128xi32, #tpu.memory_space<vmem>>) target_semaphore(%dma_start3A_888 : memref<!tpu.dma_semaphore, #tpu.memory_space<semaphore_mem>>)
    %add3A_893 = arith.constant 2048 : i32
    %add3A_894 = arith.addi %mul3A_2, %add3A_893 : i32
    %add3A_895 = arith.constant 128 : i32
    %add3A_896 = arith.addi %add3A_894, %add3A_895 : i32
    %dma_start3A_897 = arith.constant 5 : i32
    %dma_start3A_898 = arith.constant 2 : i32
    %dma_start3A_899 = arith.constant 0 : i32
    %dma_start3A_900 = tpu.memref_slice %arg5[%dma_start3A_897, %dma_start3A_899] : memref<12x128xi32, #tpu.memory_space<vmem>> -> memref<1x128xi32, #tpu.memory_space<vmem>>
    %dma_start3A_901 = tpu.memref_squeeze %dma_start3A_900 : memref<1x128xi32, #tpu.memory_space<vmem>> -> memref<128xi32, #tpu.memory_space<vmem>>
    %dma_start3A_902 = tpu.memref_slice %arg3[%add3A_896] : memref<3276800xi32, #tpu.memory_space<hbm>> -> memref<128xi32, #tpu.memory_space<hbm>>
    %dma_start3A_903 = tpu.memref_slice %arg8[%dma_start3A_898] : memref<6x!tpu.dma_semaphore, #tpu.memory_space<semaphore_mem>> -> memref<1x!tpu.dma_semaphore, #tpu.memory_space<semaphore_mem>>
    %dma_start3A_904 = tpu.memref_squeeze %dma_start3A_903 : memref<1x!tpu.dma_semaphore, #tpu.memory_space<semaphore_mem>> -> memref<!tpu.dma_semaphore, #tpu.memory_space<semaphore_mem>>
    %dma_start3A_905 = arith.constant 0 : i32
    %dma_start3A_906 = tpu.memref_slice %arg5[%dma_start3A_897, %dma_start3A_905] : memref<12x128xi32, #tpu.memory_space<vmem>> -> memref<1x128xi32, #tpu.memory_space<vmem>>
    %dma_start3A_907 = tpu.memref_squeeze %dma_start3A_906 : memref<1x128xi32, #tpu.memory_space<vmem>> -> memref<128xi32, #tpu.memory_space<vmem>>
    %dma_start3A_908 = tpu.memref_slice %arg3[%add3A_896] : memref<3276800xi32, #tpu.memory_space<hbm>> -> memref<128xi32, #tpu.memory_space<hbm>>
    tpu.enqueue_dma source(%dma_start3A_908 : memref<128xi32, #tpu.memory_space<hbm>>) target(%dma_start3A_907 : memref<128xi32, #tpu.memory_space<vmem>>) target_semaphore(%dma_start3A_904 : memref<!tpu.dma_semaphore, #tpu.memory_space<semaphore_mem>>)
    %dma_wait3A_909 = arith.constant 8 : i32
    %dma_wait3A_910 = arith.constant 1 : i32
    %dma_wait3A_911 = arith.constant 1 : i32
    %dma_wait3A_912 = arith.constant 0 : i32
    %dma_wait3A_913 = arith.constant 0 : i32
    %dma_wait3A_914 = tpu.memref_slice %arg6[%dma_wait3A_910, %dma_wait3A_912, %dma_wait3A_913] : memref<3x256x128xf32, #tpu.memory_space<vmem>> -> memref<1x128x128xf32, #tpu.memory_space<vmem>>
    %dma_wait3A_915 = tpu.memref_squeeze %dma_wait3A_914 : memref<1x128x128xf32, #tpu.memory_space<vmem>> -> memref<128x128xf32, #tpu.memory_space<vmem>>
    %dma_wait3A_916 = arith.constant 0 : i32
    %dma_wait3A_917 = tpu.memref_slice %arg5[%dma_wait3A_909, %dma_wait3A_916] : memref<12x128xi32, #tpu.memory_space<vmem>> -> memref<1x128xi32, #tpu.memory_space<vmem>>
    %dma_wait3A_918 = tpu.memref_squeeze %dma_wait3A_917 : memref<1x128xi32, #tpu.memory_space<vmem>> -> memref<128xi32, #tpu.memory_space<vmem>>
    %dma_wait3A_919 = arith.constant 0 : i32
    %dma_wait3A_920 = arith.constant 0 : i32
    %dma_wait3A_921 = tpu.memref_slice %arg7[%dma_wait3A_919, %dma_wait3A_920] : memref<1000x128xf32, #tpu.memory_space<vmem_shared>> -> memref<1000x128xf32, #tpu.memory_space<vmem_shared>>
    %dma_wait3A_922 = tpu.memref_slice %arg9[%dma_wait3A_911] : memref<3x!tpu.dma_semaphore, #tpu.memory_space<semaphore_mem>> -> memref<1x!tpu.dma_semaphore, #tpu.memory_space<semaphore_mem>>
    %dma_wait3A_923 = tpu.memref_squeeze %dma_wait3A_922 : memref<1x!tpu.dma_semaphore, #tpu.memory_space<semaphore_mem>> -> memref<!tpu.dma_semaphore, #tpu.memory_space<semaphore_mem>>
    tpu.wait_indirect_dma semaphore(%dma_wait3A_923 : memref<!tpu.dma_semaphore, #tpu.memory_space<semaphore_mem>>) src(%dma_wait3A_921 : memref<1000x128xf32, #tpu.memory_space<vmem_shared>>) dst(%dma_wait3A_915 : memref<128x128xf32, #tpu.memory_space<vmem>>)
    %dma_wait3A_924 = arith.constant 9 : i32
    %dma_wait3A_925 = arith.constant 1 : i32
    %dma_wait3A_926 = arith.constant 1 : i32
    %dma_wait3A_927 = arith.constant 128 : i32
    %dma_wait3A_928 = arith.constant 0 : i32
    %dma_wait3A_929 = tpu.memref_slice %arg6[%dma_wait3A_925, %dma_wait3A_927, %dma_wait3A_928] : memref<3x256x128xf32, #tpu.memory_space<vmem>> -> memref<1x128x128xf32, #tpu.memory_space<vmem>>
    %dma_wait3A_930 = tpu.memref_squeeze %dma_wait3A_929 : memref<1x128x128xf32, #tpu.memory_space<vmem>> -> memref<128x128xf32, #tpu.memory_space<vmem>>
    %dma_wait3A_931 = arith.constant 0 : i32
    %dma_wait3A_932 = tpu.memref_slice %arg5[%dma_wait3A_924, %dma_wait3A_931] : memref<12x128xi32, #tpu.memory_space<vmem>> -> memref<1x128xi32, #tpu.memory_space<vmem>>
    %dma_wait3A_933 = tpu.memref_squeeze %dma_wait3A_932 : memref<1x128xi32, #tpu.memory_space<vmem>> -> memref<128xi32, #tpu.memory_space<vmem>>
    %dma_wait3A_934 = arith.constant 0 : i32
    %dma_wait3A_935 = arith.constant 0 : i32
    %dma_wait3A_936 = tpu.memref_slice %arg7[%dma_wait3A_934, %dma_wait3A_935] : memref<1000x128xf32, #tpu.memory_space<vmem_shared>> -> memref<1000x128xf32, #tpu.memory_space<vmem_shared>>
    %dma_wait3A_937 = tpu.memref_slice %arg9[%dma_wait3A_926] : memref<3x!tpu.dma_semaphore, #tpu.memory_space<semaphore_mem>> -> memref<1x!tpu.dma_semaphore, #tpu.memory_space<semaphore_mem>>
    %dma_wait3A_938 = tpu.memref_squeeze %dma_wait3A_937 : memref<1x!tpu.dma_semaphore, #tpu.memory_space<semaphore_mem>> -> memref<!tpu.dma_semaphore, #tpu.memory_space<semaphore_mem>>
    tpu.wait_indirect_dma semaphore(%dma_wait3A_938 : memref<!tpu.dma_semaphore, #tpu.memory_space<semaphore_mem>>) src(%dma_wait3A_936 : memref<1000x128xf32, #tpu.memory_space<vmem_shared>>) dst(%dma_wait3A_930 : memref<128x128xf32, #tpu.memory_space<vmem>>)
    %add3A_939 = arith.constant 1024 : i32
    %add3A_940 = arith.addi %mul3A_2, %add3A_939 : i32
    %dma_start3A_941 = arith.constant 1 : i32
    %dma_start3A_942 = arith.constant 1 : i32
    %dma_start3A_943 = arith.constant 0 : i32
    %dma_start3A_944 = arith.constant 0 : i32
    %dma_start3A_945 = tpu.memref_slice %arg6[%dma_start3A_941, %dma_start3A_943, %dma_start3A_944] : memref<3x256x128xf32, #tpu.memory_space<vmem>> -> memref<1x256x128xf32, #tpu.memory_space<vmem>>
    %dma_start3A_946 = tpu.memref_squeeze %dma_start3A_945 : memref<1x256x128xf32, #tpu.memory_space<vmem>> -> memref<256x128xf32, #tpu.memory_space<vmem>>
    %dma_start3A_947 = arith.constant 0 : i32
    %dma_start3A_948 = tpu.memref_slice %arg4[%add3A_940, %dma_start3A_947] : memref<3276800x128xf32, #tpu.memory_space<hbm>> -> memref<256x128xf32, #tpu.memory_space<hbm>>
    %dma_start3A_949 = tpu.memref_slice %arg10[%dma_start3A_942] : memref<3x!tpu.dma_semaphore, #tpu.memory_space<semaphore_mem>> -> memref<1x!tpu.dma_semaphore, #tpu.memory_space<semaphore_mem>>
    %dma_start3A_950 = tpu.memref_squeeze %dma_start3A_949 : memref<1x!tpu.dma_semaphore, #tpu.memory_space<semaphore_mem>> -> memref<!tpu.dma_semaphore, #tpu.memory_space<semaphore_mem>>
    %dma_start3A_951 = arith.constant 0 : i32
    %dma_start3A_952 = tpu.memref_slice %arg4[%add3A_940, %dma_start3A_951] : memref<3276800x128xf32, #tpu.memory_space<hbm>> -> memref<256x128xf32, #tpu.memory_space<hbm>>
    %dma_start3A_953 = arith.constant 0 : i32
    %dma_start3A_954 = arith.constant 0 : i32
    %dma_start3A_955 = tpu.memref_slice %arg6[%dma_start3A_941, %dma_start3A_953, %dma_start3A_954] : memref<3x256x128xf32, #tpu.memory_space<vmem>> -> memref<1x256x128xf32, #tpu.memory_space<vmem>>
    %dma_start3A_956 = tpu.memref_squeeze %dma_start3A_955 : memref<1x256x128xf32, #tpu.memory_space<vmem>> -> memref<256x128xf32, #tpu.memory_space<vmem>>
    tpu.enqueue_dma source(%dma_start3A_956 : memref<256x128xf32, #tpu.memory_space<vmem>>) target(%dma_start3A_952 : memref<256x128xf32, #tpu.memory_space<hbm>>) target_semaphore(%dma_start3A_950 : memref<!tpu.dma_semaphore, #tpu.memory_space<semaphore_mem>>)
    %scan3A = arith.constant 0 : i32
    %scan3A_957 = arith.constant 1 : i32
    %scan3A_958 = arith.constant 65 : i32
    %scan3A_959 = arith.addi %scan3A_957, %scan3A_958 : i32
    %scan3A_960 = arith.constant 1 : i32
    scf.for %scan3A_1608 = %scan3A_957 to %scan3A_959 step %scan3A_960  : i32 {
      %mul3A_1609 = arith.constant 6 : i32
      %mul3A_1610 = arith.muli %scan3A_1608, %mul3A_1609 : i32
      %add3A_1611 = arith.constant 0 : i32
      %add3A_1612 = arith.addi %mul3A_1610, %add3A_1611 : i32
      %sub3A = arith.constant 3 : i32
      %sub3A_1613 = arith.subi %add3A_1612, %sub3A : i32
      %mul3A_1614 = arith.constant 256 : i32
      %mul3A_1615 = arith.muli %sub3A_1613, %mul3A_1614 : i32
      %add3A_1616 = arith.addi %mul3A_2, %mul3A_1615 : i32
      %dma_wait3A_1617 = arith.constant 0 : i32
      %dma_wait3A_1618 = arith.constant 0 : i32
      %dma_wait3A_1619 = arith.constant 0 : i32
      %dma_wait3A_1620 = arith.constant 0 : i32
      %dma_wait3A_1621 = tpu.memref_slice %arg6[%dma_wait3A_1617, %dma_wait3A_1619, %dma_wait3A_1620] : memref<3x256x128xf32, #tpu.memory_space<vmem>> -> memref<1x256x128xf32, #tpu.memory_space<vmem>>
      %dma_wait3A_1622 = tpu.memref_squeeze %dma_wait3A_1621 : memref<1x256x128xf32, #tpu.memory_space<vmem>> -> memref<256x128xf32, #tpu.memory_space<vmem>>
      %dma_wait3A_1623 = arith.constant 0 : i32
      %dma_wait3A_1624 = tpu.memref_slice %arg4[%add3A_1616, %dma_wait3A_1623] : memref<3276800x128xf32, #tpu.memory_space<hbm>> -> memref<256x128xf32, #tpu.memory_space<hbm>>
      %dma_wait3A_1625 = tpu.memref_slice %arg10[%dma_wait3A_1618] : memref<3x!tpu.dma_semaphore, #tpu.memory_space<semaphore_mem>> -> memref<1x!tpu.dma_semaphore, #tpu.memory_space<semaphore_mem>>
      %dma_wait3A_1626 = tpu.memref_squeeze %dma_wait3A_1625 : memref<1x!tpu.dma_semaphore, #tpu.memory_space<semaphore_mem>> -> memref<!tpu.dma_semaphore, #tpu.memory_space<semaphore_mem>>
      %dma_wait3A_1627 = arith.constant 0 : i32
      %dma_wait3A_1628 = tpu.memref_slice %arg4[%add3A_1616, %dma_wait3A_1627] : memref<3276800x128xf32, #tpu.memory_space<hbm>> -> memref<256x128xf32, #tpu.memory_space<hbm>>
      %dma_wait3A_1629 = arith.constant 0 : i32
      %dma_wait3A_1630 = arith.constant 0 : i32
      %dma_wait3A_1631 = tpu.memref_slice %arg6[%dma_wait3A_1617, %dma_wait3A_1629, %dma_wait3A_1630] : memref<3x256x128xf32, #tpu.memory_space<vmem>> -> memref<1x256x128xf32, #tpu.memory_space<vmem>>
      %dma_wait3A_1632 = tpu.memref_squeeze %dma_wait3A_1631 : memref<1x256x128xf32, #tpu.memory_space<vmem>> -> memref<256x128xf32, #tpu.memory_space<vmem>>
      tpu.wait_dma2 semaphore(%dma_wait3A_1626 : memref<!tpu.dma_semaphore, #tpu.memory_space<semaphore_mem>>) src(%dma_wait3A_1632 : memref<256x128xf32, #tpu.memory_space<vmem>>) dst(%dma_wait3A_1628 : memref<256x128xf32, #tpu.memory_space<hbm>>)
      %mul3A_1633 = arith.constant 256 : i32
      %mul3A_1634 = arith.muli %add3A_1612, %mul3A_1633 : i32
      %add3A_1635 = arith.addi %mul3A_2, %mul3A_1634 : i32
      %add3A_1636 = arith.constant 0 : i32
      %add3A_1637 = arith.addi %add3A_1635, %add3A_1636 : i32
      %dma_wait3A_1638 = arith.constant 0 : i32
      %dma_wait3A_1639 = arith.constant 0 : i32
      %dma_wait3A_1640 = arith.constant 0 : i32
      %dma_wait3A_1641 = tpu.memref_slice %arg5[%dma_wait3A_1638, %dma_wait3A_1640] : memref<12x128xi32, #tpu.memory_space<vmem>> -> memref<1x128xi32, #tpu.memory_space<vmem>>
      %dma_wait3A_1642 = tpu.memref_squeeze %dma_wait3A_1641 : memref<1x128xi32, #tpu.memory_space<vmem>> -> memref<128xi32, #tpu.memory_space<vmem>>
      %dma_wait3A_1643 = tpu.memref_slice %arg3[%add3A_1637] : memref<3276800xi32, #tpu.memory_space<hbm>> -> memref<128xi32, #tpu.memory_space<hbm>>
      %dma_wait3A_1644 = tpu.memref_slice %arg8[%dma_wait3A_1639] : memref<6x!tpu.dma_semaphore, #tpu.memory_space<semaphore_mem>> -> memref<1x!tpu.dma_semaphore, #tpu.memory_space<semaphore_mem>>
      %dma_wait3A_1645 = tpu.memref_squeeze %dma_wait3A_1644 : memref<1x!tpu.dma_semaphore, #tpu.memory_space<semaphore_mem>> -> memref<!tpu.dma_semaphore, #tpu.memory_space<semaphore_mem>>
      %dma_wait3A_1646 = arith.constant 0 : i32
      %dma_wait3A_1647 = tpu.memref_slice %arg5[%dma_wait3A_1638, %dma_wait3A_1646] : memref<12x128xi32, #tpu.memory_space<vmem>> -> memref<1x128xi32, #tpu.memory_space<vmem>>
      %dma_wait3A_1648 = tpu.memref_squeeze %dma_wait3A_1647 : memref<1x128xi32, #tpu.memory_space<vmem>> -> memref<128xi32, #tpu.memory_space<vmem>>
      %dma_wait3A_1649 = tpu.memref_slice %arg3[%add3A_1637] : memref<3276800xi32, #tpu.memory_space<hbm>> -> memref<128xi32, #tpu.memory_space<hbm>>
      tpu.wait_dma2 semaphore(%dma_wait3A_1645 : memref<!tpu.dma_semaphore, #tpu.memory_space<semaphore_mem>>) src(%dma_wait3A_1649 : memref<128xi32, #tpu.memory_space<hbm>>) dst(%dma_wait3A_1648 : memref<128xi32, #tpu.memory_space<vmem>>)
      %mul3A_1650 = arith.constant 256 : i32
      %mul3A_1651 = arith.muli %add3A_1612, %mul3A_1650 : i32
      %add3A_1652 = arith.addi %mul3A_2, %mul3A_1651 : i32
      %add3A_1653 = arith.constant 128 : i32
      %add3A_1654 = arith.addi %add3A_1652, %add3A_1653 : i32
      %dma_wait3A_1655 = arith.constant 1 : i32
      %dma_wait3A_1656 = arith.constant 0 : i32
      %dma_wait3A_1657 = arith.constant 0 : i32
      %dma_wait3A_1658 = tpu.memref_slice %arg5[%dma_wait3A_1655, %dma_wait3A_1657] : memref<12x128xi32, #tpu.memory_space<vmem>> -> memref<1x128xi32, #tpu.memory_space<vmem>>
      %dma_wait3A_1659 = tpu.memref_squeeze %dma_wait3A_1658 : memref<1x128xi32, #tpu.memory_space<vmem>> -> memref<128xi32, #tpu.memory_space<vmem>>
      %dma_wait3A_1660 = tpu.memref_slice %arg3[%add3A_1654] : memref<3276800xi32, #tpu.memory_space<hbm>> -> memref<128xi32, #tpu.memory_space<hbm>>
      %dma_wait3A_1661 = tpu.memref_slice %arg8[%dma_wait3A_1656] : memref<6x!tpu.dma_semaphore, #tpu.memory_space<semaphore_mem>> -> memref<1x!tpu.dma_semaphore, #tpu.memory_space<semaphore_mem>>
      %dma_wait3A_1662 = tpu.memref_squeeze %dma_wait3A_1661 : memref<1x!tpu.dma_semaphore, #tpu.memory_space<semaphore_mem>> -> memref<!tpu.dma_semaphore, #tpu.memory_space<semaphore_mem>>
      %dma_wait3A_1663 = arith.constant 0 : i32
      %dma_wait3A_1664 = tpu.memref_slice %arg5[%dma_wait3A_1655, %dma_wait3A_1663] : memref<12x128xi32, #tpu.memory_space<vmem>> -> memref<1x128xi32, #tpu.memory_space<vmem>>
      %dma_wait3A_1665 = tpu.memref_squeeze %dma_wait3A_1664 : memref<1x128xi32, #tpu.memory_space<vmem>> -> memref<128xi32, #tpu.memory_space<vmem>>
      %dma_wait3A_1666 = tpu.memref_slice %arg3[%add3A_1654] : memref<3276800xi32, #tpu.memory_space<hbm>> -> memref<128xi32, #tpu.memory_space<hbm>>
      tpu.wait_dma2 semaphore(%dma_wait3A_1662 : memref<!tpu.dma_semaphore, #tpu.memory_space<semaphore_mem>>) src(%dma_wait3A_1666 : memref<128xi32, #tpu.memory_space<hbm>>) dst(%dma_wait3A_1665 : memref<128xi32, #tpu.memory_space<vmem>>)
      %dma_start3A_1667 = arith.constant 0 : i32
      %dma_start3A_1668 = arith.constant 0 : i32
      %dma_start3A_1669 = arith.constant 0 : i32
      %dma_start3A_1670 = arith.constant 0 : i32
      %dma_start3A_1671 = arith.constant 0 : i32
      %dma_start3A_1672 = tpu.memref_slice %arg6[%dma_start3A_1668, %dma_start3A_1670, %dma_start3A_1671] : memref<3x256x128xf32, #tpu.memory_space<vmem>> -> memref<1x128x128xf32, #tpu.memory_space<vmem>>
      %dma_start3A_1673 = tpu.memref_squeeze %dma_start3A_1672 : memref<1x128x128xf32, #tpu.memory_space<vmem>> -> memref<128x128xf32, #tpu.memory_space<vmem>>
      %dma_start3A_1674 = arith.constant 0 : i32
      %dma_start3A_1675 = tpu.memref_slice %arg5[%dma_start3A_1667, %dma_start3A_1674] : memref<12x128xi32, #tpu.memory_space<vmem>> -> memref<1x128xi32, #tpu.memory_space<vmem>>
      %dma_start3A_1676 = tpu.memref_squeeze %dma_start3A_1675 : memref<1x128xi32, #tpu.memory_space<vmem>> -> memref<128xi32, #tpu.memory_space<vmem>>
      %dma_start3A_1677 = arith.constant 0 : i32
      %dma_start3A_1678 = arith.constant 0 : i32
      %dma_start3A_1679 = tpu.memref_slice %arg7[%dma_start3A_1677, %dma_start3A_1678] : memref<1000x128xf32, #tpu.memory_space<vmem_shared>> -> memref<1000x128xf32, #tpu.memory_space<vmem_shared>>
      %dma_start3A_1680 = tpu.memref_slice %arg9[%dma_start3A_1669] : memref<3x!tpu.dma_semaphore, #tpu.memory_space<semaphore_mem>> -> memref<1x!tpu.dma_semaphore, #tpu.memory_space<semaphore_mem>>
      %dma_start3A_1681 = tpu.memref_squeeze %dma_start3A_1680 : memref<1x!tpu.dma_semaphore, #tpu.memory_space<semaphore_mem>> -> memref<!tpu.dma_semaphore, #tpu.memory_space<semaphore_mem>>
      tpu.enqueue_indirect_dma source(%dma_start3A_1679 : memref<1000x128xf32, #tpu.memory_space<vmem_shared>>) target(%dma_start3A_1673 : memref<128x128xf32, #tpu.memory_space<vmem>>) offsets(%dma_start3A_1676 : memref<128xi32, #tpu.memory_space<vmem>>) semaphore(%dma_start3A_1681 : memref<!tpu.dma_semaphore, #tpu.memory_space<semaphore_mem>>)
      %dma_start3A_1682 = arith.constant 1 : i32
      %dma_start3A_1683 = arith.constant 0 : i32
      %dma_start3A_1684 = arith.constant 0 : i32
      %dma_start3A_1685 = arith.constant 128 : i32
      %dma_start3A_1686 = arith.constant 0 : i32
      %dma_start3A_1687 = tpu.memref_slice %arg6[%dma_start3A_1683, %dma_start3A_1685, %dma_start3A_1686] : memref<3x256x128xf32, #tpu.memory_space<vmem>> -> memref<1x128x128xf32, #tpu.memory_space<vmem>>
      %dma_start3A_1688 = tpu.memref_squeeze %dma_start3A_1687 : memref<1x128x128xf32, #tpu.memory_space<vmem>> -> memref<128x128xf32, #tpu.memory_space<vmem>>
      %dma_start3A_1689 = arith.constant 0 : i32
      %dma_start3A_1690 = tpu.memref_slice %arg5[%dma_start3A_1682, %dma_start3A_1689] : memref<12x128xi32, #tpu.memory_space<vmem>> -> memref<1x128xi32, #tpu.memory_space<vmem>>
      %dma_start3A_1691 = tpu.memref_squeeze %dma_start3A_1690 : memref<1x128xi32, #tpu.memory_space<vmem>> -> memref<128xi32, #tpu.memory_space<vmem>>
      %dma_start3A_1692 = arith.constant 0 : i32
      %dma_start3A_1693 = arith.constant 0 : i32
      %dma_start3A_1694 = tpu.memref_slice %arg7[%dma_start3A_1692, %dma_start3A_1693] : memref<1000x128xf32, #tpu.memory_space<vmem_shared>> -> memref<1000x128xf32, #tpu.memory_space<vmem_shared>>
      %dma_start3A_1695 = tpu.memref_slice %arg9[%dma_start3A_1684] : memref<3x!tpu.dma_semaphore, #tpu.memory_space<semaphore_mem>> -> memref<1x!tpu.dma_semaphore, #tpu.memory_space<semaphore_mem>>
      %dma_start3A_1696 = tpu.memref_squeeze %dma_start3A_1695 : memref<1x!tpu.dma_semaphore, #tpu.memory_space<semaphore_mem>> -> memref<!tpu.dma_semaphore, #tpu.memory_space<semaphore_mem>>
      tpu.enqueue_indirect_dma source(%dma_start3A_1694 : memref<1000x128xf32, #tpu.memory_space<vmem_shared>>) target(%dma_start3A_1688 : memref<128x128xf32, #tpu.memory_space<vmem>>) offsets(%dma_start3A_1691 : memref<128xi32, #tpu.memory_space<vmem>>) semaphore(%dma_start3A_1696 : memref<!tpu.dma_semaphore, #tpu.memory_space<semaphore_mem>>)
      %add3A_1697 = arith.constant 3 : i32
      %add3A_1698 = arith.addi %add3A_1612, %add3A_1697 : i32
      %lt3A = arith.constant 400 : i32
      %lt3A_1699 = arith.cmpi slt, %add3A_1698, %lt3A : i32
      %convert_element_type3A_1700 = arith.extui %lt3A_1699 : i1 to i32
      %cond3A_1701 = arith.constant 0 : i32
      %cond3A_1702 = arith.cmpi ne, %convert_element_type3A_1700, %cond3A_1701 : i32
      scf.if %cond3A_1702 {
        %add3A_2479 = arith.constant 3 : i32
        %add3A_2480 = arith.addi %add3A_1612, %add3A_2479 : i32
        %mul3A_2481 = arith.constant 256 : i32
        %mul3A_2482 = arith.muli %add3A_2480, %mul3A_2481 : i32
        %add3A_2483 = arith.addi %mul3A_2, %mul3A_2482 : i32
        %add3A_2484 = arith.constant 0 : i32
        %add3A_2485 = arith.addi %add3A_2483, %add3A_2484 : i32
        %dma_start3A_2486 = arith.constant 6 : i32
        %dma_start3A_2487 = arith.constant 3 : i32
        %dma_start3A_2488 = arith.constant 0 : i32
        %dma_start3A_2489 = tpu.memref_slice %arg5[%dma_start3A_2486, %dma_start3A_2488] : memref<12x128xi32, #tpu.memory_space<vmem>> -> memref<1x128xi32, #tpu.memory_space<vmem>>
        %dma_start3A_2490 = tpu.memref_squeeze %dma_start3A_2489 : memref<1x128xi32, #tpu.memory_space<vmem>> -> memref<128xi32, #tpu.memory_space<vmem>>
        %dma_start3A_2491 = tpu.memref_slice %arg3[%add3A_2485] : memref<3276800xi32, #tpu.memory_space<hbm>> -> memref<128xi32, #tpu.memory_space<hbm>>
        %dma_start3A_2492 = tpu.memref_slice %arg8[%dma_start3A_2487] : memref<6x!tpu.dma_semaphore, #tpu.memory_space<semaphore_mem>> -> memref<1x!tpu.dma_semaphore, #tpu.memory_space<semaphore_mem>>
        %dma_start3A_2493 = tpu.memref_squeeze %dma_start3A_2492 : memref<1x!tpu.dma_semaphore, #tpu.memory_space<semaphore_mem>> -> memref<!tpu.dma_semaphore, #tpu.memory_space<semaphore_mem>>
        %dma_start3A_2494 = arith.constant 0 : i32
        %dma_start3A_2495 = tpu.memref_slice %arg5[%dma_start3A_2486, %dma_start3A_2494] : memref<12x128xi32, #tpu.memory_space<vmem>> -> memref<1x128xi32, #tpu.memory_space<vmem>>
        %dma_start3A_2496 = tpu.memref_squeeze %dma_start3A_2495 : memref<1x128xi32, #tpu.memory_space<vmem>> -> memref<128xi32, #tpu.memory_space<vmem>>
        %dma_start3A_2497 = tpu.memref_slice %arg3[%add3A_2485] : memref<3276800xi32, #tpu.memory_space<hbm>> -> memref<128xi32, #tpu.memory_space<hbm>>
        tpu.enqueue_dma source(%dma_start3A_2497 : memref<128xi32, #tpu.memory_space<hbm>>) target(%dma_start3A_2496 : memref<128xi32, #tpu.memory_space<vmem>>) target_semaphore(%dma_start3A_2493 : memref<!tpu.dma_semaphore, #tpu.memory_space<semaphore_mem>>)
        %mul3A_2498 = arith.constant 256 : i32
        %mul3A_2499 = arith.muli %add3A_2480, %mul3A_2498 : i32
        %add3A_2500 = arith.addi %mul3A_2, %mul3A_2499 : i32
        %add3A_2501 = arith.constant 128 : i32
        %add3A_2502 = arith.addi %add3A_2500, %add3A_2501 : i32
        %dma_start3A_2503 = arith.constant 7 : i32
        %dma_start3A_2504 = arith.constant 3 : i32
        %dma_start3A_2505 = arith.constant 0 : i32
        %dma_start3A_2506 = tpu.memref_slice %arg5[%dma_start3A_2503, %dma_start3A_2505] : memref<12x128xi32, #tpu.memory_space<vmem>> -> memref<1x128xi32, #tpu.memory_space<vmem>>
        %dma_start3A_2507 = tpu.memref_squeeze %dma_start3A_2506 : memref<1x128xi32, #tpu.memory_space<vmem>> -> memref<128xi32, #tpu.memory_space<vmem>>
        %dma_start3A_2508 = tpu.memref_slice %arg3[%add3A_2502] : memref<3276800xi32, #tpu.memory_space<hbm>> -> memref<128xi32, #tpu.memory_space<hbm>>
        %dma_start3A_2509 = tpu.memref_slice %arg8[%dma_start3A_2504] : memref<6x!tpu.dma_semaphore, #tpu.memory_space<semaphore_mem>> -> memref<1x!tpu.dma_semaphore, #tpu.memory_space<semaphore_mem>>
        %dma_start3A_2510 = tpu.memref_squeeze %dma_start3A_2509 : memref<1x!tpu.dma_semaphore, #tpu.memory_space<semaphore_mem>> -> memref<!tpu.dma_semaphore, #tpu.memory_space<semaphore_mem>>
        %dma_start3A_2511 = arith.constant 0 : i32
        %dma_start3A_2512 = tpu.memref_slice %arg5[%dma_start3A_2503, %dma_start3A_2511] : memref<12x128xi32, #tpu.memory_space<vmem>> -> memref<1x128xi32, #tpu.memory_space<vmem>>
        %dma_start3A_2513 = tpu.memref_squeeze %dma_start3A_2512 : memref<1x128xi32, #tpu.memory_space<vmem>> -> memref<128xi32, #tpu.memory_space<vmem>>
        %dma_start3A_2514 = tpu.memref_slice %arg3[%add3A_2502] : memref<3276800xi32, #tpu.memory_space<hbm>> -> memref<128xi32, #tpu.memory_space<hbm>>
        tpu.enqueue_dma source(%dma_start3A_2514 : memref<128xi32, #tpu.memory_space<hbm>>) target(%dma_start3A_2513 : memref<128xi32, #tpu.memory_space<vmem>>) target_semaphore(%dma_start3A_2510 : memref<!tpu.dma_semaphore, #tpu.memory_space<semaphore_mem>>)
      } else {
      }
      %dma_wait3A_1703 = arith.constant 10 : i32
      %dma_wait3A_1704 = arith.constant 2 : i32
      %dma_wait3A_1705 = arith.constant 2 : i32
      %dma_wait3A_1706 = arith.constant 0 : i32
      %dma_wait3A_1707 = arith.constant 0 : i32
      %dma_wait3A_1708 = tpu.memref_slice %arg6[%dma_wait3A_1704, %dma_wait3A_1706, %dma_wait3A_1707] : memref<3x256x128xf32, #tpu.memory_space<vmem>> -> memref<1x128x128xf32, #tpu.memory_space<vmem>>
      %dma_wait3A_1709 = tpu.memref_squeeze %dma_wait3A_1708 : memref<1x128x128xf32, #tpu.memory_space<vmem>> -> memref<128x128xf32, #tpu.memory_space<vmem>>
      %dma_wait3A_1710 = arith.constant 0 : i32
      %dma_wait3A_1711 = tpu.memref_slice %arg5[%dma_wait3A_1703, %dma_wait3A_1710] : memref<12x128xi32, #tpu.memory_space<vmem>> -> memref<1x128xi32, #tpu.memory_space<vmem>>
      %dma_wait3A_1712 = tpu.memref_squeeze %dma_wait3A_1711 : memref<1x128xi32, #tpu.memory_space<vmem>> -> memref<128xi32, #tpu.memory_space<vmem>>
      %dma_wait3A_1713 = arith.constant 0 : i32
      %dma_wait3A_1714 = arith.constant 0 : i32
      %dma_wait3A_1715 = tpu.memref_slice %arg7[%dma_wait3A_1713, %dma_wait3A_1714] : memref<1000x128xf32, #tpu.memory_space<vmem_shared>> -> memref<1000x128xf32, #tpu.memory_space<vmem_shared>>
      %dma_wait3A_1716 = tpu.memref_slice %arg9[%dma_wait3A_1705] : memref<3x!tpu.dma_semaphore, #tpu.memory_space<semaphore_mem>> -> memref<1x!tpu.dma_semaphore, #tpu.memory_space<semaphore_mem>>
      %dma_wait3A_1717 = tpu.memref_squeeze %dma_wait3A_1716 : memref<1x!tpu.dma_semaphore, #tpu.memory_space<semaphore_mem>> -> memref<!tpu.dma_semaphore, #tpu.memory_space<semaphore_mem>>
      tpu.wait_indirect_dma semaphore(%dma_wait3A_1717 : memref<!tpu.dma_semaphore, #tpu.memory_space<semaphore_mem>>) src(%dma_wait3A_1715 : memref<1000x128xf32, #tpu.memory_space<vmem_shared>>) dst(%dma_wait3A_1709 : memref<128x128xf32, #tpu.memory_space<vmem>>)
      %dma_wait3A_1718 = arith.constant 11 : i32
      %dma_wait3A_1719 = arith.constant 2 : i32
      %dma_wait3A_1720 = arith.constant 2 : i32
      %dma_wait3A_1721 = arith.constant 128 : i32
      %dma_wait3A_1722 = arith.constant 0 : i32
      %dma_wait3A_1723 = tpu.memref_slice %arg6[%dma_wait3A_1719, %dma_wait3A_1721, %dma_wait3A_1722] : memref<3x256x128xf32, #tpu.memory_space<vmem>> -> memref<1x128x128xf32, #tpu.memory_space<vmem>>
      %dma_wait3A_1724 = tpu.memref_squeeze %dma_wait3A_1723 : memref<1x128x128xf32, #tpu.memory_space<vmem>> -> memref<128x128xf32, #tpu.memory_space<vmem>>
      %dma_wait3A_1725 = arith.constant 0 : i32
      %dma_wait3A_1726 = tpu.memref_slice %arg5[%dma_wait3A_1718, %dma_wait3A_1725] : memref<12x128xi32, #tpu.memory_space<vmem>> -> memref<1x128xi32, #tpu.memory_space<vmem>>
      %dma_wait3A_1727 = tpu.memref_squeeze %dma_wait3A_1726 : memref<1x128xi32, #tpu.memory_space<vmem>> -> memref<128xi32, #tpu.memory_space<vmem>>
      %dma_wait3A_1728 = arith.constant 0 : i32
      %dma_wait3A_1729 = arith.constant 0 : i32
      %dma_wait3A_1730 = tpu.memref_slice %arg7[%dma_wait3A_1728, %dma_wait3A_1729] : memref<1000x128xf32, #tpu.memory_space<vmem_shared>> -> memref<1000x128xf32, #tpu.memory_space<vmem_shared>>
      %dma_wait3A_1731 = tpu.memref_slice %arg9[%dma_wait3A_1720] : memref<3x!tpu.dma_semaphore, #tpu.memory_space<semaphore_mem>> -> memref<1x!tpu.dma_semaphore, #tpu.memory_space<semaphore_mem>>
      %dma_wait3A_1732 = tpu.memref_squeeze %dma_wait3A_1731 : memref<1x!tpu.dma_semaphore, #tpu.memory_space<semaphore_mem>> -> memref<!tpu.dma_semaphore, #tpu.memory_space<semaphore_mem>>
      tpu.wait_indirect_dma semaphore(%dma_wait3A_1732 : memref<!tpu.dma_semaphore, #tpu.memory_space<semaphore_mem>>) src(%dma_wait3A_1730 : memref<1000x128xf32, #tpu.memory_space<vmem_shared>>) dst(%dma_wait3A_1724 : memref<128x128xf32, #tpu.memory_space<vmem>>)
      %sub3A_1733 = arith.constant 1 : i32
      %sub3A_1734 = arith.subi %add3A_1612, %sub3A_1733 : i32
      %mul3A_1735 = arith.constant 256 : i32
      %mul3A_1736 = arith.muli %sub3A_1734, %mul3A_1735 : i32
      %add3A_1737 = arith.addi %mul3A_2, %mul3A_1736 : i32
      %dma_start3A_1738 = arith.constant 2 : i32
      %dma_start3A_1739 = arith.constant 2 : i32
      %dma_start3A_1740 = arith.constant 0 : i32
      %dma_start3A_1741 = arith.constant 0 : i32
      %dma_start3A_1742 = tpu.memref_slice %arg6[%dma_start3A_1738, %dma_start3A_1740, %dma_start3A_1741] : memref<3x256x128xf32, #tpu.memory_space<vmem>> -> memref<1x256x128xf32, #tpu.memory_space<vmem>>
      %dma_start3A_1743 = tpu.memref_squeeze %dma_start3A_1742 : memref<1x256x128xf32, #tpu.memory_space<vmem>> -> memref<256x128xf32, #tpu.memory_space<vmem>>
      %dma_start3A_1744 = arith.constant 0 : i32
      %dma_start3A_1745 = tpu.memref_slice %arg4[%add3A_1737, %dma_start3A_1744] : memref<3276800x128xf32, #tpu.memory_space<hbm>> -> memref<256x128xf32, #tpu.memory_space<hbm>>
      %dma_start3A_1746 = tpu.memref_slice %arg10[%dma_start3A_1739] : memref<3x!tpu.dma_semaphore, #tpu.memory_space<semaphore_mem>> -> memref<1x!tpu.dma_semaphore, #tpu.memory_space<semaphore_mem>>
      %dma_start3A_1747 = tpu.memref_squeeze %dma_start3A_1746 : memref<1x!tpu.dma_semaphore, #tpu.memory_space<semaphore_mem>> -> memref<!tpu.dma_semaphore, #tpu.memory_space<semaphore_mem>>
      %dma_start3A_1748 = arith.constant 0 : i32
      %dma_start3A_1749 = tpu.memref_slice %arg4[%add3A_1737, %dma_start3A_1748] : memref<3276800x128xf32, #tpu.memory_space<hbm>> -> memref<256x128xf32, #tpu.memory_space<hbm>>
      %dma_start3A_1750 = arith.constant 0 : i32
      %dma_start3A_1751 = arith.constant 0 : i32
      %dma_start3A_1752 = tpu.memref_slice %arg6[%dma_start3A_1738, %dma_start3A_1750, %dma_start3A_1751] : memref<3x256x128xf32, #tpu.memory_space<vmem>> -> memref<1x256x128xf32, #tpu.memory_space<vmem>>
      %dma_start3A_1753 = tpu.memref_squeeze %dma_start3A_1752 : memref<1x256x128xf32, #tpu.memory_space<vmem>> -> memref<256x128xf32, #tpu.memory_space<vmem>>
      tpu.enqueue_dma source(%dma_start3A_1753 : memref<256x128xf32, #tpu.memory_space<vmem>>) target(%dma_start3A_1749 : memref<256x128xf32, #tpu.memory_space<hbm>>) target_semaphore(%dma_start3A_1747 : memref<!tpu.dma_semaphore, #tpu.memory_space<semaphore_mem>>)
      %add3A_1754 = arith.constant 1 : i32
      %add3A_1755 = arith.addi %mul3A_1610, %add3A_1754 : i32
      %sub3A_1756 = arith.constant 3 : i32
      %sub3A_1757 = arith.subi %add3A_1755, %sub3A_1756 : i32
      %mul3A_1758 = arith.constant 256 : i32
      %mul3A_1759 = arith.muli %sub3A_1757, %mul3A_1758 : i32
      %add3A_1760 = arith.addi %mul3A_2, %mul3A_1759 : i32
      %dma_wait3A_1761 = arith.constant 1 : i32
      %dma_wait3A_1762 = arith.constant 1 : i32
      %dma_wait3A_1763 = arith.constant 0 : i32
      %dma_wait3A_1764 = arith.constant 0 : i32
      %dma_wait3A_1765 = tpu.memref_slice %arg6[%dma_wait3A_1761, %dma_wait3A_1763, %dma_wait3A_1764] : memref<3x256x128xf32, #tpu.memory_space<vmem>> -> memref<1x256x128xf32, #tpu.memory_space<vmem>>
      %dma_wait3A_1766 = tpu.memref_squeeze %dma_wait3A_1765 : memref<1x256x128xf32, #tpu.memory_space<vmem>> -> memref<256x128xf32, #tpu.memory_space<vmem>>
      %dma_wait3A_1767 = arith.constant 0 : i32
      %dma_wait3A_1768 = tpu.memref_slice %arg4[%add3A_1760, %dma_wait3A_1767] : memref<3276800x128xf32, #tpu.memory_space<hbm>> -> memref<256x128xf32, #tpu.memory_space<hbm>>
      %dma_wait3A_1769 = tpu.memref_slice %arg10[%dma_wait3A_1762] : memref<3x!tpu.dma_semaphore, #tpu.memory_space<semaphore_mem>> -> memref<1x!tpu.dma_semaphore, #tpu.memory_space<semaphore_mem>>
      %dma_wait3A_1770 = tpu.memref_squeeze %dma_wait3A_1769 : memref<1x!tpu.dma_semaphore, #tpu.memory_space<semaphore_mem>> -> memref<!tpu.dma_semaphore, #tpu.memory_space<semaphore_mem>>
      %dma_wait3A_1771 = arith.constant 0 : i32
      %dma_wait3A_1772 = tpu.memref_slice %arg4[%add3A_1760, %dma_wait3A_1771] : memref<3276800x128xf32, #tpu.memory_space<hbm>> -> memref<256x128xf32, #tpu.memory_space<hbm>>
      %dma_wait3A_1773 = arith.constant 0 : i32
      %dma_wait3A_1774 = arith.constant 0 : i32
      %dma_wait3A_1775 = tpu.memref_slice %arg6[%dma_wait3A_1761, %dma_wait3A_1773, %dma_wait3A_1774] : memref<3x256x128xf32, #tpu.memory_space<vmem>> -> memref<1x256x128xf32, #tpu.memory_space<vmem>>
      %dma_wait3A_1776 = tpu.memref_squeeze %dma_wait3A_1775 : memref<1x256x128xf32, #tpu.memory_space<vmem>> -> memref<256x128xf32, #tpu.memory_space<vmem>>
      tpu.wait_dma2 semaphore(%dma_wait3A_1770 : memref<!tpu.dma_semaphore, #tpu.memory_space<semaphore_mem>>) src(%dma_wait3A_1776 : memref<256x128xf32, #tpu.memory_space<vmem>>) dst(%dma_wait3A_1772 : memref<256x128xf32, #tpu.memory_space<hbm>>)
      %mul3A_1777 = arith.constant 256 : i32
      %mul3A_1778 = arith.muli %add3A_1755, %mul3A_1777 : i32
      %add3A_1779 = arith.addi %mul3A_2, %mul3A_1778 : i32
      %add3A_1780 = arith.constant 0 : i32
      %add3A_1781 = arith.addi %add3A_1779, %add3A_1780 : i32
      %dma_wait3A_1782 = arith.constant 2 : i32
      %dma_wait3A_1783 = arith.constant 1 : i32
      %dma_wait3A_1784 = arith.constant 0 : i32
      %dma_wait3A_1785 = tpu.memref_slice %arg5[%dma_wait3A_1782, %dma_wait3A_1784] : memref<12x128xi32, #tpu.memory_space<vmem>> -> memref<1x128xi32, #tpu.memory_space<vmem>>
      %dma_wait3A_1786 = tpu.memref_squeeze %dma_wait3A_1785 : memref<1x128xi32, #tpu.memory_space<vmem>> -> memref<128xi32, #tpu.memory_space<vmem>>
      %dma_wait3A_1787 = tpu.memref_slice %arg3[%add3A_1781] : memref<3276800xi32, #tpu.memory_space<hbm>> -> memref<128xi32, #tpu.memory_space<hbm>>
      %dma_wait3A_1788 = tpu.memref_slice %arg8[%dma_wait3A_1783] : memref<6x!tpu.dma_semaphore, #tpu.memory_space<semaphore_mem>> -> memref<1x!tpu.dma_semaphore, #tpu.memory_space<semaphore_mem>>
      %dma_wait3A_1789 = tpu.memref_squeeze %dma_wait3A_1788 : memref<1x!tpu.dma_semaphore, #tpu.memory_space<semaphore_mem>> -> memref<!tpu.dma_semaphore, #tpu.memory_space<semaphore_mem>>
      %dma_wait3A_1790 = arith.constant 0 : i32
      %dma_wait3A_1791 = tpu.memref_slice %arg5[%dma_wait3A_1782, %dma_wait3A_1790] : memref<12x128xi32, #tpu.memory_space<vmem>> -> memref<1x128xi32, #tpu.memory_space<vmem>>
      %dma_wait3A_1792 = tpu.memref_squeeze %dma_wait3A_1791 : memref<1x128xi32, #tpu.memory_space<vmem>> -> memref<128xi32, #tpu.memory_space<vmem>>
      %dma_wait3A_1793 = tpu.memref_slice %arg3[%add3A_1781] : memref<3276800xi32, #tpu.memory_space<hbm>> -> memref<128xi32, #tpu.memory_space<hbm>>
      tpu.wait_dma2 semaphore(%dma_wait3A_1789 : memref<!tpu.dma_semaphore, #tpu.memory_space<semaphore_mem>>) src(%dma_wait3A_1793 : memref<128xi32, #tpu.memory_space<hbm>>) dst(%dma_wait3A_1792 : memref<128xi32, #tpu.memory_space<vmem>>)
      %mul3A_1794 = arith.constant 256 : i32
      %mul3A_1795 = arith.muli %add3A_1755, %mul3A_1794 : i32
      %add3A_1796 = arith.addi %mul3A_2, %mul3A_1795 : i32
      %add3A_1797 = arith.constant 128 : i32
      %add3A_1798 = arith.addi %add3A_1796, %add3A_1797 : i32
      %dma_wait3A_1799 = arith.constant 3 : i32
      %dma_wait3A_1800 = arith.constant 1 : i32
      %dma_wait3A_1801 = arith.constant 0 : i32
      %dma_wait3A_1802 = tpu.memref_slice %arg5[%dma_wait3A_1799, %dma_wait3A_1801] : memref<12x128xi32, #tpu.memory_space<vmem>> -> memref<1x128xi32, #tpu.memory_space<vmem>>
      %dma_wait3A_1803 = tpu.memref_squeeze %dma_wait3A_1802 : memref<1x128xi32, #tpu.memory_space<vmem>> -> memref<128xi32, #tpu.memory_space<vmem>>
      %dma_wait3A_1804 = tpu.memref_slice %arg3[%add3A_1798] : memref<3276800xi32, #tpu.memory_space<hbm>> -> memref<128xi32, #tpu.memory_space<hbm>>
      %dma_wait3A_1805 = tpu.memref_slice %arg8[%dma_wait3A_1800] : memref<6x!tpu.dma_semaphore, #tpu.memory_space<semaphore_mem>> -> memref<1x!tpu.dma_semaphore, #tpu.memory_space<semaphore_mem>>
      %dma_wait3A_1806 = tpu.memref_squeeze %dma_wait3A_1805 : memref<1x!tpu.dma_semaphore, #tpu.memory_space<semaphore_mem>> -> memref<!tpu.dma_semaphore, #tpu.memory_space<semaphore_mem>>
      %dma_wait3A_1807 = arith.constant 0 : i32
      %dma_wait3A_1808 = tpu.memref_slice %arg5[%dma_wait3A_1799, %dma_wait3A_1807] : memref<12x128xi32, #tpu.memory_space<vmem>> -> memref<1x128xi32, #tpu.memory_space<vmem>>
      %dma_wait3A_1809 = tpu.memref_squeeze %dma_wait3A_1808 : memref<1x128xi32, #tpu.memory_space<vmem>> -> memref<128xi32, #tpu.memory_space<vmem>>
      %dma_wait3A_1810 = tpu.memref_slice %arg3[%add3A_1798] : memref<3276800xi32, #tpu.memory_space<hbm>> -> memref<128xi32, #tpu.memory_space<hbm>>
      tpu.wait_dma2 semaphore(%dma_wait3A_1806 : memref<!tpu.dma_semaphore, #tpu.memory_space<semaphore_mem>>) src(%dma_wait3A_1810 : memref<128xi32, #tpu.memory_space<hbm>>) dst(%dma_wait3A_1809 : memref<128xi32, #tpu.memory_space<vmem>>)
      %dma_start3A_1811 = arith.constant 2 : i32
      %dma_start3A_1812 = arith.constant 1 : i32
      %dma_start3A_1813 = arith.constant 1 : i32
      %dma_start3A_1814 = arith.constant 0 : i32
      %dma_start3A_1815 = arith.constant 0 : i32
      %dma_start3A_1816 = tpu.memref_slice %arg6[%dma_start3A_1812, %dma_start3A_1814, %dma_start3A_1815] : memref<3x256x128xf32, #tpu.memory_space<vmem>> -> memref<1x128x128xf32, #tpu.memory_space<vmem>>
      %dma_start3A_1817 = tpu.memref_squeeze %dma_start3A_1816 : memref<1x128x128xf32, #tpu.memory_space<vmem>> -> memref<128x128xf32, #tpu.memory_space<vmem>>
      %dma_start3A_1818 = arith.constant 0 : i32
      %dma_start3A_1819 = tpu.memref_slice %arg5[%dma_start3A_1811, %dma_start3A_1818] : memref<12x128xi32, #tpu.memory_space<vmem>> -> memref<1x128xi32, #tpu.memory_space<vmem>>
      %dma_start3A_1820 = tpu.memref_squeeze %dma_start3A_1819 : memref<1x128xi32, #tpu.memory_space<vmem>> -> memref<128xi32, #tpu.memory_space<vmem>>
      %dma_start3A_1821 = arith.constant 0 : i32
      %dma_start3A_1822 = arith.constant 0 : i32
      %dma_start3A_1823 = tpu.memref_slice %arg7[%dma_start3A_1821, %dma_start3A_1822] : memref<1000x128xf32, #tpu.memory_space<vmem_shared>> -> memref<1000x128xf32, #tpu.memory_space<vmem_shared>>
      %dma_start3A_1824 = tpu.memref_slice %arg9[%dma_start3A_1813] : memref<3x!tpu.dma_semaphore, #tpu.memory_space<semaphore_mem>> -> memref<1x!tpu.dma_semaphore, #tpu.memory_space<semaphore_mem>>
      %dma_start3A_1825 = tpu.memref_squeeze %dma_start3A_1824 : memref<1x!tpu.dma_semaphore, #tpu.memory_space<semaphore_mem>> -> memref<!tpu.dma_semaphore, #tpu.memory_space<semaphore_mem>>
      tpu.enqueue_indirect_dma source(%dma_start3A_1823 : memref<1000x128xf32, #tpu.memory_space<vmem_shared>>) target(%dma_start3A_1817 : memref<128x128xf32, #tpu.memory_space<vmem>>) offsets(%dma_start3A_1820 : memref<128xi32, #tpu.memory_space<vmem>>) semaphore(%dma_start3A_1825 : memref<!tpu.dma_semaphore, #tpu.memory_space<semaphore_mem>>)
      %dma_start3A_1826 = arith.constant 3 : i32
      %dma_start3A_1827 = arith.constant 1 : i32
      %dma_start3A_1828 = arith.constant 1 : i32
      %dma_start3A_1829 = arith.constant 128 : i32
      %dma_start3A_1830 = arith.constant 0 : i32
      %dma_start3A_1831 = tpu.memref_slice %arg6[%dma_start3A_1827, %dma_start3A_1829, %dma_start3A_1830] : memref<3x256x128xf32, #tpu.memory_space<vmem>> -> memref<1x128x128xf32, #tpu.memory_space<vmem>>
      %dma_start3A_1832 = tpu.memref_squeeze %dma_start3A_1831 : memref<1x128x128xf32, #tpu.memory_space<vmem>> -> memref<128x128xf32, #tpu.memory_space<vmem>>
      %dma_start3A_1833 = arith.constant 0 : i32
      %dma_start3A_1834 = tpu.memref_slice %arg5[%dma_start3A_1826, %dma_start3A_1833] : memref<12x128xi32, #tpu.memory_space<vmem>> -> memref<1x128xi32, #tpu.memory_space<vmem>>
      %dma_start3A_1835 = tpu.memref_squeeze %dma_start3A_1834 : memref<1x128xi32, #tpu.memory_space<vmem>> -> memref<128xi32, #tpu.memory_space<vmem>>
      %dma_start3A_1836 = arith.constant 0 : i32
      %dma_start3A_1837 = arith.constant 0 : i32
      %dma_start3A_1838 = tpu.memref_slice %arg7[%dma_start3A_1836, %dma_start3A_1837] : memref<1000x128xf32, #tpu.memory_space<vmem_shared>> -> memref<1000x128xf32, #tpu.memory_space<vmem_shared>>
      %dma_start3A_1839 = tpu.memref_slice %arg9[%dma_start3A_1828] : memref<3x!tpu.dma_semaphore, #tpu.memory_space<semaphore_mem>> -> memref<1x!tpu.dma_semaphore, #tpu.memory_space<semaphore_mem>>
      %dma_start3A_1840 = tpu.memref_squeeze %dma_start3A_1839 : memref<1x!tpu.dma_semaphore, #tpu.memory_space<semaphore_mem>> -> memref<!tpu.dma_semaphore, #tpu.memory_space<semaphore_mem>>
      tpu.enqueue_indirect_dma source(%dma_start3A_1838 : memref<1000x128xf32, #tpu.memory_space<vmem_shared>>) target(%dma_start3A_1832 : memref<128x128xf32, #tpu.memory_space<vmem>>) offsets(%dma_start3A_1835 : memref<128xi32, #tpu.memory_space<vmem>>) semaphore(%dma_start3A_1840 : memref<!tpu.dma_semaphore, #tpu.memory_space<semaphore_mem>>)
      %add3A_1841 = arith.constant 3 : i32
      %add3A_1842 = arith.addi %add3A_1755, %add3A_1841 : i32
      %lt3A_1843 = arith.constant 400 : i32
      %lt3A_1844 = arith.cmpi slt, %add3A_1842, %lt3A_1843 : i32
      %convert_element_type3A_1845 = arith.extui %lt3A_1844 : i1 to i32
      %cond3A_1846 = arith.constant 0 : i32
      %cond3A_1847 = arith.cmpi ne, %convert_element_type3A_1845, %cond3A_1846 : i32
      scf.if %cond3A_1847 {
        %add3A_2479 = arith.constant 3 : i32
        %add3A_2480 = arith.addi %add3A_1755, %add3A_2479 : i32
        %mul3A_2481 = arith.constant 256 : i32
        %mul3A_2482 = arith.muli %add3A_2480, %mul3A_2481 : i32
        %add3A_2483 = arith.addi %mul3A_2, %mul3A_2482 : i32
        %add3A_2484 = arith.constant 0 : i32
        %add3A_2485 = arith.addi %add3A_2483, %add3A_2484 : i32
        %dma_start3A_2486 = arith.constant 8 : i32
        %dma_start3A_2487 = arith.constant 4 : i32
        %dma_start3A_2488 = arith.constant 0 : i32
        %dma_start3A_2489 = tpu.memref_slice %arg5[%dma_start3A_2486, %dma_start3A_2488] : memref<12x128xi32, #tpu.memory_space<vmem>> -> memref<1x128xi32, #tpu.memory_space<vmem>>
        %dma_start3A_2490 = tpu.memref_squeeze %dma_start3A_2489 : memref<1x128xi32, #tpu.memory_space<vmem>> -> memref<128xi32, #tpu.memory_space<vmem>>
        %dma_start3A_2491 = tpu.memref_slice %arg3[%add3A_2485] : memref<3276800xi32, #tpu.memory_space<hbm>> -> memref<128xi32, #tpu.memory_space<hbm>>
        %dma_start3A_2492 = tpu.memref_slice %arg8[%dma_start3A_2487] : memref<6x!tpu.dma_semaphore, #tpu.memory_space<semaphore_mem>> -> memref<1x!tpu.dma_semaphore, #tpu.memory_space<semaphore_mem>>
        %dma_start3A_2493 = tpu.memref_squeeze %dma_start3A_2492 : memref<1x!tpu.dma_semaphore, #tpu.memory_space<semaphore_mem>> -> memref<!tpu.dma_semaphore, #tpu.memory_space<semaphore_mem>>
        %dma_start3A_2494 = arith.constant 0 : i32
        %dma_start3A_2495 = tpu.memref_slice %arg5[%dma_start3A_2486, %dma_start3A_2494] : memref<12x128xi32, #tpu.memory_space<vmem>> -> memref<1x128xi32, #tpu.memory_space<vmem>>
        %dma_start3A_2496 = tpu.memref_squeeze %dma_start3A_2495 : memref<1x128xi32, #tpu.memory_space<vmem>> -> memref<128xi32, #tpu.memory_space<vmem>>
        %dma_start3A_2497 = tpu.memref_slice %arg3[%add3A_2485] : memref<3276800xi32, #tpu.memory_space<hbm>> -> memref<128xi32, #tpu.memory_space<hbm>>
        tpu.enqueue_dma source(%dma_start3A_2497 : memref<128xi32, #tpu.memory_space<hbm>>) target(%dma_start3A_2496 : memref<128xi32, #tpu.memory_space<vmem>>) target_semaphore(%dma_start3A_2493 : memref<!tpu.dma_semaphore, #tpu.memory_space<semaphore_mem>>)
        %mul3A_2498 = arith.constant 256 : i32
        %mul3A_2499 = arith.muli %add3A_2480, %mul3A_2498 : i32
        %add3A_2500 = arith.addi %mul3A_2, %mul3A_2499 : i32
        %add3A_2501 = arith.constant 128 : i32
        %add3A_2502 = arith.addi %add3A_2500, %add3A_2501 : i32
        %dma_start3A_2503 = arith.constant 9 : i32
        %dma_start3A_2504 = arith.constant 4 : i32
        %dma_start3A_2505 = arith.constant 0 : i32
        %dma_start3A_2506 = tpu.memref_slice %arg5[%dma_start3A_2503, %dma_start3A_2505] : memref<12x128xi32, #tpu.memory_space<vmem>> -> memref<1x128xi32, #tpu.memory_space<vmem>>
        %dma_start3A_2507 = tpu.memref_squeeze %dma_start3A_2506 : memref<1x128xi32, #tpu.memory_space<vmem>> -> memref<128xi32, #tpu.memory_space<vmem>>
        %dma_start3A_2508 = tpu.memref_slice %arg3[%add3A_2502] : memref<3276800xi32, #tpu.memory_space<hbm>> -> memref<128xi32, #tpu.memory_space<hbm>>
        %dma_start3A_2509 = tpu.memref_slice %arg8[%dma_start3A_2504] : memref<6x!tpu.dma_semaphore, #tpu.memory_space<semaphore_mem>> -> memref<1x!tpu.dma_semaphore, #tpu.memory_space<semaphore_mem>>
        %dma_start3A_2510 = tpu.memref_squeeze %dma_start3A_2509 : memref<1x!tpu.dma_semaphore, #tpu.memory_space<semaphore_mem>> -> memref<!tpu.dma_semaphore, #tpu.memory_space<semaphore_mem>>
        %dma_start3A_2511 = arith.constant 0 : i32
        %dma_start3A_2512 = tpu.memref_slice %arg5[%dma_start3A_2503, %dma_start3A_2511] : memref<12x128xi32, #tpu.memory_space<vmem>> -> memref<1x128xi32, #tpu.memory_space<vmem>>
        %dma_start3A_2513 = tpu.memref_squeeze %dma_start3A_2512 : memref<1x128xi32, #tpu.memory_space<vmem>> -> memref<128xi32, #tpu.memory_space<vmem>>
        %dma_start3A_2514 = tpu.memref_slice %arg3[%add3A_2502] : memref<3276800xi32, #tpu.memory_space<hbm>> -> memref<128xi32, #tpu.memory_space<hbm>>
        tpu.enqueue_dma source(%dma_start3A_2514 : memref<128xi32, #tpu.memory_space<hbm>>) target(%dma_start3A_2513 : memref<128xi32, #tpu.memory_space<vmem>>) target_semaphore(%dma_start3A_2510 : memref<!tpu.dma_semaphore, #tpu.memory_space<semaphore_mem>>)
      } else {
      }
      %dma_wait3A_1848 = arith.constant 0 : i32
      %dma_wait3A_1849 = arith.constant 0 : i32
      %dma_wait3A_1850 = arith.constant 0 : i32
      %dma_wait3A_1851 = arith.constant 0 : i32
      %dma_wait3A_1852 = arith.constant 0 : i32
      %dma_wait3A_1853 = tpu.memref_slice %arg6[%dma_wait3A_1849, %dma_wait3A_1851, %dma_wait3A_1852] : memref<3x256x128xf32, #tpu.memory_space<vmem>> -> memref<1x128x128xf32, #tpu.memory_space<vmem>>
      %dma_wait3A_1854 = tpu.memref_squeeze %dma_wait3A_1853 : memref<1x128x128xf32, #tpu.memory_space<vmem>> -> memref<128x128xf32, #tpu.memory_space<vmem>>
      %dma_wait3A_1855 = arith.constant 0 : i32
      %dma_wait3A_1856 = tpu.memref_slice %arg5[%dma_wait3A_1848, %dma_wait3A_1855] : memref<12x128xi32, #tpu.memory_space<vmem>> -> memref<1x128xi32, #tpu.memory_space<vmem>>
      %dma_wait3A_1857 = tpu.memref_squeeze %dma_wait3A_1856 : memref<1x128xi32, #tpu.memory_space<vmem>> -> memref<128xi32, #tpu.memory_space<vmem>>
      %dma_wait3A_1858 = arith.constant 0 : i32
      %dma_wait3A_1859 = arith.constant 0 : i32
      %dma_wait3A_1860 = tpu.memref_slice %arg7[%dma_wait3A_1858, %dma_wait3A_1859] : memref<1000x128xf32, #tpu.memory_space<vmem_shared>> -> memref<1000x128xf32, #tpu.memory_space<vmem_shared>>
      %dma_wait3A_1861 = tpu.memref_slice %arg9[%dma_wait3A_1850] : memref<3x!tpu.dma_semaphore, #tpu.memory_space<semaphore_mem>> -> memref<1x!tpu.dma_semaphore, #tpu.memory_space<semaphore_mem>>
      %dma_wait3A_1862 = tpu.memref_squeeze %dma_wait3A_1861 : memref<1x!tpu.dma_semaphore, #tpu.memory_space<semaphore_mem>> -> memref<!tpu.dma_semaphore, #tpu.memory_space<semaphore_mem>>
      tpu.wait_indirect_dma semaphore(%dma_wait3A_1862 : memref<!tpu.dma_semaphore, #tpu.memory_space<semaphore_mem>>) src(%dma_wait3A_1860 : memref<1000x128xf32, #tpu.memory_space<vmem_shared>>) dst(%dma_wait3A_1854 : memref<128x128xf32, #tpu.memory_space<vmem>>)
      %dma_wait3A_1863 = arith.constant 1 : i32
      %dma_wait3A_1864 = arith.constant 0 : i32
      %dma_wait3A_1865 = arith.constant 0 : i32
      %dma_wait3A_1866 = arith.constant 128 : i32
      %dma_wait3A_1867 = arith.constant 0 : i32
      %dma_wait3A_1868 = tpu.memref_slice %arg6[%dma_wait3A_1864, %dma_wait3A_1866, %dma_wait3A_1867] : memref<3x256x128xf32, #tpu.memory_space<vmem>> -> memref<1x128x128xf32, #tpu.memory_space<vmem>>
      %dma_wait3A_1869 = tpu.memref_squeeze %dma_wait3A_1868 : memref<1x128x128xf32, #tpu.memory_space<vmem>> -> memref<128x128xf32, #tpu.memory_space<vmem>>
      %dma_wait3A_1870 = arith.constant 0 : i32
      %dma_wait3A_1871 = tpu.memref_slice %arg5[%dma_wait3A_1863, %dma_wait3A_1870] : memref<12x128xi32, #tpu.memory_space<vmem>> -> memref<1x128xi32, #tpu.memory_space<vmem>>
      %dma_wait3A_1872 = tpu.memref_squeeze %dma_wait3A_1871 : memref<1x128xi32, #tpu.memory_space<vmem>> -> memref<128xi32, #tpu.memory_space<vmem>>
      %dma_wait3A_1873 = arith.constant 0 : i32
      %dma_wait3A_1874 = arith.constant 0 : i32
      %dma_wait3A_1875 = tpu.memref_slice %arg7[%dma_wait3A_1873, %dma_wait3A_1874] : memref<1000x128xf32, #tpu.memory_space<vmem_shared>> -> memref<1000x128xf32, #tpu.memory_space<vmem_shared>>
      %dma_wait3A_1876 = tpu.memref_slice %arg9[%dma_wait3A_1865] : memref<3x!tpu.dma_semaphore, #tpu.memory_space<semaphore_mem>> -> memref<1x!tpu.dma_semaphore, #tpu.memory_space<semaphore_mem>>
      %dma_wait3A_1877 = tpu.memref_squeeze %dma_wait3A_1876 : memref<1x!tpu.dma_semaphore, #tpu.memory_space<semaphore_mem>> -> memref<!tpu.dma_semaphore, #tpu.memory_space<semaphore_mem>>
      tpu.wait_indirect_dma semaphore(%dma_wait3A_1877 : memref<!tpu.dma_semaphore, #tpu.memory_space<semaphore_mem>>) src(%dma_wait3A_1875 : memref<1000x128xf32, #tpu.memory_space<vmem_shared>>) dst(%dma_wait3A_1869 : memref<128x128xf32, #tpu.memory_space<vmem>>)
      %sub3A_1878 = arith.constant 1 : i32
      %sub3A_1879 = arith.subi %add3A_1755, %sub3A_1878 : i32
      %mul3A_1880 = arith.constant 256 : i32
      %mul3A_1881 = arith.muli %sub3A_1879, %mul3A_1880 : i32
      %add3A_1882 = arith.addi %mul3A_2, %mul3A_1881 : i32
      %dma_start3A_1883 = arith.constant 0 : i32
      %dma_start3A_1884 = arith.constant 0 : i32
      %dma_start3A_1885 = arith.constant 0 : i32
      %dma_start3A_1886 = arith.constant 0 : i32
      %dma_start3A_1887 = tpu.memref_slice %arg6[%dma_start3A_1883, %dma_start3A_1885, %dma_start3A_1886] : memref<3x256x128xf32, #tpu.memory_space<vmem>> -> memref<1x256x128xf32, #tpu.memory_space<vmem>>
      %dma_start3A_1888 = tpu.memref_squeeze %dma_start3A_1887 : memref<1x256x128xf32, #tpu.memory_space<vmem>> -> memref<256x128xf32, #tpu.memory_space<vmem>>
      %dma_start3A_1889 = arith.constant 0 : i32
      %dma_start3A_1890 = tpu.memref_slice %arg4[%add3A_1882, %dma_start3A_1889] : memref<3276800x128xf32, #tpu.memory_space<hbm>> -> memref<256x128xf32, #tpu.memory_space<hbm>>
      %dma_start3A_1891 = tpu.memref_slice %arg10[%dma_start3A_1884] : memref<3x!tpu.dma_semaphore, #tpu.memory_space<semaphore_mem>> -> memref<1x!tpu.dma_semaphore, #tpu.memory_space<semaphore_mem>>
      %dma_start3A_1892 = tpu.memref_squeeze %dma_start3A_1891 : memref<1x!tpu.dma_semaphore, #tpu.memory_space<semaphore_mem>> -> memref<!tpu.dma_semaphore, #tpu.memory_space<semaphore_mem>>
      %dma_start3A_1893 = arith.constant 0 : i32
      %dma_start3A_1894 = tpu.memref_slice %arg4[%add3A_1882, %dma_start3A_1893] : memref<3276800x128xf32, #tpu.memory_space<hbm>> -> memref<256x128xf32, #tpu.memory_space<hbm>>
      %dma_start3A_1895 = arith.constant 0 : i32
      %dma_start3A_1896 = arith.constant 0 : i32
      %dma_start3A_1897 = tpu.memref_slice %arg6[%dma_start3A_1883, %dma_start3A_1895, %dma_start3A_1896] : memref<3x256x128xf32, #tpu.memory_space<vmem>> -> memref<1x256x128xf32, #tpu.memory_space<vmem>>
      %dma_start3A_1898 = tpu.memref_squeeze %dma_start3A_1897 : memref<1x256x128xf32, #tpu.memory_space<vmem>> -> memref<256x128xf32, #tpu.memory_space<vmem>>
      tpu.enqueue_dma source(%dma_start3A_1898 : memref<256x128xf32, #tpu.memory_space<vmem>>) target(%dma_start3A_1894 : memref<256x128xf32, #tpu.memory_space<hbm>>) target_semaphore(%dma_start3A_1892 : memref<!tpu.dma_semaphore, #tpu.memory_space<semaphore_mem>>)
      %add3A_1899 = arith.constant 2 : i32
      %add3A_1900 = arith.addi %mul3A_1610, %add3A_1899 : i32
      %sub3A_1901 = arith.constant 3 : i32
      %sub3A_1902 = arith.subi %add3A_1900, %sub3A_1901 : i32
      %mul3A_1903 = arith.constant 256 : i32
      %mul3A_1904 = arith.muli %sub3A_1902, %mul3A_1903 : i32
      %add3A_1905 = arith.addi %mul3A_2, %mul3A_1904 : i32
      %dma_wait3A_1906 = arith.constant 2 : i32
      %dma_wait3A_1907 = arith.constant 2 : i32
      %dma_wait3A_1908 = arith.constant 0 : i32
      %dma_wait3A_1909 = arith.constant 0 : i32
      %dma_wait3A_1910 = tpu.memref_slice %arg6[%dma_wait3A_1906, %dma_wait3A_1908, %dma_wait3A_1909] : memref<3x256x128xf32, #tpu.memory_space<vmem>> -> memref<1x256x128xf32, #tpu.memory_space<vmem>>
      %dma_wait3A_1911 = tpu.memref_squeeze %dma_wait3A_1910 : memref<1x256x128xf32, #tpu.memory_space<vmem>> -> memref<256x128xf32, #tpu.memory_space<vmem>>
      %dma_wait3A_1912 = arith.constant 0 : i32
      %dma_wait3A_1913 = tpu.memref_slice %arg4[%add3A_1905, %dma_wait3A_1912] : memref<3276800x128xf32, #tpu.memory_space<hbm>> -> memref<256x128xf32, #tpu.memory_space<hbm>>
      %dma_wait3A_1914 = tpu.memref_slice %arg10[%dma_wait3A_1907] : memref<3x!tpu.dma_semaphore, #tpu.memory_space<semaphore_mem>> -> memref<1x!tpu.dma_semaphore, #tpu.memory_space<semaphore_mem>>
      %dma_wait3A_1915 = tpu.memref_squeeze %dma_wait3A_1914 : memref<1x!tpu.dma_semaphore, #tpu.memory_space<semaphore_mem>> -> memref<!tpu.dma_semaphore, #tpu.memory_space<semaphore_mem>>
      %dma_wait3A_1916 = arith.constant 0 : i32
      %dma_wait3A_1917 = tpu.memref_slice %arg4[%add3A_1905, %dma_wait3A_1916] : memref<3276800x128xf32, #tpu.memory_space<hbm>> -> memref<256x128xf32, #tpu.memory_space<hbm>>
      %dma_wait3A_1918 = arith.constant 0 : i32
      %dma_wait3A_1919 = arith.constant 0 : i32
      %dma_wait3A_1920 = tpu.memref_slice %arg6[%dma_wait3A_1906, %dma_wait3A_1918, %dma_wait3A_1919] : memref<3x256x128xf32, #tpu.memory_space<vmem>> -> memref<1x256x128xf32, #tpu.memory_space<vmem>>
      %dma_wait3A_1921 = tpu.memref_squeeze %dma_wait3A_1920 : memref<1x256x128xf32, #tpu.memory_space<vmem>> -> memref<256x128xf32, #tpu.memory_space<vmem>>
      tpu.wait_dma2 semaphore(%dma_wait3A_1915 : memref<!tpu.dma_semaphore, #tpu.memory_space<semaphore_mem>>) src(%dma_wait3A_1921 : memref<256x128xf32, #tpu.memory_space<vmem>>) dst(%dma_wait3A_1917 : memref<256x128xf32, #tpu.memory_space<hbm>>)
      %mul3A_1922 = arith.constant 256 : i32
      %mul3A_1923 = arith.muli %add3A_1900, %mul3A_1922 : i32
      %add3A_1924 = arith.addi %mul3A_2, %mul3A_1923 : i32
      %add3A_1925 = arith.constant 0 : i32
      %add3A_1926 = arith.addi %add3A_1924, %add3A_1925 : i32
      %dma_wait3A_1927 = arith.constant 4 : i32
      %dma_wait3A_1928 = arith.constant 2 : i32
      %dma_wait3A_1929 = arith.constant 0 : i32
      %dma_wait3A_1930 = tpu.memref_slice %arg5[%dma_wait3A_1927, %dma_wait3A_1929] : memref<12x128xi32, #tpu.memory_space<vmem>> -> memref<1x128xi32, #tpu.memory_space<vmem>>
      %dma_wait3A_1931 = tpu.memref_squeeze %dma_wait3A_1930 : memref<1x128xi32, #tpu.memory_space<vmem>> -> memref<128xi32, #tpu.memory_space<vmem>>
      %dma_wait3A_1932 = tpu.memref_slice %arg3[%add3A_1926] : memref<3276800xi32, #tpu.memory_space<hbm>> -> memref<128xi32, #tpu.memory_space<hbm>>
      %dma_wait3A_1933 = tpu.memref_slice %arg8[%dma_wait3A_1928] : memref<6x!tpu.dma_semaphore, #tpu.memory_space<semaphore_mem>> -> memref<1x!tpu.dma_semaphore, #tpu.memory_space<semaphore_mem>>
      %dma_wait3A_1934 = tpu.memref_squeeze %dma_wait3A_1933 : memref<1x!tpu.dma_semaphore, #tpu.memory_space<semaphore_mem>> -> memref<!tpu.dma_semaphore, #tpu.memory_space<semaphore_mem>>
      %dma_wait3A_1935 = arith.constant 0 : i32
      %dma_wait3A_1936 = tpu.memref_slice %arg5[%dma_wait3A_1927, %dma_wait3A_1935] : memref<12x128xi32, #tpu.memory_space<vmem>> -> memref<1x128xi32, #tpu.memory_space<vmem>>
      %dma_wait3A_1937 = tpu.memref_squeeze %dma_wait3A_1936 : memref<1x128xi32, #tpu.memory_space<vmem>> -> memref<128xi32, #tpu.memory_space<vmem>>
      %dma_wait3A_1938 = tpu.memref_slice %arg3[%add3A_1926] : memref<3276800xi32, #tpu.memory_space<hbm>> -> memref<128xi32, #tpu.memory_space<hbm>>
      tpu.wait_dma2 semaphore(%dma_wait3A_1934 : memref<!tpu.dma_semaphore, #tpu.memory_space<semaphore_mem>>) src(%dma_wait3A_1938 : memref<128xi32, #tpu.memory_space<hbm>>) dst(%dma_wait3A_1937 : memref<128xi32, #tpu.memory_space<vmem>>)
      %mul3A_1939 = arith.constant 256 : i32
      %mul3A_1940 = arith.muli %add3A_1900, %mul3A_1939 : i32
      %add3A_1941 = arith.addi %mul3A_2, %mul3A_1940 : i32
      %add3A_1942 = arith.constant 128 : i32
      %add3A_1943 = arith.addi %add3A_1941, %add3A_1942 : i32
      %dma_wait3A_1944 = arith.constant 5 : i32
      %dma_wait3A_1945 = arith.constant 2 : i32
      %dma_wait3A_1946 = arith.constant 0 : i32
      %dma_wait3A_1947 = tpu.memref_slice %arg5[%dma_wait3A_1944, %dma_wait3A_1946] : memref<12x128xi32, #tpu.memory_space<vmem>> -> memref<1x128xi32, #tpu.memory_space<vmem>>
      %dma_wait3A_1948 = tpu.memref_squeeze %dma_wait3A_1947 : memref<1x128xi32, #tpu.memory_space<vmem>> -> memref<128xi32, #tpu.memory_space<vmem>>
      %dma_wait3A_1949 = tpu.memref_slice %arg3[%add3A_1943] : memref<3276800xi32, #tpu.memory_space<hbm>> -> memref<128xi32, #tpu.memory_space<hbm>>
      %dma_wait3A_1950 = tpu.memref_slice %arg8[%dma_wait3A_1945] : memref<6x!tpu.dma_semaphore, #tpu.memory_space<semaphore_mem>> -> memref<1x!tpu.dma_semaphore, #tpu.memory_space<semaphore_mem>>
      %dma_wait3A_1951 = tpu.memref_squeeze %dma_wait3A_1950 : memref<1x!tpu.dma_semaphore, #tpu.memory_space<semaphore_mem>> -> memref<!tpu.dma_semaphore, #tpu.memory_space<semaphore_mem>>
      %dma_wait3A_1952 = arith.constant 0 : i32
      %dma_wait3A_1953 = tpu.memref_slice %arg5[%dma_wait3A_1944, %dma_wait3A_1952] : memref<12x128xi32, #tpu.memory_space<vmem>> -> memref<1x128xi32, #tpu.memory_space<vmem>>
      %dma_wait3A_1954 = tpu.memref_squeeze %dma_wait3A_1953 : memref<1x128xi32, #tpu.memory_space<vmem>> -> memref<128xi32, #tpu.memory_space<vmem>>
      %dma_wait3A_1955 = tpu.memref_slice %arg3[%add3A_1943] : memref<3276800xi32, #tpu.memory_space<hbm>> -> memref<128xi32, #tpu.memory_space<hbm>>
      tpu.wait_dma2 semaphore(%dma_wait3A_1951 : memref<!tpu.dma_semaphore, #tpu.memory_space<semaphore_mem>>) src(%dma_wait3A_1955 : memref<128xi32, #tpu.memory_space<hbm>>) dst(%dma_wait3A_1954 : memref<128xi32, #tpu.memory_space<vmem>>)
      %dma_start3A_1956 = arith.constant 4 : i32
      %dma_start3A_1957 = arith.constant 2 : i32
      %dma_start3A_1958 = arith.constant 2 : i32
      %dma_start3A_1959 = arith.constant 0 : i32
      %dma_start3A_1960 = arith.constant 0 : i32
      %dma_start3A_1961 = tpu.memref_slice %arg6[%dma_start3A_1957, %dma_start3A_1959, %dma_start3A_1960] : memref<3x256x128xf32, #tpu.memory_space<vmem>> -> memref<1x128x128xf32, #tpu.memory_space<vmem>>
      %dma_start3A_1962 = tpu.memref_squeeze %dma_start3A_1961 : memref<1x128x128xf32, #tpu.memory_space<vmem>> -> memref<128x128xf32, #tpu.memory_space<vmem>>
      %dma_start3A_1963 = arith.constant 0 : i32
      %dma_start3A_1964 = tpu.memref_slice %arg5[%dma_start3A_1956, %dma_start3A_1963] : memref<12x128xi32, #tpu.memory_space<vmem>> -> memref<1x128xi32, #tpu.memory_space<vmem>>
      %dma_start3A_1965 = tpu.memref_squeeze %dma_start3A_1964 : memref<1x128xi32, #tpu.memory_space<vmem>> -> memref<128xi32, #tpu.memory_space<vmem>>
      %dma_start3A_1966 = arith.constant 0 : i32
      %dma_start3A_1967 = arith.constant 0 : i32
      %dma_start3A_1968 = tpu.memref_slice %arg7[%dma_start3A_1966, %dma_start3A_1967] : memref<1000x128xf32, #tpu.memory_space<vmem_shared>> -> memref<1000x128xf32, #tpu.memory_space<vmem_shared>>
      %dma_start3A_1969 = tpu.memref_slice %arg9[%dma_start3A_1958] : memref<3x!tpu.dma_semaphore, #tpu.memory_space<semaphore_mem>> -> memref<1x!tpu.dma_semaphore, #tpu.memory_space<semaphore_mem>>
      %dma_start3A_1970 = tpu.memref_squeeze %dma_start3A_1969 : memref<1x!tpu.dma_semaphore, #tpu.memory_space<semaphore_mem>> -> memref<!tpu.dma_semaphore, #tpu.memory_space<semaphore_mem>>
      tpu.enqueue_indirect_dma source(%dma_start3A_1968 : memref<1000x128xf32, #tpu.memory_space<vmem_shared>>) target(%dma_start3A_1962 : memref<128x128xf32, #tpu.memory_space<vmem>>) offsets(%dma_start3A_1965 : memref<128xi32, #tpu.memory_space<vmem>>) semaphore(%dma_start3A_1970 : memref<!tpu.dma_semaphore, #tpu.memory_space<semaphore_mem>>)
      %dma_start3A_1971 = arith.constant 5 : i32
      %dma_start3A_1972 = arith.constant 2 : i32
      %dma_start3A_1973 = arith.constant 2 : i32
      %dma_start3A_1974 = arith.constant 128 : i32
      %dma_start3A_1975 = arith.constant 0 : i32
      %dma_start3A_1976 = tpu.memref_slice %arg6[%dma_start3A_1972, %dma_start3A_1974, %dma_start3A_1975] : memref<3x256x128xf32, #tpu.memory_space<vmem>> -> memref<1x128x128xf32, #tpu.memory_space<vmem>>
      %dma_start3A_1977 = tpu.memref_squeeze %dma_start3A_1976 : memref<1x128x128xf32, #tpu.memory_space<vmem>> -> memref<128x128xf32, #tpu.memory_space<vmem>>
      %dma_start3A_1978 = arith.constant 0 : i32
      %dma_start3A_1979 = tpu.memref_slice %arg5[%dma_start3A_1971, %dma_start3A_1978] : memref<12x128xi32, #tpu.memory_space<vmem>> -> memref<1x128xi32, #tpu.memory_space<vmem>>
      %dma_start3A_1980 = tpu.memref_squeeze %dma_start3A_1979 : memref<1x128xi32, #tpu.memory_space<vmem>> -> memref<128xi32, #tpu.memory_space<vmem>>
      %dma_start3A_1981 = arith.constant 0 : i32
      %dma_start3A_1982 = arith.constant 0 : i32
      %dma_start3A_1983 = tpu.memref_slice %arg7[%dma_start3A_1981, %dma_start3A_1982] : memref<1000x128xf32, #tpu.memory_space<vmem_shared>> -> memref<1000x128xf32, #tpu.memory_space<vmem_shared>>
      %dma_start3A_1984 = tpu.memref_slice %arg9[%dma_start3A_1973] : memref<3x!tpu.dma_semaphore, #tpu.memory_space<semaphore_mem>> -> memref<1x!tpu.dma_semaphore, #tpu.memory_space<semaphore_mem>>
      %dma_start3A_1985 = tpu.memref_squeeze %dma_start3A_1984 : memref<1x!tpu.dma_semaphore, #tpu.memory_space<semaphore_mem>> -> memref<!tpu.dma_semaphore, #tpu.memory_space<semaphore_mem>>
      tpu.enqueue_indirect_dma source(%dma_start3A_1983 : memref<1000x128xf32, #tpu.memory_space<vmem_shared>>) target(%dma_start3A_1977 : memref<128x128xf32, #tpu.memory_space<vmem>>) offsets(%dma_start3A_1980 : memref<128xi32, #tpu.memory_space<vmem>>) semaphore(%dma_start3A_1985 : memref<!tpu.dma_semaphore, #tpu.memory_space<semaphore_mem>>)
      %add3A_1986 = arith.constant 3 : i32
      %add3A_1987 = arith.addi %add3A_1900, %add3A_1986 : i32
      %lt3A_1988 = arith.constant 400 : i32
      %lt3A_1989 = arith.cmpi slt, %add3A_1987, %lt3A_1988 : i32
      %convert_element_type3A_1990 = arith.extui %lt3A_1989 : i1 to i32
      %cond3A_1991 = arith.constant 0 : i32
      %cond3A_1992 = arith.cmpi ne, %convert_element_type3A_1990, %cond3A_1991 : i32
      scf.if %cond3A_1992 {
        %add3A_2479 = arith.constant 3 : i32
        %add3A_2480 = arith.addi %add3A_1900, %add3A_2479 : i32
        %mul3A_2481 = arith.constant 256 : i32
        %mul3A_2482 = arith.muli %add3A_2480, %mul3A_2481 : i32
        %add3A_2483 = arith.addi %mul3A_2, %mul3A_2482 : i32
        %add3A_2484 = arith.constant 0 : i32
        %add3A_2485 = arith.addi %add3A_2483, %add3A_2484 : i32
        %dma_start3A_2486 = arith.constant 10 : i32
        %dma_start3A_2487 = arith.constant 5 : i32
        %dma_start3A_2488 = arith.constant 0 : i32
        %dma_start3A_2489 = tpu.memref_slice %arg5[%dma_start3A_2486, %dma_start3A_2488] : memref<12x128xi32, #tpu.memory_space<vmem>> -> memref<1x128xi32, #tpu.memory_space<vmem>>
        %dma_start3A_2490 = tpu.memref_squeeze %dma_start3A_2489 : memref<1x128xi32, #tpu.memory_space<vmem>> -> memref<128xi32, #tpu.memory_space<vmem>>
        %dma_start3A_2491 = tpu.memref_slice %arg3[%add3A_2485] : memref<3276800xi32, #tpu.memory_space<hbm>> -> memref<128xi32, #tpu.memory_space<hbm>>
        %dma_start3A_2492 = tpu.memref_slice %arg8[%dma_start3A_2487] : memref<6x!tpu.dma_semaphore, #tpu.memory_space<semaphore_mem>> -> memref<1x!tpu.dma_semaphore, #tpu.memory_space<semaphore_mem>>
        %dma_start3A_2493 = tpu.memref_squeeze %dma_start3A_2492 : memref<1x!tpu.dma_semaphore, #tpu.memory_space<semaphore_mem>> -> memref<!tpu.dma_semaphore, #tpu.memory_space<semaphore_mem>>
        %dma_start3A_2494 = arith.constant 0 : i32
        %dma_start3A_2495 = tpu.memref_slice %arg5[%dma_start3A_2486, %dma_start3A_2494] : memref<12x128xi32, #tpu.memory_space<vmem>> -> memref<1x128xi32, #tpu.memory_space<vmem>>
        %dma_start3A_2496 = tpu.memref_squeeze %dma_start3A_2495 : memref<1x128xi32, #tpu.memory_space<vmem>> -> memref<128xi32, #tpu.memory_space<vmem>>
        %dma_start3A_2497 = tpu.memref_slice %arg3[%add3A_2485] : memref<3276800xi32, #tpu.memory_space<hbm>> -> memref<128xi32, #tpu.memory_space<hbm>>
        tpu.enqueue_dma source(%dma_start3A_2497 : memref<128xi32, #tpu.memory_space<hbm>>) target(%dma_start3A_2496 : memref<128xi32, #tpu.memory_space<vmem>>) target_semaphore(%dma_start3A_2493 : memref<!tpu.dma_semaphore, #tpu.memory_space<semaphore_mem>>)
        %mul3A_2498 = arith.constant 256 : i32
        %mul3A_2499 = arith.muli %add3A_2480, %mul3A_2498 : i32
        %add3A_2500 = arith.addi %mul3A_2, %mul3A_2499 : i32
        %add3A_2501 = arith.constant 128 : i32
        %add3A_2502 = arith.addi %add3A_2500, %add3A_2501 : i32
        %dma_start3A_2503 = arith.constant 11 : i32
        %dma_start3A_2504 = arith.constant 5 : i32
        %dma_start3A_2505 = arith.constant 0 : i32
        %dma_start3A_2506 = tpu.memref_slice %arg5[%dma_start3A_2503, %dma_start3A_2505] : memref<12x128xi32, #tpu.memory_space<vmem>> -> memref<1x128xi32, #tpu.memory_space<vmem>>
        %dma_start3A_2507 = tpu.memref_squeeze %dma_start3A_2506 : memref<1x128xi32, #tpu.memory_space<vmem>> -> memref<128xi32, #tpu.memory_space<vmem>>
        %dma_start3A_2508 = tpu.memref_slice %arg3[%add3A_2502] : memref<3276800xi32, #tpu.memory_space<hbm>> -> memref<128xi32, #tpu.memory_space<hbm>>
        %dma_start3A_2509 = tpu.memref_slice %arg8[%dma_start3A_2504] : memref<6x!tpu.dma_semaphore, #tpu.memory_space<semaphore_mem>> -> memref<1x!tpu.dma_semaphore, #tpu.memory_space<semaphore_mem>>
        %dma_start3A_2510 = tpu.memref_squeeze %dma_start3A_2509 : memref<1x!tpu.dma_semaphore, #tpu.memory_space<semaphore_mem>> -> memref<!tpu.dma_semaphore, #tpu.memory_space<semaphore_mem>>
        %dma_start3A_2511 = arith.constant 0 : i32
        %dma_start3A_2512 = tpu.memref_slice %arg5[%dma_start3A_2503, %dma_start3A_2511] : memref<12x128xi32, #tpu.memory_space<vmem>> -> memref<1x128xi32, #tpu.memory_space<vmem>>
        %dma_start3A_2513 = tpu.memref_squeeze %dma_start3A_2512 : memref<1x128xi32, #tpu.memory_space<vmem>> -> memref<128xi32, #tpu.memory_space<vmem>>
        %dma_start3A_2514 = tpu.memref_slice %arg3[%add3A_2502] : memref<3276800xi32, #tpu.memory_space<hbm>> -> memref<128xi32, #tpu.memory_space<hbm>>
        tpu.enqueue_dma source(%dma_start3A_2514 : memref<128xi32, #tpu.memory_space<hbm>>) target(%dma_start3A_2513 : memref<128xi32, #tpu.memory_space<vmem>>) target_semaphore(%dma_start3A_2510 : memref<!tpu.dma_semaphore, #tpu.memory_space<semaphore_mem>>)
      } else {
      }
      %dma_wait3A_1993 = arith.constant 2 : i32
      %dma_wait3A_1994 = arith.constant 1 : i32
      %dma_wait3A_1995 = arith.constant 1 : i32
      %dma_wait3A_1996 = arith.constant 0 : i32
      %dma_wait3A_1997 = arith.constant 0 : i32
      %dma_wait3A_1998 = tpu.memref_slice %arg6[%dma_wait3A_1994, %dma_wait3A_1996, %dma_wait3A_1997] : memref<3x256x128xf32, #tpu.memory_space<vmem>> -> memref<1x128x128xf32, #tpu.memory_space<vmem>>
      %dma_wait3A_1999 = tpu.memref_squeeze %dma_wait3A_1998 : memref<1x128x128xf32, #tpu.memory_space<vmem>> -> memref<128x128xf32, #tpu.memory_space<vmem>>
      %dma_wait3A_2000 = arith.constant 0 : i32
      %dma_wait3A_2001 = tpu.memref_slice %arg5[%dma_wait3A_1993, %dma_wait3A_2000] : memref<12x128xi32, #tpu.memory_space<vmem>> -> memref<1x128xi32, #tpu.memory_space<vmem>>
      %dma_wait3A_2002 = tpu.memref_squeeze %dma_wait3A_2001 : memref<1x128xi32, #tpu.memory_space<vmem>> -> memref<128xi32, #tpu.memory_space<vmem>>
      %dma_wait3A_2003 = arith.constant 0 : i32
      %dma_wait3A_2004 = arith.constant 0 : i32
      %dma_wait3A_2005 = tpu.memref_slice %arg7[%dma_wait3A_2003, %dma_wait3A_2004] : memref<1000x128xf32, #tpu.memory_space<vmem_shared>> -> memref<1000x128xf32, #tpu.memory_space<vmem_shared>>
      %dma_wait3A_2006 = tpu.memref_slice %arg9[%dma_wait3A_1995] : memref<3x!tpu.dma_semaphore, #tpu.memory_space<semaphore_mem>> -> memref<1x!tpu.dma_semaphore, #tpu.memory_space<semaphore_mem>>
      %dma_wait3A_2007 = tpu.memref_squeeze %dma_wait3A_2006 : memref<1x!tpu.dma_semaphore, #tpu.memory_space<semaphore_mem>> -> memref<!tpu.dma_semaphore, #tpu.memory_space<semaphore_mem>>
      tpu.wait_indirect_dma semaphore(%dma_wait3A_2007 : memref<!tpu.dma_semaphore, #tpu.memory_space<semaphore_mem>>) src(%dma_wait3A_2005 : memref<1000x128xf32, #tpu.memory_space<vmem_shared>>) dst(%dma_wait3A_1999 : memref<128x128xf32, #tpu.memory_space<vmem>>)
      %dma_wait3A_2008 = arith.constant 3 : i32
      %dma_wait3A_2009 = arith.constant 1 : i32
      %dma_wait3A_2010 = arith.constant 1 : i32
      %dma_wait3A_2011 = arith.constant 128 : i32
      %dma_wait3A_2012 = arith.constant 0 : i32
      %dma_wait3A_2013 = tpu.memref_slice %arg6[%dma_wait3A_2009, %dma_wait3A_2011, %dma_wait3A_2012] : memref<3x256x128xf32, #tpu.memory_space<vmem>> -> memref<1x128x128xf32, #tpu.memory_space<vmem>>
      %dma_wait3A_2014 = tpu.memref_squeeze %dma_wait3A_2013 : memref<1x128x128xf32, #tpu.memory_space<vmem>> -> memref<128x128xf32, #tpu.memory_space<vmem>>
      %dma_wait3A_2015 = arith.constant 0 : i32
      %dma_wait3A_2016 = tpu.memref_slice %arg5[%dma_wait3A_2008, %dma_wait3A_2015] : memref<12x128xi32, #tpu.memory_space<vmem>> -> memref<1x128xi32, #tpu.memory_space<vmem>>
      %dma_wait3A_2017 = tpu.memref_squeeze %dma_wait3A_2016 : memref<1x128xi32, #tpu.memory_space<vmem>> -> memref<128xi32, #tpu.memory_space<vmem>>
      %dma_wait3A_2018 = arith.constant 0 : i32
      %dma_wait3A_2019 = arith.constant 0 : i32
      %dma_wait3A_2020 = tpu.memref_slice %arg7[%dma_wait3A_2018, %dma_wait3A_2019] : memref<1000x128xf32, #tpu.memory_space<vmem_shared>> -> memref<1000x128xf32, #tpu.memory_space<vmem_shared>>
      %dma_wait3A_2021 = tpu.memref_slice %arg9[%dma_wait3A_2010] : memref<3x!tpu.dma_semaphore, #tpu.memory_space<semaphore_mem>> -> memref<1x!tpu.dma_semaphore, #tpu.memory_space<semaphore_mem>>
      %dma_wait3A_2022 = tpu.memref_squeeze %dma_wait3A_2021 : memref<1x!tpu.dma_semaphore, #tpu.memory_space<semaphore_mem>> -> memref<!tpu.dma_semaphore, #tpu.memory_space<semaphore_mem>>
      tpu.wait_indirect_dma semaphore(%dma_wait3A_2022 : memref<!tpu.dma_semaphore, #tpu.memory_space<semaphore_mem>>) src(%dma_wait3A_2020 : memref<1000x128xf32, #tpu.memory_space<vmem_shared>>) dst(%dma_wait3A_2014 : memref<128x128xf32, #tpu.memory_space<vmem>>)
      %sub3A_2023 = arith.constant 1 : i32
      %sub3A_2024 = arith.subi %add3A_1900, %sub3A_2023 : i32
      %mul3A_2025 = arith.constant 256 : i32
      %mul3A_2026 = arith.muli %sub3A_2024, %mul3A_2025 : i32
      %add3A_2027 = arith.addi %mul3A_2, %mul3A_2026 : i32
      %dma_start3A_2028 = arith.constant 1 : i32
      %dma_start3A_2029 = arith.constant 1 : i32
      %dma_start3A_2030 = arith.constant 0 : i32
      %dma_start3A_2031 = arith.constant 0 : i32
      %dma_start3A_2032 = tpu.memref_slice %arg6[%dma_start3A_2028, %dma_start3A_2030, %dma_start3A_2031] : memref<3x256x128xf32, #tpu.memory_space<vmem>> -> memref<1x256x128xf32, #tpu.memory_space<vmem>>
      %dma_start3A_2033 = tpu.memref_squeeze %dma_start3A_2032 : memref<1x256x128xf32, #tpu.memory_space<vmem>> -> memref<256x128xf32, #tpu.memory_space<vmem>>
      %dma_start3A_2034 = arith.constant 0 : i32
      %dma_start3A_2035 = tpu.memref_slice %arg4[%add3A_2027, %dma_start3A_2034] : memref<3276800x128xf32, #tpu.memory_space<hbm>> -> memref<256x128xf32, #tpu.memory_space<hbm>>
      %dma_start3A_2036 = tpu.memref_slice %arg10[%dma_start3A_2029] : memref<3x!tpu.dma_semaphore, #tpu.memory_space<semaphore_mem>> -> memref<1x!tpu.dma_semaphore, #tpu.memory_space<semaphore_mem>>
      %dma_start3A_2037 = tpu.memref_squeeze %dma_start3A_2036 : memref<1x!tpu.dma_semaphore, #tpu.memory_space<semaphore_mem>> -> memref<!tpu.dma_semaphore, #tpu.memory_space<semaphore_mem>>
      %dma_start3A_2038 = arith.constant 0 : i32
      %dma_start3A_2039 = tpu.memref_slice %arg4[%add3A_2027, %dma_start3A_2038] : memref<3276800x128xf32, #tpu.memory_space<hbm>> -> memref<256x128xf32, #tpu.memory_space<hbm>>
      %dma_start3A_2040 = arith.constant 0 : i32
      %dma_start3A_2041 = arith.constant 0 : i32
      %dma_start3A_2042 = tpu.memref_slice %arg6[%dma_start3A_2028, %dma_start3A_2040, %dma_start3A_2041] : memref<3x256x128xf32, #tpu.memory_space<vmem>> -> memref<1x256x128xf32, #tpu.memory_space<vmem>>
      %dma_start3A_2043 = tpu.memref_squeeze %dma_start3A_2042 : memref<1x256x128xf32, #tpu.memory_space<vmem>> -> memref<256x128xf32, #tpu.memory_space<vmem>>
      tpu.enqueue_dma source(%dma_start3A_2043 : memref<256x128xf32, #tpu.memory_space<vmem>>) target(%dma_start3A_2039 : memref<256x128xf32, #tpu.memory_space<hbm>>) target_semaphore(%dma_start3A_2037 : memref<!tpu.dma_semaphore, #tpu.memory_space<semaphore_mem>>)
      %add3A_2044 = arith.constant 3 : i32
      %add3A_2045 = arith.addi %mul3A_1610, %add3A_2044 : i32
      %sub3A_2046 = arith.constant 3 : i32
      %sub3A_2047 = arith.subi %add3A_2045, %sub3A_2046 : i32
      %mul3A_2048 = arith.constant 256 : i32
      %mul3A_2049 = arith.muli %sub3A_2047, %mul3A_2048 : i32
      %add3A_2050 = arith.addi %mul3A_2, %mul3A_2049 : i32
      %dma_wait3A_2051 = arith.constant 0 : i32
      %dma_wait3A_2052 = arith.constant 0 : i32
      %dma_wait3A_2053 = arith.constant 0 : i32
      %dma_wait3A_2054 = arith.constant 0 : i32
      %dma_wait3A_2055 = tpu.memref_slice %arg6[%dma_wait3A_2051, %dma_wait3A_2053, %dma_wait3A_2054] : memref<3x256x128xf32, #tpu.memory_space<vmem>> -> memref<1x256x128xf32, #tpu.memory_space<vmem>>
      %dma_wait3A_2056 = tpu.memref_squeeze %dma_wait3A_2055 : memref<1x256x128xf32, #tpu.memory_space<vmem>> -> memref<256x128xf32, #tpu.memory_space<vmem>>
      %dma_wait3A_2057 = arith.constant 0 : i32
      %dma_wait3A_2058 = tpu.memref_slice %arg4[%add3A_2050, %dma_wait3A_2057] : memref<3276800x128xf32, #tpu.memory_space<hbm>> -> memref<256x128xf32, #tpu.memory_space<hbm>>
      %dma_wait3A_2059 = tpu.memref_slice %arg10[%dma_wait3A_2052] : memref<3x!tpu.dma_semaphore, #tpu.memory_space<semaphore_mem>> -> memref<1x!tpu.dma_semaphore, #tpu.memory_space<semaphore_mem>>
      %dma_wait3A_2060 = tpu.memref_squeeze %dma_wait3A_2059 : memref<1x!tpu.dma_semaphore, #tpu.memory_space<semaphore_mem>> -> memref<!tpu.dma_semaphore, #tpu.memory_space<semaphore_mem>>
      %dma_wait3A_2061 = arith.constant 0 : i32
      %dma_wait3A_2062 = tpu.memref_slice %arg4[%add3A_2050, %dma_wait3A_2061] : memref<3276800x128xf32, #tpu.memory_space<hbm>> -> memref<256x128xf32, #tpu.memory_space<hbm>>
      %dma_wait3A_2063 = arith.constant 0 : i32
      %dma_wait3A_2064 = arith.constant 0 : i32
      %dma_wait3A_2065 = tpu.memref_slice %arg6[%dma_wait3A_2051, %dma_wait3A_2063, %dma_wait3A_2064] : memref<3x256x128xf32, #tpu.memory_space<vmem>> -> memref<1x256x128xf32, #tpu.memory_space<vmem>>
      %dma_wait3A_2066 = tpu.memref_squeeze %dma_wait3A_2065 : memref<1x256x128xf32, #tpu.memory_space<vmem>> -> memref<256x128xf32, #tpu.memory_space<vmem>>
      tpu.wait_dma2 semaphore(%dma_wait3A_2060 : memref<!tpu.dma_semaphore, #tpu.memory_space<semaphore_mem>>) src(%dma_wait3A_2066 : memref<256x128xf32, #tpu.memory_space<vmem>>) dst(%dma_wait3A_2062 : memref<256x128xf32, #tpu.memory_space<hbm>>)
      %mul3A_2067 = arith.constant 256 : i32
      %mul3A_2068 = arith.muli %add3A_2045, %mul3A_2067 : i32
      %add3A_2069 = arith.addi %mul3A_2, %mul3A_2068 : i32
      %add3A_2070 = arith.constant 0 : i32
      %add3A_2071 = arith.addi %add3A_2069, %add3A_2070 : i32
      %dma_wait3A_2072 = arith.constant 6 : i32
      %dma_wait3A_2073 = arith.constant 3 : i32
      %dma_wait3A_2074 = arith.constant 0 : i32
      %dma_wait3A_2075 = tpu.memref_slice %arg5[%dma_wait3A_2072, %dma_wait3A_2074] : memref<12x128xi32, #tpu.memory_space<vmem>> -> memref<1x128xi32, #tpu.memory_space<vmem>>
      %dma_wait3A_2076 = tpu.memref_squeeze %dma_wait3A_2075 : memref<1x128xi32, #tpu.memory_space<vmem>> -> memref<128xi32, #tpu.memory_space<vmem>>
      %dma_wait3A_2077 = tpu.memref_slice %arg3[%add3A_2071] : memref<3276800xi32, #tpu.memory_space<hbm>> -> memref<128xi32, #tpu.memory_space<hbm>>
      %dma_wait3A_2078 = tpu.memref_slice %arg8[%dma_wait3A_2073] : memref<6x!tpu.dma_semaphore, #tpu.memory_space<semaphore_mem>> -> memref<1x!tpu.dma_semaphore, #tpu.memory_space<semaphore_mem>>
      %dma_wait3A_2079 = tpu.memref_squeeze %dma_wait3A_2078 : memref<1x!tpu.dma_semaphore, #tpu.memory_space<semaphore_mem>> -> memref<!tpu.dma_semaphore, #tpu.memory_space<semaphore_mem>>
      %dma_wait3A_2080 = arith.constant 0 : i32
      %dma_wait3A_2081 = tpu.memref_slice %arg5[%dma_wait3A_2072, %dma_wait3A_2080] : memref<12x128xi32, #tpu.memory_space<vmem>> -> memref<1x128xi32, #tpu.memory_space<vmem>>
      %dma_wait3A_2082 = tpu.memref_squeeze %dma_wait3A_2081 : memref<1x128xi32, #tpu.memory_space<vmem>> -> memref<128xi32, #tpu.memory_space<vmem>>
      %dma_wait3A_2083 = tpu.memref_slice %arg3[%add3A_2071] : memref<3276800xi32, #tpu.memory_space<hbm>> -> memref<128xi32, #tpu.memory_space<hbm>>
      tpu.wait_dma2 semaphore(%dma_wait3A_2079 : memref<!tpu.dma_semaphore, #tpu.memory_space<semaphore_mem>>) src(%dma_wait3A_2083 : memref<128xi32, #tpu.memory_space<hbm>>) dst(%dma_wait3A_2082 : memref<128xi32, #tpu.memory_space<vmem>>)
      %mul3A_2084 = arith.constant 256 : i32
      %mul3A_2085 = arith.muli %add3A_2045, %mul3A_2084 : i32
      %add3A_2086 = arith.addi %mul3A_2, %mul3A_2085 : i32
      %add3A_2087 = arith.constant 128 : i32
      %add3A_2088 = arith.addi %add3A_2086, %add3A_2087 : i32
      %dma_wait3A_2089 = arith.constant 7 : i32
      %dma_wait3A_2090 = arith.constant 3 : i32
      %dma_wait3A_2091 = arith.constant 0 : i32
      %dma_wait3A_2092 = tpu.memref_slice %arg5[%dma_wait3A_2089, %dma_wait3A_2091] : memref<12x128xi32, #tpu.memory_space<vmem>> -> memref<1x128xi32, #tpu.memory_space<vmem>>
      %dma_wait3A_2093 = tpu.memref_squeeze %dma_wait3A_2092 : memref<1x128xi32, #tpu.memory_space<vmem>> -> memref<128xi32, #tpu.memory_space<vmem>>
      %dma_wait3A_2094 = tpu.memref_slice %arg3[%add3A_2088] : memref<3276800xi32, #tpu.memory_space<hbm>> -> memref<128xi32, #tpu.memory_space<hbm>>
      %dma_wait3A_2095 = tpu.memref_slice %arg8[%dma_wait3A_2090] : memref<6x!tpu.dma_semaphore, #tpu.memory_space<semaphore_mem>> -> memref<1x!tpu.dma_semaphore, #tpu.memory_space<semaphore_mem>>
      %dma_wait3A_2096 = tpu.memref_squeeze %dma_wait3A_2095 : memref<1x!tpu.dma_semaphore, #tpu.memory_space<semaphore_mem>> -> memref<!tpu.dma_semaphore, #tpu.memory_space<semaphore_mem>>
      %dma_wait3A_2097 = arith.constant 0 : i32
      %dma_wait3A_2098 = tpu.memref_slice %arg5[%dma_wait3A_2089, %dma_wait3A_2097] : memref<12x128xi32, #tpu.memory_space<vmem>> -> memref<1x128xi32, #tpu.memory_space<vmem>>
      %dma_wait3A_2099 = tpu.memref_squeeze %dma_wait3A_2098 : memref<1x128xi32, #tpu.memory_space<vmem>> -> memref<128xi32, #tpu.memory_space<vmem>>
      %dma_wait3A_2100 = tpu.memref_slice %arg3[%add3A_2088] : memref<3276800xi32, #tpu.memory_space<hbm>> -> memref<128xi32, #tpu.memory_space<hbm>>
      tpu.wait_dma2 semaphore(%dma_wait3A_2096 : memref<!tpu.dma_semaphore, #tpu.memory_space<semaphore_mem>>) src(%dma_wait3A_2100 : memref<128xi32, #tpu.memory_space<hbm>>) dst(%dma_wait3A_2099 : memref<128xi32, #tpu.memory_space<vmem>>)
      %dma_start3A_2101 = arith.constant 6 : i32
      %dma_start3A_2102 = arith.constant 0 : i32
      %dma_start3A_2103 = arith.constant 0 : i32
      %dma_start3A_2104 = arith.constant 0 : i32
      %dma_start3A_2105 = arith.constant 0 : i32
      %dma_start3A_2106 = tpu.memref_slice %arg6[%dma_start3A_2102, %dma_start3A_2104, %dma_start3A_2105] : memref<3x256x128xf32, #tpu.memory_space<vmem>> -> memref<1x128x128xf32, #tpu.memory_space<vmem>>
      %dma_start3A_2107 = tpu.memref_squeeze %dma_start3A_2106 : memref<1x128x128xf32, #tpu.memory_space<vmem>> -> memref<128x128xf32, #tpu.memory_space<vmem>>
      %dma_start3A_2108 = arith.constant 0 : i32
      %dma_start3A_2109 = tpu.memref_slice %arg5[%dma_start3A_2101, %dma_start3A_2108] : memref<12x128xi32, #tpu.memory_space<vmem>> -> memref<1x128xi32, #tpu.memory_space<vmem>>
      %dma_start3A_2110 = tpu.memref_squeeze %dma_start3A_2109 : memref<1x128xi32, #tpu.memory_space<vmem>> -> memref<128xi32, #tpu.memory_space<vmem>>
      %dma_start3A_2111 = arith.constant 0 : i32
      %dma_start3A_2112 = arith.constant 0 : i32
      %dma_start3A_2113 = tpu.memref_slice %arg7[%dma_start3A_2111, %dma_start3A_2112] : memref<1000x128xf32, #tpu.memory_space<vmem_shared>> -> memref<1000x128xf32, #tpu.memory_space<vmem_shared>>
      %dma_start3A_2114 = tpu.memref_slice %arg9[%dma_start3A_2103] : memref<3x!tpu.dma_semaphore, #tpu.memory_space<semaphore_mem>> -> memref<1x!tpu.dma_semaphore, #tpu.memory_space<semaphore_mem>>
      %dma_start3A_2115 = tpu.memref_squeeze %dma_start3A_2114 : memref<1x!tpu.dma_semaphore, #tpu.memory_space<semaphore_mem>> -> memref<!tpu.dma_semaphore, #tpu.memory_space<semaphore_mem>>
      tpu.enqueue_indirect_dma source(%dma_start3A_2113 : memref<1000x128xf32, #tpu.memory_space<vmem_shared>>) target(%dma_start3A_2107 : memref<128x128xf32, #tpu.memory_space<vmem>>) offsets(%dma_start3A_2110 : memref<128xi32, #tpu.memory_space<vmem>>) semaphore(%dma_start3A_2115 : memref<!tpu.dma_semaphore, #tpu.memory_space<semaphore_mem>>)
      %dma_start3A_2116 = arith.constant 7 : i32
      %dma_start3A_2117 = arith.constant 0 : i32
      %dma_start3A_2118 = arith.constant 0 : i32
      %dma_start3A_2119 = arith.constant 128 : i32
      %dma_start3A_2120 = arith.constant 0 : i32
      %dma_start3A_2121 = tpu.memref_slice %arg6[%dma_start3A_2117, %dma_start3A_2119, %dma_start3A_2120] : memref<3x256x128xf32, #tpu.memory_space<vmem>> -> memref<1x128x128xf32, #tpu.memory_space<vmem>>
      %dma_start3A_2122 = tpu.memref_squeeze %dma_start3A_2121 : memref<1x128x128xf32, #tpu.memory_space<vmem>> -> memref<128x128xf32, #tpu.memory_space<vmem>>
      %dma_start3A_2123 = arith.constant 0 : i32
      %dma_start3A_2124 = tpu.memref_slice %arg5[%dma_start3A_2116, %dma_start3A_2123] : memref<12x128xi32, #tpu.memory_space<vmem>> -> memref<1x128xi32, #tpu.memory_space<vmem>>
      %dma_start3A_2125 = tpu.memref_squeeze %dma_start3A_2124 : memref<1x128xi32, #tpu.memory_space<vmem>> -> memref<128xi32, #tpu.memory_space<vmem>>
      %dma_start3A_2126 = arith.constant 0 : i32
      %dma_start3A_2127 = arith.constant 0 : i32
      %dma_start3A_2128 = tpu.memref_slice %arg7[%dma_start3A_2126, %dma_start3A_2127] : memref<1000x128xf32, #tpu.memory_space<vmem_shared>> -> memref<1000x128xf32, #tpu.memory_space<vmem_shared>>
      %dma_start3A_2129 = tpu.memref_slice %arg9[%dma_start3A_2118] : memref<3x!tpu.dma_semaphore, #tpu.memory_space<semaphore_mem>> -> memref<1x!tpu.dma_semaphore, #tpu.memory_space<semaphore_mem>>
      %dma_start3A_2130 = tpu.memref_squeeze %dma_start3A_2129 : memref<1x!tpu.dma_semaphore, #tpu.memory_space<semaphore_mem>> -> memref<!tpu.dma_semaphore, #tpu.memory_space<semaphore_mem>>
      tpu.enqueue_indirect_dma source(%dma_start3A_2128 : memref<1000x128xf32, #tpu.memory_space<vmem_shared>>) target(%dma_start3A_2122 : memref<128x128xf32, #tpu.memory_space<vmem>>) offsets(%dma_start3A_2125 : memref<128xi32, #tpu.memory_space<vmem>>) semaphore(%dma_start3A_2130 : memref<!tpu.dma_semaphore, #tpu.memory_space<semaphore_mem>>)
      %add3A_2131 = arith.constant 3 : i32
      %add3A_2132 = arith.addi %add3A_2045, %add3A_2131 : i32
      %lt3A_2133 = arith.constant 400 : i32
      %lt3A_2134 = arith.cmpi slt, %add3A_2132, %lt3A_2133 : i32
      %convert_element_type3A_2135 = arith.extui %lt3A_2134 : i1 to i32
      %cond3A_2136 = arith.constant 0 : i32
      %cond3A_2137 = arith.cmpi ne, %convert_element_type3A_2135, %cond3A_2136 : i32
      scf.if %cond3A_2137 {
        %add3A_2479 = arith.constant 3 : i32
        %add3A_2480 = arith.addi %add3A_2045, %add3A_2479 : i32
        %mul3A_2481 = arith.constant 256 : i32
        %mul3A_2482 = arith.muli %add3A_2480, %mul3A_2481 : i32
        %add3A_2483 = arith.addi %mul3A_2, %mul3A_2482 : i32
        %add3A_2484 = arith.constant 0 : i32
        %add3A_2485 = arith.addi %add3A_2483, %add3A_2484 : i32
        %dma_start3A_2486 = arith.constant 0 : i32
        %dma_start3A_2487 = arith.constant 0 : i32
        %dma_start3A_2488 = arith.constant 0 : i32
        %dma_start3A_2489 = tpu.memref_slice %arg5[%dma_start3A_2486, %dma_start3A_2488] : memref<12x128xi32, #tpu.memory_space<vmem>> -> memref<1x128xi32, #tpu.memory_space<vmem>>
        %dma_start3A_2490 = tpu.memref_squeeze %dma_start3A_2489 : memref<1x128xi32, #tpu.memory_space<vmem>> -> memref<128xi32, #tpu.memory_space<vmem>>
        %dma_start3A_2491 = tpu.memref_slice %arg3[%add3A_2485] : memref<3276800xi32, #tpu.memory_space<hbm>> -> memref<128xi32, #tpu.memory_space<hbm>>
        %dma_start3A_2492 = tpu.memref_slice %arg8[%dma_start3A_2487] : memref<6x!tpu.dma_semaphore, #tpu.memory_space<semaphore_mem>> -> memref<1x!tpu.dma_semaphore, #tpu.memory_space<semaphore_mem>>
        %dma_start3A_2493 = tpu.memref_squeeze %dma_start3A_2492 : memref<1x!tpu.dma_semaphore, #tpu.memory_space<semaphore_mem>> -> memref<!tpu.dma_semaphore, #tpu.memory_space<semaphore_mem>>
        %dma_start3A_2494 = arith.constant 0 : i32
        %dma_start3A_2495 = tpu.memref_slice %arg5[%dma_start3A_2486, %dma_start3A_2494] : memref<12x128xi32, #tpu.memory_space<vmem>> -> memref<1x128xi32, #tpu.memory_space<vmem>>
        %dma_start3A_2496 = tpu.memref_squeeze %dma_start3A_2495 : memref<1x128xi32, #tpu.memory_space<vmem>> -> memref<128xi32, #tpu.memory_space<vmem>>
        %dma_start3A_2497 = tpu.memref_slice %arg3[%add3A_2485] : memref<3276800xi32, #tpu.memory_space<hbm>> -> memref<128xi32, #tpu.memory_space<hbm>>
        tpu.enqueue_dma source(%dma_start3A_2497 : memref<128xi32, #tpu.memory_space<hbm>>) target(%dma_start3A_2496 : memref<128xi32, #tpu.memory_space<vmem>>) target_semaphore(%dma_start3A_2493 : memref<!tpu.dma_semaphore, #tpu.memory_space<semaphore_mem>>)
        %mul3A_2498 = arith.constant 256 : i32
        %mul3A_2499 = arith.muli %add3A_2480, %mul3A_2498 : i32
        %add3A_2500 = arith.addi %mul3A_2, %mul3A_2499 : i32
        %add3A_2501 = arith.constant 128 : i32
        %add3A_2502 = arith.addi %add3A_2500, %add3A_2501 : i32
        %dma_start3A_2503 = arith.constant 1 : i32
        %dma_start3A_2504 = arith.constant 0 : i32
        %dma_start3A_2505 = arith.constant 0 : i32
        %dma_start3A_2506 = tpu.memref_slice %arg5[%dma_start3A_2503, %dma_start3A_2505] : memref<12x128xi32, #tpu.memory_space<vmem>> -> memref<1x128xi32, #tpu.memory_space<vmem>>
        %dma_start3A_2507 = tpu.memref_squeeze %dma_start3A_2506 : memref<1x128xi32, #tpu.memory_space<vmem>> -> memref<128xi32, #tpu.memory_space<vmem>>
        %dma_start3A_2508 = tpu.memref_slice %arg3[%add3A_2502] : memref<3276800xi32, #tpu.memory_space<hbm>> -> memref<128xi32, #tpu.memory_space<hbm>>
        %dma_start3A_2509 = tpu.memref_slice %arg8[%dma_start3A_2504] : memref<6x!tpu.dma_semaphore, #tpu.memory_space<semaphore_mem>> -> memref<1x!tpu.dma_semaphore, #tpu.memory_space<semaphore_mem>>
        %dma_start3A_2510 = tpu.memref_squeeze %dma_start3A_2509 : memref<1x!tpu.dma_semaphore, #tpu.memory_space<semaphore_mem>> -> memref<!tpu.dma_semaphore, #tpu.memory_space<semaphore_mem>>
        %dma_start3A_2511 = arith.constant 0 : i32
        %dma_start3A_2512 = tpu.memref_slice %arg5[%dma_start3A_2503, %dma_start3A_2511] : memref<12x128xi32, #tpu.memory_space<vmem>> -> memref<1x128xi32, #tpu.memory_space<vmem>>
        %dma_start3A_2513 = tpu.memref_squeeze %dma_start3A_2512 : memref<1x128xi32, #tpu.memory_space<vmem>> -> memref<128xi32, #tpu.memory_space<vmem>>
        %dma_start3A_2514 = tpu.memref_slice %arg3[%add3A_2502] : memref<3276800xi32, #tpu.memory_space<hbm>> -> memref<128xi32, #tpu.memory_space<hbm>>
        tpu.enqueue_dma source(%dma_start3A_2514 : memref<128xi32, #tpu.memory_space<hbm>>) target(%dma_start3A_2513 : memref<128xi32, #tpu.memory_space<vmem>>) target_semaphore(%dma_start3A_2510 : memref<!tpu.dma_semaphore, #tpu.memory_space<semaphore_mem>>)
      } else {
      }
      %dma_wait3A_2138 = arith.constant 4 : i32
      %dma_wait3A_2139 = arith.constant 2 : i32
      %dma_wait3A_2140 = arith.constant 2 : i32
      %dma_wait3A_2141 = arith.constant 0 : i32
      %dma_wait3A_2142 = arith.constant 0 : i32
      %dma_wait3A_2143 = tpu.memref_slice %arg6[%dma_wait3A_2139, %dma_wait3A_2141, %dma_wait3A_2142] : memref<3x256x128xf32, #tpu.memory_space<vmem>> -> memref<1x128x128xf32, #tpu.memory_space<vmem>>
      %dma_wait3A_2144 = tpu.memref_squeeze %dma_wait3A_2143 : memref<1x128x128xf32, #tpu.memory_space<vmem>> -> memref<128x128xf32, #tpu.memory_space<vmem>>
      %dma_wait3A_2145 = arith.constant 0 : i32
      %dma_wait3A_2146 = tpu.memref_slice %arg5[%dma_wait3A_2138, %dma_wait3A_2145] : memref<12x128xi32, #tpu.memory_space<vmem>> -> memref<1x128xi32, #tpu.memory_space<vmem>>
      %dma_wait3A_2147 = tpu.memref_squeeze %dma_wait3A_2146 : memref<1x128xi32, #tpu.memory_space<vmem>> -> memref<128xi32, #tpu.memory_space<vmem>>
      %dma_wait3A_2148 = arith.constant 0 : i32
      %dma_wait3A_2149 = arith.constant 0 : i32
      %dma_wait3A_2150 = tpu.memref_slice %arg7[%dma_wait3A_2148, %dma_wait3A_2149] : memref<1000x128xf32, #tpu.memory_space<vmem_shared>> -> memref<1000x128xf32, #tpu.memory_space<vmem_shared>>
      %dma_wait3A_2151 = tpu.memref_slice %arg9[%dma_wait3A_2140] : memref<3x!tpu.dma_semaphore, #tpu.memory_space<semaphore_mem>> -> memref<1x!tpu.dma_semaphore, #tpu.memory_space<semaphore_mem>>
      %dma_wait3A_2152 = tpu.memref_squeeze %dma_wait3A_2151 : memref<1x!tpu.dma_semaphore, #tpu.memory_space<semaphore_mem>> -> memref<!tpu.dma_semaphore, #tpu.memory_space<semaphore_mem>>
      tpu.wait_indirect_dma semaphore(%dma_wait3A_2152 : memref<!tpu.dma_semaphore, #tpu.memory_space<semaphore_mem>>) src(%dma_wait3A_2150 : memref<1000x128xf32, #tpu.memory_space<vmem_shared>>) dst(%dma_wait3A_2144 : memref<128x128xf32, #tpu.memory_space<vmem>>)
      %dma_wait3A_2153 = arith.constant 5 : i32
      %dma_wait3A_2154 = arith.constant 2 : i32
      %dma_wait3A_2155 = arith.constant 2 : i32
      %dma_wait3A_2156 = arith.constant 128 : i32
      %dma_wait3A_2157 = arith.constant 0 : i32
      %dma_wait3A_2158 = tpu.memref_slice %arg6[%dma_wait3A_2154, %dma_wait3A_2156, %dma_wait3A_2157] : memref<3x256x128xf32, #tpu.memory_space<vmem>> -> memref<1x128x128xf32, #tpu.memory_space<vmem>>
      %dma_wait3A_2159 = tpu.memref_squeeze %dma_wait3A_2158 : memref<1x128x128xf32, #tpu.memory_space<vmem>> -> memref<128x128xf32, #tpu.memory_space<vmem>>
      %dma_wait3A_2160 = arith.constant 0 : i32
      %dma_wait3A_2161 = tpu.memref_slice %arg5[%dma_wait3A_2153, %dma_wait3A_2160] : memref<12x128xi32, #tpu.memory_space<vmem>> -> memref<1x128xi32, #tpu.memory_space<vmem>>
      %dma_wait3A_2162 = tpu.memref_squeeze %dma_wait3A_2161 : memref<1x128xi32, #tpu.memory_space<vmem>> -> memref<128xi32, #tpu.memory_space<vmem>>
      %dma_wait3A_2163 = arith.constant 0 : i32
      %dma_wait3A_2164 = arith.constant 0 : i32
      %dma_wait3A_2165 = tpu.memref_slice %arg7[%dma_wait3A_2163, %dma_wait3A_2164] : memref<1000x128xf32, #tpu.memory_space<vmem_shared>> -> memref<1000x128xf32, #tpu.memory_space<vmem_shared>>
      %dma_wait3A_2166 = tpu.memref_slice %arg9[%dma_wait3A_2155] : memref<3x!tpu.dma_semaphore, #tpu.memory_space<semaphore_mem>> -> memref<1x!tpu.dma_semaphore, #tpu.memory_space<semaphore_mem>>
      %dma_wait3A_2167 = tpu.memref_squeeze %dma_wait3A_2166 : memref<1x!tpu.dma_semaphore, #tpu.memory_space<semaphore_mem>> -> memref<!tpu.dma_semaphore, #tpu.memory_space<semaphore_mem>>
      tpu.wait_indirect_dma semaphore(%dma_wait3A_2167 : memref<!tpu.dma_semaphore, #tpu.memory_space<semaphore_mem>>) src(%dma_wait3A_2165 : memref<1000x128xf32, #tpu.memory_space<vmem_shared>>) dst(%dma_wait3A_2159 : memref<128x128xf32, #tpu.memory_space<vmem>>)
      %sub3A_2168 = arith.constant 1 : i32
      %sub3A_2169 = arith.subi %add3A_2045, %sub3A_2168 : i32
      %mul3A_2170 = arith.constant 256 : i32
      %mul3A_2171 = arith.muli %sub3A_2169, %mul3A_2170 : i32
      %add3A_2172 = arith.addi %mul3A_2, %mul3A_2171 : i32
      %dma_start3A_2173 = arith.constant 2 : i32
      %dma_start3A_2174 = arith.constant 2 : i32
      %dma_start3A_2175 = arith.constant 0 : i32
      %dma_start3A_2176 = arith.constant 0 : i32
      %dma_start3A_2177 = tpu.memref_slice %arg6[%dma_start3A_2173, %dma_start3A_2175, %dma_start3A_2176] : memref<3x256x128xf32, #tpu.memory_space<vmem>> -> memref<1x256x128xf32, #tpu.memory_space<vmem>>
      %dma_start3A_2178 = tpu.memref_squeeze %dma_start3A_2177 : memref<1x256x128xf32, #tpu.memory_space<vmem>> -> memref<256x128xf32, #tpu.memory_space<vmem>>
      %dma_start3A_2179 = arith.constant 0 : i32
      %dma_start3A_2180 = tpu.memref_slice %arg4[%add3A_2172, %dma_start3A_2179] : memref<3276800x128xf32, #tpu.memory_space<hbm>> -> memref<256x128xf32, #tpu.memory_space<hbm>>
      %dma_start3A_2181 = tpu.memref_slice %arg10[%dma_start3A_2174] : memref<3x!tpu.dma_semaphore, #tpu.memory_space<semaphore_mem>> -> memref<1x!tpu.dma_semaphore, #tpu.memory_space<semaphore_mem>>
      %dma_start3A_2182 = tpu.memref_squeeze %dma_start3A_2181 : memref<1x!tpu.dma_semaphore, #tpu.memory_space<semaphore_mem>> -> memref<!tpu.dma_semaphore, #tpu.memory_space<semaphore_mem>>
      %dma_start3A_2183 = arith.constant 0 : i32
      %dma_start3A_2184 = tpu.memref_slice %arg4[%add3A_2172, %dma_start3A_2183] : memref<3276800x128xf32, #tpu.memory_space<hbm>> -> memref<256x128xf32, #tpu.memory_space<hbm>>
      %dma_start3A_2185 = arith.constant 0 : i32
      %dma_start3A_2186 = arith.constant 0 : i32
      %dma_start3A_2187 = tpu.memref_slice %arg6[%dma_start3A_2173, %dma_start3A_2185, %dma_start3A_2186] : memref<3x256x128xf32, #tpu.memory_space<vmem>> -> memref<1x256x128xf32, #tpu.memory_space<vmem>>
      %dma_start3A_2188 = tpu.memref_squeeze %dma_start3A_2187 : memref<1x256x128xf32, #tpu.memory_space<vmem>> -> memref<256x128xf32, #tpu.memory_space<vmem>>
      tpu.enqueue_dma source(%dma_start3A_2188 : memref<256x128xf32, #tpu.memory_space<vmem>>) target(%dma_start3A_2184 : memref<256x128xf32, #tpu.memory_space<hbm>>) target_semaphore(%dma_start3A_2182 : memref<!tpu.dma_semaphore, #tpu.memory_space<semaphore_mem>>)
      %add3A_2189 = arith.constant 4 : i32
      %add3A_2190 = arith.addi %mul3A_1610, %add3A_2189 : i32
      %sub3A_2191 = arith.constant 3 : i32
      %sub3A_2192 = arith.subi %add3A_2190, %sub3A_2191 : i32
      %mul3A_2193 = arith.constant 256 : i32
      %mul3A_2194 = arith.muli %sub3A_2192, %mul3A_2193 : i32
      %add3A_2195 = arith.addi %mul3A_2, %mul3A_2194 : i32
      %dma_wait3A_2196 = arith.constant 1 : i32
      %dma_wait3A_2197 = arith.constant 1 : i32
      %dma_wait3A_2198 = arith.constant 0 : i32
      %dma_wait3A_2199 = arith.constant 0 : i32
      %dma_wait3A_2200 = tpu.memref_slice %arg6[%dma_wait3A_2196, %dma_wait3A_2198, %dma_wait3A_2199] : memref<3x256x128xf32, #tpu.memory_space<vmem>> -> memref<1x256x128xf32, #tpu.memory_space<vmem>>
      %dma_wait3A_2201 = tpu.memref_squeeze %dma_wait3A_2200 : memref<1x256x128xf32, #tpu.memory_space<vmem>> -> memref<256x128xf32, #tpu.memory_space<vmem>>
      %dma_wait3A_2202 = arith.constant 0 : i32
      %dma_wait3A_2203 = tpu.memref_slice %arg4[%add3A_2195, %dma_wait3A_2202] : memref<3276800x128xf32, #tpu.memory_space<hbm>> -> memref<256x128xf32, #tpu.memory_space<hbm>>
      %dma_wait3A_2204 = tpu.memref_slice %arg10[%dma_wait3A_2197] : memref<3x!tpu.dma_semaphore, #tpu.memory_space<semaphore_mem>> -> memref<1x!tpu.dma_semaphore, #tpu.memory_space<semaphore_mem>>
      %dma_wait3A_2205 = tpu.memref_squeeze %dma_wait3A_2204 : memref<1x!tpu.dma_semaphore, #tpu.memory_space<semaphore_mem>> -> memref<!tpu.dma_semaphore, #tpu.memory_space<semaphore_mem>>
      %dma_wait3A_2206 = arith.constant 0 : i32
      %dma_wait3A_2207 = tpu.memref_slice %arg4[%add3A_2195, %dma_wait3A_2206] : memref<3276800x128xf32, #tpu.memory_space<hbm>> -> memref<256x128xf32, #tpu.memory_space<hbm>>
      %dma_wait3A_2208 = arith.constant 0 : i32
      %dma_wait3A_2209 = arith.constant 0 : i32
      %dma_wait3A_2210 = tpu.memref_slice %arg6[%dma_wait3A_2196, %dma_wait3A_2208, %dma_wait3A_2209] : memref<3x256x128xf32, #tpu.memory_space<vmem>> -> memref<1x256x128xf32, #tpu.memory_space<vmem>>
      %dma_wait3A_2211 = tpu.memref_squeeze %dma_wait3A_2210 : memref<1x256x128xf32, #tpu.memory_space<vmem>> -> memref<256x128xf32, #tpu.memory_space<vmem>>
      tpu.wait_dma2 semaphore(%dma_wait3A_2205 : memref<!tpu.dma_semaphore, #tpu.memory_space<semaphore_mem>>) src(%dma_wait3A_2211 : memref<256x128xf32, #tpu.memory_space<vmem>>) dst(%dma_wait3A_2207 : memref<256x128xf32, #tpu.memory_space<hbm>>)
      %mul3A_2212 = arith.constant 256 : i32
      %mul3A_2213 = arith.muli %add3A_2190, %mul3A_2212 : i32
      %add3A_2214 = arith.addi %mul3A_2, %mul3A_2213 : i32
      %add3A_2215 = arith.constant 0 : i32
      %add3A_2216 = arith.addi %add3A_2214, %add3A_2215 : i32
      %dma_wait3A_2217 = arith.constant 8 : i32
      %dma_wait3A_2218 = arith.constant 4 : i32
      %dma_wait3A_2219 = arith.constant 0 : i32
      %dma_wait3A_2220 = tpu.memref_slice %arg5[%dma_wait3A_2217, %dma_wait3A_2219] : memref<12x128xi32, #tpu.memory_space<vmem>> -> memref<1x128xi32, #tpu.memory_space<vmem>>
      %dma_wait3A_2221 = tpu.memref_squeeze %dma_wait3A_2220 : memref<1x128xi32, #tpu.memory_space<vmem>> -> memref<128xi32, #tpu.memory_space<vmem>>
      %dma_wait3A_2222 = tpu.memref_slice %arg3[%add3A_2216] : memref<3276800xi32, #tpu.memory_space<hbm>> -> memref<128xi32, #tpu.memory_space<hbm>>
      %dma_wait3A_2223 = tpu.memref_slice %arg8[%dma_wait3A_2218] : memref<6x!tpu.dma_semaphore, #tpu.memory_space<semaphore_mem>> -> memref<1x!tpu.dma_semaphore, #tpu.memory_space<semaphore_mem>>
      %dma_wait3A_2224 = tpu.memref_squeeze %dma_wait3A_2223 : memref<1x!tpu.dma_semaphore, #tpu.memory_space<semaphore_mem>> -> memref<!tpu.dma_semaphore, #tpu.memory_space<semaphore_mem>>
      %dma_wait3A_2225 = arith.constant 0 : i32
      %dma_wait3A_2226 = tpu.memref_slice %arg5[%dma_wait3A_2217, %dma_wait3A_2225] : memref<12x128xi32, #tpu.memory_space<vmem>> -> memref<1x128xi32, #tpu.memory_space<vmem>>
      %dma_wait3A_2227 = tpu.memref_squeeze %dma_wait3A_2226 : memref<1x128xi32, #tpu.memory_space<vmem>> -> memref<128xi32, #tpu.memory_space<vmem>>
      %dma_wait3A_2228 = tpu.memref_slice %arg3[%add3A_2216] : memref<3276800xi32, #tpu.memory_space<hbm>> -> memref<128xi32, #tpu.memory_space<hbm>>
      tpu.wait_dma2 semaphore(%dma_wait3A_2224 : memref<!tpu.dma_semaphore, #tpu.memory_space<semaphore_mem>>) src(%dma_wait3A_2228 : memref<128xi32, #tpu.memory_space<hbm>>) dst(%dma_wait3A_2227 : memref<128xi32, #tpu.memory_space<vmem>>)
      %mul3A_2229 = arith.constant 256 : i32
      %mul3A_2230 = arith.muli %add3A_2190, %mul3A_2229 : i32
      %add3A_2231 = arith.addi %mul3A_2, %mul3A_2230 : i32
      %add3A_2232 = arith.constant 128 : i32
      %add3A_2233 = arith.addi %add3A_2231, %add3A_2232 : i32
      %dma_wait3A_2234 = arith.constant 9 : i32
      %dma_wait3A_2235 = arith.constant 4 : i32
      %dma_wait3A_2236 = arith.constant 0 : i32
      %dma_wait3A_2237 = tpu.memref_slice %arg5[%dma_wait3A_2234, %dma_wait3A_2236] : memref<12x128xi32, #tpu.memory_space<vmem>> -> memref<1x128xi32, #tpu.memory_space<vmem>>
      %dma_wait3A_2238 = tpu.memref_squeeze %dma_wait3A_2237 : memref<1x128xi32, #tpu.memory_space<vmem>> -> memref<128xi32, #tpu.memory_space<vmem>>
      %dma_wait3A_2239 = tpu.memref_slice %arg3[%add3A_2233] : memref<3276800xi32, #tpu.memory_space<hbm>> -> memref<128xi32, #tpu.memory_space<hbm>>
      %dma_wait3A_2240 = tpu.memref_slice %arg8[%dma_wait3A_2235] : memref<6x!tpu.dma_semaphore, #tpu.memory_space<semaphore_mem>> -> memref<1x!tpu.dma_semaphore, #tpu.memory_space<semaphore_mem>>
      %dma_wait3A_2241 = tpu.memref_squeeze %dma_wait3A_2240 : memref<1x!tpu.dma_semaphore, #tpu.memory_space<semaphore_mem>> -> memref<!tpu.dma_semaphore, #tpu.memory_space<semaphore_mem>>
      %dma_wait3A_2242 = arith.constant 0 : i32
      %dma_wait3A_2243 = tpu.memref_slice %arg5[%dma_wait3A_2234, %dma_wait3A_2242] : memref<12x128xi32, #tpu.memory_space<vmem>> -> memref<1x128xi32, #tpu.memory_space<vmem>>
      %dma_wait3A_2244 = tpu.memref_squeeze %dma_wait3A_2243 : memref<1x128xi32, #tpu.memory_space<vmem>> -> memref<128xi32, #tpu.memory_space<vmem>>
      %dma_wait3A_2245 = tpu.memref_slice %arg3[%add3A_2233] : memref<3276800xi32, #tpu.memory_space<hbm>> -> memref<128xi32, #tpu.memory_space<hbm>>
      tpu.wait_dma2 semaphore(%dma_wait3A_2241 : memref<!tpu.dma_semaphore, #tpu.memory_space<semaphore_mem>>) src(%dma_wait3A_2245 : memref<128xi32, #tpu.memory_space<hbm>>) dst(%dma_wait3A_2244 : memref<128xi32, #tpu.memory_space<vmem>>)
      %dma_start3A_2246 = arith.constant 8 : i32
      %dma_start3A_2247 = arith.constant 1 : i32
      %dma_start3A_2248 = arith.constant 1 : i32
      %dma_start3A_2249 = arith.constant 0 : i32
      %dma_start3A_2250 = arith.constant 0 : i32
      %dma_start3A_2251 = tpu.memref_slice %arg6[%dma_start3A_2247, %dma_start3A_2249, %dma_start3A_2250] : memref<3x256x128xf32, #tpu.memory_space<vmem>> -> memref<1x128x128xf32, #tpu.memory_space<vmem>>
      %dma_start3A_2252 = tpu.memref_squeeze %dma_start3A_2251 : memref<1x128x128xf32, #tpu.memory_space<vmem>> -> memref<128x128xf32, #tpu.memory_space<vmem>>
      %dma_start3A_2253 = arith.constant 0 : i32
      %dma_start3A_2254 = tpu.memref_slice %arg5[%dma_start3A_2246, %dma_start3A_2253] : memref<12x128xi32, #tpu.memory_space<vmem>> -> memref<1x128xi32, #tpu.memory_space<vmem>>
      %dma_start3A_2255 = tpu.memref_squeeze %dma_start3A_2254 : memref<1x128xi32, #tpu.memory_space<vmem>> -> memref<128xi32, #tpu.memory_space<vmem>>
      %dma_start3A_2256 = arith.constant 0 : i32
      %dma_start3A_2257 = arith.constant 0 : i32
      %dma_start3A_2258 = tpu.memref_slice %arg7[%dma_start3A_2256, %dma_start3A_2257] : memref<1000x128xf32, #tpu.memory_space<vmem_shared>> -> memref<1000x128xf32, #tpu.memory_space<vmem_shared>>
      %dma_start3A_2259 = tpu.memref_slice %arg9[%dma_start3A_2248] : memref<3x!tpu.dma_semaphore, #tpu.memory_space<semaphore_mem>> -> memref<1x!tpu.dma_semaphore, #tpu.memory_space<semaphore_mem>>
      %dma_start3A_2260 = tpu.memref_squeeze %dma_start3A_2259 : memref<1x!tpu.dma_semaphore, #tpu.memory_space<semaphore_mem>> -> memref<!tpu.dma_semaphore, #tpu.memory_space<semaphore_mem>>
      tpu.enqueue_indirect_dma source(%dma_start3A_2258 : memref<1000x128xf32, #tpu.memory_space<vmem_shared>>) target(%dma_start3A_2252 : memref<128x128xf32, #tpu.memory_space<vmem>>) offsets(%dma_start3A_2255 : memref<128xi32, #tpu.memory_space<vmem>>) semaphore(%dma_start3A_2260 : memref<!tpu.dma_semaphore, #tpu.memory_space<semaphore_mem>>)
      %dma_start3A_2261 = arith.constant 9 : i32
      %dma_start3A_2262 = arith.constant 1 : i32
      %dma_start3A_2263 = arith.constant 1 : i32
      %dma_start3A_2264 = arith.constant 128 : i32
      %dma_start3A_2265 = arith.constant 0 : i32
      %dma_start3A_2266 = tpu.memref_slice %arg6[%dma_start3A_2262, %dma_start3A_2264, %dma_start3A_2265] : memref<3x256x128xf32, #tpu.memory_space<vmem>> -> memref<1x128x128xf32, #tpu.memory_space<vmem>>
      %dma_start3A_2267 = tpu.memref_squeeze %dma_start3A_2266 : memref<1x128x128xf32, #tpu.memory_space<vmem>> -> memref<128x128xf32, #tpu.memory_space<vmem>>
      %dma_start3A_2268 = arith.constant 0 : i32
      %dma_start3A_2269 = tpu.memref_slice %arg5[%dma_start3A_2261, %dma_start3A_2268] : memref<12x128xi32, #tpu.memory_space<vmem>> -> memref<1x128xi32, #tpu.memory_space<vmem>>
      %dma_start3A_2270 = tpu.memref_squeeze %dma_start3A_2269 : memref<1x128xi32, #tpu.memory_space<vmem>> -> memref<128xi32, #tpu.memory_space<vmem>>
      %dma_start3A_2271 = arith.constant 0 : i32
      %dma_start3A_2272 = arith.constant 0 : i32
      %dma_start3A_2273 = tpu.memref_slice %arg7[%dma_start3A_2271, %dma_start3A_2272] : memref<1000x128xf32, #tpu.memory_space<vmem_shared>> -> memref<1000x128xf32, #tpu.memory_space<vmem_shared>>
      %dma_start3A_2274 = tpu.memref_slice %arg9[%dma_start3A_2263] : memref<3x!tpu.dma_semaphore, #tpu.memory_space<semaphore_mem>> -> memref<1x!tpu.dma_semaphore, #tpu.memory_space<semaphore_mem>>
      %dma_start3A_2275 = tpu.memref_squeeze %dma_start3A_2274 : memref<1x!tpu.dma_semaphore, #tpu.memory_space<semaphore_mem>> -> memref<!tpu.dma_semaphore, #tpu.memory_space<semaphore_mem>>
      tpu.enqueue_indirect_dma source(%dma_start3A_2273 : memref<1000x128xf32, #tpu.memory_space<vmem_shared>>) target(%dma_start3A_2267 : memref<128x128xf32, #tpu.memory_space<vmem>>) offsets(%dma_start3A_2270 : memref<128xi32, #tpu.memory_space<vmem>>) semaphore(%dma_start3A_2275 : memref<!tpu.dma_semaphore, #tpu.memory_space<semaphore_mem>>)
      %add3A_2276 = arith.constant 3 : i32
      %add3A_2277 = arith.addi %add3A_2190, %add3A_2276 : i32
      %lt3A_2278 = arith.constant 400 : i32
      %lt3A_2279 = arith.cmpi slt, %add3A_2277, %lt3A_2278 : i32
      %convert_element_type3A_2280 = arith.extui %lt3A_2279 : i1 to i32
      %cond3A_2281 = arith.constant 0 : i32
      %cond3A_2282 = arith.cmpi ne, %convert_element_type3A_2280, %cond3A_2281 : i32
      scf.if %cond3A_2282 {
        %add3A_2479 = arith.constant 3 : i32
        %add3A_2480 = arith.addi %add3A_2190, %add3A_2479 : i32
        %mul3A_2481 = arith.constant 256 : i32
        %mul3A_2482 = arith.muli %add3A_2480, %mul3A_2481 : i32
        %add3A_2483 = arith.addi %mul3A_2, %mul3A_2482 : i32
        %add3A_2484 = arith.constant 0 : i32
        %add3A_2485 = arith.addi %add3A_2483, %add3A_2484 : i32
        %dma_start3A_2486 = arith.constant 2 : i32
        %dma_start3A_2487 = arith.constant 1 : i32
        %dma_start3A_2488 = arith.constant 0 : i32
        %dma_start3A_2489 = tpu.memref_slice %arg5[%dma_start3A_2486, %dma_start3A_2488] : memref<12x128xi32, #tpu.memory_space<vmem>> -> memref<1x128xi32, #tpu.memory_space<vmem>>
        %dma_start3A_2490 = tpu.memref_squeeze %dma_start3A_2489 : memref<1x128xi32, #tpu.memory_space<vmem>> -> memref<128xi32, #tpu.memory_space<vmem>>
        %dma_start3A_2491 = tpu.memref_slice %arg3[%add3A_2485] : memref<3276800xi32, #tpu.memory_space<hbm>> -> memref<128xi32, #tpu.memory_space<hbm>>
        %dma_start3A_2492 = tpu.memref_slice %arg8[%dma_start3A_2487] : memref<6x!tpu.dma_semaphore, #tpu.memory_space<semaphore_mem>> -> memref<1x!tpu.dma_semaphore, #tpu.memory_space<semaphore_mem>>
        %dma_start3A_2493 = tpu.memref_squeeze %dma_start3A_2492 : memref<1x!tpu.dma_semaphore, #tpu.memory_space<semaphore_mem>> -> memref<!tpu.dma_semaphore, #tpu.memory_space<semaphore_mem>>
        %dma_start3A_2494 = arith.constant 0 : i32
        %dma_start3A_2495 = tpu.memref_slice %arg5[%dma_start3A_2486, %dma_start3A_2494] : memref<12x128xi32, #tpu.memory_space<vmem>> -> memref<1x128xi32, #tpu.memory_space<vmem>>
        %dma_start3A_2496 = tpu.memref_squeeze %dma_start3A_2495 : memref<1x128xi32, #tpu.memory_space<vmem>> -> memref<128xi32, #tpu.memory_space<vmem>>
        %dma_start3A_2497 = tpu.memref_slice %arg3[%add3A_2485] : memref<3276800xi32, #tpu.memory_space<hbm>> -> memref<128xi32, #tpu.memory_space<hbm>>
        tpu.enqueue_dma source(%dma_start3A_2497 : memref<128xi32, #tpu.memory_space<hbm>>) target(%dma_start3A_2496 : memref<128xi32, #tpu.memory_space<vmem>>) target_semaphore(%dma_start3A_2493 : memref<!tpu.dma_semaphore, #tpu.memory_space<semaphore_mem>>)
        %mul3A_2498 = arith.constant 256 : i32
        %mul3A_2499 = arith.muli %add3A_2480, %mul3A_2498 : i32
        %add3A_2500 = arith.addi %mul3A_2, %mul3A_2499 : i32
        %add3A_2501 = arith.constant 128 : i32
        %add3A_2502 = arith.addi %add3A_2500, %add3A_2501 : i32
        %dma_start3A_2503 = arith.constant 3 : i32
        %dma_start3A_2504 = arith.constant 1 : i32
        %dma_start3A_2505 = arith.constant 0 : i32
        %dma_start3A_2506 = tpu.memref_slice %arg5[%dma_start3A_2503, %dma_start3A_2505] : memref<12x128xi32, #tpu.memory_space<vmem>> -> memref<1x128xi32, #tpu.memory_space<vmem>>
        %dma_start3A_2507 = tpu.memref_squeeze %dma_start3A_2506 : memref<1x128xi32, #tpu.memory_space<vmem>> -> memref<128xi32, #tpu.memory_space<vmem>>
        %dma_start3A_2508 = tpu.memref_slice %arg3[%add3A_2502] : memref<3276800xi32, #tpu.memory_space<hbm>> -> memref<128xi32, #tpu.memory_space<hbm>>
        %dma_start3A_2509 = tpu.memref_slice %arg8[%dma_start3A_2504] : memref<6x!tpu.dma_semaphore, #tpu.memory_space<semaphore_mem>> -> memref<1x!tpu.dma_semaphore, #tpu.memory_space<semaphore_mem>>
        %dma_start3A_2510 = tpu.memref_squeeze %dma_start3A_2509 : memref<1x!tpu.dma_semaphore, #tpu.memory_space<semaphore_mem>> -> memref<!tpu.dma_semaphore, #tpu.memory_space<semaphore_mem>>
        %dma_start3A_2511 = arith.constant 0 : i32
        %dma_start3A_2512 = tpu.memref_slice %arg5[%dma_start3A_2503, %dma_start3A_2511] : memref<12x128xi32, #tpu.memory_space<vmem>> -> memref<1x128xi32, #tpu.memory_space<vmem>>
        %dma_start3A_2513 = tpu.memref_squeeze %dma_start3A_2512 : memref<1x128xi32, #tpu.memory_space<vmem>> -> memref<128xi32, #tpu.memory_space<vmem>>
        %dma_start3A_2514 = tpu.memref_slice %arg3[%add3A_2502] : memref<3276800xi32, #tpu.memory_space<hbm>> -> memref<128xi32, #tpu.memory_space<hbm>>
        tpu.enqueue_dma source(%dma_start3A_2514 : memref<128xi32, #tpu.memory_space<hbm>>) target(%dma_start3A_2513 : memref<128xi32, #tpu.memory_space<vmem>>) target_semaphore(%dma_start3A_2510 : memref<!tpu.dma_semaphore, #tpu.memory_space<semaphore_mem>>)
      } else {
      }
      %dma_wait3A_2283 = arith.constant 6 : i32
      %dma_wait3A_2284 = arith.constant 0 : i32
      %dma_wait3A_2285 = arith.constant 0 : i32
      %dma_wait3A_2286 = arith.constant 0 : i32
      %dma_wait3A_2287 = arith.constant 0 : i32
      %dma_wait3A_2288 = tpu.memref_slice %arg6[%dma_wait3A_2284, %dma_wait3A_2286, %dma_wait3A_2287] : memref<3x256x128xf32, #tpu.memory_space<vmem>> -> memref<1x128x128xf32, #tpu.memory_space<vmem>>
      %dma_wait3A_2289 = tpu.memref_squeeze %dma_wait3A_2288 : memref<1x128x128xf32, #tpu.memory_space<vmem>> -> memref<128x128xf32, #tpu.memory_space<vmem>>
      %dma_wait3A_2290 = arith.constant 0 : i32
      %dma_wait3A_2291 = tpu.memref_slice %arg5[%dma_wait3A_2283, %dma_wait3A_2290] : memref<12x128xi32, #tpu.memory_space<vmem>> -> memref<1x128xi32, #tpu.memory_space<vmem>>
      %dma_wait3A_2292 = tpu.memref_squeeze %dma_wait3A_2291 : memref<1x128xi32, #tpu.memory_space<vmem>> -> memref<128xi32, #tpu.memory_space<vmem>>
      %dma_wait3A_2293 = arith.constant 0 : i32
      %dma_wait3A_2294 = arith.constant 0 : i32
      %dma_wait3A_2295 = tpu.memref_slice %arg7[%dma_wait3A_2293, %dma_wait3A_2294] : memref<1000x128xf32, #tpu.memory_space<vmem_shared>> -> memref<1000x128xf32, #tpu.memory_space<vmem_shared>>
      %dma_wait3A_2296 = tpu.memref_slice %arg9[%dma_wait3A_2285] : memref<3x!tpu.dma_semaphore, #tpu.memory_space<semaphore_mem>> -> memref<1x!tpu.dma_semaphore, #tpu.memory_space<semaphore_mem>>
      %dma_wait3A_2297 = tpu.memref_squeeze %dma_wait3A_2296 : memref<1x!tpu.dma_semaphore, #tpu.memory_space<semaphore_mem>> -> memref<!tpu.dma_semaphore, #tpu.memory_space<semaphore_mem>>
      tpu.wait_indirect_dma semaphore(%dma_wait3A_2297 : memref<!tpu.dma_semaphore, #tpu.memory_space<semaphore_mem>>) src(%dma_wait3A_2295 : memref<1000x128xf32, #tpu.memory_space<vmem_shared>>) dst(%dma_wait3A_2289 : memref<128x128xf32, #tpu.memory_space<vmem>>)
      %dma_wait3A_2298 = arith.constant 7 : i32
      %dma_wait3A_2299 = arith.constant 0 : i32
      %dma_wait3A_2300 = arith.constant 0 : i32
      %dma_wait3A_2301 = arith.constant 128 : i32
      %dma_wait3A_2302 = arith.constant 0 : i32
      %dma_wait3A_2303 = tpu.memref_slice %arg6[%dma_wait3A_2299, %dma_wait3A_2301, %dma_wait3A_2302] : memref<3x256x128xf32, #tpu.memory_space<vmem>> -> memref<1x128x128xf32, #tpu.memory_space<vmem>>
      %dma_wait3A_2304 = tpu.memref_squeeze %dma_wait3A_2303 : memref<1x128x128xf32, #tpu.memory_space<vmem>> -> memref<128x128xf32, #tpu.memory_space<vmem>>
      %dma_wait3A_2305 = arith.constant 0 : i32
      %dma_wait3A_2306 = tpu.memref_slice %arg5[%dma_wait3A_2298, %dma_wait3A_2305] : memref<12x128xi32, #tpu.memory_space<vmem>> -> memref<1x128xi32, #tpu.memory_space<vmem>>
      %dma_wait3A_2307 = tpu.memref_squeeze %dma_wait3A_2306 : memref<1x128xi32, #tpu.memory_space<vmem>> -> memref<128xi32, #tpu.memory_space<vmem>>
      %dma_wait3A_2308 = arith.constant 0 : i32
      %dma_wait3A_2309 = arith.constant 0 : i32
      %dma_wait3A_2310 = tpu.memref_slice %arg7[%dma_wait3A_2308, %dma_wait3A_2309] : memref<1000x128xf32, #tpu.memory_space<vmem_shared>> -> memref<1000x128xf32, #tpu.memory_space<vmem_shared>>
      %dma_wait3A_2311 = tpu.memref_slice %arg9[%dma_wait3A_2300] : memref<3x!tpu.dma_semaphore, #tpu.memory_space<semaphore_mem>> -> memref<1x!tpu.dma_semaphore, #tpu.memory_space<semaphore_mem>>
      %dma_wait3A_2312 = tpu.memref_squeeze %dma_wait3A_2311 : memref<1x!tpu.dma_semaphore, #tpu.memory_space<semaphore_mem>> -> memref<!tpu.dma_semaphore, #tpu.memory_space<semaphore_mem>>
      tpu.wait_indirect_dma semaphore(%dma_wait3A_2312 : memref<!tpu.dma_semaphore, #tpu.memory_space<semaphore_mem>>) src(%dma_wait3A_2310 : memref<1000x128xf32, #tpu.memory_space<vmem_shared>>) dst(%dma_wait3A_2304 : memref<128x128xf32, #tpu.memory_space<vmem>>)
      %sub3A_2313 = arith.constant 1 : i32
      %sub3A_2314 = arith.subi %add3A_2190, %sub3A_2313 : i32
      %mul3A_2315 = arith.constant 256 : i32
      %mul3A_2316 = arith.muli %sub3A_2314, %mul3A_2315 : i32
      %add3A_2317 = arith.addi %mul3A_2, %mul3A_2316 : i32
      %dma_start3A_2318 = arith.constant 0 : i32
      %dma_start3A_2319 = arith.constant 0 : i32
      %dma_start3A_2320 = arith.constant 0 : i32
      %dma_start3A_2321 = arith.constant 0 : i32
      %dma_start3A_2322 = tpu.memref_slice %arg6[%dma_start3A_2318, %dma_start3A_2320, %dma_start3A_2321] : memref<3x256x128xf32, #tpu.memory_space<vmem>> -> memref<1x256x128xf32, #tpu.memory_space<vmem>>
      %dma_start3A_2323 = tpu.memref_squeeze %dma_start3A_2322 : memref<1x256x128xf32, #tpu.memory_space<vmem>> -> memref<256x128xf32, #tpu.memory_space<vmem>>
      %dma_start3A_2324 = arith.constant 0 : i32
      %dma_start3A_2325 = tpu.memref_slice %arg4[%add3A_2317, %dma_start3A_2324] : memref<3276800x128xf32, #tpu.memory_space<hbm>> -> memref<256x128xf32, #tpu.memory_space<hbm>>
      %dma_start3A_2326 = tpu.memref_slice %arg10[%dma_start3A_2319] : memref<3x!tpu.dma_semaphore, #tpu.memory_space<semaphore_mem>> -> memref<1x!tpu.dma_semaphore, #tpu.memory_space<semaphore_mem>>
      %dma_start3A_2327 = tpu.memref_squeeze %dma_start3A_2326 : memref<1x!tpu.dma_semaphore, #tpu.memory_space<semaphore_mem>> -> memref<!tpu.dma_semaphore, #tpu.memory_space<semaphore_mem>>
      %dma_start3A_2328 = arith.constant 0 : i32
      %dma_start3A_2329 = tpu.memref_slice %arg4[%add3A_2317, %dma_start3A_2328] : memref<3276800x128xf32, #tpu.memory_space<hbm>> -> memref<256x128xf32, #tpu.memory_space<hbm>>
      %dma_start3A_2330 = arith.constant 0 : i32
      %dma_start3A_2331 = arith.constant 0 : i32
      %dma_start3A_2332 = tpu.memref_slice %arg6[%dma_start3A_2318, %dma_start3A_2330, %dma_start3A_2331] : memref<3x256x128xf32, #tpu.memory_space<vmem>> -> memref<1x256x128xf32, #tpu.memory_space<vmem>>
      %dma_start3A_2333 = tpu.memref_squeeze %dma_start3A_2332 : memref<1x256x128xf32, #tpu.memory_space<vmem>> -> memref<256x128xf32, #tpu.memory_space<vmem>>
      tpu.enqueue_dma source(%dma_start3A_2333 : memref<256x128xf32, #tpu.memory_space<vmem>>) target(%dma_start3A_2329 : memref<256x128xf32, #tpu.memory_space<hbm>>) target_semaphore(%dma_start3A_2327 : memref<!tpu.dma_semaphore, #tpu.memory_space<semaphore_mem>>)
      %add3A_2334 = arith.constant 5 : i32
      %add3A_2335 = arith.addi %mul3A_1610, %add3A_2334 : i32
      %sub3A_2336 = arith.constant 3 : i32
      %sub3A_2337 = arith.subi %add3A_2335, %sub3A_2336 : i32
      %mul3A_2338 = arith.constant 256 : i32
      %mul3A_2339 = arith.muli %sub3A_2337, %mul3A_2338 : i32
      %add3A_2340 = arith.addi %mul3A_2, %mul3A_2339 : i32
      %dma_wait3A_2341 = arith.constant 2 : i32
      %dma_wait3A_2342 = arith.constant 2 : i32
      %dma_wait3A_2343 = arith.constant 0 : i32
      %dma_wait3A_2344 = arith.constant 0 : i32
      %dma_wait3A_2345 = tpu.memref_slice %arg6[%dma_wait3A_2341, %dma_wait3A_2343, %dma_wait3A_2344] : memref<3x256x128xf32, #tpu.memory_space<vmem>> -> memref<1x256x128xf32, #tpu.memory_space<vmem>>
      %dma_wait3A_2346 = tpu.memref_squeeze %dma_wait3A_2345 : memref<1x256x128xf32, #tpu.memory_space<vmem>> -> memref<256x128xf32, #tpu.memory_space<vmem>>
      %dma_wait3A_2347 = arith.constant 0 : i32
      %dma_wait3A_2348 = tpu.memref_slice %arg4[%add3A_2340, %dma_wait3A_2347] : memref<3276800x128xf32, #tpu.memory_space<hbm>> -> memref<256x128xf32, #tpu.memory_space<hbm>>
      %dma_wait3A_2349 = tpu.memref_slice %arg10[%dma_wait3A_2342] : memref<3x!tpu.dma_semaphore, #tpu.memory_space<semaphore_mem>> -> memref<1x!tpu.dma_semaphore, #tpu.memory_space<semaphore_mem>>
      %dma_wait3A_2350 = tpu.memref_squeeze %dma_wait3A_2349 : memref<1x!tpu.dma_semaphore, #tpu.memory_space<semaphore_mem>> -> memref<!tpu.dma_semaphore, #tpu.memory_space<semaphore_mem>>
      %dma_wait3A_2351 = arith.constant 0 : i32
      %dma_wait3A_2352 = tpu.memref_slice %arg4[%add3A_2340, %dma_wait3A_2351] : memref<3276800x128xf32, #tpu.memory_space<hbm>> -> memref<256x128xf32, #tpu.memory_space<hbm>>
      %dma_wait3A_2353 = arith.constant 0 : i32
      %dma_wait3A_2354 = arith.constant 0 : i32
      %dma_wait3A_2355 = tpu.memref_slice %arg6[%dma_wait3A_2341, %dma_wait3A_2353, %dma_wait3A_2354] : memref<3x256x128xf32, #tpu.memory_space<vmem>> -> memref<1x256x128xf32, #tpu.memory_space<vmem>>
      %dma_wait3A_2356 = tpu.memref_squeeze %dma_wait3A_2355 : memref<1x256x128xf32, #tpu.memory_space<vmem>> -> memref<256x128xf32, #tpu.memory_space<vmem>>
      tpu.wait_dma2 semaphore(%dma_wait3A_2350 : memref<!tpu.dma_semaphore, #tpu.memory_space<semaphore_mem>>) src(%dma_wait3A_2356 : memref<256x128xf32, #tpu.memory_space<vmem>>) dst(%dma_wait3A_2352 : memref<256x128xf32, #tpu.memory_space<hbm>>)
      %mul3A_2357 = arith.constant 256 : i32
      %mul3A_2358 = arith.muli %add3A_2335, %mul3A_2357 : i32
      %add3A_2359 = arith.addi %mul3A_2, %mul3A_2358 : i32
      %add3A_2360 = arith.constant 0 : i32
      %add3A_2361 = arith.addi %add3A_2359, %add3A_2360 : i32
      %dma_wait3A_2362 = arith.constant 10 : i32
      %dma_wait3A_2363 = arith.constant 5 : i32
      %dma_wait3A_2364 = arith.constant 0 : i32
      %dma_wait3A_2365 = tpu.memref_slice %arg5[%dma_wait3A_2362, %dma_wait3A_2364] : memref<12x128xi32, #tpu.memory_space<vmem>> -> memref<1x128xi32, #tpu.memory_space<vmem>>
      %dma_wait3A_2366 = tpu.memref_squeeze %dma_wait3A_2365 : memref<1x128xi32, #tpu.memory_space<vmem>> -> memref<128xi32, #tpu.memory_space<vmem>>
      %dma_wait3A_2367 = tpu.memref_slice %arg3[%add3A_2361] : memref<3276800xi32, #tpu.memory_space<hbm>> -> memref<128xi32, #tpu.memory_space<hbm>>
      %dma_wait3A_2368 = tpu.memref_slice %arg8[%dma_wait3A_2363] : memref<6x!tpu.dma_semaphore, #tpu.memory_space<semaphore_mem>> -> memref<1x!tpu.dma_semaphore, #tpu.memory_space<semaphore_mem>>
      %dma_wait3A_2369 = tpu.memref_squeeze %dma_wait3A_2368 : memref<1x!tpu.dma_semaphore, #tpu.memory_space<semaphore_mem>> -> memref<!tpu.dma_semaphore, #tpu.memory_space<semaphore_mem>>
      %dma_wait3A_2370 = arith.constant 0 : i32
      %dma_wait3A_2371 = tpu.memref_slice %arg5[%dma_wait3A_2362, %dma_wait3A_2370] : memref<12x128xi32, #tpu.memory_space<vmem>> -> memref<1x128xi32, #tpu.memory_space<vmem>>
      %dma_wait3A_2372 = tpu.memref_squeeze %dma_wait3A_2371 : memref<1x128xi32, #tpu.memory_space<vmem>> -> memref<128xi32, #tpu.memory_space<vmem>>
      %dma_wait3A_2373 = tpu.memref_slice %arg3[%add3A_2361] : memref<3276800xi32, #tpu.memory_space<hbm>> -> memref<128xi32, #tpu.memory_space<hbm>>
      tpu.wait_dma2 semaphore(%dma_wait3A_2369 : memref<!tpu.dma_semaphore, #tpu.memory_space<semaphore_mem>>) src(%dma_wait3A_2373 : memref<128xi32, #tpu.memory_space<hbm>>) dst(%dma_wait3A_2372 : memref<128xi32, #tpu.memory_space<vmem>>)
      %mul3A_2374 = arith.constant 256 : i32
      %mul3A_2375 = arith.muli %add3A_2335, %mul3A_2374 : i32
      %add3A_2376 = arith.addi %mul3A_2, %mul3A_2375 : i32
      %add3A_2377 = arith.constant 128 : i32
      %add3A_2378 = arith.addi %add3A_2376, %add3A_2377 : i32
      %dma_wait3A_2379 = arith.constant 11 : i32
      %dma_wait3A_2380 = arith.constant 5 : i32
      %dma_wait3A_2381 = arith.constant 0 : i32
      %dma_wait3A_2382 = tpu.memref_slice %arg5[%dma_wait3A_2379, %dma_wait3A_2381] : memref<12x128xi32, #tpu.memory_space<vmem>> -> memref<1x128xi32, #tpu.memory_space<vmem>>
      %dma_wait3A_2383 = tpu.memref_squeeze %dma_wait3A_2382 : memref<1x128xi32, #tpu.memory_space<vmem>> -> memref<128xi32, #tpu.memory_space<vmem>>
      %dma_wait3A_2384 = tpu.memref_slice %arg3[%add3A_2378] : memref<3276800xi32, #tpu.memory_space<hbm>> -> memref<128xi32, #tpu.memory_space<hbm>>
      %dma_wait3A_2385 = tpu.memref_slice %arg8[%dma_wait3A_2380] : memref<6x!tpu.dma_semaphore, #tpu.memory_space<semaphore_mem>> -> memref<1x!tpu.dma_semaphore, #tpu.memory_space<semaphore_mem>>
      %dma_wait3A_2386 = tpu.memref_squeeze %dma_wait3A_2385 : memref<1x!tpu.dma_semaphore, #tpu.memory_space<semaphore_mem>> -> memref<!tpu.dma_semaphore, #tpu.memory_space<semaphore_mem>>
      %dma_wait3A_2387 = arith.constant 0 : i32
      %dma_wait3A_2388 = tpu.memref_slice %arg5[%dma_wait3A_2379, %dma_wait3A_2387] : memref<12x128xi32, #tpu.memory_space<vmem>> -> memref<1x128xi32, #tpu.memory_space<vmem>>
      %dma_wait3A_2389 = tpu.memref_squeeze %dma_wait3A_2388 : memref<1x128xi32, #tpu.memory_space<vmem>> -> memref<128xi32, #tpu.memory_space<vmem>>
      %dma_wait3A_2390 = tpu.memref_slice %arg3[%add3A_2378] : memref<3276800xi32, #tpu.memory_space<hbm>> -> memref<128xi32, #tpu.memory_space<hbm>>
      tpu.wait_dma2 semaphore(%dma_wait3A_2386 : memref<!tpu.dma_semaphore, #tpu.memory_space<semaphore_mem>>) src(%dma_wait3A_2390 : memref<128xi32, #tpu.memory_space<hbm>>) dst(%dma_wait3A_2389 : memref<128xi32, #tpu.memory_space<vmem>>)
      %dma_start3A_2391 = arith.constant 10 : i32
      %dma_start3A_2392 = arith.constant 2 : i32
      %dma_start3A_2393 = arith.constant 2 : i32
      %dma_start3A_2394 = arith.constant 0 : i32
      %dma_start3A_2395 = arith.constant 0 : i32
      %dma_start3A_2396 = tpu.memref_slice %arg6[%dma_start3A_2392, %dma_start3A_2394, %dma_start3A_2395] : memref<3x256x128xf32, #tpu.memory_space<vmem>> -> memref<1x128x128xf32, #tpu.memory_space<vmem>>
      %dma_start3A_2397 = tpu.memref_squeeze %dma_start3A_2396 : memref<1x128x128xf32, #tpu.memory_space<vmem>> -> memref<128x128xf32, #tpu.memory_space<vmem>>
      %dma_start3A_2398 = arith.constant 0 : i32
      %dma_start3A_2399 = tpu.memref_slice %arg5[%dma_start3A_2391, %dma_start3A_2398] : memref<12x128xi32, #tpu.memory_space<vmem>> -> memref<1x128xi32, #tpu.memory_space<vmem>>
      %dma_start3A_2400 = tpu.memref_squeeze %dma_start3A_2399 : memref<1x128xi32, #tpu.memory_space<vmem>> -> memref<128xi32, #tpu.memory_space<vmem>>
      %dma_start3A_2401 = arith.constant 0 : i32
      %dma_start3A_2402 = arith.constant 0 : i32
      %dma_start3A_2403 = tpu.memref_slice %arg7[%dma_start3A_2401, %dma_start3A_2402] : memref<1000x128xf32, #tpu.memory_space<vmem_shared>> -> memref<1000x128xf32, #tpu.memory_space<vmem_shared>>
      %dma_start3A_2404 = tpu.memref_slice %arg9[%dma_start3A_2393] : memref<3x!tpu.dma_semaphore, #tpu.memory_space<semaphore_mem>> -> memref<1x!tpu.dma_semaphore, #tpu.memory_space<semaphore_mem>>
      %dma_start3A_2405 = tpu.memref_squeeze %dma_start3A_2404 : memref<1x!tpu.dma_semaphore, #tpu.memory_space<semaphore_mem>> -> memref<!tpu.dma_semaphore, #tpu.memory_space<semaphore_mem>>
      tpu.enqueue_indirect_dma source(%dma_start3A_2403 : memref<1000x128xf32, #tpu.memory_space<vmem_shared>>) target(%dma_start3A_2397 : memref<128x128xf32, #tpu.memory_space<vmem>>) offsets(%dma_start3A_2400 : memref<128xi32, #tpu.memory_space<vmem>>) semaphore(%dma_start3A_2405 : memref<!tpu.dma_semaphore, #tpu.memory_space<semaphore_mem>>)
      %dma_start3A_2406 = arith.constant 11 : i32
      %dma_start3A_2407 = arith.constant 2 : i32
      %dma_start3A_2408 = arith.constant 2 : i32
      %dma_start3A_2409 = arith.constant 128 : i32
      %dma_start3A_2410 = arith.constant 0 : i32
      %dma_start3A_2411 = tpu.memref_slice %arg6[%dma_start3A_2407, %dma_start3A_2409, %dma_start3A_2410] : memref<3x256x128xf32, #tpu.memory_space<vmem>> -> memref<1x128x128xf32, #tpu.memory_space<vmem>>
      %dma_start3A_2412 = tpu.memref_squeeze %dma_start3A_2411 : memref<1x128x128xf32, #tpu.memory_space<vmem>> -> memref<128x128xf32, #tpu.memory_space<vmem>>
      %dma_start3A_2413 = arith.constant 0 : i32
      %dma_start3A_2414 = tpu.memref_slice %arg5[%dma_start3A_2406, %dma_start3A_2413] : memref<12x128xi32, #tpu.memory_space<vmem>> -> memref<1x128xi32, #tpu.memory_space<vmem>>
      %dma_start3A_2415 = tpu.memref_squeeze %dma_start3A_2414 : memref<1x128xi32, #tpu.memory_space<vmem>> -> memref<128xi32, #tpu.memory_space<vmem>>
      %dma_start3A_2416 = arith.constant 0 : i32
      %dma_start3A_2417 = arith.constant 0 : i32
      %dma_start3A_2418 = tpu.memref_slice %arg7[%dma_start3A_2416, %dma_start3A_2417] : memref<1000x128xf32, #tpu.memory_space<vmem_shared>> -> memref<1000x128xf32, #tpu.memory_space<vmem_shared>>
      %dma_start3A_2419 = tpu.memref_slice %arg9[%dma_start3A_2408] : memref<3x!tpu.dma_semaphore, #tpu.memory_space<semaphore_mem>> -> memref<1x!tpu.dma_semaphore, #tpu.memory_space<semaphore_mem>>
      %dma_start3A_2420 = tpu.memref_squeeze %dma_start3A_2419 : memref<1x!tpu.dma_semaphore, #tpu.memory_space<semaphore_mem>> -> memref<!tpu.dma_semaphore, #tpu.memory_space<semaphore_mem>>
      tpu.enqueue_indirect_dma source(%dma_start3A_2418 : memref<1000x128xf32, #tpu.memory_space<vmem_shared>>) target(%dma_start3A_2412 : memref<128x128xf32, #tpu.memory_space<vmem>>) offsets(%dma_start3A_2415 : memref<128xi32, #tpu.memory_space<vmem>>) semaphore(%dma_start3A_2420 : memref<!tpu.dma_semaphore, #tpu.memory_space<semaphore_mem>>)
      %add3A_2421 = arith.constant 3 : i32
      %add3A_2422 = arith.addi %add3A_2335, %add3A_2421 : i32
      %lt3A_2423 = arith.constant 400 : i32
      %lt3A_2424 = arith.cmpi slt, %add3A_2422, %lt3A_2423 : i32
      %convert_element_type3A_2425 = arith.extui %lt3A_2424 : i1 to i32
      %cond3A_2426 = arith.constant 0 : i32
      %cond3A_2427 = arith.cmpi ne, %convert_element_type3A_2425, %cond3A_2426 : i32
      scf.if %cond3A_2427 {
        %add3A_2479 = arith.constant 3 : i32
        %add3A_2480 = arith.addi %add3A_2335, %add3A_2479 : i32
        %mul3A_2481 = arith.constant 256 : i32
        %mul3A_2482 = arith.muli %add3A_2480, %mul3A_2481 : i32
        %add3A_2483 = arith.addi %mul3A_2, %mul3A_2482 : i32
        %add3A_2484 = arith.constant 0 : i32
        %add3A_2485 = arith.addi %add3A_2483, %add3A_2484 : i32
        %dma_start3A_2486 = arith.constant 4 : i32
        %dma_start3A_2487 = arith.constant 2 : i32
        %dma_start3A_2488 = arith.constant 0 : i32
        %dma_start3A_2489 = tpu.memref_slice %arg5[%dma_start3A_2486, %dma_start3A_2488] : memref<12x128xi32, #tpu.memory_space<vmem>> -> memref<1x128xi32, #tpu.memory_space<vmem>>
        %dma_start3A_2490 = tpu.memref_squeeze %dma_start3A_2489 : memref<1x128xi32, #tpu.memory_space<vmem>> -> memref<128xi32, #tpu.memory_space<vmem>>
        %dma_start3A_2491 = tpu.memref_slice %arg3[%add3A_2485] : memref<3276800xi32, #tpu.memory_space<hbm>> -> memref<128xi32, #tpu.memory_space<hbm>>
        %dma_start3A_2492 = tpu.memref_slice %arg8[%dma_start3A_2487] : memref<6x!tpu.dma_semaphore, #tpu.memory_space<semaphore_mem>> -> memref<1x!tpu.dma_semaphore, #tpu.memory_space<semaphore_mem>>
        %dma_start3A_2493 = tpu.memref_squeeze %dma_start3A_2492 : memref<1x!tpu.dma_semaphore, #tpu.memory_space<semaphore_mem>> -> memref<!tpu.dma_semaphore, #tpu.memory_space<semaphore_mem>>
        %dma_start3A_2494 = arith.constant 0 : i32
        %dma_start3A_2495 = tpu.memref_slice %arg5[%dma_start3A_2486, %dma_start3A_2494] : memref<12x128xi32, #tpu.memory_space<vmem>> -> memref<1x128xi32, #tpu.memory_space<vmem>>
        %dma_start3A_2496 = tpu.memref_squeeze %dma_start3A_2495 : memref<1x128xi32, #tpu.memory_space<vmem>> -> memref<128xi32, #tpu.memory_space<vmem>>
        %dma_start3A_2497 = tpu.memref_slice %arg3[%add3A_2485] : memref<3276800xi32, #tpu.memory_space<hbm>> -> memref<128xi32, #tpu.memory_space<hbm>>
        tpu.enqueue_dma source(%dma_start3A_2497 : memref<128xi32, #tpu.memory_space<hbm>>) target(%dma_start3A_2496 : memref<128xi32, #tpu.memory_space<vmem>>) target_semaphore(%dma_start3A_2493 : memref<!tpu.dma_semaphore, #tpu.memory_space<semaphore_mem>>)
        %mul3A_2498 = arith.constant 256 : i32
        %mul3A_2499 = arith.muli %add3A_2480, %mul3A_2498 : i32
        %add3A_2500 = arith.addi %mul3A_2, %mul3A_2499 : i32
        %add3A_2501 = arith.constant 128 : i32
        %add3A_2502 = arith.addi %add3A_2500, %add3A_2501 : i32
        %dma_start3A_2503 = arith.constant 5 : i32
        %dma_start3A_2504 = arith.constant 2 : i32
        %dma_start3A_2505 = arith.constant 0 : i32
        %dma_start3A_2506 = tpu.memref_slice %arg5[%dma_start3A_2503, %dma_start3A_2505] : memref<12x128xi32, #tpu.memory_space<vmem>> -> memref<1x128xi32, #tpu.memory_space<vmem>>
        %dma_start3A_2507 = tpu.memref_squeeze %dma_start3A_2506 : memref<1x128xi32, #tpu.memory_space<vmem>> -> memref<128xi32, #tpu.memory_space<vmem>>
        %dma_start3A_2508 = tpu.memref_slice %arg3[%add3A_2502] : memref<3276800xi32, #tpu.memory_space<hbm>> -> memref<128xi32, #tpu.memory_space<hbm>>
        %dma_start3A_2509 = tpu.memref_slice %arg8[%dma_start3A_2504] : memref<6x!tpu.dma_semaphore, #tpu.memory_space<semaphore_mem>> -> memref<1x!tpu.dma_semaphore, #tpu.memory_space<semaphore_mem>>
        %dma_start3A_2510 = tpu.memref_squeeze %dma_start3A_2509 : memref<1x!tpu.dma_semaphore, #tpu.memory_space<semaphore_mem>> -> memref<!tpu.dma_semaphore, #tpu.memory_space<semaphore_mem>>
        %dma_start3A_2511 = arith.constant 0 : i32
        %dma_start3A_2512 = tpu.memref_slice %arg5[%dma_start3A_2503, %dma_start3A_2511] : memref<12x128xi32, #tpu.memory_space<vmem>> -> memref<1x128xi32, #tpu.memory_space<vmem>>
        %dma_start3A_2513 = tpu.memref_squeeze %dma_start3A_2512 : memref<1x128xi32, #tpu.memory_space<vmem>> -> memref<128xi32, #tpu.memory_space<vmem>>
        %dma_start3A_2514 = tpu.memref_slice %arg3[%add3A_2502] : memref<3276800xi32, #tpu.memory_space<hbm>> -> memref<128xi32, #tpu.memory_space<hbm>>
        tpu.enqueue_dma source(%dma_start3A_2514 : memref<128xi32, #tpu.memory_space<hbm>>) target(%dma_start3A_2513 : memref<128xi32, #tpu.memory_space<vmem>>) target_semaphore(%dma_start3A_2510 : memref<!tpu.dma_semaphore, #tpu.memory_space<semaphore_mem>>)
      } else {
      }
      %dma_wait3A_2428 = arith.constant 8 : i32
      %dma_wait3A_2429 = arith.constant 1 : i32
      %dma_wait3A_2430 = arith.constant 1 : i32
      %dma_wait3A_2431 = arith.constant 0 : i32
      %dma_wait3A_2432 = arith.constant 0 : i32
      %dma_wait3A_2433 = tpu.memref_slice %arg6[%dma_wait3A_2429, %dma_wait3A_2431, %dma_wait3A_2432] : memref<3x256x128xf32, #tpu.memory_space<vmem>> -> memref<1x128x128xf32, #tpu.memory_space<vmem>>
      %dma_wait3A_2434 = tpu.memref_squeeze %dma_wait3A_2433 : memref<1x128x128xf32, #tpu.memory_space<vmem>> -> memref<128x128xf32, #tpu.memory_space<vmem>>
      %dma_wait3A_2435 = arith.constant 0 : i32
      %dma_wait3A_2436 = tpu.memref_slice %arg5[%dma_wait3A_2428, %dma_wait3A_2435] : memref<12x128xi32, #tpu.memory_space<vmem>> -> memref<1x128xi32, #tpu.memory_space<vmem>>
      %dma_wait3A_2437 = tpu.memref_squeeze %dma_wait3A_2436 : memref<1x128xi32, #tpu.memory_space<vmem>> -> memref<128xi32, #tpu.memory_space<vmem>>
      %dma_wait3A_2438 = arith.constant 0 : i32
      %dma_wait3A_2439 = arith.constant 0 : i32
      %dma_wait3A_2440 = tpu.memref_slice %arg7[%dma_wait3A_2438, %dma_wait3A_2439] : memref<1000x128xf32, #tpu.memory_space<vmem_shared>> -> memref<1000x128xf32, #tpu.memory_space<vmem_shared>>
      %dma_wait3A_2441 = tpu.memref_slice %arg9[%dma_wait3A_2430] : memref<3x!tpu.dma_semaphore, #tpu.memory_space<semaphore_mem>> -> memref<1x!tpu.dma_semaphore, #tpu.memory_space<semaphore_mem>>
      %dma_wait3A_2442 = tpu.memref_squeeze %dma_wait3A_2441 : memref<1x!tpu.dma_semaphore, #tpu.memory_space<semaphore_mem>> -> memref<!tpu.dma_semaphore, #tpu.memory_space<semaphore_mem>>
      tpu.wait_indirect_dma semaphore(%dma_wait3A_2442 : memref<!tpu.dma_semaphore, #tpu.memory_space<semaphore_mem>>) src(%dma_wait3A_2440 : memref<1000x128xf32, #tpu.memory_space<vmem_shared>>) dst(%dma_wait3A_2434 : memref<128x128xf32, #tpu.memory_space<vmem>>)
      %dma_wait3A_2443 = arith.constant 9 : i32
      %dma_wait3A_2444 = arith.constant 1 : i32
      %dma_wait3A_2445 = arith.constant 1 : i32
      %dma_wait3A_2446 = arith.constant 128 : i32
      %dma_wait3A_2447 = arith.constant 0 : i32
      %dma_wait3A_2448 = tpu.memref_slice %arg6[%dma_wait3A_2444, %dma_wait3A_2446, %dma_wait3A_2447] : memref<3x256x128xf32, #tpu.memory_space<vmem>> -> memref<1x128x128xf32, #tpu.memory_space<vmem>>
      %dma_wait3A_2449 = tpu.memref_squeeze %dma_wait3A_2448 : memref<1x128x128xf32, #tpu.memory_space<vmem>> -> memref<128x128xf32, #tpu.memory_space<vmem>>
      %dma_wait3A_2450 = arith.constant 0 : i32
      %dma_wait3A_2451 = tpu.memref_slice %arg5[%dma_wait3A_2443, %dma_wait3A_2450] : memref<12x128xi32, #tpu.memory_space<vmem>> -> memref<1x128xi32, #tpu.memory_space<vmem>>
      %dma_wait3A_2452 = tpu.memref_squeeze %dma_wait3A_2451 : memref<1x128xi32, #tpu.memory_space<vmem>> -> memref<128xi32, #tpu.memory_space<vmem>>
      %dma_wait3A_2453 = arith.constant 0 : i32
      %dma_wait3A_2454 = arith.constant 0 : i32
      %dma_wait3A_2455 = tpu.memref_slice %arg7[%dma_wait3A_2453, %dma_wait3A_2454] : memref<1000x128xf32, #tpu.memory_space<vmem_shared>> -> memref<1000x128xf32, #tpu.memory_space<vmem_shared>>
      %dma_wait3A_2456 = tpu.memref_slice %arg9[%dma_wait3A_2445] : memref<3x!tpu.dma_semaphore, #tpu.memory_space<semaphore_mem>> -> memref<1x!tpu.dma_semaphore, #tpu.memory_space<semaphore_mem>>
      %dma_wait3A_2457 = tpu.memref_squeeze %dma_wait3A_2456 : memref<1x!tpu.dma_semaphore, #tpu.memory_space<semaphore_mem>> -> memref<!tpu.dma_semaphore, #tpu.memory_space<semaphore_mem>>
      tpu.wait_indirect_dma semaphore(%dma_wait3A_2457 : memref<!tpu.dma_semaphore, #tpu.memory_space<semaphore_mem>>) src(%dma_wait3A_2455 : memref<1000x128xf32, #tpu.memory_space<vmem_shared>>) dst(%dma_wait3A_2449 : memref<128x128xf32, #tpu.memory_space<vmem>>)
      %sub3A_2458 = arith.constant 1 : i32
      %sub3A_2459 = arith.subi %add3A_2335, %sub3A_2458 : i32
      %mul3A_2460 = arith.constant 256 : i32
      %mul3A_2461 = arith.muli %sub3A_2459, %mul3A_2460 : i32
      %add3A_2462 = arith.addi %mul3A_2, %mul3A_2461 : i32
      %dma_start3A_2463 = arith.constant 1 : i32
      %dma_start3A_2464 = arith.constant 1 : i32
      %dma_start3A_2465 = arith.constant 0 : i32
      %dma_start3A_2466 = arith.constant 0 : i32
      %dma_start3A_2467 = tpu.memref_slice %arg6[%dma_start3A_2463, %dma_start3A_2465, %dma_start3A_2466] : memref<3x256x128xf32, #tpu.memory_space<vmem>> -> memref<1x256x128xf32, #tpu.memory_space<vmem>>
      %dma_start3A_2468 = tpu.memref_squeeze %dma_start3A_2467 : memref<1x256x128xf32, #tpu.memory_space<vmem>> -> memref<256x128xf32, #tpu.memory_space<vmem>>
      %dma_start3A_2469 = arith.constant 0 : i32
      %dma_start3A_2470 = tpu.memref_slice %arg4[%add3A_2462, %dma_start3A_2469] : memref<3276800x128xf32, #tpu.memory_space<hbm>> -> memref<256x128xf32, #tpu.memory_space<hbm>>
      %dma_start3A_2471 = tpu.memref_slice %arg10[%dma_start3A_2464] : memref<3x!tpu.dma_semaphore, #tpu.memory_space<semaphore_mem>> -> memref<1x!tpu.dma_semaphore, #tpu.memory_space<semaphore_mem>>
      %dma_start3A_2472 = tpu.memref_squeeze %dma_start3A_2471 : memref<1x!tpu.dma_semaphore, #tpu.memory_space<semaphore_mem>> -> memref<!tpu.dma_semaphore, #tpu.memory_space<semaphore_mem>>
      %dma_start3A_2473 = arith.constant 0 : i32
      %dma_start3A_2474 = tpu.memref_slice %arg4[%add3A_2462, %dma_start3A_2473] : memref<3276800x128xf32, #tpu.memory_space<hbm>> -> memref<256x128xf32, #tpu.memory_space<hbm>>
      %dma_start3A_2475 = arith.constant 0 : i32
      %dma_start3A_2476 = arith.constant 0 : i32
      %dma_start3A_2477 = tpu.memref_slice %arg6[%dma_start3A_2463, %dma_start3A_2475, %dma_start3A_2476] : memref<3x256x128xf32, #tpu.memory_space<vmem>> -> memref<1x256x128xf32, #tpu.memory_space<vmem>>
      %dma_start3A_2478 = tpu.memref_squeeze %dma_start3A_2477 : memref<1x256x128xf32, #tpu.memory_space<vmem>> -> memref<256x128xf32, #tpu.memory_space<vmem>>
      tpu.enqueue_dma source(%dma_start3A_2478 : memref<256x128xf32, #tpu.memory_space<vmem>>) target(%dma_start3A_2474 : memref<256x128xf32, #tpu.memory_space<hbm>>) target_semaphore(%dma_start3A_2472 : memref<!tpu.dma_semaphore, #tpu.memory_space<semaphore_mem>>)
    }
    %scan3A_961 = arith.constant 65 : i32
    %add3A_962 = arith.constant 100608 : i32
    %add3A_963 = arith.addi %mul3A_2, %add3A_962 : i32
    %dma_wait3A_964 = arith.constant 0 : i32
    %dma_wait3A_965 = arith.constant 0 : i32
    %dma_wait3A_966 = arith.constant 0 : i32
    %dma_wait3A_967 = arith.constant 0 : i32
    %dma_wait3A_968 = tpu.memref_slice %arg6[%dma_wait3A_964, %dma_wait3A_966, %dma_wait3A_967] : memref<3x256x128xf32, #tpu.memory_space<vmem>> -> memref<1x256x128xf32, #tpu.memory_space<vmem>>
    %dma_wait3A_969 = tpu.memref_squeeze %dma_wait3A_968 : memref<1x256x128xf32, #tpu.memory_space<vmem>> -> memref<256x128xf32, #tpu.memory_space<vmem>>
    %dma_wait3A_970 = arith.constant 0 : i32
    %dma_wait3A_971 = tpu.memref_slice %arg4[%add3A_963, %dma_wait3A_970] : memref<3276800x128xf32, #tpu.memory_space<hbm>> -> memref<256x128xf32, #tpu.memory_space<hbm>>
    %dma_wait3A_972 = tpu.memref_slice %arg10[%dma_wait3A_965] : memref<3x!tpu.dma_semaphore, #tpu.memory_space<semaphore_mem>> -> memref<1x!tpu.dma_semaphore, #tpu.memory_space<semaphore_mem>>
    %dma_wait3A_973 = tpu.memref_squeeze %dma_wait3A_972 : memref<1x!tpu.dma_semaphore, #tpu.memory_space<semaphore_mem>> -> memref<!tpu.dma_semaphore, #tpu.memory_space<semaphore_mem>>
    %dma_wait3A_974 = arith.constant 0 : i32
    %dma_wait3A_975 = tpu.memref_slice %arg4[%add3A_963, %dma_wait3A_974] : memref<3276800x128xf32, #tpu.memory_space<hbm>> -> memref<256x128xf32, #tpu.memory_space<hbm>>
    %dma_wait3A_976 = arith.constant 0 : i32
    %dma_wait3A_977 = arith.constant 0 : i32
    %dma_wait3A_978 = tpu.memref_slice %arg6[%dma_wait3A_964, %dma_wait3A_976, %dma_wait3A_977] : memref<3x256x128xf32, #tpu.memory_space<vmem>> -> memref<1x256x128xf32, #tpu.memory_space<vmem>>
    %dma_wait3A_979 = tpu.memref_squeeze %dma_wait3A_978 : memref<1x256x128xf32, #tpu.memory_space<vmem>> -> memref<256x128xf32, #tpu.memory_space<vmem>>
    tpu.wait_dma2 semaphore(%dma_wait3A_973 : memref<!tpu.dma_semaphore, #tpu.memory_space<semaphore_mem>>) src(%dma_wait3A_979 : memref<256x128xf32, #tpu.memory_space<vmem>>) dst(%dma_wait3A_975 : memref<256x128xf32, #tpu.memory_space<hbm>>)
    %add3A_980 = arith.constant 101376 : i32
    %add3A_981 = arith.addi %mul3A_2, %add3A_980 : i32
    %add3A_982 = arith.constant 0 : i32
    %add3A_983 = arith.addi %add3A_981, %add3A_982 : i32
    %dma_wait3A_984 = arith.constant 0 : i32
    %dma_wait3A_985 = arith.constant 0 : i32
    %dma_wait3A_986 = arith.constant 0 : i32
    %dma_wait3A_987 = tpu.memref_slice %arg5[%dma_wait3A_984, %dma_wait3A_986] : memref<12x128xi32, #tpu.memory_space<vmem>> -> memref<1x128xi32, #tpu.memory_space<vmem>>
    %dma_wait3A_988 = tpu.memref_squeeze %dma_wait3A_987 : memref<1x128xi32, #tpu.memory_space<vmem>> -> memref<128xi32, #tpu.memory_space<vmem>>
    %dma_wait3A_989 = tpu.memref_slice %arg3[%add3A_983] : memref<3276800xi32, #tpu.memory_space<hbm>> -> memref<128xi32, #tpu.memory_space<hbm>>
    %dma_wait3A_990 = tpu.memref_slice %arg8[%dma_wait3A_985] : memref<6x!tpu.dma_semaphore, #tpu.memory_space<semaphore_mem>> -> memref<1x!tpu.dma_semaphore, #tpu.memory_space<semaphore_mem>>
    %dma_wait3A_991 = tpu.memref_squeeze %dma_wait3A_990 : memref<1x!tpu.dma_semaphore, #tpu.memory_space<semaphore_mem>> -> memref<!tpu.dma_semaphore, #tpu.memory_space<semaphore_mem>>
    %dma_wait3A_992 = arith.constant 0 : i32
    %dma_wait3A_993 = tpu.memref_slice %arg5[%dma_wait3A_984, %dma_wait3A_992] : memref<12x128xi32, #tpu.memory_space<vmem>> -> memref<1x128xi32, #tpu.memory_space<vmem>>
    %dma_wait3A_994 = tpu.memref_squeeze %dma_wait3A_993 : memref<1x128xi32, #tpu.memory_space<vmem>> -> memref<128xi32, #tpu.memory_space<vmem>>
    %dma_wait3A_995 = tpu.memref_slice %arg3[%add3A_983] : memref<3276800xi32, #tpu.memory_space<hbm>> -> memref<128xi32, #tpu.memory_space<hbm>>
    tpu.wait_dma2 semaphore(%dma_wait3A_991 : memref<!tpu.dma_semaphore, #tpu.memory_space<semaphore_mem>>) src(%dma_wait3A_995 : memref<128xi32, #tpu.memory_space<hbm>>) dst(%dma_wait3A_994 : memref<128xi32, #tpu.memory_space<vmem>>)
    %add3A_996 = arith.constant 101376 : i32
    %add3A_997 = arith.addi %mul3A_2, %add3A_996 : i32
    %add3A_998 = arith.constant 128 : i32
    %add3A_999 = arith.addi %add3A_997, %add3A_998 : i32
    %dma_wait3A_1000 = arith.constant 1 : i32
    %dma_wait3A_1001 = arith.constant 0 : i32
    %dma_wait3A_1002 = arith.constant 0 : i32
    %dma_wait3A_1003 = tpu.memref_slice %arg5[%dma_wait3A_1000, %dma_wait3A_1002] : memref<12x128xi32, #tpu.memory_space<vmem>> -> memref<1x128xi32, #tpu.memory_space<vmem>>
    %dma_wait3A_1004 = tpu.memref_squeeze %dma_wait3A_1003 : memref<1x128xi32, #tpu.memory_space<vmem>> -> memref<128xi32, #tpu.memory_space<vmem>>
    %dma_wait3A_1005 = tpu.memref_slice %arg3[%add3A_999] : memref<3276800xi32, #tpu.memory_space<hbm>> -> memref<128xi32, #tpu.memory_space<hbm>>
    %dma_wait3A_1006 = tpu.memref_slice %arg8[%dma_wait3A_1001] : memref<6x!tpu.dma_semaphore, #tpu.memory_space<semaphore_mem>> -> memref<1x!tpu.dma_semaphore, #tpu.memory_space<semaphore_mem>>
    %dma_wait3A_1007 = tpu.memref_squeeze %dma_wait3A_1006 : memref<1x!tpu.dma_semaphore, #tpu.memory_space<semaphore_mem>> -> memref<!tpu.dma_semaphore, #tpu.memory_space<semaphore_mem>>
    %dma_wait3A_1008 = arith.constant 0 : i32
    %dma_wait3A_1009 = tpu.memref_slice %arg5[%dma_wait3A_1000, %dma_wait3A_1008] : memref<12x128xi32, #tpu.memory_space<vmem>> -> memref<1x128xi32, #tpu.memory_space<vmem>>
    %dma_wait3A_1010 = tpu.memref_squeeze %dma_wait3A_1009 : memref<1x128xi32, #tpu.memory_space<vmem>> -> memref<128xi32, #tpu.memory_space<vmem>>
    %dma_wait3A_1011 = tpu.memref_slice %arg3[%add3A_999] : memref<3276800xi32, #tpu.memory_space<hbm>> -> memref<128xi32, #tpu.memory_space<hbm>>
    tpu.wait_dma2 semaphore(%dma_wait3A_1007 : memref<!tpu.dma_semaphore, #tpu.memory_space<semaphore_mem>>) src(%dma_wait3A_1011 : memref<128xi32, #tpu.memory_space<hbm>>) dst(%dma_wait3A_1010 : memref<128xi32, #tpu.memory_space<vmem>>)
    %dma_start3A_1012 = arith.constant 0 : i32
    %dma_start3A_1013 = arith.constant 0 : i32
    %dma_start3A_1014 = arith.constant 0 : i32
    %dma_start3A_1015 = arith.constant 0 : i32
    %dma_start3A_1016 = arith.constant 0 : i32
    %dma_start3A_1017 = tpu.memref_slice %arg6[%dma_start3A_1013, %dma_start3A_1015, %dma_start3A_1016] : memref<3x256x128xf32, #tpu.memory_space<vmem>> -> memref<1x128x128xf32, #tpu.memory_space<vmem>>
    %dma_start3A_1018 = tpu.memref_squeeze %dma_start3A_1017 : memref<1x128x128xf32, #tpu.memory_space<vmem>> -> memref<128x128xf32, #tpu.memory_space<vmem>>
    %dma_start3A_1019 = arith.constant 0 : i32
    %dma_start3A_1020 = tpu.memref_slice %arg5[%dma_start3A_1012, %dma_start3A_1019] : memref<12x128xi32, #tpu.memory_space<vmem>> -> memref<1x128xi32, #tpu.memory_space<vmem>>
    %dma_start3A_1021 = tpu.memref_squeeze %dma_start3A_1020 : memref<1x128xi32, #tpu.memory_space<vmem>> -> memref<128xi32, #tpu.memory_space<vmem>>
    %dma_start3A_1022 = arith.constant 0 : i32
    %dma_start3A_1023 = arith.constant 0 : i32
    %dma_start3A_1024 = tpu.memref_slice %arg7[%dma_start3A_1022, %dma_start3A_1023] : memref<1000x128xf32, #tpu.memory_space<vmem_shared>> -> memref<1000x128xf32, #tpu.memory_space<vmem_shared>>
    %dma_start3A_1025 = tpu.memref_slice %arg9[%dma_start3A_1014] : memref<3x!tpu.dma_semaphore, #tpu.memory_space<semaphore_mem>> -> memref<1x!tpu.dma_semaphore, #tpu.memory_space<semaphore_mem>>
    %dma_start3A_1026 = tpu.memref_squeeze %dma_start3A_1025 : memref<1x!tpu.dma_semaphore, #tpu.memory_space<semaphore_mem>> -> memref<!tpu.dma_semaphore, #tpu.memory_space<semaphore_mem>>
    tpu.enqueue_indirect_dma source(%dma_start3A_1024 : memref<1000x128xf32, #tpu.memory_space<vmem_shared>>) target(%dma_start3A_1018 : memref<128x128xf32, #tpu.memory_space<vmem>>) offsets(%dma_start3A_1021 : memref<128xi32, #tpu.memory_space<vmem>>) semaphore(%dma_start3A_1026 : memref<!tpu.dma_semaphore, #tpu.memory_space<semaphore_mem>>)
    %dma_start3A_1027 = arith.constant 1 : i32
    %dma_start3A_1028 = arith.constant 0 : i32
    %dma_start3A_1029 = arith.constant 0 : i32
    %dma_start3A_1030 = arith.constant 128 : i32
    %dma_start3A_1031 = arith.constant 0 : i32
    %dma_start3A_1032 = tpu.memref_slice %arg6[%dma_start3A_1028, %dma_start3A_1030, %dma_start3A_1031] : memref<3x256x128xf32, #tpu.memory_space<vmem>> -> memref<1x128x128xf32, #tpu.memory_space<vmem>>
    %dma_start3A_1033 = tpu.memref_squeeze %dma_start3A_1032 : memref<1x128x128xf32, #tpu.memory_space<vmem>> -> memref<128x128xf32, #tpu.memory_space<vmem>>
    %dma_start3A_1034 = arith.constant 0 : i32
    %dma_start3A_1035 = tpu.memref_slice %arg5[%dma_start3A_1027, %dma_start3A_1034] : memref<12x128xi32, #tpu.memory_space<vmem>> -> memref<1x128xi32, #tpu.memory_space<vmem>>
    %dma_start3A_1036 = tpu.memref_squeeze %dma_start3A_1035 : memref<1x128xi32, #tpu.memory_space<vmem>> -> memref<128xi32, #tpu.memory_space<vmem>>
    %dma_start3A_1037 = arith.constant 0 : i32
    %dma_start3A_1038 = arith.constant 0 : i32
    %dma_start3A_1039 = tpu.memref_slice %arg7[%dma_start3A_1037, %dma_start3A_1038] : memref<1000x128xf32, #tpu.memory_space<vmem_shared>> -> memref<1000x128xf32, #tpu.memory_space<vmem_shared>>
    %dma_start3A_1040 = tpu.memref_slice %arg9[%dma_start3A_1029] : memref<3x!tpu.dma_semaphore, #tpu.memory_space<semaphore_mem>> -> memref<1x!tpu.dma_semaphore, #tpu.memory_space<semaphore_mem>>
    %dma_start3A_1041 = tpu.memref_squeeze %dma_start3A_1040 : memref<1x!tpu.dma_semaphore, #tpu.memory_space<semaphore_mem>> -> memref<!tpu.dma_semaphore, #tpu.memory_space<semaphore_mem>>
    tpu.enqueue_indirect_dma source(%dma_start3A_1039 : memref<1000x128xf32, #tpu.memory_space<vmem_shared>>) target(%dma_start3A_1033 : memref<128x128xf32, #tpu.memory_space<vmem>>) offsets(%dma_start3A_1036 : memref<128xi32, #tpu.memory_space<vmem>>) semaphore(%dma_start3A_1041 : memref<!tpu.dma_semaphore, #tpu.memory_space<semaphore_mem>>)
    %add3A_1042 = arith.constant 102144 : i32
    %add3A_1043 = arith.addi %mul3A_2, %add3A_1042 : i32
    %add3A_1044 = arith.constant 0 : i32
    %add3A_1045 = arith.addi %add3A_1043, %add3A_1044 : i32
    %dma_start3A_1046 = arith.constant 6 : i32
    %dma_start3A_1047 = arith.constant 3 : i32
    %dma_start3A_1048 = arith.constant 0 : i32
    %dma_start3A_1049 = tpu.memref_slice %arg5[%dma_start3A_1046, %dma_start3A_1048] : memref<12x128xi32, #tpu.memory_space<vmem>> -> memref<1x128xi32, #tpu.memory_space<vmem>>
    %dma_start3A_1050 = tpu.memref_squeeze %dma_start3A_1049 : memref<1x128xi32, #tpu.memory_space<vmem>> -> memref<128xi32, #tpu.memory_space<vmem>>
    %dma_start3A_1051 = tpu.memref_slice %arg3[%add3A_1045] : memref<3276800xi32, #tpu.memory_space<hbm>> -> memref<128xi32, #tpu.memory_space<hbm>>
    %dma_start3A_1052 = tpu.memref_slice %arg8[%dma_start3A_1047] : memref<6x!tpu.dma_semaphore, #tpu.memory_space<semaphore_mem>> -> memref<1x!tpu.dma_semaphore, #tpu.memory_space<semaphore_mem>>
    %dma_start3A_1053 = tpu.memref_squeeze %dma_start3A_1052 : memref<1x!tpu.dma_semaphore, #tpu.memory_space<semaphore_mem>> -> memref<!tpu.dma_semaphore, #tpu.memory_space<semaphore_mem>>
    %dma_start3A_1054 = arith.constant 0 : i32
    %dma_start3A_1055 = tpu.memref_slice %arg5[%dma_start3A_1046, %dma_start3A_1054] : memref<12x128xi32, #tpu.memory_space<vmem>> -> memref<1x128xi32, #tpu.memory_space<vmem>>
    %dma_start3A_1056 = tpu.memref_squeeze %dma_start3A_1055 : memref<1x128xi32, #tpu.memory_space<vmem>> -> memref<128xi32, #tpu.memory_space<vmem>>
    %dma_start3A_1057 = tpu.memref_slice %arg3[%add3A_1045] : memref<3276800xi32, #tpu.memory_space<hbm>> -> memref<128xi32, #tpu.memory_space<hbm>>
    tpu.enqueue_dma source(%dma_start3A_1057 : memref<128xi32, #tpu.memory_space<hbm>>) target(%dma_start3A_1056 : memref<128xi32, #tpu.memory_space<vmem>>) target_semaphore(%dma_start3A_1053 : memref<!tpu.dma_semaphore, #tpu.memory_space<semaphore_mem>>)
    %add3A_1058 = arith.constant 102144 : i32
    %add3A_1059 = arith.addi %mul3A_2, %add3A_1058 : i32
    %add3A_1060 = arith.constant 128 : i32
    %add3A_1061 = arith.addi %add3A_1059, %add3A_1060 : i32
    %dma_start3A_1062 = arith.constant 7 : i32
    %dma_start3A_1063 = arith.constant 3 : i32
    %dma_start3A_1064 = arith.constant 0 : i32
    %dma_start3A_1065 = tpu.memref_slice %arg5[%dma_start3A_1062, %dma_start3A_1064] : memref<12x128xi32, #tpu.memory_space<vmem>> -> memref<1x128xi32, #tpu.memory_space<vmem>>
    %dma_start3A_1066 = tpu.memref_squeeze %dma_start3A_1065 : memref<1x128xi32, #tpu.memory_space<vmem>> -> memref<128xi32, #tpu.memory_space<vmem>>
    %dma_start3A_1067 = tpu.memref_slice %arg3[%add3A_1061] : memref<3276800xi32, #tpu.memory_space<hbm>> -> memref<128xi32, #tpu.memory_space<hbm>>
    %dma_start3A_1068 = tpu.memref_slice %arg8[%dma_start3A_1063] : memref<6x!tpu.dma_semaphore, #tpu.memory_space<semaphore_mem>> -> memref<1x!tpu.dma_semaphore, #tpu.memory_space<semaphore_mem>>
    %dma_start3A_1069 = tpu.memref_squeeze %dma_start3A_1068 : memref<1x!tpu.dma_semaphore, #tpu.memory_space<semaphore_mem>> -> memref<!tpu.dma_semaphore, #tpu.memory_space<semaphore_mem>>
    %dma_start3A_1070 = arith.constant 0 : i32
    %dma_start3A_1071 = tpu.memref_slice %arg5[%dma_start3A_1062, %dma_start3A_1070] : memref<12x128xi32, #tpu.memory_space<vmem>> -> memref<1x128xi32, #tpu.memory_space<vmem>>
    %dma_start3A_1072 = tpu.memref_squeeze %dma_start3A_1071 : memref<1x128xi32, #tpu.memory_space<vmem>> -> memref<128xi32, #tpu.memory_space<vmem>>
    %dma_start3A_1073 = tpu.memref_slice %arg3[%add3A_1061] : memref<3276800xi32, #tpu.memory_space<hbm>> -> memref<128xi32, #tpu.memory_space<hbm>>
    tpu.enqueue_dma source(%dma_start3A_1073 : memref<128xi32, #tpu.memory_space<hbm>>) target(%dma_start3A_1072 : memref<128xi32, #tpu.memory_space<vmem>>) target_semaphore(%dma_start3A_1069 : memref<!tpu.dma_semaphore, #tpu.memory_space<semaphore_mem>>)
    %dma_wait3A_1074 = arith.constant 10 : i32
    %dma_wait3A_1075 = arith.constant 2 : i32
    %dma_wait3A_1076 = arith.constant 2 : i32
    %dma_wait3A_1077 = arith.constant 0 : i32
    %dma_wait3A_1078 = arith.constant 0 : i32
    %dma_wait3A_1079 = tpu.memref_slice %arg6[%dma_wait3A_1075, %dma_wait3A_1077, %dma_wait3A_1078] : memref<3x256x128xf32, #tpu.memory_space<vmem>> -> memref<1x128x128xf32, #tpu.memory_space<vmem>>
    %dma_wait3A_1080 = tpu.memref_squeeze %dma_wait3A_1079 : memref<1x128x128xf32, #tpu.memory_space<vmem>> -> memref<128x128xf32, #tpu.memory_space<vmem>>
    %dma_wait3A_1081 = arith.constant 0 : i32
    %dma_wait3A_1082 = tpu.memref_slice %arg5[%dma_wait3A_1074, %dma_wait3A_1081] : memref<12x128xi32, #tpu.memory_space<vmem>> -> memref<1x128xi32, #tpu.memory_space<vmem>>
    %dma_wait3A_1083 = tpu.memref_squeeze %dma_wait3A_1082 : memref<1x128xi32, #tpu.memory_space<vmem>> -> memref<128xi32, #tpu.memory_space<vmem>>
    %dma_wait3A_1084 = arith.constant 0 : i32
    %dma_wait3A_1085 = arith.constant 0 : i32
    %dma_wait3A_1086 = tpu.memref_slice %arg7[%dma_wait3A_1084, %dma_wait3A_1085] : memref<1000x128xf32, #tpu.memory_space<vmem_shared>> -> memref<1000x128xf32, #tpu.memory_space<vmem_shared>>
    %dma_wait3A_1087 = tpu.memref_slice %arg9[%dma_wait3A_1076] : memref<3x!tpu.dma_semaphore, #tpu.memory_space<semaphore_mem>> -> memref<1x!tpu.dma_semaphore, #tpu.memory_space<semaphore_mem>>
    %dma_wait3A_1088 = tpu.memref_squeeze %dma_wait3A_1087 : memref<1x!tpu.dma_semaphore, #tpu.memory_space<semaphore_mem>> -> memref<!tpu.dma_semaphore, #tpu.memory_space<semaphore_mem>>
    tpu.wait_indirect_dma semaphore(%dma_wait3A_1088 : memref<!tpu.dma_semaphore, #tpu.memory_space<semaphore_mem>>) src(%dma_wait3A_1086 : memref<1000x128xf32, #tpu.memory_space<vmem_shared>>) dst(%dma_wait3A_1080 : memref<128x128xf32, #tpu.memory_space<vmem>>)
    %dma_wait3A_1089 = arith.constant 11 : i32
    %dma_wait3A_1090 = arith.constant 2 : i32
    %dma_wait3A_1091 = arith.constant 2 : i32
    %dma_wait3A_1092 = arith.constant 128 : i32
    %dma_wait3A_1093 = arith.constant 0 : i32
    %dma_wait3A_1094 = tpu.memref_slice %arg6[%dma_wait3A_1090, %dma_wait3A_1092, %dma_wait3A_1093] : memref<3x256x128xf32, #tpu.memory_space<vmem>> -> memref<1x128x128xf32, #tpu.memory_space<vmem>>
    %dma_wait3A_1095 = tpu.memref_squeeze %dma_wait3A_1094 : memref<1x128x128xf32, #tpu.memory_space<vmem>> -> memref<128x128xf32, #tpu.memory_space<vmem>>
    %dma_wait3A_1096 = arith.constant 0 : i32
    %dma_wait3A_1097 = tpu.memref_slice %arg5[%dma_wait3A_1089, %dma_wait3A_1096] : memref<12x128xi32, #tpu.memory_space<vmem>> -> memref<1x128xi32, #tpu.memory_space<vmem>>
    %dma_wait3A_1098 = tpu.memref_squeeze %dma_wait3A_1097 : memref<1x128xi32, #tpu.memory_space<vmem>> -> memref<128xi32, #tpu.memory_space<vmem>>
    %dma_wait3A_1099 = arith.constant 0 : i32
    %dma_wait3A_1100 = arith.constant 0 : i32
    %dma_wait3A_1101 = tpu.memref_slice %arg7[%dma_wait3A_1099, %dma_wait3A_1100] : memref<1000x128xf32, #tpu.memory_space<vmem_shared>> -> memref<1000x128xf32, #tpu.memory_space<vmem_shared>>
    %dma_wait3A_1102 = tpu.memref_slice %arg9[%dma_wait3A_1091] : memref<3x!tpu.dma_semaphore, #tpu.memory_space<semaphore_mem>> -> memref<1x!tpu.dma_semaphore, #tpu.memory_space<semaphore_mem>>
    %dma_wait3A_1103 = tpu.memref_squeeze %dma_wait3A_1102 : memref<1x!tpu.dma_semaphore, #tpu.memory_space<semaphore_mem>> -> memref<!tpu.dma_semaphore, #tpu.memory_space<semaphore_mem>>
    tpu.wait_indirect_dma semaphore(%dma_wait3A_1103 : memref<!tpu.dma_semaphore, #tpu.memory_space<semaphore_mem>>) src(%dma_wait3A_1101 : memref<1000x128xf32, #tpu.memory_space<vmem_shared>>) dst(%dma_wait3A_1095 : memref<128x128xf32, #tpu.memory_space<vmem>>)
    %add3A_1104 = arith.constant 101120 : i32
    %add3A_1105 = arith.addi %mul3A_2, %add3A_1104 : i32
    %dma_start3A_1106 = arith.constant 2 : i32
    %dma_start3A_1107 = arith.constant 2 : i32
    %dma_start3A_1108 = arith.constant 0 : i32
    %dma_start3A_1109 = arith.constant 0 : i32
    %dma_start3A_1110 = tpu.memref_slice %arg6[%dma_start3A_1106, %dma_start3A_1108, %dma_start3A_1109] : memref<3x256x128xf32, #tpu.memory_space<vmem>> -> memref<1x256x128xf32, #tpu.memory_space<vmem>>
    %dma_start3A_1111 = tpu.memref_squeeze %dma_start3A_1110 : memref<1x256x128xf32, #tpu.memory_space<vmem>> -> memref<256x128xf32, #tpu.memory_space<vmem>>
    %dma_start3A_1112 = arith.constant 0 : i32
    %dma_start3A_1113 = tpu.memref_slice %arg4[%add3A_1105, %dma_start3A_1112] : memref<3276800x128xf32, #tpu.memory_space<hbm>> -> memref<256x128xf32, #tpu.memory_space<hbm>>
    %dma_start3A_1114 = tpu.memref_slice %arg10[%dma_start3A_1107] : memref<3x!tpu.dma_semaphore, #tpu.memory_space<semaphore_mem>> -> memref<1x!tpu.dma_semaphore, #tpu.memory_space<semaphore_mem>>
    %dma_start3A_1115 = tpu.memref_squeeze %dma_start3A_1114 : memref<1x!tpu.dma_semaphore, #tpu.memory_space<semaphore_mem>> -> memref<!tpu.dma_semaphore, #tpu.memory_space<semaphore_mem>>
    %dma_start3A_1116 = arith.constant 0 : i32
    %dma_start3A_1117 = tpu.memref_slice %arg4[%add3A_1105, %dma_start3A_1116] : memref<3276800x128xf32, #tpu.memory_space<hbm>> -> memref<256x128xf32, #tpu.memory_space<hbm>>
    %dma_start3A_1118 = arith.constant 0 : i32
    %dma_start3A_1119 = arith.constant 0 : i32
    %dma_start3A_1120 = tpu.memref_slice %arg6[%dma_start3A_1106, %dma_start3A_1118, %dma_start3A_1119] : memref<3x256x128xf32, #tpu.memory_space<vmem>> -> memref<1x256x128xf32, #tpu.memory_space<vmem>>
    %dma_start3A_1121 = tpu.memref_squeeze %dma_start3A_1120 : memref<1x256x128xf32, #tpu.memory_space<vmem>> -> memref<256x128xf32, #tpu.memory_space<vmem>>
    tpu.enqueue_dma source(%dma_start3A_1121 : memref<256x128xf32, #tpu.memory_space<vmem>>) target(%dma_start3A_1117 : memref<256x128xf32, #tpu.memory_space<hbm>>) target_semaphore(%dma_start3A_1115 : memref<!tpu.dma_semaphore, #tpu.memory_space<semaphore_mem>>)
    %add3A_1122 = arith.constant 100864 : i32
    %add3A_1123 = arith.addi %mul3A_2, %add3A_1122 : i32
    %dma_wait3A_1124 = arith.constant 1 : i32
    %dma_wait3A_1125 = arith.constant 1 : i32
    %dma_wait3A_1126 = arith.constant 0 : i32
    %dma_wait3A_1127 = arith.constant 0 : i32
    %dma_wait3A_1128 = tpu.memref_slice %arg6[%dma_wait3A_1124, %dma_wait3A_1126, %dma_wait3A_1127] : memref<3x256x128xf32, #tpu.memory_space<vmem>> -> memref<1x256x128xf32, #tpu.memory_space<vmem>>
    %dma_wait3A_1129 = tpu.memref_squeeze %dma_wait3A_1128 : memref<1x256x128xf32, #tpu.memory_space<vmem>> -> memref<256x128xf32, #tpu.memory_space<vmem>>
    %dma_wait3A_1130 = arith.constant 0 : i32
    %dma_wait3A_1131 = tpu.memref_slice %arg4[%add3A_1123, %dma_wait3A_1130] : memref<3276800x128xf32, #tpu.memory_space<hbm>> -> memref<256x128xf32, #tpu.memory_space<hbm>>
    %dma_wait3A_1132 = tpu.memref_slice %arg10[%dma_wait3A_1125] : memref<3x!tpu.dma_semaphore, #tpu.memory_space<semaphore_mem>> -> memref<1x!tpu.dma_semaphore, #tpu.memory_space<semaphore_mem>>
    %dma_wait3A_1133 = tpu.memref_squeeze %dma_wait3A_1132 : memref<1x!tpu.dma_semaphore, #tpu.memory_space<semaphore_mem>> -> memref<!tpu.dma_semaphore, #tpu.memory_space<semaphore_mem>>
    %dma_wait3A_1134 = arith.constant 0 : i32
    %dma_wait3A_1135 = tpu.memref_slice %arg4[%add3A_1123, %dma_wait3A_1134] : memref<3276800x128xf32, #tpu.memory_space<hbm>> -> memref<256x128xf32, #tpu.memory_space<hbm>>
    %dma_wait3A_1136 = arith.constant 0 : i32
    %dma_wait3A_1137 = arith.constant 0 : i32
    %dma_wait3A_1138 = tpu.memref_slice %arg6[%dma_wait3A_1124, %dma_wait3A_1136, %dma_wait3A_1137] : memref<3x256x128xf32, #tpu.memory_space<vmem>> -> memref<1x256x128xf32, #tpu.memory_space<vmem>>
    %dma_wait3A_1139 = tpu.memref_squeeze %dma_wait3A_1138 : memref<1x256x128xf32, #tpu.memory_space<vmem>> -> memref<256x128xf32, #tpu.memory_space<vmem>>
    tpu.wait_dma2 semaphore(%dma_wait3A_1133 : memref<!tpu.dma_semaphore, #tpu.memory_space<semaphore_mem>>) src(%dma_wait3A_1139 : memref<256x128xf32, #tpu.memory_space<vmem>>) dst(%dma_wait3A_1135 : memref<256x128xf32, #tpu.memory_space<hbm>>)
    %add3A_1140 = arith.constant 101632 : i32
    %add3A_1141 = arith.addi %mul3A_2, %add3A_1140 : i32
    %add3A_1142 = arith.constant 0 : i32
    %add3A_1143 = arith.addi %add3A_1141, %add3A_1142 : i32
    %dma_wait3A_1144 = arith.constant 2 : i32
    %dma_wait3A_1145 = arith.constant 1 : i32
    %dma_wait3A_1146 = arith.constant 0 : i32
    %dma_wait3A_1147 = tpu.memref_slice %arg5[%dma_wait3A_1144, %dma_wait3A_1146] : memref<12x128xi32, #tpu.memory_space<vmem>> -> memref<1x128xi32, #tpu.memory_space<vmem>>
    %dma_wait3A_1148 = tpu.memref_squeeze %dma_wait3A_1147 : memref<1x128xi32, #tpu.memory_space<vmem>> -> memref<128xi32, #tpu.memory_space<vmem>>
    %dma_wait3A_1149 = tpu.memref_slice %arg3[%add3A_1143] : memref<3276800xi32, #tpu.memory_space<hbm>> -> memref<128xi32, #tpu.memory_space<hbm>>
    %dma_wait3A_1150 = tpu.memref_slice %arg8[%dma_wait3A_1145] : memref<6x!tpu.dma_semaphore, #tpu.memory_space<semaphore_mem>> -> memref<1x!tpu.dma_semaphore, #tpu.memory_space<semaphore_mem>>
    %dma_wait3A_1151 = tpu.memref_squeeze %dma_wait3A_1150 : memref<1x!tpu.dma_semaphore, #tpu.memory_space<semaphore_mem>> -> memref<!tpu.dma_semaphore, #tpu.memory_space<semaphore_mem>>
    %dma_wait3A_1152 = arith.constant 0 : i32
    %dma_wait3A_1153 = tpu.memref_slice %arg5[%dma_wait3A_1144, %dma_wait3A_1152] : memref<12x128xi32, #tpu.memory_space<vmem>> -> memref<1x128xi32, #tpu.memory_space<vmem>>
    %dma_wait3A_1154 = tpu.memref_squeeze %dma_wait3A_1153 : memref<1x128xi32, #tpu.memory_space<vmem>> -> memref<128xi32, #tpu.memory_space<vmem>>
    %dma_wait3A_1155 = tpu.memref_slice %arg3[%add3A_1143] : memref<3276800xi32, #tpu.memory_space<hbm>> -> memref<128xi32, #tpu.memory_space<hbm>>
    tpu.wait_dma2 semaphore(%dma_wait3A_1151 : memref<!tpu.dma_semaphore, #tpu.memory_space<semaphore_mem>>) src(%dma_wait3A_1155 : memref<128xi32, #tpu.memory_space<hbm>>) dst(%dma_wait3A_1154 : memref<128xi32, #tpu.memory_space<vmem>>)
    %add3A_1156 = arith.constant 101632 : i32
    %add3A_1157 = arith.addi %mul3A_2, %add3A_1156 : i32
    %add3A_1158 = arith.constant 128 : i32
    %add3A_1159 = arith.addi %add3A_1157, %add3A_1158 : i32
    %dma_wait3A_1160 = arith.constant 3 : i32
    %dma_wait3A_1161 = arith.constant 1 : i32
    %dma_wait3A_1162 = arith.constant 0 : i32
    %dma_wait3A_1163 = tpu.memref_slice %arg5[%dma_wait3A_1160, %dma_wait3A_1162] : memref<12x128xi32, #tpu.memory_space<vmem>> -> memref<1x128xi32, #tpu.memory_space<vmem>>
    %dma_wait3A_1164 = tpu.memref_squeeze %dma_wait3A_1163 : memref<1x128xi32, #tpu.memory_space<vmem>> -> memref<128xi32, #tpu.memory_space<vmem>>
    %dma_wait3A_1165 = tpu.memref_slice %arg3[%add3A_1159] : memref<3276800xi32, #tpu.memory_space<hbm>> -> memref<128xi32, #tpu.memory_space<hbm>>
    %dma_wait3A_1166 = tpu.memref_slice %arg8[%dma_wait3A_1161] : memref<6x!tpu.dma_semaphore, #tpu.memory_space<semaphore_mem>> -> memref<1x!tpu.dma_semaphore, #tpu.memory_space<semaphore_mem>>
    %dma_wait3A_1167 = tpu.memref_squeeze %dma_wait3A_1166 : memref<1x!tpu.dma_semaphore, #tpu.memory_space<semaphore_mem>> -> memref<!tpu.dma_semaphore, #tpu.memory_space<semaphore_mem>>
    %dma_wait3A_1168 = arith.constant 0 : i32
    %dma_wait3A_1169 = tpu.memref_slice %arg5[%dma_wait3A_1160, %dma_wait3A_1168] : memref<12x128xi32, #tpu.memory_space<vmem>> -> memref<1x128xi32, #tpu.memory_space<vmem>>
    %dma_wait3A_1170 = tpu.memref_squeeze %dma_wait3A_1169 : memref<1x128xi32, #tpu.memory_space<vmem>> -> memref<128xi32, #tpu.memory_space<vmem>>
    %dma_wait3A_1171 = tpu.memref_slice %arg3[%add3A_1159] : memref<3276800xi32, #tpu.memory_space<hbm>> -> memref<128xi32, #tpu.memory_space<hbm>>
    tpu.wait_dma2 semaphore(%dma_wait3A_1167 : memref<!tpu.dma_semaphore, #tpu.memory_space<semaphore_mem>>) src(%dma_wait3A_1171 : memref<128xi32, #tpu.memory_space<hbm>>) dst(%dma_wait3A_1170 : memref<128xi32, #tpu.memory_space<vmem>>)
    %dma_start3A_1172 = arith.constant 2 : i32
    %dma_start3A_1173 = arith.constant 1 : i32
    %dma_start3A_1174 = arith.constant 1 : i32
    %dma_start3A_1175 = arith.constant 0 : i32
    %dma_start3A_1176 = arith.constant 0 : i32
    %dma_start3A_1177 = tpu.memref_slice %arg6[%dma_start3A_1173, %dma_start3A_1175, %dma_start3A_1176] : memref<3x256x128xf32, #tpu.memory_space<vmem>> -> memref<1x128x128xf32, #tpu.memory_space<vmem>>
    %dma_start3A_1178 = tpu.memref_squeeze %dma_start3A_1177 : memref<1x128x128xf32, #tpu.memory_space<vmem>> -> memref<128x128xf32, #tpu.memory_space<vmem>>
    %dma_start3A_1179 = arith.constant 0 : i32
    %dma_start3A_1180 = tpu.memref_slice %arg5[%dma_start3A_1172, %dma_start3A_1179] : memref<12x128xi32, #tpu.memory_space<vmem>> -> memref<1x128xi32, #tpu.memory_space<vmem>>
    %dma_start3A_1181 = tpu.memref_squeeze %dma_start3A_1180 : memref<1x128xi32, #tpu.memory_space<vmem>> -> memref<128xi32, #tpu.memory_space<vmem>>
    %dma_start3A_1182 = arith.constant 0 : i32
    %dma_start3A_1183 = arith.constant 0 : i32
    %dma_start3A_1184 = tpu.memref_slice %arg7[%dma_start3A_1182, %dma_start3A_1183] : memref<1000x128xf32, #tpu.memory_space<vmem_shared>> -> memref<1000x128xf32, #tpu.memory_space<vmem_shared>>
    %dma_start3A_1185 = tpu.memref_slice %arg9[%dma_start3A_1174] : memref<3x!tpu.dma_semaphore, #tpu.memory_space<semaphore_mem>> -> memref<1x!tpu.dma_semaphore, #tpu.memory_space<semaphore_mem>>
    %dma_start3A_1186 = tpu.memref_squeeze %dma_start3A_1185 : memref<1x!tpu.dma_semaphore, #tpu.memory_space<semaphore_mem>> -> memref<!tpu.dma_semaphore, #tpu.memory_space<semaphore_mem>>
    tpu.enqueue_indirect_dma source(%dma_start3A_1184 : memref<1000x128xf32, #tpu.memory_space<vmem_shared>>) target(%dma_start3A_1178 : memref<128x128xf32, #tpu.memory_space<vmem>>) offsets(%dma_start3A_1181 : memref<128xi32, #tpu.memory_space<vmem>>) semaphore(%dma_start3A_1186 : memref<!tpu.dma_semaphore, #tpu.memory_space<semaphore_mem>>)
    %dma_start3A_1187 = arith.constant 3 : i32
    %dma_start3A_1188 = arith.constant 1 : i32
    %dma_start3A_1189 = arith.constant 1 : i32
    %dma_start3A_1190 = arith.constant 128 : i32
    %dma_start3A_1191 = arith.constant 0 : i32
    %dma_start3A_1192 = tpu.memref_slice %arg6[%dma_start3A_1188, %dma_start3A_1190, %dma_start3A_1191] : memref<3x256x128xf32, #tpu.memory_space<vmem>> -> memref<1x128x128xf32, #tpu.memory_space<vmem>>
    %dma_start3A_1193 = tpu.memref_squeeze %dma_start3A_1192 : memref<1x128x128xf32, #tpu.memory_space<vmem>> -> memref<128x128xf32, #tpu.memory_space<vmem>>
    %dma_start3A_1194 = arith.constant 0 : i32
    %dma_start3A_1195 = tpu.memref_slice %arg5[%dma_start3A_1187, %dma_start3A_1194] : memref<12x128xi32, #tpu.memory_space<vmem>> -> memref<1x128xi32, #tpu.memory_space<vmem>>
    %dma_start3A_1196 = tpu.memref_squeeze %dma_start3A_1195 : memref<1x128xi32, #tpu.memory_space<vmem>> -> memref<128xi32, #tpu.memory_space<vmem>>
    %dma_start3A_1197 = arith.constant 0 : i32
    %dma_start3A_1198 = arith.constant 0 : i32
    %dma_start3A_1199 = tpu.memref_slice %arg7[%dma_start3A_1197, %dma_start3A_1198] : memref<1000x128xf32, #tpu.memory_space<vmem_shared>> -> memref<1000x128xf32, #tpu.memory_space<vmem_shared>>
    %dma_start3A_1200 = tpu.memref_slice %arg9[%dma_start3A_1189] : memref<3x!tpu.dma_semaphore, #tpu.memory_space<semaphore_mem>> -> memref<1x!tpu.dma_semaphore, #tpu.memory_space<semaphore_mem>>
    %dma_start3A_1201 = tpu.memref_squeeze %dma_start3A_1200 : memref<1x!tpu.dma_semaphore, #tpu.memory_space<semaphore_mem>> -> memref<!tpu.dma_semaphore, #tpu.memory_space<semaphore_mem>>
    tpu.enqueue_indirect_dma source(%dma_start3A_1199 : memref<1000x128xf32, #tpu.memory_space<vmem_shared>>) target(%dma_start3A_1193 : memref<128x128xf32, #tpu.memory_space<vmem>>) offsets(%dma_start3A_1196 : memref<128xi32, #tpu.memory_space<vmem>>) semaphore(%dma_start3A_1201 : memref<!tpu.dma_semaphore, #tpu.memory_space<semaphore_mem>>)
    %dma_wait3A_1202 = arith.constant 0 : i32
    %dma_wait3A_1203 = arith.constant 0 : i32
    %dma_wait3A_1204 = arith.constant 0 : i32
    %dma_wait3A_1205 = arith.constant 0 : i32
    %dma_wait3A_1206 = arith.constant 0 : i32
    %dma_wait3A_1207 = tpu.memref_slice %arg6[%dma_wait3A_1203, %dma_wait3A_1205, %dma_wait3A_1206] : memref<3x256x128xf32, #tpu.memory_space<vmem>> -> memref<1x128x128xf32, #tpu.memory_space<vmem>>
    %dma_wait3A_1208 = tpu.memref_squeeze %dma_wait3A_1207 : memref<1x128x128xf32, #tpu.memory_space<vmem>> -> memref<128x128xf32, #tpu.memory_space<vmem>>
    %dma_wait3A_1209 = arith.constant 0 : i32
    %dma_wait3A_1210 = tpu.memref_slice %arg5[%dma_wait3A_1202, %dma_wait3A_1209] : memref<12x128xi32, #tpu.memory_space<vmem>> -> memref<1x128xi32, #tpu.memory_space<vmem>>
    %dma_wait3A_1211 = tpu.memref_squeeze %dma_wait3A_1210 : memref<1x128xi32, #tpu.memory_space<vmem>> -> memref<128xi32, #tpu.memory_space<vmem>>
    %dma_wait3A_1212 = arith.constant 0 : i32
    %dma_wait3A_1213 = arith.constant 0 : i32
    %dma_wait3A_1214 = tpu.memref_slice %arg7[%dma_wait3A_1212, %dma_wait3A_1213] : memref<1000x128xf32, #tpu.memory_space<vmem_shared>> -> memref<1000x128xf32, #tpu.memory_space<vmem_shared>>
    %dma_wait3A_1215 = tpu.memref_slice %arg9[%dma_wait3A_1204] : memref<3x!tpu.dma_semaphore, #tpu.memory_space<semaphore_mem>> -> memref<1x!tpu.dma_semaphore, #tpu.memory_space<semaphore_mem>>
    %dma_wait3A_1216 = tpu.memref_squeeze %dma_wait3A_1215 : memref<1x!tpu.dma_semaphore, #tpu.memory_space<semaphore_mem>> -> memref<!tpu.dma_semaphore, #tpu.memory_space<semaphore_mem>>
    tpu.wait_indirect_dma semaphore(%dma_wait3A_1216 : memref<!tpu.dma_semaphore, #tpu.memory_space<semaphore_mem>>) src(%dma_wait3A_1214 : memref<1000x128xf32, #tpu.memory_space<vmem_shared>>) dst(%dma_wait3A_1208 : memref<128x128xf32, #tpu.memory_space<vmem>>)
    %dma_wait3A_1217 = arith.constant 1 : i32
    %dma_wait3A_1218 = arith.constant 0 : i32
    %dma_wait3A_1219 = arith.constant 0 : i32
    %dma_wait3A_1220 = arith.constant 128 : i32
    %dma_wait3A_1221 = arith.constant 0 : i32
    %dma_wait3A_1222 = tpu.memref_slice %arg6[%dma_wait3A_1218, %dma_wait3A_1220, %dma_wait3A_1221] : memref<3x256x128xf32, #tpu.memory_space<vmem>> -> memref<1x128x128xf32, #tpu.memory_space<vmem>>
    %dma_wait3A_1223 = tpu.memref_squeeze %dma_wait3A_1222 : memref<1x128x128xf32, #tpu.memory_space<vmem>> -> memref<128x128xf32, #tpu.memory_space<vmem>>
    %dma_wait3A_1224 = arith.constant 0 : i32
    %dma_wait3A_1225 = tpu.memref_slice %arg5[%dma_wait3A_1217, %dma_wait3A_1224] : memref<12x128xi32, #tpu.memory_space<vmem>> -> memref<1x128xi32, #tpu.memory_space<vmem>>
    %dma_wait3A_1226 = tpu.memref_squeeze %dma_wait3A_1225 : memref<1x128xi32, #tpu.memory_space<vmem>> -> memref<128xi32, #tpu.memory_space<vmem>>
    %dma_wait3A_1227 = arith.constant 0 : i32
    %dma_wait3A_1228 = arith.constant 0 : i32
    %dma_wait3A_1229 = tpu.memref_slice %arg7[%dma_wait3A_1227, %dma_wait3A_1228] : memref<1000x128xf32, #tpu.memory_space<vmem_shared>> -> memref<1000x128xf32, #tpu.memory_space<vmem_shared>>
    %dma_wait3A_1230 = tpu.memref_slice %arg9[%dma_wait3A_1219] : memref<3x!tpu.dma_semaphore, #tpu.memory_space<semaphore_mem>> -> memref<1x!tpu.dma_semaphore, #tpu.memory_space<semaphore_mem>>
    %dma_wait3A_1231 = tpu.memref_squeeze %dma_wait3A_1230 : memref<1x!tpu.dma_semaphore, #tpu.memory_space<semaphore_mem>> -> memref<!tpu.dma_semaphore, #tpu.memory_space<semaphore_mem>>
    tpu.wait_indirect_dma semaphore(%dma_wait3A_1231 : memref<!tpu.dma_semaphore, #tpu.memory_space<semaphore_mem>>) src(%dma_wait3A_1229 : memref<1000x128xf32, #tpu.memory_space<vmem_shared>>) dst(%dma_wait3A_1223 : memref<128x128xf32, #tpu.memory_space<vmem>>)
    %add3A_1232 = arith.constant 101376 : i32
    %add3A_1233 = arith.addi %mul3A_2, %add3A_1232 : i32
    %dma_start3A_1234 = arith.constant 0 : i32
    %dma_start3A_1235 = arith.constant 0 : i32
    %dma_start3A_1236 = arith.constant 0 : i32
    %dma_start3A_1237 = arith.constant 0 : i32
    %dma_start3A_1238 = tpu.memref_slice %arg6[%dma_start3A_1234, %dma_start3A_1236, %dma_start3A_1237] : memref<3x256x128xf32, #tpu.memory_space<vmem>> -> memref<1x256x128xf32, #tpu.memory_space<vmem>>
    %dma_start3A_1239 = tpu.memref_squeeze %dma_start3A_1238 : memref<1x256x128xf32, #tpu.memory_space<vmem>> -> memref<256x128xf32, #tpu.memory_space<vmem>>
    %dma_start3A_1240 = arith.constant 0 : i32
    %dma_start3A_1241 = tpu.memref_slice %arg4[%add3A_1233, %dma_start3A_1240] : memref<3276800x128xf32, #tpu.memory_space<hbm>> -> memref<256x128xf32, #tpu.memory_space<hbm>>
    %dma_start3A_1242 = tpu.memref_slice %arg10[%dma_start3A_1235] : memref<3x!tpu.dma_semaphore, #tpu.memory_space<semaphore_mem>> -> memref<1x!tpu.dma_semaphore, #tpu.memory_space<semaphore_mem>>
    %dma_start3A_1243 = tpu.memref_squeeze %dma_start3A_1242 : memref<1x!tpu.dma_semaphore, #tpu.memory_space<semaphore_mem>> -> memref<!tpu.dma_semaphore, #tpu.memory_space<semaphore_mem>>
    %dma_start3A_1244 = arith.constant 0 : i32
    %dma_start3A_1245 = tpu.memref_slice %arg4[%add3A_1233, %dma_start3A_1244] : memref<3276800x128xf32, #tpu.memory_space<hbm>> -> memref<256x128xf32, #tpu.memory_space<hbm>>
    %dma_start3A_1246 = arith.constant 0 : i32
    %dma_start3A_1247 = arith.constant 0 : i32
    %dma_start3A_1248 = tpu.memref_slice %arg6[%dma_start3A_1234, %dma_start3A_1246, %dma_start3A_1247] : memref<3x256x128xf32, #tpu.memory_space<vmem>> -> memref<1x256x128xf32, #tpu.memory_space<vmem>>
    %dma_start3A_1249 = tpu.memref_squeeze %dma_start3A_1248 : memref<1x256x128xf32, #tpu.memory_space<vmem>> -> memref<256x128xf32, #tpu.memory_space<vmem>>
    tpu.enqueue_dma source(%dma_start3A_1249 : memref<256x128xf32, #tpu.memory_space<vmem>>) target(%dma_start3A_1245 : memref<256x128xf32, #tpu.memory_space<hbm>>) target_semaphore(%dma_start3A_1243 : memref<!tpu.dma_semaphore, #tpu.memory_space<semaphore_mem>>)
    %add3A_1250 = arith.constant 101120 : i32
    %add3A_1251 = arith.addi %mul3A_2, %add3A_1250 : i32
    %dma_wait3A_1252 = arith.constant 2 : i32
    %dma_wait3A_1253 = arith.constant 2 : i32
    %dma_wait3A_1254 = arith.constant 0 : i32
    %dma_wait3A_1255 = arith.constant 0 : i32
    %dma_wait3A_1256 = tpu.memref_slice %arg6[%dma_wait3A_1252, %dma_wait3A_1254, %dma_wait3A_1255] : memref<3x256x128xf32, #tpu.memory_space<vmem>> -> memref<1x256x128xf32, #tpu.memory_space<vmem>>
    %dma_wait3A_1257 = tpu.memref_squeeze %dma_wait3A_1256 : memref<1x256x128xf32, #tpu.memory_space<vmem>> -> memref<256x128xf32, #tpu.memory_space<vmem>>
    %dma_wait3A_1258 = arith.constant 0 : i32
    %dma_wait3A_1259 = tpu.memref_slice %arg4[%add3A_1251, %dma_wait3A_1258] : memref<3276800x128xf32, #tpu.memory_space<hbm>> -> memref<256x128xf32, #tpu.memory_space<hbm>>
    %dma_wait3A_1260 = tpu.memref_slice %arg10[%dma_wait3A_1253] : memref<3x!tpu.dma_semaphore, #tpu.memory_space<semaphore_mem>> -> memref<1x!tpu.dma_semaphore, #tpu.memory_space<semaphore_mem>>
    %dma_wait3A_1261 = tpu.memref_squeeze %dma_wait3A_1260 : memref<1x!tpu.dma_semaphore, #tpu.memory_space<semaphore_mem>> -> memref<!tpu.dma_semaphore, #tpu.memory_space<semaphore_mem>>
    %dma_wait3A_1262 = arith.constant 0 : i32
    %dma_wait3A_1263 = tpu.memref_slice %arg4[%add3A_1251, %dma_wait3A_1262] : memref<3276800x128xf32, #tpu.memory_space<hbm>> -> memref<256x128xf32, #tpu.memory_space<hbm>>
    %dma_wait3A_1264 = arith.constant 0 : i32
    %dma_wait3A_1265 = arith.constant 0 : i32
    %dma_wait3A_1266 = tpu.memref_slice %arg6[%dma_wait3A_1252, %dma_wait3A_1264, %dma_wait3A_1265] : memref<3x256x128xf32, #tpu.memory_space<vmem>> -> memref<1x256x128xf32, #tpu.memory_space<vmem>>
    %dma_wait3A_1267 = tpu.memref_squeeze %dma_wait3A_1266 : memref<1x256x128xf32, #tpu.memory_space<vmem>> -> memref<256x128xf32, #tpu.memory_space<vmem>>
    tpu.wait_dma2 semaphore(%dma_wait3A_1261 : memref<!tpu.dma_semaphore, #tpu.memory_space<semaphore_mem>>) src(%dma_wait3A_1267 : memref<256x128xf32, #tpu.memory_space<vmem>>) dst(%dma_wait3A_1263 : memref<256x128xf32, #tpu.memory_space<hbm>>)
    %add3A_1268 = arith.constant 101888 : i32
    %add3A_1269 = arith.addi %mul3A_2, %add3A_1268 : i32
    %add3A_1270 = arith.constant 0 : i32
    %add3A_1271 = arith.addi %add3A_1269, %add3A_1270 : i32
    %dma_wait3A_1272 = arith.constant 4 : i32
    %dma_wait3A_1273 = arith.constant 2 : i32
    %dma_wait3A_1274 = arith.constant 0 : i32
    %dma_wait3A_1275 = tpu.memref_slice %arg5[%dma_wait3A_1272, %dma_wait3A_1274] : memref<12x128xi32, #tpu.memory_space<vmem>> -> memref<1x128xi32, #tpu.memory_space<vmem>>
    %dma_wait3A_1276 = tpu.memref_squeeze %dma_wait3A_1275 : memref<1x128xi32, #tpu.memory_space<vmem>> -> memref<128xi32, #tpu.memory_space<vmem>>
    %dma_wait3A_1277 = tpu.memref_slice %arg3[%add3A_1271] : memref<3276800xi32, #tpu.memory_space<hbm>> -> memref<128xi32, #tpu.memory_space<hbm>>
    %dma_wait3A_1278 = tpu.memref_slice %arg8[%dma_wait3A_1273] : memref<6x!tpu.dma_semaphore, #tpu.memory_space<semaphore_mem>> -> memref<1x!tpu.dma_semaphore, #tpu.memory_space<semaphore_mem>>
    %dma_wait3A_1279 = tpu.memref_squeeze %dma_wait3A_1278 : memref<1x!tpu.dma_semaphore, #tpu.memory_space<semaphore_mem>> -> memref<!tpu.dma_semaphore, #tpu.memory_space<semaphore_mem>>
    %dma_wait3A_1280 = arith.constant 0 : i32
    %dma_wait3A_1281 = tpu.memref_slice %arg5[%dma_wait3A_1272, %dma_wait3A_1280] : memref<12x128xi32, #tpu.memory_space<vmem>> -> memref<1x128xi32, #tpu.memory_space<vmem>>
    %dma_wait3A_1282 = tpu.memref_squeeze %dma_wait3A_1281 : memref<1x128xi32, #tpu.memory_space<vmem>> -> memref<128xi32, #tpu.memory_space<vmem>>
    %dma_wait3A_1283 = tpu.memref_slice %arg3[%add3A_1271] : memref<3276800xi32, #tpu.memory_space<hbm>> -> memref<128xi32, #tpu.memory_space<hbm>>
    tpu.wait_dma2 semaphore(%dma_wait3A_1279 : memref<!tpu.dma_semaphore, #tpu.memory_space<semaphore_mem>>) src(%dma_wait3A_1283 : memref<128xi32, #tpu.memory_space<hbm>>) dst(%dma_wait3A_1282 : memref<128xi32, #tpu.memory_space<vmem>>)
    %add3A_1284 = arith.constant 101888 : i32
    %add3A_1285 = arith.addi %mul3A_2, %add3A_1284 : i32
    %add3A_1286 = arith.constant 128 : i32
    %add3A_1287 = arith.addi %add3A_1285, %add3A_1286 : i32
    %dma_wait3A_1288 = arith.constant 5 : i32
    %dma_wait3A_1289 = arith.constant 2 : i32
    %dma_wait3A_1290 = arith.constant 0 : i32
    %dma_wait3A_1291 = tpu.memref_slice %arg5[%dma_wait3A_1288, %dma_wait3A_1290] : memref<12x128xi32, #tpu.memory_space<vmem>> -> memref<1x128xi32, #tpu.memory_space<vmem>>
    %dma_wait3A_1292 = tpu.memref_squeeze %dma_wait3A_1291 : memref<1x128xi32, #tpu.memory_space<vmem>> -> memref<128xi32, #tpu.memory_space<vmem>>
    %dma_wait3A_1293 = tpu.memref_slice %arg3[%add3A_1287] : memref<3276800xi32, #tpu.memory_space<hbm>> -> memref<128xi32, #tpu.memory_space<hbm>>
    %dma_wait3A_1294 = tpu.memref_slice %arg8[%dma_wait3A_1289] : memref<6x!tpu.dma_semaphore, #tpu.memory_space<semaphore_mem>> -> memref<1x!tpu.dma_semaphore, #tpu.memory_space<semaphore_mem>>
    %dma_wait3A_1295 = tpu.memref_squeeze %dma_wait3A_1294 : memref<1x!tpu.dma_semaphore, #tpu.memory_space<semaphore_mem>> -> memref<!tpu.dma_semaphore, #tpu.memory_space<semaphore_mem>>
    %dma_wait3A_1296 = arith.constant 0 : i32
    %dma_wait3A_1297 = tpu.memref_slice %arg5[%dma_wait3A_1288, %dma_wait3A_1296] : memref<12x128xi32, #tpu.memory_space<vmem>> -> memref<1x128xi32, #tpu.memory_space<vmem>>
    %dma_wait3A_1298 = tpu.memref_squeeze %dma_wait3A_1297 : memref<1x128xi32, #tpu.memory_space<vmem>> -> memref<128xi32, #tpu.memory_space<vmem>>
    %dma_wait3A_1299 = tpu.memref_slice %arg3[%add3A_1287] : memref<3276800xi32, #tpu.memory_space<hbm>> -> memref<128xi32, #tpu.memory_space<hbm>>
    tpu.wait_dma2 semaphore(%dma_wait3A_1295 : memref<!tpu.dma_semaphore, #tpu.memory_space<semaphore_mem>>) src(%dma_wait3A_1299 : memref<128xi32, #tpu.memory_space<hbm>>) dst(%dma_wait3A_1298 : memref<128xi32, #tpu.memory_space<vmem>>)
    %dma_start3A_1300 = arith.constant 4 : i32
    %dma_start3A_1301 = arith.constant 2 : i32
    %dma_start3A_1302 = arith.constant 2 : i32
    %dma_start3A_1303 = arith.constant 0 : i32
    %dma_start3A_1304 = arith.constant 0 : i32
    %dma_start3A_1305 = tpu.memref_slice %arg6[%dma_start3A_1301, %dma_start3A_1303, %dma_start3A_1304] : memref<3x256x128xf32, #tpu.memory_space<vmem>> -> memref<1x128x128xf32, #tpu.memory_space<vmem>>
    %dma_start3A_1306 = tpu.memref_squeeze %dma_start3A_1305 : memref<1x128x128xf32, #tpu.memory_space<vmem>> -> memref<128x128xf32, #tpu.memory_space<vmem>>
    %dma_start3A_1307 = arith.constant 0 : i32
    %dma_start3A_1308 = tpu.memref_slice %arg5[%dma_start3A_1300, %dma_start3A_1307] : memref<12x128xi32, #tpu.memory_space<vmem>> -> memref<1x128xi32, #tpu.memory_space<vmem>>
    %dma_start3A_1309 = tpu.memref_squeeze %dma_start3A_1308 : memref<1x128xi32, #tpu.memory_space<vmem>> -> memref<128xi32, #tpu.memory_space<vmem>>
    %dma_start3A_1310 = arith.constant 0 : i32
    %dma_start3A_1311 = arith.constant 0 : i32
    %dma_start3A_1312 = tpu.memref_slice %arg7[%dma_start3A_1310, %dma_start3A_1311] : memref<1000x128xf32, #tpu.memory_space<vmem_shared>> -> memref<1000x128xf32, #tpu.memory_space<vmem_shared>>
    %dma_start3A_1313 = tpu.memref_slice %arg9[%dma_start3A_1302] : memref<3x!tpu.dma_semaphore, #tpu.memory_space<semaphore_mem>> -> memref<1x!tpu.dma_semaphore, #tpu.memory_space<semaphore_mem>>
    %dma_start3A_1314 = tpu.memref_squeeze %dma_start3A_1313 : memref<1x!tpu.dma_semaphore, #tpu.memory_space<semaphore_mem>> -> memref<!tpu.dma_semaphore, #tpu.memory_space<semaphore_mem>>
    tpu.enqueue_indirect_dma source(%dma_start3A_1312 : memref<1000x128xf32, #tpu.memory_space<vmem_shared>>) target(%dma_start3A_1306 : memref<128x128xf32, #tpu.memory_space<vmem>>) offsets(%dma_start3A_1309 : memref<128xi32, #tpu.memory_space<vmem>>) semaphore(%dma_start3A_1314 : memref<!tpu.dma_semaphore, #tpu.memory_space<semaphore_mem>>)
    %dma_start3A_1315 = arith.constant 5 : i32
    %dma_start3A_1316 = arith.constant 2 : i32
    %dma_start3A_1317 = arith.constant 2 : i32
    %dma_start3A_1318 = arith.constant 128 : i32
    %dma_start3A_1319 = arith.constant 0 : i32
    %dma_start3A_1320 = tpu.memref_slice %arg6[%dma_start3A_1316, %dma_start3A_1318, %dma_start3A_1319] : memref<3x256x128xf32, #tpu.memory_space<vmem>> -> memref<1x128x128xf32, #tpu.memory_space<vmem>>
    %dma_start3A_1321 = tpu.memref_squeeze %dma_start3A_1320 : memref<1x128x128xf32, #tpu.memory_space<vmem>> -> memref<128x128xf32, #tpu.memory_space<vmem>>
    %dma_start3A_1322 = arith.constant 0 : i32
    %dma_start3A_1323 = tpu.memref_slice %arg5[%dma_start3A_1315, %dma_start3A_1322] : memref<12x128xi32, #tpu.memory_space<vmem>> -> memref<1x128xi32, #tpu.memory_space<vmem>>
    %dma_start3A_1324 = tpu.memref_squeeze %dma_start3A_1323 : memref<1x128xi32, #tpu.memory_space<vmem>> -> memref<128xi32, #tpu.memory_space<vmem>>
    %dma_start3A_1325 = arith.constant 0 : i32
    %dma_start3A_1326 = arith.constant 0 : i32
    %dma_start3A_1327 = tpu.memref_slice %arg7[%dma_start3A_1325, %dma_start3A_1326] : memref<1000x128xf32, #tpu.memory_space<vmem_shared>> -> memref<1000x128xf32, #tpu.memory_space<vmem_shared>>
    %dma_start3A_1328 = tpu.memref_slice %arg9[%dma_start3A_1317] : memref<3x!tpu.dma_semaphore, #tpu.memory_space<semaphore_mem>> -> memref<1x!tpu.dma_semaphore, #tpu.memory_space<semaphore_mem>>
    %dma_start3A_1329 = tpu.memref_squeeze %dma_start3A_1328 : memref<1x!tpu.dma_semaphore, #tpu.memory_space<semaphore_mem>> -> memref<!tpu.dma_semaphore, #tpu.memory_space<semaphore_mem>>
    tpu.enqueue_indirect_dma source(%dma_start3A_1327 : memref<1000x128xf32, #tpu.memory_space<vmem_shared>>) target(%dma_start3A_1321 : memref<128x128xf32, #tpu.memory_space<vmem>>) offsets(%dma_start3A_1324 : memref<128xi32, #tpu.memory_space<vmem>>) semaphore(%dma_start3A_1329 : memref<!tpu.dma_semaphore, #tpu.memory_space<semaphore_mem>>)
    %dma_wait3A_1330 = arith.constant 2 : i32
    %dma_wait3A_1331 = arith.constant 1 : i32
    %dma_wait3A_1332 = arith.constant 1 : i32
    %dma_wait3A_1333 = arith.constant 0 : i32
    %dma_wait3A_1334 = arith.constant 0 : i32
    %dma_wait3A_1335 = tpu.memref_slice %arg6[%dma_wait3A_1331, %dma_wait3A_1333, %dma_wait3A_1334] : memref<3x256x128xf32, #tpu.memory_space<vmem>> -> memref<1x128x128xf32, #tpu.memory_space<vmem>>
    %dma_wait3A_1336 = tpu.memref_squeeze %dma_wait3A_1335 : memref<1x128x128xf32, #tpu.memory_space<vmem>> -> memref<128x128xf32, #tpu.memory_space<vmem>>
    %dma_wait3A_1337 = arith.constant 0 : i32
    %dma_wait3A_1338 = tpu.memref_slice %arg5[%dma_wait3A_1330, %dma_wait3A_1337] : memref<12x128xi32, #tpu.memory_space<vmem>> -> memref<1x128xi32, #tpu.memory_space<vmem>>
    %dma_wait3A_1339 = tpu.memref_squeeze %dma_wait3A_1338 : memref<1x128xi32, #tpu.memory_space<vmem>> -> memref<128xi32, #tpu.memory_space<vmem>>
    %dma_wait3A_1340 = arith.constant 0 : i32
    %dma_wait3A_1341 = arith.constant 0 : i32
    %dma_wait3A_1342 = tpu.memref_slice %arg7[%dma_wait3A_1340, %dma_wait3A_1341] : memref<1000x128xf32, #tpu.memory_space<vmem_shared>> -> memref<1000x128xf32, #tpu.memory_space<vmem_shared>>
    %dma_wait3A_1343 = tpu.memref_slice %arg9[%dma_wait3A_1332] : memref<3x!tpu.dma_semaphore, #tpu.memory_space<semaphore_mem>> -> memref<1x!tpu.dma_semaphore, #tpu.memory_space<semaphore_mem>>
    %dma_wait3A_1344 = tpu.memref_squeeze %dma_wait3A_1343 : memref<1x!tpu.dma_semaphore, #tpu.memory_space<semaphore_mem>> -> memref<!tpu.dma_semaphore, #tpu.memory_space<semaphore_mem>>
    tpu.wait_indirect_dma semaphore(%dma_wait3A_1344 : memref<!tpu.dma_semaphore, #tpu.memory_space<semaphore_mem>>) src(%dma_wait3A_1342 : memref<1000x128xf32, #tpu.memory_space<vmem_shared>>) dst(%dma_wait3A_1336 : memref<128x128xf32, #tpu.memory_space<vmem>>)
    %dma_wait3A_1345 = arith.constant 3 : i32
    %dma_wait3A_1346 = arith.constant 1 : i32
    %dma_wait3A_1347 = arith.constant 1 : i32
    %dma_wait3A_1348 = arith.constant 128 : i32
    %dma_wait3A_1349 = arith.constant 0 : i32
    %dma_wait3A_1350 = tpu.memref_slice %arg6[%dma_wait3A_1346, %dma_wait3A_1348, %dma_wait3A_1349] : memref<3x256x128xf32, #tpu.memory_space<vmem>> -> memref<1x128x128xf32, #tpu.memory_space<vmem>>
    %dma_wait3A_1351 = tpu.memref_squeeze %dma_wait3A_1350 : memref<1x128x128xf32, #tpu.memory_space<vmem>> -> memref<128x128xf32, #tpu.memory_space<vmem>>
    %dma_wait3A_1352 = arith.constant 0 : i32
    %dma_wait3A_1353 = tpu.memref_slice %arg5[%dma_wait3A_1345, %dma_wait3A_1352] : memref<12x128xi32, #tpu.memory_space<vmem>> -> memref<1x128xi32, #tpu.memory_space<vmem>>
    %dma_wait3A_1354 = tpu.memref_squeeze %dma_wait3A_1353 : memref<1x128xi32, #tpu.memory_space<vmem>> -> memref<128xi32, #tpu.memory_space<vmem>>
    %dma_wait3A_1355 = arith.constant 0 : i32
    %dma_wait3A_1356 = arith.constant 0 : i32
    %dma_wait3A_1357 = tpu.memref_slice %arg7[%dma_wait3A_1355, %dma_wait3A_1356] : memref<1000x128xf32, #tpu.memory_space<vmem_shared>> -> memref<1000x128xf32, #tpu.memory_space<vmem_shared>>
    %dma_wait3A_1358 = tpu.memref_slice %arg9[%dma_wait3A_1347] : memref<3x!tpu.dma_semaphore, #tpu.memory_space<semaphore_mem>> -> memref<1x!tpu.dma_semaphore, #tpu.memory_space<semaphore_mem>>
    %dma_wait3A_1359 = tpu.memref_squeeze %dma_wait3A_1358 : memref<1x!tpu.dma_semaphore, #tpu.memory_space<semaphore_mem>> -> memref<!tpu.dma_semaphore, #tpu.memory_space<semaphore_mem>>
    tpu.wait_indirect_dma semaphore(%dma_wait3A_1359 : memref<!tpu.dma_semaphore, #tpu.memory_space<semaphore_mem>>) src(%dma_wait3A_1357 : memref<1000x128xf32, #tpu.memory_space<vmem_shared>>) dst(%dma_wait3A_1351 : memref<128x128xf32, #tpu.memory_space<vmem>>)
    %add3A_1360 = arith.constant 101632 : i32
    %add3A_1361 = arith.addi %mul3A_2, %add3A_1360 : i32
    %dma_start3A_1362 = arith.constant 1 : i32
    %dma_start3A_1363 = arith.constant 1 : i32
    %dma_start3A_1364 = arith.constant 0 : i32
    %dma_start3A_1365 = arith.constant 0 : i32
    %dma_start3A_1366 = tpu.memref_slice %arg6[%dma_start3A_1362, %dma_start3A_1364, %dma_start3A_1365] : memref<3x256x128xf32, #tpu.memory_space<vmem>> -> memref<1x256x128xf32, #tpu.memory_space<vmem>>
    %dma_start3A_1367 = tpu.memref_squeeze %dma_start3A_1366 : memref<1x256x128xf32, #tpu.memory_space<vmem>> -> memref<256x128xf32, #tpu.memory_space<vmem>>
    %dma_start3A_1368 = arith.constant 0 : i32
    %dma_start3A_1369 = tpu.memref_slice %arg4[%add3A_1361, %dma_start3A_1368] : memref<3276800x128xf32, #tpu.memory_space<hbm>> -> memref<256x128xf32, #tpu.memory_space<hbm>>
    %dma_start3A_1370 = tpu.memref_slice %arg10[%dma_start3A_1363] : memref<3x!tpu.dma_semaphore, #tpu.memory_space<semaphore_mem>> -> memref<1x!tpu.dma_semaphore, #tpu.memory_space<semaphore_mem>>
    %dma_start3A_1371 = tpu.memref_squeeze %dma_start3A_1370 : memref<1x!tpu.dma_semaphore, #tpu.memory_space<semaphore_mem>> -> memref<!tpu.dma_semaphore, #tpu.memory_space<semaphore_mem>>
    %dma_start3A_1372 = arith.constant 0 : i32
    %dma_start3A_1373 = tpu.memref_slice %arg4[%add3A_1361, %dma_start3A_1372] : memref<3276800x128xf32, #tpu.memory_space<hbm>> -> memref<256x128xf32, #tpu.memory_space<hbm>>
    %dma_start3A_1374 = arith.constant 0 : i32
    %dma_start3A_1375 = arith.constant 0 : i32
    %dma_start3A_1376 = tpu.memref_slice %arg6[%dma_start3A_1362, %dma_start3A_1374, %dma_start3A_1375] : memref<3x256x128xf32, #tpu.memory_space<vmem>> -> memref<1x256x128xf32, #tpu.memory_space<vmem>>
    %dma_start3A_1377 = tpu.memref_squeeze %dma_start3A_1376 : memref<1x256x128xf32, #tpu.memory_space<vmem>> -> memref<256x128xf32, #tpu.memory_space<vmem>>
    tpu.enqueue_dma source(%dma_start3A_1377 : memref<256x128xf32, #tpu.memory_space<vmem>>) target(%dma_start3A_1373 : memref<256x128xf32, #tpu.memory_space<hbm>>) target_semaphore(%dma_start3A_1371 : memref<!tpu.dma_semaphore, #tpu.memory_space<semaphore_mem>>)
    %add3A_1378 = arith.constant 101376 : i32
    %add3A_1379 = arith.addi %mul3A_2, %add3A_1378 : i32
    %dma_wait3A_1380 = arith.constant 0 : i32
    %dma_wait3A_1381 = arith.constant 0 : i32
    %dma_wait3A_1382 = arith.constant 0 : i32
    %dma_wait3A_1383 = arith.constant 0 : i32
    %dma_wait3A_1384 = tpu.memref_slice %arg6[%dma_wait3A_1380, %dma_wait3A_1382, %dma_wait3A_1383] : memref<3x256x128xf32, #tpu.memory_space<vmem>> -> memref<1x256x128xf32, #tpu.memory_space<vmem>>
    %dma_wait3A_1385 = tpu.memref_squeeze %dma_wait3A_1384 : memref<1x256x128xf32, #tpu.memory_space<vmem>> -> memref<256x128xf32, #tpu.memory_space<vmem>>
    %dma_wait3A_1386 = arith.constant 0 : i32
    %dma_wait3A_1387 = tpu.memref_slice %arg4[%add3A_1379, %dma_wait3A_1386] : memref<3276800x128xf32, #tpu.memory_space<hbm>> -> memref<256x128xf32, #tpu.memory_space<hbm>>
    %dma_wait3A_1388 = tpu.memref_slice %arg10[%dma_wait3A_1381] : memref<3x!tpu.dma_semaphore, #tpu.memory_space<semaphore_mem>> -> memref<1x!tpu.dma_semaphore, #tpu.memory_space<semaphore_mem>>
    %dma_wait3A_1389 = tpu.memref_squeeze %dma_wait3A_1388 : memref<1x!tpu.dma_semaphore, #tpu.memory_space<semaphore_mem>> -> memref<!tpu.dma_semaphore, #tpu.memory_space<semaphore_mem>>
    %dma_wait3A_1390 = arith.constant 0 : i32
    %dma_wait3A_1391 = tpu.memref_slice %arg4[%add3A_1379, %dma_wait3A_1390] : memref<3276800x128xf32, #tpu.memory_space<hbm>> -> memref<256x128xf32, #tpu.memory_space<hbm>>
    %dma_wait3A_1392 = arith.constant 0 : i32
    %dma_wait3A_1393 = arith.constant 0 : i32
    %dma_wait3A_1394 = tpu.memref_slice %arg6[%dma_wait3A_1380, %dma_wait3A_1392, %dma_wait3A_1393] : memref<3x256x128xf32, #tpu.memory_space<vmem>> -> memref<1x256x128xf32, #tpu.memory_space<vmem>>
    %dma_wait3A_1395 = tpu.memref_squeeze %dma_wait3A_1394 : memref<1x256x128xf32, #tpu.memory_space<vmem>> -> memref<256x128xf32, #tpu.memory_space<vmem>>
    tpu.wait_dma2 semaphore(%dma_wait3A_1389 : memref<!tpu.dma_semaphore, #tpu.memory_space<semaphore_mem>>) src(%dma_wait3A_1395 : memref<256x128xf32, #tpu.memory_space<vmem>>) dst(%dma_wait3A_1391 : memref<256x128xf32, #tpu.memory_space<hbm>>)
    %add3A_1396 = arith.constant 102144 : i32
    %add3A_1397 = arith.addi %mul3A_2, %add3A_1396 : i32
    %add3A_1398 = arith.constant 0 : i32
    %add3A_1399 = arith.addi %add3A_1397, %add3A_1398 : i32
    %dma_wait3A_1400 = arith.constant 6 : i32
    %dma_wait3A_1401 = arith.constant 3 : i32
    %dma_wait3A_1402 = arith.constant 0 : i32
    %dma_wait3A_1403 = tpu.memref_slice %arg5[%dma_wait3A_1400, %dma_wait3A_1402] : memref<12x128xi32, #tpu.memory_space<vmem>> -> memref<1x128xi32, #tpu.memory_space<vmem>>
    %dma_wait3A_1404 = tpu.memref_squeeze %dma_wait3A_1403 : memref<1x128xi32, #tpu.memory_space<vmem>> -> memref<128xi32, #tpu.memory_space<vmem>>
    %dma_wait3A_1405 = tpu.memref_slice %arg3[%add3A_1399] : memref<3276800xi32, #tpu.memory_space<hbm>> -> memref<128xi32, #tpu.memory_space<hbm>>
    %dma_wait3A_1406 = tpu.memref_slice %arg8[%dma_wait3A_1401] : memref<6x!tpu.dma_semaphore, #tpu.memory_space<semaphore_mem>> -> memref<1x!tpu.dma_semaphore, #tpu.memory_space<semaphore_mem>>
    %dma_wait3A_1407 = tpu.memref_squeeze %dma_wait3A_1406 : memref<1x!tpu.dma_semaphore, #tpu.memory_space<semaphore_mem>> -> memref<!tpu.dma_semaphore, #tpu.memory_space<semaphore_mem>>
    %dma_wait3A_1408 = arith.constant 0 : i32
    %dma_wait3A_1409 = tpu.memref_slice %arg5[%dma_wait3A_1400, %dma_wait3A_1408] : memref<12x128xi32, #tpu.memory_space<vmem>> -> memref<1x128xi32, #tpu.memory_space<vmem>>
    %dma_wait3A_1410 = tpu.memref_squeeze %dma_wait3A_1409 : memref<1x128xi32, #tpu.memory_space<vmem>> -> memref<128xi32, #tpu.memory_space<vmem>>
    %dma_wait3A_1411 = tpu.memref_slice %arg3[%add3A_1399] : memref<3276800xi32, #tpu.memory_space<hbm>> -> memref<128xi32, #tpu.memory_space<hbm>>
    tpu.wait_dma2 semaphore(%dma_wait3A_1407 : memref<!tpu.dma_semaphore, #tpu.memory_space<semaphore_mem>>) src(%dma_wait3A_1411 : memref<128xi32, #tpu.memory_space<hbm>>) dst(%dma_wait3A_1410 : memref<128xi32, #tpu.memory_space<vmem>>)
    %add3A_1412 = arith.constant 102144 : i32
    %add3A_1413 = arith.addi %mul3A_2, %add3A_1412 : i32
    %add3A_1414 = arith.constant 128 : i32
    %add3A_1415 = arith.addi %add3A_1413, %add3A_1414 : i32
    %dma_wait3A_1416 = arith.constant 7 : i32
    %dma_wait3A_1417 = arith.constant 3 : i32
    %dma_wait3A_1418 = arith.constant 0 : i32
    %dma_wait3A_1419 = tpu.memref_slice %arg5[%dma_wait3A_1416, %dma_wait3A_1418] : memref<12x128xi32, #tpu.memory_space<vmem>> -> memref<1x128xi32, #tpu.memory_space<vmem>>
    %dma_wait3A_1420 = tpu.memref_squeeze %dma_wait3A_1419 : memref<1x128xi32, #tpu.memory_space<vmem>> -> memref<128xi32, #tpu.memory_space<vmem>>
    %dma_wait3A_1421 = tpu.memref_slice %arg3[%add3A_1415] : memref<3276800xi32, #tpu.memory_space<hbm>> -> memref<128xi32, #tpu.memory_space<hbm>>
    %dma_wait3A_1422 = tpu.memref_slice %arg8[%dma_wait3A_1417] : memref<6x!tpu.dma_semaphore, #tpu.memory_space<semaphore_mem>> -> memref<1x!tpu.dma_semaphore, #tpu.memory_space<semaphore_mem>>
    %dma_wait3A_1423 = tpu.memref_squeeze %dma_wait3A_1422 : memref<1x!tpu.dma_semaphore, #tpu.memory_space<semaphore_mem>> -> memref<!tpu.dma_semaphore, #tpu.memory_space<semaphore_mem>>
    %dma_wait3A_1424 = arith.constant 0 : i32
    %dma_wait3A_1425 = tpu.memref_slice %arg5[%dma_wait3A_1416, %dma_wait3A_1424] : memref<12x128xi32, #tpu.memory_space<vmem>> -> memref<1x128xi32, #tpu.memory_space<vmem>>
    %dma_wait3A_1426 = tpu.memref_squeeze %dma_wait3A_1425 : memref<1x128xi32, #tpu.memory_space<vmem>> -> memref<128xi32, #tpu.memory_space<vmem>>
    %dma_wait3A_1427 = tpu.memref_slice %arg3[%add3A_1415] : memref<3276800xi32, #tpu.memory_space<hbm>> -> memref<128xi32, #tpu.memory_space<hbm>>
    tpu.wait_dma2 semaphore(%dma_wait3A_1423 : memref<!tpu.dma_semaphore, #tpu.memory_space<semaphore_mem>>) src(%dma_wait3A_1427 : memref<128xi32, #tpu.memory_space<hbm>>) dst(%dma_wait3A_1426 : memref<128xi32, #tpu.memory_space<vmem>>)
    %dma_start3A_1428 = arith.constant 6 : i32
    %dma_start3A_1429 = arith.constant 0 : i32
    %dma_start3A_1430 = arith.constant 0 : i32
    %dma_start3A_1431 = arith.constant 0 : i32
    %dma_start3A_1432 = arith.constant 0 : i32
    %dma_start3A_1433 = tpu.memref_slice %arg6[%dma_start3A_1429, %dma_start3A_1431, %dma_start3A_1432] : memref<3x256x128xf32, #tpu.memory_space<vmem>> -> memref<1x128x128xf32, #tpu.memory_space<vmem>>
    %dma_start3A_1434 = tpu.memref_squeeze %dma_start3A_1433 : memref<1x128x128xf32, #tpu.memory_space<vmem>> -> memref<128x128xf32, #tpu.memory_space<vmem>>
    %dma_start3A_1435 = arith.constant 0 : i32
    %dma_start3A_1436 = tpu.memref_slice %arg5[%dma_start3A_1428, %dma_start3A_1435] : memref<12x128xi32, #tpu.memory_space<vmem>> -> memref<1x128xi32, #tpu.memory_space<vmem>>
    %dma_start3A_1437 = tpu.memref_squeeze %dma_start3A_1436 : memref<1x128xi32, #tpu.memory_space<vmem>> -> memref<128xi32, #tpu.memory_space<vmem>>
    %dma_start3A_1438 = arith.constant 0 : i32
    %dma_start3A_1439 = arith.constant 0 : i32
    %dma_start3A_1440 = tpu.memref_slice %arg7[%dma_start3A_1438, %dma_start3A_1439] : memref<1000x128xf32, #tpu.memory_space<vmem_shared>> -> memref<1000x128xf32, #tpu.memory_space<vmem_shared>>
    %dma_start3A_1441 = tpu.memref_slice %arg9[%dma_start3A_1430] : memref<3x!tpu.dma_semaphore, #tpu.memory_space<semaphore_mem>> -> memref<1x!tpu.dma_semaphore, #tpu.memory_space<semaphore_mem>>
    %dma_start3A_1442 = tpu.memref_squeeze %dma_start3A_1441 : memref<1x!tpu.dma_semaphore, #tpu.memory_space<semaphore_mem>> -> memref<!tpu.dma_semaphore, #tpu.memory_space<semaphore_mem>>
    tpu.enqueue_indirect_dma source(%dma_start3A_1440 : memref<1000x128xf32, #tpu.memory_space<vmem_shared>>) target(%dma_start3A_1434 : memref<128x128xf32, #tpu.memory_space<vmem>>) offsets(%dma_start3A_1437 : memref<128xi32, #tpu.memory_space<vmem>>) semaphore(%dma_start3A_1442 : memref<!tpu.dma_semaphore, #tpu.memory_space<semaphore_mem>>)
    %dma_start3A_1443 = arith.constant 7 : i32
    %dma_start3A_1444 = arith.constant 0 : i32
    %dma_start3A_1445 = arith.constant 0 : i32
    %dma_start3A_1446 = arith.constant 128 : i32
    %dma_start3A_1447 = arith.constant 0 : i32
    %dma_start3A_1448 = tpu.memref_slice %arg6[%dma_start3A_1444, %dma_start3A_1446, %dma_start3A_1447] : memref<3x256x128xf32, #tpu.memory_space<vmem>> -> memref<1x128x128xf32, #tpu.memory_space<vmem>>
    %dma_start3A_1449 = tpu.memref_squeeze %dma_start3A_1448 : memref<1x128x128xf32, #tpu.memory_space<vmem>> -> memref<128x128xf32, #tpu.memory_space<vmem>>
    %dma_start3A_1450 = arith.constant 0 : i32
    %dma_start3A_1451 = tpu.memref_slice %arg5[%dma_start3A_1443, %dma_start3A_1450] : memref<12x128xi32, #tpu.memory_space<vmem>> -> memref<1x128xi32, #tpu.memory_space<vmem>>
    %dma_start3A_1452 = tpu.memref_squeeze %dma_start3A_1451 : memref<1x128xi32, #tpu.memory_space<vmem>> -> memref<128xi32, #tpu.memory_space<vmem>>
    %dma_start3A_1453 = arith.constant 0 : i32
    %dma_start3A_1454 = arith.constant 0 : i32
    %dma_start3A_1455 = tpu.memref_slice %arg7[%dma_start3A_1453, %dma_start3A_1454] : memref<1000x128xf32, #tpu.memory_space<vmem_shared>> -> memref<1000x128xf32, #tpu.memory_space<vmem_shared>>
    %dma_start3A_1456 = tpu.memref_slice %arg9[%dma_start3A_1445] : memref<3x!tpu.dma_semaphore, #tpu.memory_space<semaphore_mem>> -> memref<1x!tpu.dma_semaphore, #tpu.memory_space<semaphore_mem>>
    %dma_start3A_1457 = tpu.memref_squeeze %dma_start3A_1456 : memref<1x!tpu.dma_semaphore, #tpu.memory_space<semaphore_mem>> -> memref<!tpu.dma_semaphore, #tpu.memory_space<semaphore_mem>>
    tpu.enqueue_indirect_dma source(%dma_start3A_1455 : memref<1000x128xf32, #tpu.memory_space<vmem_shared>>) target(%dma_start3A_1449 : memref<128x128xf32, #tpu.memory_space<vmem>>) offsets(%dma_start3A_1452 : memref<128xi32, #tpu.memory_space<vmem>>) semaphore(%dma_start3A_1457 : memref<!tpu.dma_semaphore, #tpu.memory_space<semaphore_mem>>)
    %dma_wait3A_1458 = arith.constant 4 : i32
    %dma_wait3A_1459 = arith.constant 2 : i32
    %dma_wait3A_1460 = arith.constant 2 : i32
    %dma_wait3A_1461 = arith.constant 0 : i32
    %dma_wait3A_1462 = arith.constant 0 : i32
    %dma_wait3A_1463 = tpu.memref_slice %arg6[%dma_wait3A_1459, %dma_wait3A_1461, %dma_wait3A_1462] : memref<3x256x128xf32, #tpu.memory_space<vmem>> -> memref<1x128x128xf32, #tpu.memory_space<vmem>>
    %dma_wait3A_1464 = tpu.memref_squeeze %dma_wait3A_1463 : memref<1x128x128xf32, #tpu.memory_space<vmem>> -> memref<128x128xf32, #tpu.memory_space<vmem>>
    %dma_wait3A_1465 = arith.constant 0 : i32
    %dma_wait3A_1466 = tpu.memref_slice %arg5[%dma_wait3A_1458, %dma_wait3A_1465] : memref<12x128xi32, #tpu.memory_space<vmem>> -> memref<1x128xi32, #tpu.memory_space<vmem>>
    %dma_wait3A_1467 = tpu.memref_squeeze %dma_wait3A_1466 : memref<1x128xi32, #tpu.memory_space<vmem>> -> memref<128xi32, #tpu.memory_space<vmem>>
    %dma_wait3A_1468 = arith.constant 0 : i32
    %dma_wait3A_1469 = arith.constant 0 : i32
    %dma_wait3A_1470 = tpu.memref_slice %arg7[%dma_wait3A_1468, %dma_wait3A_1469] : memref<1000x128xf32, #tpu.memory_space<vmem_shared>> -> memref<1000x128xf32, #tpu.memory_space<vmem_shared>>
    %dma_wait3A_1471 = tpu.memref_slice %arg9[%dma_wait3A_1460] : memref<3x!tpu.dma_semaphore, #tpu.memory_space<semaphore_mem>> -> memref<1x!tpu.dma_semaphore, #tpu.memory_space<semaphore_mem>>
    %dma_wait3A_1472 = tpu.memref_squeeze %dma_wait3A_1471 : memref<1x!tpu.dma_semaphore, #tpu.memory_space<semaphore_mem>> -> memref<!tpu.dma_semaphore, #tpu.memory_space<semaphore_mem>>
    tpu.wait_indirect_dma semaphore(%dma_wait3A_1472 : memref<!tpu.dma_semaphore, #tpu.memory_space<semaphore_mem>>) src(%dma_wait3A_1470 : memref<1000x128xf32, #tpu.memory_space<vmem_shared>>) dst(%dma_wait3A_1464 : memref<128x128xf32, #tpu.memory_space<vmem>>)
    %dma_wait3A_1473 = arith.constant 5 : i32
    %dma_wait3A_1474 = arith.constant 2 : i32
    %dma_wait3A_1475 = arith.constant 2 : i32
    %dma_wait3A_1476 = arith.constant 128 : i32
    %dma_wait3A_1477 = arith.constant 0 : i32
    %dma_wait3A_1478 = tpu.memref_slice %arg6[%dma_wait3A_1474, %dma_wait3A_1476, %dma_wait3A_1477] : memref<3x256x128xf32, #tpu.memory_space<vmem>> -> memref<1x128x128xf32, #tpu.memory_space<vmem>>
    %dma_wait3A_1479 = tpu.memref_squeeze %dma_wait3A_1478 : memref<1x128x128xf32, #tpu.memory_space<vmem>> -> memref<128x128xf32, #tpu.memory_space<vmem>>
    %dma_wait3A_1480 = arith.constant 0 : i32
    %dma_wait3A_1481 = tpu.memref_slice %arg5[%dma_wait3A_1473, %dma_wait3A_1480] : memref<12x128xi32, #tpu.memory_space<vmem>> -> memref<1x128xi32, #tpu.memory_space<vmem>>
    %dma_wait3A_1482 = tpu.memref_squeeze %dma_wait3A_1481 : memref<1x128xi32, #tpu.memory_space<vmem>> -> memref<128xi32, #tpu.memory_space<vmem>>
    %dma_wait3A_1483 = arith.constant 0 : i32
    %dma_wait3A_1484 = arith.constant 0 : i32
    %dma_wait3A_1485 = tpu.memref_slice %arg7[%dma_wait3A_1483, %dma_wait3A_1484] : memref<1000x128xf32, #tpu.memory_space<vmem_shared>> -> memref<1000x128xf32, #tpu.memory_space<vmem_shared>>
    %dma_wait3A_1486 = tpu.memref_slice %arg9[%dma_wait3A_1475] : memref<3x!tpu.dma_semaphore, #tpu.memory_space<semaphore_mem>> -> memref<1x!tpu.dma_semaphore, #tpu.memory_space<semaphore_mem>>
    %dma_wait3A_1487 = tpu.memref_squeeze %dma_wait3A_1486 : memref<1x!tpu.dma_semaphore, #tpu.memory_space<semaphore_mem>> -> memref<!tpu.dma_semaphore, #tpu.memory_space<semaphore_mem>>
    tpu.wait_indirect_dma semaphore(%dma_wait3A_1487 : memref<!tpu.dma_semaphore, #tpu.memory_space<semaphore_mem>>) src(%dma_wait3A_1485 : memref<1000x128xf32, #tpu.memory_space<vmem_shared>>) dst(%dma_wait3A_1479 : memref<128x128xf32, #tpu.memory_space<vmem>>)
    %add3A_1488 = arith.constant 101888 : i32
    %add3A_1489 = arith.addi %mul3A_2, %add3A_1488 : i32
    %dma_start3A_1490 = arith.constant 2 : i32
    %dma_start3A_1491 = arith.constant 2 : i32
    %dma_start3A_1492 = arith.constant 0 : i32
    %dma_start3A_1493 = arith.constant 0 : i32
    %dma_start3A_1494 = tpu.memref_slice %arg6[%dma_start3A_1490, %dma_start3A_1492, %dma_start3A_1493] : memref<3x256x128xf32, #tpu.memory_space<vmem>> -> memref<1x256x128xf32, #tpu.memory_space<vmem>>
    %dma_start3A_1495 = tpu.memref_squeeze %dma_start3A_1494 : memref<1x256x128xf32, #tpu.memory_space<vmem>> -> memref<256x128xf32, #tpu.memory_space<vmem>>
    %dma_start3A_1496 = arith.constant 0 : i32
    %dma_start3A_1497 = tpu.memref_slice %arg4[%add3A_1489, %dma_start3A_1496] : memref<3276800x128xf32, #tpu.memory_space<hbm>> -> memref<256x128xf32, #tpu.memory_space<hbm>>
    %dma_start3A_1498 = tpu.memref_slice %arg10[%dma_start3A_1491] : memref<3x!tpu.dma_semaphore, #tpu.memory_space<semaphore_mem>> -> memref<1x!tpu.dma_semaphore, #tpu.memory_space<semaphore_mem>>
    %dma_start3A_1499 = tpu.memref_squeeze %dma_start3A_1498 : memref<1x!tpu.dma_semaphore, #tpu.memory_space<semaphore_mem>> -> memref<!tpu.dma_semaphore, #tpu.memory_space<semaphore_mem>>
    %dma_start3A_1500 = arith.constant 0 : i32
    %dma_start3A_1501 = tpu.memref_slice %arg4[%add3A_1489, %dma_start3A_1500] : memref<3276800x128xf32, #tpu.memory_space<hbm>> -> memref<256x128xf32, #tpu.memory_space<hbm>>
    %dma_start3A_1502 = arith.constant 0 : i32
    %dma_start3A_1503 = arith.constant 0 : i32
    %dma_start3A_1504 = tpu.memref_slice %arg6[%dma_start3A_1490, %dma_start3A_1502, %dma_start3A_1503] : memref<3x256x128xf32, #tpu.memory_space<vmem>> -> memref<1x256x128xf32, #tpu.memory_space<vmem>>
    %dma_start3A_1505 = tpu.memref_squeeze %dma_start3A_1504 : memref<1x256x128xf32, #tpu.memory_space<vmem>> -> memref<256x128xf32, #tpu.memory_space<vmem>>
    tpu.enqueue_dma source(%dma_start3A_1505 : memref<256x128xf32, #tpu.memory_space<vmem>>) target(%dma_start3A_1501 : memref<256x128xf32, #tpu.memory_space<hbm>>) target_semaphore(%dma_start3A_1499 : memref<!tpu.dma_semaphore, #tpu.memory_space<semaphore_mem>>)
    %dma_wait3A_1506 = arith.constant 6 : i32
    %dma_wait3A_1507 = arith.constant 0 : i32
    %dma_wait3A_1508 = arith.constant 0 : i32
    %dma_wait3A_1509 = arith.constant 0 : i32
    %dma_wait3A_1510 = arith.constant 0 : i32
    %dma_wait3A_1511 = tpu.memref_slice %arg6[%dma_wait3A_1507, %dma_wait3A_1509, %dma_wait3A_1510] : memref<3x256x128xf32, #tpu.memory_space<vmem>> -> memref<1x128x128xf32, #tpu.memory_space<vmem>>
    %dma_wait3A_1512 = tpu.memref_squeeze %dma_wait3A_1511 : memref<1x128x128xf32, #tpu.memory_space<vmem>> -> memref<128x128xf32, #tpu.memory_space<vmem>>
    %dma_wait3A_1513 = arith.constant 0 : i32
    %dma_wait3A_1514 = tpu.memref_slice %arg5[%dma_wait3A_1506, %dma_wait3A_1513] : memref<12x128xi32, #tpu.memory_space<vmem>> -> memref<1x128xi32, #tpu.memory_space<vmem>>
    %dma_wait3A_1515 = tpu.memref_squeeze %dma_wait3A_1514 : memref<1x128xi32, #tpu.memory_space<vmem>> -> memref<128xi32, #tpu.memory_space<vmem>>
    %dma_wait3A_1516 = arith.constant 0 : i32
    %dma_wait3A_1517 = arith.constant 0 : i32
    %dma_wait3A_1518 = tpu.memref_slice %arg7[%dma_wait3A_1516, %dma_wait3A_1517] : memref<1000x128xf32, #tpu.memory_space<vmem_shared>> -> memref<1000x128xf32, #tpu.memory_space<vmem_shared>>
    %dma_wait3A_1519 = tpu.memref_slice %arg9[%dma_wait3A_1508] : memref<3x!tpu.dma_semaphore, #tpu.memory_space<semaphore_mem>> -> memref<1x!tpu.dma_semaphore, #tpu.memory_space<semaphore_mem>>
    %dma_wait3A_1520 = tpu.memref_squeeze %dma_wait3A_1519 : memref<1x!tpu.dma_semaphore, #tpu.memory_space<semaphore_mem>> -> memref<!tpu.dma_semaphore, #tpu.memory_space<semaphore_mem>>
    tpu.wait_indirect_dma semaphore(%dma_wait3A_1520 : memref<!tpu.dma_semaphore, #tpu.memory_space<semaphore_mem>>) src(%dma_wait3A_1518 : memref<1000x128xf32, #tpu.memory_space<vmem_shared>>) dst(%dma_wait3A_1512 : memref<128x128xf32, #tpu.memory_space<vmem>>)
    %dma_wait3A_1521 = arith.constant 7 : i32
    %dma_wait3A_1522 = arith.constant 0 : i32
    %dma_wait3A_1523 = arith.constant 0 : i32
    %dma_wait3A_1524 = arith.constant 128 : i32
    %dma_wait3A_1525 = arith.constant 0 : i32
    %dma_wait3A_1526 = tpu.memref_slice %arg6[%dma_wait3A_1522, %dma_wait3A_1524, %dma_wait3A_1525] : memref<3x256x128xf32, #tpu.memory_space<vmem>> -> memref<1x128x128xf32, #tpu.memory_space<vmem>>
    %dma_wait3A_1527 = tpu.memref_squeeze %dma_wait3A_1526 : memref<1x128x128xf32, #tpu.memory_space<vmem>> -> memref<128x128xf32, #tpu.memory_space<vmem>>
    %dma_wait3A_1528 = arith.constant 0 : i32
    %dma_wait3A_1529 = tpu.memref_slice %arg5[%dma_wait3A_1521, %dma_wait3A_1528] : memref<12x128xi32, #tpu.memory_space<vmem>> -> memref<1x128xi32, #tpu.memory_space<vmem>>
    %dma_wait3A_1530 = tpu.memref_squeeze %dma_wait3A_1529 : memref<1x128xi32, #tpu.memory_space<vmem>> -> memref<128xi32, #tpu.memory_space<vmem>>
    %dma_wait3A_1531 = arith.constant 0 : i32
    %dma_wait3A_1532 = arith.constant 0 : i32
    %dma_wait3A_1533 = tpu.memref_slice %arg7[%dma_wait3A_1531, %dma_wait3A_1532] : memref<1000x128xf32, #tpu.memory_space<vmem_shared>> -> memref<1000x128xf32, #tpu.memory_space<vmem_shared>>
    %dma_wait3A_1534 = tpu.memref_slice %arg9[%dma_wait3A_1523] : memref<3x!tpu.dma_semaphore, #tpu.memory_space<semaphore_mem>> -> memref<1x!tpu.dma_semaphore, #tpu.memory_space<semaphore_mem>>
    %dma_wait3A_1535 = tpu.memref_squeeze %dma_wait3A_1534 : memref<1x!tpu.dma_semaphore, #tpu.memory_space<semaphore_mem>> -> memref<!tpu.dma_semaphore, #tpu.memory_space<semaphore_mem>>
    tpu.wait_indirect_dma semaphore(%dma_wait3A_1535 : memref<!tpu.dma_semaphore, #tpu.memory_space<semaphore_mem>>) src(%dma_wait3A_1533 : memref<1000x128xf32, #tpu.memory_space<vmem_shared>>) dst(%dma_wait3A_1527 : memref<128x128xf32, #tpu.memory_space<vmem>>)
    %add3A_1536 = arith.constant 102144 : i32
    %add3A_1537 = arith.addi %mul3A_2, %add3A_1536 : i32
    %dma_start3A_1538 = arith.constant 0 : i32
    %dma_start3A_1539 = arith.constant 0 : i32
    %dma_start3A_1540 = arith.constant 0 : i32
    %dma_start3A_1541 = arith.constant 0 : i32
    %dma_start3A_1542 = tpu.memref_slice %arg6[%dma_start3A_1538, %dma_start3A_1540, %dma_start3A_1541] : memref<3x256x128xf32, #tpu.memory_space<vmem>> -> memref<1x256x128xf32, #tpu.memory_space<vmem>>
    %dma_start3A_1543 = tpu.memref_squeeze %dma_start3A_1542 : memref<1x256x128xf32, #tpu.memory_space<vmem>> -> memref<256x128xf32, #tpu.memory_space<vmem>>
    %dma_start3A_1544 = arith.constant 0 : i32
    %dma_start3A_1545 = tpu.memref_slice %arg4[%add3A_1537, %dma_start3A_1544] : memref<3276800x128xf32, #tpu.memory_space<hbm>> -> memref<256x128xf32, #tpu.memory_space<hbm>>
    %dma_start3A_1546 = tpu.memref_slice %arg10[%dma_start3A_1539] : memref<3x!tpu.dma_semaphore, #tpu.memory_space<semaphore_mem>> -> memref<1x!tpu.dma_semaphore, #tpu.memory_space<semaphore_mem>>
    %dma_start3A_1547 = tpu.memref_squeeze %dma_start3A_1546 : memref<1x!tpu.dma_semaphore, #tpu.memory_space<semaphore_mem>> -> memref<!tpu.dma_semaphore, #tpu.memory_space<semaphore_mem>>
    %dma_start3A_1548 = arith.constant 0 : i32
    %dma_start3A_1549 = tpu.memref_slice %arg4[%add3A_1537, %dma_start3A_1548] : memref<3276800x128xf32, #tpu.memory_space<hbm>> -> memref<256x128xf32, #tpu.memory_space<hbm>>
    %dma_start3A_1550 = arith.constant 0 : i32
    %dma_start3A_1551 = arith.constant 0 : i32
    %dma_start3A_1552 = tpu.memref_slice %arg6[%dma_start3A_1538, %dma_start3A_1550, %dma_start3A_1551] : memref<3x256x128xf32, #tpu.memory_space<vmem>> -> memref<1x256x128xf32, #tpu.memory_space<vmem>>
    %dma_start3A_1553 = tpu.memref_squeeze %dma_start3A_1552 : memref<1x256x128xf32, #tpu.memory_space<vmem>> -> memref<256x128xf32, #tpu.memory_space<vmem>>
    tpu.enqueue_dma source(%dma_start3A_1553 : memref<256x128xf32, #tpu.memory_space<vmem>>) target(%dma_start3A_1549 : memref<256x128xf32, #tpu.memory_space<hbm>>) target_semaphore(%dma_start3A_1547 : memref<!tpu.dma_semaphore, #tpu.memory_space<semaphore_mem>>)
    %add3A_1554 = arith.constant 101632 : i32
    %add3A_1555 = arith.addi %mul3A_2, %add3A_1554 : i32
    %dma_wait3A_1556 = arith.constant 1 : i32
    %dma_wait3A_1557 = arith.constant 1 : i32
    %dma_wait3A_1558 = arith.constant 0 : i32
    %dma_wait3A_1559 = arith.constant 0 : i32
    %dma_wait3A_1560 = tpu.memref_slice %arg6[%dma_wait3A_1556, %dma_wait3A_1558, %dma_wait3A_1559] : memref<3x256x128xf32, #tpu.memory_space<vmem>> -> memref<1x256x128xf32, #tpu.memory_space<vmem>>
    %dma_wait3A_1561 = tpu.memref_squeeze %dma_wait3A_1560 : memref<1x256x128xf32, #tpu.memory_space<vmem>> -> memref<256x128xf32, #tpu.memory_space<vmem>>
    %dma_wait3A_1562 = arith.constant 0 : i32
    %dma_wait3A_1563 = tpu.memref_slice %arg4[%add3A_1555, %dma_wait3A_1562] : memref<3276800x128xf32, #tpu.memory_space<hbm>> -> memref<256x128xf32, #tpu.memory_space<hbm>>
    %dma_wait3A_1564 = tpu.memref_slice %arg10[%dma_wait3A_1557] : memref<3x!tpu.dma_semaphore, #tpu.memory_space<semaphore_mem>> -> memref<1x!tpu.dma_semaphore, #tpu.memory_space<semaphore_mem>>
    %dma_wait3A_1565 = tpu.memref_squeeze %dma_wait3A_1564 : memref<1x!tpu.dma_semaphore, #tpu.memory_space<semaphore_mem>> -> memref<!tpu.dma_semaphore, #tpu.memory_space<semaphore_mem>>
    %dma_wait3A_1566 = arith.constant 0 : i32
    %dma_wait3A_1567 = tpu.memref_slice %arg4[%add3A_1555, %dma_wait3A_1566] : memref<3276800x128xf32, #tpu.memory_space<hbm>> -> memref<256x128xf32, #tpu.memory_space<hbm>>
    %dma_wait3A_1568 = arith.constant 0 : i32
    %dma_wait3A_1569 = arith.constant 0 : i32
    %dma_wait3A_1570 = tpu.memref_slice %arg6[%dma_wait3A_1556, %dma_wait3A_1568, %dma_wait3A_1569] : memref<3x256x128xf32, #tpu.memory_space<vmem>> -> memref<1x256x128xf32, #tpu.memory_space<vmem>>
    %dma_wait3A_1571 = tpu.memref_squeeze %dma_wait3A_1570 : memref<1x256x128xf32, #tpu.memory_space<vmem>> -> memref<256x128xf32, #tpu.memory_space<vmem>>
    tpu.wait_dma2 semaphore(%dma_wait3A_1565 : memref<!tpu.dma_semaphore, #tpu.memory_space<semaphore_mem>>) src(%dma_wait3A_1571 : memref<256x128xf32, #tpu.memory_space<vmem>>) dst(%dma_wait3A_1567 : memref<256x128xf32, #tpu.memory_space<hbm>>)
    %add3A_1572 = arith.constant 101888 : i32
    %add3A_1573 = arith.addi %mul3A_2, %add3A_1572 : i32
    %dma_wait3A_1574 = arith.constant 2 : i32
    %dma_wait3A_1575 = arith.constant 2 : i32
    %dma_wait3A_1576 = arith.constant 0 : i32
    %dma_wait3A_1577 = arith.constant 0 : i32
    %dma_wait3A_1578 = tpu.memref_slice %arg6[%dma_wait3A_1574, %dma_wait3A_1576, %dma_wait3A_1577] : memref<3x256x128xf32, #tpu.memory_space<vmem>> -> memref<1x256x128xf32, #tpu.memory_space<vmem>>
    %dma_wait3A_1579 = tpu.memref_squeeze %dma_wait3A_1578 : memref<1x256x128xf32, #tpu.memory_space<vmem>> -> memref<256x128xf32, #tpu.memory_space<vmem>>
    %dma_wait3A_1580 = arith.constant 0 : i32
    %dma_wait3A_1581 = tpu.memref_slice %arg4[%add3A_1573, %dma_wait3A_1580] : memref<3276800x128xf32, #tpu.memory_space<hbm>> -> memref<256x128xf32, #tpu.memory_space<hbm>>
    %dma_wait3A_1582 = tpu.memref_slice %arg10[%dma_wait3A_1575] : memref<3x!tpu.dma_semaphore, #tpu.memory_space<semaphore_mem>> -> memref<1x!tpu.dma_semaphore, #tpu.memory_space<semaphore_mem>>
    %dma_wait3A_1583 = tpu.memref_squeeze %dma_wait3A_1582 : memref<1x!tpu.dma_semaphore, #tpu.memory_space<semaphore_mem>> -> memref<!tpu.dma_semaphore, #tpu.memory_space<semaphore_mem>>
    %dma_wait3A_1584 = arith.constant 0 : i32
    %dma_wait3A_1585 = tpu.memref_slice %arg4[%add3A_1573, %dma_wait3A_1584] : memref<3276800x128xf32, #tpu.memory_space<hbm>> -> memref<256x128xf32, #tpu.memory_space<hbm>>
    %dma_wait3A_1586 = arith.constant 0 : i32
    %dma_wait3A_1587 = arith.constant 0 : i32
    %dma_wait3A_1588 = tpu.memref_slice %arg6[%dma_wait3A_1574, %dma_wait3A_1586, %dma_wait3A_1587] : memref<3x256x128xf32, #tpu.memory_space<vmem>> -> memref<1x256x128xf32, #tpu.memory_space<vmem>>
    %dma_wait3A_1589 = tpu.memref_squeeze %dma_wait3A_1588 : memref<1x256x128xf32, #tpu.memory_space<vmem>> -> memref<256x128xf32, #tpu.memory_space<vmem>>
    tpu.wait_dma2 semaphore(%dma_wait3A_1583 : memref<!tpu.dma_semaphore, #tpu.memory_space<semaphore_mem>>) src(%dma_wait3A_1589 : memref<256x128xf32, #tpu.memory_space<vmem>>) dst(%dma_wait3A_1585 : memref<256x128xf32, #tpu.memory_space<hbm>>)
    %add3A_1590 = arith.constant 102144 : i32
    %add3A_1591 = arith.addi %mul3A_2, %add3A_1590 : i32
    %dma_wait3A_1592 = arith.constant 0 : i32
    %dma_wait3A_1593 = arith.constant 0 : i32
    %dma_wait3A_1594 = arith.constant 0 : i32
    %dma_wait3A_1595 = arith.constant 0 : i32
    %dma_wait3A_1596 = tpu.memref_slice %arg6[%dma_wait3A_1592, %dma_wait3A_1594, %dma_wait3A_1595] : memref<3x256x128xf32, #tpu.memory_space<vmem>> -> memref<1x256x128xf32, #tpu.memory_space<vmem>>
    %dma_wait3A_1597 = tpu.memref_squeeze %dma_wait3A_1596 : memref<1x256x128xf32, #tpu.memory_space<vmem>> -> memref<256x128xf32, #tpu.memory_space<vmem>>
    %dma_wait3A_1598 = arith.constant 0 : i32
    %dma_wait3A_1599 = tpu.memref_slice %arg4[%add3A_1591, %dma_wait3A_1598] : memref<3276800x128xf32, #tpu.memory_space<hbm>> -> memref<256x128xf32, #tpu.memory_space<hbm>>
    %dma_wait3A_1600 = tpu.memref_slice %arg10[%dma_wait3A_1593] : memref<3x!tpu.dma_semaphore, #tpu.memory_space<semaphore_mem>> -> memref<1x!tpu.dma_semaphore, #tpu.memory_space<semaphore_mem>>
    %dma_wait3A_1601 = tpu.memref_squeeze %dma_wait3A_1600 : memref<1x!tpu.dma_semaphore, #tpu.memory_space<semaphore_mem>> -> memref<!tpu.dma_semaphore, #tpu.memory_space<semaphore_mem>>
    %dma_wait3A_1602 = arith.constant 0 : i32
    %dma_wait3A_1603 = tpu.memref_slice %arg4[%add3A_1591, %dma_wait3A_1602] : memref<3276800x128xf32, #tpu.memory_space<hbm>> -> memref<256x128xf32, #tpu.memory_space<hbm>>
    %dma_wait3A_1604 = arith.constant 0 : i32
    %dma_wait3A_1605 = arith.constant 0 : i32
    %dma_wait3A_1606 = tpu.memref_slice %arg6[%dma_wait3A_1592, %dma_wait3A_1604, %dma_wait3A_1605] : memref<3x256x128xf32, #tpu.memory_space<vmem>> -> memref<1x256x128xf32, #tpu.memory_space<vmem>>
    %dma_wait3A_1607 = tpu.memref_squeeze %dma_wait3A_1606 : memref<1x256x128xf32, #tpu.memory_space<vmem>> -> memref<256x128xf32, #tpu.memory_space<vmem>>
    tpu.wait_dma2 semaphore(%dma_wait3A_1601 : memref<!tpu.dma_semaphore, #tpu.memory_space<semaphore_mem>>) src(%dma_wait3A_1607 : memref<256x128xf32, #tpu.memory_space<vmem>>) dst(%dma_wait3A_1603 : memref<256x128xf32, #tpu.memory_space<hbm>>)
    return
  }
}

</mosaic_0001>

<sc_bundles>
// kernel: kernel.3.cloned.1.call-start
scs
__scs_entry_jumppad:
0x0: {  	(pc) =	sbr.rel $0x88, $3  }
0x1: {  	(tag) =	ssettag $0x0;
	lr =	simm.s32 $0x1  }
0x2: {  	[smem:$0x3F9F] =	sst lr;
	_ =	strace $0xD0000000  }
0x3: {  	_ = 	snop  }
0x4: {  	_ = 	snop  }
0x5: {  	_ = 	snop  }
0x6: {  	_ = 	snop  }
0x7: {  	_ = 	snop  }
__scs_overlays_trampoline_lowered:
0x8: {  	[smem:$0x3FAE] =	sst s0  }
0x9: {  	[smem:$0x3FAF] =	sst s1  }
0xa: {  	[smem:$0x3FB0] =	sst s2  }
0xb: {  	[smem:$0x3FB1] =	sst s3  }
0xc: {  	[smem:$0x3FB2] =	sst s4  }
0xd: {  	[smem:$0x3FB3] =	sst s5  }
0xe: {  	[smem:$0x3FB4] =	sst s6  }
0xf: {  	[smem:$0x3FB5] =	sst s7  }
0x10: {  	[smem:$0x3FB6] =	sst s8  }
0x11: {  	[smem:$0x3FB7] =	sst s9;
	s0 =	simm.s32 @!p0 $0x0  }
0x12: {  	s1 =	sld [smem:$0x3F9D];
	s0 =	simm.s32 @p0 $0x1  }
0x13: {  	[smem:$0x3FB8] =	sst s0;
	s0 =	simm.s32 @!p1 $0x0  }
0x14: {  	s2 =	sld [smem:$0x3F9C];
	s0 =	simm.s32 @p1 $0x1  }
0x15: {  	[smem:$0x3FB9] =	sst s0;
	s0 =	simm.s32 @!p2 $0x0  }
0x16: {  	s3 =	sld [smem:$0x3FDB];
	s0 =	simm.s32 @p2 $0x1  }
0x17: {  	s4 =	simm.s32 $0x1BF5;
	[smem:$0x3FBB] =	sst s0  }
0x18: {  	s0 =	sld [smem:$0x3F9E];
	_ =	swait.ge [sflag:s4], $0x0  }
0x19: {  	s7 =	sld [smem:$0x3F9F]  }
0x1a: {  	s8 =	sadd.s32 $0xFFFFE003, lr  }
0x1b: {  	s9 =	sadd.s32 $0xFFFFFEF7, lr;
	s5 =	simm.s32 $0xFFFFFFFF;
	p2 =	slt.u32 s8, $0xFFFFF086  }
0x1c: {  	p1 =	slt.u32 s9, $0xF7A;
	s5 =	simm.s32 @!p2 $0x0  }
0x1d: {  	s5 =	simm.s32 @p1 $0x1;
	p0 =	seq.s32 s7, s2  }
0x1e: {  	s7 =	smul.u32 @!p0 $0xF7A, s2;
	p2 =	seq.s32 @!p0 s5, $0x0  }
0x1f: {  	s9 =	smul.u32 $0xF7A, s1;
	s8 =	simm.s32 @!p0 $0x1BF5;
	p2 =	por !p2, p0  }
0x20: {  	[sflag:s8] =	ssyncset.s32 @!p0 $0xFFFFF086;
	s6 =	sadd.s32 @!p0 s3, s7;
	s7 =	simm.s32 @!p0 $0x108  }
0x21: {  	s3 =	sadd.s32 s3, s9;
	s6 =	sadd.s32 @!p0 $0x88, s6;
	s7 =	simm.s32 @p2 $0x1082  }
0x22: {  	[simem:s7], [sflag:s8] =	dma.local @!p0 [hbm:s6], $0xF7A  }
0x23: {  	s9 =	sor.u32 $0xD0000000, s2;
	s6 =	simm.s32 $0x108;
	_ =	swait.ge @!p0 [sflag:s8], $0x0  }
0x24: {  	s3 =	sadd.s32 $0x88, s3;
	s6 =	simm.s32 @!p1 $0x1082;
	[sflag:s4] =	ssyncset.s32 $0xFFFFF086  }
0x25: {  	[simem:s6], [sflag:s4] =	dma.local [hbm:s3], $0xF7A  }
0x26: {  	[smem:$0x3F9F] =	sst s1;
	(tag) =	ssettag s2;
	_ =	strace s9  }
0x27: {  	s1 =	sld [smem:$0x3FAF]  }
0x28: {  	s2 =	sld [smem:$0x3FB0]  }
0x29: {  	s4 =	sld [smem:$0x3FB2]  }
0x2a: {  	p0 =	seq.s32 s5, $0x0;
	s5 =	sld [smem:$0x3FB3]  }
0x2b: {  	s6 =	sld [smem:$0x3FB4]  }
0x2c: {  	s7 =	sld [smem:$0x3FB5]  }
0x2d: {  	s3 =	simm.s32 $0x108;
	s8 =	sld [smem:$0x3FB6]  }
0x2e: {  	s3 =	simm.s32 @!p0 $0x1082;
	s9 =	sld [smem:$0x3FB7]  }
0x2f: {  	lr =	sadd.s32 s0, s3;
	s0 =	sld [smem:$0x3FAE]  }
0x30: {  	s3 =	sld [smem:$0x3FB1]  }
0x31: {  	[smem:$0x3FBA] =	sst s10  }
0x32: {  	s10 =	sld [smem:$0x3FB8];
	_ =	sdelay $0x3  }
0x33: {  	p0 =	seq.s32 s10, $0x1;
	s10 =	sld [smem:$0x3FBA];
	_ =	sdelay $0x3  }
0x34: {  	[smem:$0x3FBA] =	sst s10  }
0x35: {  	s10 =	sld [smem:$0x3FB9];
	_ =	sdelay $0x3  }
0x36: {  	p1 =	seq.s32 s10, $0x1;
	s10 =	sld [smem:$0x3FBA];
	_ =	sdelay $0x3  }
0x37: {  	[smem:$0x3FBA] =	sst s10  }
0x38: {  	s10 =	sld [smem:$0x3FBB]  }
0x39: {  	_ = 	snop;
	(pc) =	sbr.ind lr, $3  }
0x3a: {  	_ = 	snop  }
0x3b: {  	_ = 	snop  }
0x3c: {  	p2 =	seq.s32 s10, $0x1;
	s10 =	sld [smem:$0x3FBA]  }
0x3d: {  	_ =	shalt  }
0x3e: {  	_ =	shalt  }
0x3f: {  	_ =	shalt  }
0x40: {  	_ =	shalt  }
0x41: {  	_ =	shalt  }
0x42: {  	_ =	shalt  }
0x43: {  	_ =	shalt  }
0x44: {  	_ =	shalt  }
0x45: {  	_ =	shalt  }
0x46: {  	_ =	shalt  }
0x47: {  	_ =	shalt  }
0x48: {  	_ =	shalt  }
0x49: {  	_ =	shalt  }
0x4a: {  	_ =	shalt  }
0x4b: {  	_ =	shalt  }
0x4c: {  	_ =	shalt  }
0x4d: {  	_ =	shalt  }
0x4e: {  	_ =	shalt  }
0x4f: {  	_ =	shalt  }
0x50: {  	_ =	shalt  }
0x51: {  	_ =	shalt  }
0x52: {  	_ =	shalt  }
0x53: {  	_ =	shalt  }
0x54: {  	_ =	shalt  }
0x55: {  	_ =	shalt  }
0x56: {  	_ =	shalt  }
0x57: {  	_ =	shalt  }
0x58: {  	_ =	shalt  }
0x59: {  	_ =	shalt  }
0x5a: {  	_ =	shalt  }
0x5b: {  	_ =	shalt  }
0x5c: {  	_ =	shalt  }
0x5d: {  	_ =	shalt  }
0x5e: {  	_ =	shalt  }
0x5f: {  	_ =	shalt  }
0x60: {  	_ =	shalt  }
0x61: {  	_ =	shalt  }
0x62: {  	_ =	shalt  }
0x63: {  	_ =	shalt  }
0x64: {  	_ =	shalt  }
0x65: {  	_ =	shalt  }
0x66: {  	_ =	shalt  }
0x67: {  	_ =	shalt  }
0x68: {  	_ =	shalt  }
0x69: {  	_ =	shalt  }
0x6a: {  	_ =	shalt  }
0x6b: {  	_ =	shalt  }
0x6c: {  	_ =	shalt  }
0x6d: {  	_ =	shalt  }
0x6e: {  	_ =	shalt  }
0x6f: {  	_ =	shalt  }
0x70: {  	_ =	shalt  }
0x71: {  	_ =	shalt  }
0x72: {  	_ =	shalt  }
0x73: {  	_ =	shalt  }
0x74: {  	_ =	shalt  }
0x75: {  	_ =	shalt  }
0x76: {  	_ =	shalt  }
0x77: {  	_ =	shalt  }
0x78: {  	_ =	shalt  }
0x79: {  	_ =	shalt  }
0x7a: {  	_ =	shalt  }
0x7b: {  	_ =	shalt  }
0x7c: {  	_ =	shalt  }
0x7d: {  	_ =	shalt  }
0x7e: {  	_ =	shalt  }
0x7f: {  	_ =	shalt  }
0x80: {  	_ =	shalt  }
0x81: {  	_ =	shalt  }
0x82: {  	_ =	shalt  }
0x83: {  	_ =	shalt  }
0x84: {  	_ =	shalt  }
0x85: {  	_ =	shalt  }
0x86: {  	_ =	shalt  }
0x87: {  	_ =	shalt  }
.Lfunc_end0:
.L_simem_size_0:
called_computation_lowered:
.L_overlay_start_0:
0x88: {  	s2 =	sld [smem:$0x3FD9]  }
0x89: {  	s3 =	sld [smem:$0x3FFE];
	_ =	sdelay $0x1  }
0x8a: {  	s1 =	srdreg.scid  }
0x8b: {  	s0 =	sand.u32 $0x1, s1  }
0x8c: {  	s17 =	sshll.u32 s0, $0xA;
	s2 =	sadd.s32 s3, s2  }
0x8d: {  	s2 =	sadd.s32 s2, s17  }
0x8e: {  	[smem:$0x3FC6] =	sst s2  }
0x8f: {  	_ = 	snop  }
0x90: {  	s2 =	sld [smem:$0x3FC8]  }
0x91: {  	s18 =	sld [smem:$0x3FD0];
	(tm) =	ssettm $0x1  }
0x92: {  	s4 =	sld [smem:$0x3FFB];
	_ =	sdelay $0x3  }
0x93: {  	_ =	strace s4  }
0x94: {  	s4 =	sld [smem:$0x3FFC];
	_ =	sdelay $0x3  }
0x95: {  	_ =	strace s4  }
0x96: {  	s4 =	sld [smem:$0x3FFD];
	_ =	sdelay $0x3  }
0x97: {  	_ =	strace s4  }
0x98: {  	_ =	strace $0x8FFFFFFF  }
0x99: {  	s19 =	sld [smem:$0x3FDB];
	_ =	sdelay $0x1  }
0x9a: {  	s5 =	simm.s32 $_scs_section_size  }
0x9b: {  	s6 =	simm.s32 $_size__tile_overlayer_lowered;
	s7 =	simm.s32 $_tile_overlayer_lowered  }
0x9c: {  	s22 =	simm.s32 $0x1BFF;
	s21 =	sshll.u32 s7, $0x1;
	s4 =	sadd.s32 s5, s19  }
0x9d: {  	s8 =	simm.s32 $0x0;
	s20 =	sshll.u32 s6, $0x1;
	s6 =	sadd.s32 s21, s4  }
0x9e: {  	[timem:s8], [sflag:s22] =	dma.local [hbm:s6], s20  }
0x9f: {  	_ =	swait.ge [sflag:s22], s20  }
0xa0: {  	s5 =	ssub.s32 $0x0, s20;
	[sflag:s22] =	ssyncset.done $0x0  }
0xa1: {  	[sflag:s22] =	ssyncadd.s32 s5;
	_ =	sdelay $0x1  }
0xa2: {  	s23 =	simm.s32 $0x1B8B  }
0xa3: {  	_ =	swait.ge [sflag:s23], $0x1  }
0xa4: {  	[sflag:s23] =	ssyncset.done $0x0  }
0xa5: {  	s25 =	simm.s32 $0x1B8E;
	s24 =	sld [smem:$0x3FFE];
	[sflag:s23] =	ssyncadd.s32 $0xFFFFFFFF  }
0xa6: {  	s26 =	simm.s32 $execute0_lowered;
	[smem:$0x3FD2] =	sst s25  }
0xa7: {  	s6 =	sshll.u32 s26, $0x1;
	_ =	strace $0x80000046;
	[dreg:$0x1] =	wrdreg $0xFFFFFFFF  }
0xa8: {  	s28 =	simm.s32 $_size_execute0_lowered;
	s4 =	sadd.s32 s4, s6;
	[dreg:$0x0] =	wrdreg $0x0  }
0xa9: {  	s6 =	sshll.u32 s28, $0x1;
	[dreg:$0x2] =	wrdreg s4  }
0xaa: {  	[dreg:$0x3] =	wrdreg s6  }
0xab: {  	[dreg:$0x4] =	wrdreg $0xC0  }
0xac: {  	_ =	task [dreg:s8], $0x5FFFF  }
0xad: {  	[dreg:$0x1] =	wrdreg $0xFFFFFFFF  }
0xae: {  	[dreg:$0x0] =	wrdreg $0x60  }
0xaf: {  	[dreg:$0x2] =	wrdreg s2  }
0xb0: {  	[dreg:$0x3] =	wrdreg s24  }
0xb1: {  	[dreg:$0x4] =	wrdreg s18  }
0xb2: {  	[dreg:$0x5] =	wrdreg $0x188000  }
0xb3: {  	[dreg:$0x6] =	wrdreg $0x9  }
0xb4: {  	_ =	task.clear_ibuf [dreg:s8], $0x7FFFF;
	_ =	strace $0x90000046  }
0xb5: {  	s29 =	simm.s32 $0x9;
	_ =	strace $0x80000048  }
0xb6: {  	_ =	swait.ge [sflag:s29], $0x1  }
0xb7: {  	[sflag:s29] =	ssyncadd.s32 $0xFFFFFFFF  }
0xb8: {  	_ =	strace $0x90000048  }
0xb9: {  	_ =	sfence  }
0xba: {  	s30 =	sld [smem:$0x0];
	_ =	sdelay $0x2  }
0xbb: {  	s31 =	sshll.u32 s1, $0xD;
	s1 =	sshrl.u32 s1, $0x2  }
0xbc: {  	s3 =	sand.u32 $0x4000, s31;
	s1 =	sadd.s32 s1, s30  }
0xbd: {  	s0 =	sor.u32 s3, s0;
	s1 =	sshll.u32 s1, $0x11  }
0xbe: {  	s0 =	sor.u32 s1, s0  }
0xbf: {  	s0 =	sadd.s32 $0x8F2B, s0  }
0xc0: {  	[sflag:s0] =	ssyncadd.remote.s32 $0x1  }
0xc1: {  	_ =	sfence.sel $0xFFFF  }
0xc2: {  	[dreg:$0x0] =	wrdreg $0xFFFFFFFF;
	(pc) =	sbr.abs _section_cstart, $3  }
0xc3: {  	[dreg:$0x1] =	wrdreg $0xFFFFFFFF  }
0xc4: {  	_ =	task.clear_ibuf [dreg:s8], $0x2FFFF;
	_ =	strace $0x9FFFFFFF  }
0xc5: {  	(tm) =	ssettm $0x7FFFFFFF  }
tec
execute0_lowered:
.L_overlay_start_1:
0x0: {  	(tag) =	ssettag $0x1  }
0x1: {  	s1 =	rddreg [dreg:$0x1]  }
0x2: {  	s17 =	rddreg [dreg:$0x2]  }
0x3: {  	s2 =	srdreg.scid;
	s0 =	stileid.u32  }
0x4: {  	s3 =	rddreg [dreg:$0x3];
	s9 =	smul.u32 $0x32000, s0  }
0x5: {  	s4 =	simm.s32 $0x0;
	s7 =	sand.u32 $0x1, s2;
	s21 =	smul.u32 $0x320000, s0  }
0x6: {  	s31 =	simm.s32 $0x8;
	s24 =	sshll.u32 s0, $0x1;
	s10 =	smul.u32 $0x19000, s7  }
0x7: {  	[smem:$0x7FF] =	sst s4;
	s2 =	sadd.s32 $0x400, s1;
	s23 =	smul.u32 $0xC80000, s7  }
0x8: {  	s5 =	sor.u32 s7, s24;
	s8 =	ssub.s32 $0x2, s7;
	s7 =	smul.u32 $0x190000, s7  }
0x9: {  	_ =	strace $0x80000047;
	s6 =	smul.u32 $0x19000, s5;
	s25 =	sshrl.u32 s8, $0x1  }
0xa: {  	s1 =	ssub.s32 s8, s25;
	s9 =	sadd.s32 s10, s9;
	s7 =	sadd.s32 s7, s21  }
0xb: {  	s26 =	sshrl.u32 s6, $0x3;
	s8 =	sor.u32 $0x100, s6;
	s12 =	sor.u32 $0x200, s6  }
0xc: {  	s13 =	sor.u32 $0xE00, s9;
	s15 =	sor.u32 $0xD00, s9;
	s19 =	sor.u32 $0xC00, s9  }
0xd: {  	s25 =	sor.u32 $0xA00, s9;
	[dreg:$0x9] =	wrdreg s7;
	s18 =	sadd.s32 s2, s26  }
0xe: {  	s28 =	sshrl.u32 s8, $0x3;
	s11 =	sadd.s32 $0x10, s18;
	[dreg:$0xe] =	wrdreg s18  }
0xf: {  	s29 =	sshrl.u32 s12, $0x3;
	s30 =	sadd.s32 $0x30, s18;
	[dreg:$0xf] =	wrdreg s11  }
0x10: {  	s10 =	sshrl.u32 s13, $0x3;
	s14 =	sadd.s32 $0x50, s18;
	[dreg:$0x11] =	wrdreg s30  }
0x11: {  	s13 =	sor.u32 $0x300, s6;
	s10 =	sadd.s32 s10, s2;
	[dreg:$0x13] =	wrdreg s14  }
0x12: {  	s20 =	sshrl.u32 s19, $0x3;
	s11 =	sadd.s32 s2, s28;
	[dreg:$0x5] =	wrdreg s10  }
0x13: {  	s10 =	sadd.s32 s20, s2;
	s14 =	sor.u32 $0xB00, s9;
	[dreg:$0x10] =	wrdreg s11  }
0x14: {  	s28 =	sshrl.u32 s25, $0x3;
	s20 =	sadd.s32 $0x70, s18;
	[dreg:$0x7] =	wrdreg s10  }
0x15: {  	s25 =	sshll.u32 s13, $0x4;
	s11 =	sadd.s32 s2, s29;
	[dreg:$0x15] =	wrdreg s20  }
0x16: {  	s22 =	sshrl.u32 s14, $0x3;
	s30 =	sadd.s32 s28, s2;
	[dreg:$0x12] =	wrdreg s11  }
0x17: {  	s29 =	smul.u32 $0x190000, s5;
	s28 =	sadd.s32 s17, s25;
	[dreg:$0xb] =	wrdreg s30  }
0x18: {  	s5 =	smul.u32 $0xC80000, s5;
	s20 =	sadd.s32 $0x90, s18;
	[dreg:$0x1a] =	wrdreg s28  }
0x19: {  	s25 =	sadd.s32 $0xE0, s18;
	s11 =	sshrl.u32 s15, $0x3;
	[smem:$0x7F4] =	sst s20  }
0x1a: {  	s15 =	smul.u32 $0x1900000, s0;
	s10 =	sadd.s32 s22, s2;
	[smem:$0x7F9] =	sst s25  }
0x1b: {  	s28 =	sadd.s32 $0x100, s18;
	s16 =	sadd.s32 s11, s2;
	[dreg:$0x8] =	wrdreg s10  }
0x1c: {  	s10 =	sor.u32 $0x400, s6;
	s22 =	sadd.s32 s17, s29;
	[smem:$0x7FB] =	sst s28  }
0x1d: {  	s5 =	sshrl.u32 s5, $0x3;
	[dreg:$0x6] =	wrdreg s16;
	s16 =	sshrl.u32 s13, $0x3  }
0x1e: {  	s14 =	sadd.s32 s23, s15;
	[dreg:$0x17] =	wrdreg s22;
	s22 =	sadd.s32 $0xB0, s18  }
0x1f: {  	s19 =	sshrl.u32 s10, $0x3;
	s16 =	sadd.s32 s2, s16;
	[smem:$0x7F6] =	sst s22  }
0x20: {  	s23 =	sshll.u32 s8, $0x4;
	s21 =	sadd.s32 s2, s19;
	[dreg:$0x14] =	wrdreg s16  }
0x21: {  	s5 =	sadd.s32 s17, s5;
	s7 =	sadd.s32 s17, s23;
	[dreg:$0x16] =	wrdreg s21  }
0x22: {  	s24 =	sor.u32 $0x50000, s14;
	s13 =	sadd.s32 $0x18C000, s5;
	[dreg:$0x18] =	wrdreg s7  }
0x23: {  	s30 =	sor.u32 $0x48000, s14;
	s14 =	sadd.s32 $0x18D000, s5;
	[dreg:$0x1e] =	wrdreg s13  }
0x24: {  	p0 =	sne.s32 s0, $0x0;
	s15 =	sadd.s32 $0x18E000, s5;
	[dreg:$0x1f] =	wrdreg s14  }
0x25: {  	s6 =	sadd.s32 $0x18F00, s6;
	s19 =	smax.u32 s1, $0x1;
	[smem:$0x7F1] =	sst s15  }
0x26: {  	s29 =	sshll.u32 s10, $0x4;
	s23 =	sadd.s32 $0xC0, s18;
	[smem:$0x7F3] =	sst s19  }
0x27: {  	s10 =	sor.u32 $0x900, s9;
	s26 =	sshrl.u32 s24, $0x3;
	[smem:$0x7F7] =	sst s23  }
0x28: {  	s11 =	sshrl.u32 s6, $0x3;
	s7 =	sadd.s32 s17, s29;
	[dreg:$0xa] =	wrdreg s26  }
0x29: {  	s9 =	simm.s32 $0x80;
	s8 =	sshrl.u32 s30, $0x3;
	[dreg:$0x1b] =	wrdreg s7  }
0x2a: {  	s24 =	sshll.u32 s12, $0x4;
	s12 =	sadd.s32 $0x18B000, s5;
	[dreg:$0xc] =	wrdreg s8  }
0x2b: {  	s1 =	simm.s32 $0x6;
	s21 =	sadd.s32 $0xA0, s18;
	[dreg:$0x1d] =	wrdreg s12  }
0x2c: {  	s16 =	sshll.u32 s6, $0x4;
	s29 =	sadd.s32 $0x110, s18;
	[smem:$0x7F5] =	sst s21  }
0x2d: {  	s30 =	sadd.s32 $0x31F0, s18;
	s15 =	simm.s32 $0x400;
	[smem:$0x7FC] =	sst s29  }
0x2e: {  	s13 =	simm.s32 $0x480;
	s26 =	sadd.s32 s17, s24;
	[smem:$0x7FD] =	sst s30  }
0x2f: {  	s14 =	simm.s32 $0x500;
	s8 =	sadd.s32 s2, s11;
	[dreg:$0x19] =	wrdreg s26  }
0x30: {  	s6 =	simm.s32 $0x9;
	s0 =	sadd.s32 s17, s16;
	[dreg:$0x1c] =	wrdreg s8  }
0x31: {  	s7 =	sshrl.u32 s10, $0x3;
	s24 =	sadd.s32 $0xD0, s18;
	[smem:$0x7F2] =	sst s0  }
0x32: {  	s5 =	simm.s32 $0xC;
	s2 =	sadd.s32 s7, s2;
	[smem:$0x7F8] =	sst s24  }
0x33: {  	s11 =	simm.s32 $0x0;
	s26 =	sadd.s32 $0xF0, s18;
	[dreg:$0xd] =	wrdreg s2  }
0x34: {  	s24 =	simm.s32 $0x7;
	s8 =	simm.s32 $0x5;
	[smem:$0x7FA] =	sst s26  }
.LBB2_1:
0x35: {  	[smem:$0x7F0] =	sst s11  }
0x36: {  	s10 =	sshrl.u32 @!p0 s3, $0x3;
	s11 =	simm.s32 @!p0 $0x1C0D;
	s12 =	rddreg [dreg:$0x0]  }
0x37: {  	[spmem:s10], [sflag:s11] =	dma.local @!p0 [hbm:s12], $0x3E80  }
0x38: {  	s10 =	simm.s32 @!p0 $0xD  }
0x39: {  	_ =	swait.ge @!p0 [sflag:s10], $0x3E80  }
0x3a: {  	[sflag:s10] =	ssyncset.done @!p0 $0x0  }
0x3b: {  	s22 =	rddreg [dreg:$0xe];
	[sflag:s10] =	ssyncadd.s32 @!p0 $0xFFFFC180  }
0x3c: {  	[tilespmem:s4], [sflag:$0x1] =	stream.linear.gather [hbm4b:s22+s4], $0x80, $0x38;
	[tilespmem:$0x1A740] =	vst v63  }
0x3d: {  	s23 =	rddreg [dreg:$0xf]  }
0x3e: {  	[tilespmem:s9], [sflag:$0x1] =	stream.linear.gather [hbm4b:s23+s4], $0x80, $0x38;
	[tilespmem:$0x1A740] =	vst v63  }
0x3f: {  	s16 =	simm.s32 $0x100;
	s25 =	rddreg [dreg:$0x10]  }
0x40: {  	[tilespmem:s16], [sflag:$0x2] =	stream.linear.gather [hbm4b:s25+s4], $0x80, $0x38;
	[tilespmem:$0x1A740] =	vst v63  }
0x41: {  	s21 =	simm.s32 $0x180;
	s26 =	rddreg [dreg:$0x11]  }
0x42: {  	[tilespmem:s21], [sflag:$0x2] =	stream.linear.gather [hbm4b:s26+s4], $0x80, $0x38;
	[tilespmem:$0x1A740] =	vst v63  }
0x43: {  	s0 =	simm.s32 $0x200;
	s28 =	rddreg [dreg:$0x12]  }
0x44: {  	[tilespmem:s0], [sflag:$0x3] =	stream.linear.gather [hbm4b:s28+s4], $0x80, $0x38;
	[tilespmem:$0x1A740] =	vst v63  }
0x45: {  	s30 =	simm.s32 $0x280;
	s29 =	rddreg [dreg:$0x13]  }
0x46: {  	[tilespmem:s30], [sflag:$0x3] =	stream.linear.gather [hbm4b:s29+s4], $0x80, $0x38;
	[tilespmem:$0x1A740] =	vst v63  }
0x47: {  	s11 =	simm.s32 $0x1;
	[bflag:$0x0] =	sbarrier.arrive $0xFFFF  }
0x48: {  	_ =	swait.ge [sflag:s11], $0x80  }
0x49: {  	[sflag:s11] =	ssyncset.done $0x0  }
0x4a: {  	[sflag:s11] =	ssyncadd.s32 $0xFFFFFF80  }
0x4b: {  	_ =	swait.ge [sflag:s11], $0x80  }
0x4c: {  	[sflag:s11] =	ssyncset.done $0x0  }
0x4d: {  	s20 =	simm.s32 $0x800;
	[sflag:s11] =	ssyncadd.s32 $0xFFFFFF80  }
0x4e: {  	[tilespmem:s20], [sflag:$0x7] =	stream.indirect.gather [spmem:s3], $0x80, s4, s9, $0xb8;
	[tilespmem:$0x1A740] =	vst v63  }
0x4f: {  	s28 =	simm.s32 $0x4800  }
0x50: {  	[tilespmem:s28], [sflag:$0x7] =	stream.indirect.gather [spmem:s3], $0x80, s9, s9, $0xb8;
	[tilespmem:$0x1A740] =	vst v63  }
0x51: {  	s22 =	simm.s32 $0x300;
	s0 =	rddreg [dreg:$0x14]  }
0x52: {  	[tilespmem:s22], [sflag:$0x4] =	stream.linear.gather [hbm4b:s0+s4], $0x80, $0x38;
	[tilespmem:$0x1A740] =	vst v63  }
0x53: {  	s19 =	simm.s32 $0x2;
	s23 =	simm.s32 $0x380;
	s12 =	rddreg [dreg:$0x15]  }
0x54: {  	[tilespmem:s23], [sflag:$0x4] =	stream.linear.gather [hbm4b:s12+s4], $0x80, $0x38;
	[tilespmem:$0x1A740] =	vst v63  }
0x55: {  	_ =	swait.ge [sflag:s19], $0x80  }
0x56: {  	[sflag:s19] =	ssyncset.done $0x0  }
0x57: {  	[sflag:s19] =	ssyncadd.s32 $0xFFFFFF80  }
0x58: {  	_ =	swait.ge [sflag:s19], $0x80  }
0x59: {  	[sflag:s19] =	ssyncset.done $0x0  }
0x5a: {  	s26 =	simm.s32 $0x8800;
	[sflag:s19] =	ssyncadd.s32 $0xFFFFFF80  }
0x5b: {  	[tilespmem:s26], [sflag:$0x8] =	stream.indirect.gather [spmem:s3], $0x80, s16, s9, $0xb8;
	[tilespmem:$0x1A740] =	vst v63  }
0x5c: {  	s17 =	simm.s32 $0xC800;
	s18 =	rddreg [dreg:$0x16]  }
0x5d: {  	[tilespmem:s17], [sflag:$0x8] =	stream.indirect.gather [spmem:s3], $0x80, s21, s9, $0xb8;
	[tilespmem:$0x1A740] =	vst v63  }
0x5e: {  	s25 =	sld [smem:$0x7F4]  }
0x5f: {  	[tilespmem:s15], [sflag:$0x5] =	stream.linear.gather [hbm4b:s18+s4], $0x80, $0x38;
	[tilespmem:$0x1A740] =	vst v63  }
0x60: {  	_ = 	snop  }
0x61: {  	[tilespmem:s13], [sflag:$0x5] =	stream.linear.gather [hbm4b:s25+s4], $0x80, $0x38;
	[tilespmem:$0x1A740] =	vst v63  }
0x62: {  	_ =	swait.ge [sflag:s24], $0x4000  }
0x63: {  	[sflag:s24] =	ssyncset.done $0x0  }
0x64: {  	[sflag:s24] =	ssyncadd.s32 $0xFFFFC000  }
0x65: {  	_ =	swait.ge [sflag:s24], $0x4000  }
0x66: {  	[sflag:s24] =	ssyncset.done $0x0  }
0x67: {  	s12 =	simm.s32 $0x3;
	s29 =	rddreg [dreg:$0x17];
	[sflag:s24] =	ssyncadd.s32 $0xFFFFC000  }
0x68: {  	[hbm4b:s29+s4] =	stream.linear.scatter [tilespmem:s20], [sflag:$0xA], $0x8000, $0x38;
	[tilespmem:$0x1A740] =	vst v63  }
0x69: {  	_ =	swait.ge [sflag:s12], $0x80  }
0x6a: {  	[sflag:s12] =	ssyncset.done $0x0  }
0x6b: {  	[sflag:s12] =	ssyncadd.s32 $0xFFFFFF80  }
0x6c: {  	_ =	swait.ge [sflag:s12], $0x80  }
0x6d: {  	[sflag:s12] =	ssyncset.done $0x0  }
0x6e: {  	s7 =	simm.s32 $0x200;
	s29 =	simm.s32 $0x10800;
	[sflag:s12] =	ssyncadd.s32 $0xFFFFFF80  }
0x6f: {  	[tilespmem:s29], [sflag:$0x9] =	stream.indirect.gather [spmem:s3], $0x80, s7, s9, $0xb8;
	[tilespmem:$0x1A740] =	vst v63  }
0x70: {  	s2 =	simm.s32 $0x280;
	s30 =	simm.s32 $0x14800  }
0x71: {  	[tilespmem:s30], [sflag:$0x9] =	stream.indirect.gather [spmem:s3], $0x80, s2, s9, $0xb8;
	[tilespmem:$0x1A740] =	vst v63  }
0x72: {  	s2 =	sld [smem:$0x7F5];
	_ =	sdelay $0x1  }
0x73: {  	s7 =	sld [smem:$0x7F6]  }
0x74: {  	[tilespmem:s14], [sflag:$0x6] =	stream.linear.gather [hbm4b:s2+s4], $0x80, $0x38;
	[tilespmem:$0x1A740] =	vst v63  }
0x75: {  	s18 =	simm.s32 $0x580  }
0x76: {  	[tilespmem:s18], [sflag:$0x6] =	stream.linear.gather [hbm4b:s7+s4], $0x80, $0x38;
	[tilespmem:$0x1A740] =	vst v63  }
0x77: {  	_ =	swait.ge [sflag:s31], $0x4000  }
0x78: {  	[sflag:s31] =	ssyncset.done $0x0  }
0x79: {  	[sflag:s31] =	ssyncadd.s32 $0xFFFFC000  }
0x7a: {  	_ =	swait.ge [sflag:s31], $0x4000  }
0x7b: {  	[sflag:s31] =	ssyncset.done $0x0  }
0x7c: {  	s0 =	simm.s32 $0xA;
	s2 =	rddreg [dreg:$0x18];
	[sflag:s31] =	ssyncadd.s32 $0xFFFFC000  }
0x7d: {  	[hbm4b:s2+s4] =	stream.linear.scatter [tilespmem:s26], [sflag:$0xB], $0x8000, $0x38;
	[tilespmem:$0x1A740] =	vst v63  }
0x7e: {  	_ =	swait.ge [sflag:s0], $0x8000  }
0x7f: {  	[sflag:s0] =	ssyncset.done $0x0  }
0x80: {  	s2 =	simm.s32 $0x4;
	[sflag:s0] =	ssyncadd.s32 $0xFFFF8000  }
0x81: {  	_ =	swait.ge [sflag:s2], $0x80  }
0x82: {  	[sflag:s2] =	ssyncset.done $0x0  }
0x83: {  	[sflag:s2] =	ssyncadd.s32 $0xFFFFFF80  }
0x84: {  	_ =	swait.ge [sflag:s2], $0x80  }
0x85: {  	[sflag:s2] =	ssyncset.done $0x0  }
0x86: {  	[sflag:s2] =	ssyncadd.s32 $0xFFFFFF80  }
0x87: {  	[tilespmem:s20], [sflag:$0x7] =	stream.indirect.gather [spmem:s3], $0x80, s22, s9, $0xb8;
	[tilespmem:$0x1A740] =	vst v63  }
0x88: {  	s7 =	sld [smem:$0x7F7]  }
0x89: {  	[tilespmem:s28], [sflag:$0x7] =	stream.indirect.gather [spmem:s3], $0x80, s23, s9, $0xb8;
	[tilespmem:$0x1A740] =	vst v63  }
0x8a: {  	_ = 	snop  }
0x8b: {  	[tilespmem:s4], [sflag:$0x1] =	stream.linear.gather [hbm4b:s7+s4], $0x80, $0x38;
	[tilespmem:$0x1A740] =	vst v63  }
0x8c: {  	s7 =	sld [smem:$0x7F8];
	_ =	sdelay $0x2  }
0x8d: {  	[tilespmem:s9], [sflag:$0x1] =	stream.linear.gather [hbm4b:s7+s4], $0x80, $0x38;
	[tilespmem:$0x1A740] =	vst v63  }
0x8e: {  	_ =	swait.ge [sflag:s6], $0x4000  }
0x8f: {  	[sflag:s6] =	ssyncset.done $0x0  }
0x90: {  	[sflag:s6] =	ssyncadd.s32 $0xFFFFC000  }
0x91: {  	_ =	swait.ge [sflag:s6], $0x4000  }
0x92: {  	[sflag:s6] =	ssyncset.done $0x0  }
0x93: {  	s7 =	rddreg [dreg:$0x19];
	[sflag:s6] =	ssyncadd.s32 $0xFFFFC000  }
0x94: {  	[hbm4b:s7+s4] =	stream.linear.scatter [tilespmem:s29], [sflag:$0xC], $0x8000, $0x38;
	[tilespmem:$0x1A740] =	vst v63  }
0x95: {  	s7 =	simm.s32 $0xB  }
0x96: {  	_ =	swait.ge [sflag:s7], $0x8000  }
0x97: {  	[sflag:s7] =	ssyncset.done $0x0  }
0x98: {  	[sflag:s7] =	ssyncadd.s32 $0xFFFF8000  }
0x99: {  	_ =	swait.ge [sflag:s8], $0x80  }
0x9a: {  	[sflag:s8] =	ssyncset.done $0x0  }
0x9b: {  	[sflag:s8] =	ssyncadd.s32 $0xFFFFFF80  }
0x9c: {  	_ =	swait.ge [sflag:s8], $0x80  }
0x9d: {  	[sflag:s8] =	ssyncset.done $0x0  }
0x9e: {  	[sflag:s8] =	ssyncadd.s32 $0xFFFFFF80  }
0x9f: {  	[tilespmem:s26], [sflag:$0x8] =	stream.indirect.gather [spmem:s3], $0x80, s15, s9, $0xb8;
	[tilespmem:$0x1A740] =	vst v63  }
0xa0: {  	s17 =	simm.s32 $0xC800  }
0xa1: {  	[tilespmem:s17], [sflag:$0x8] =	stream.indirect.gather [spmem:s3], $0x80, s13, s9, $0xb8;
	[tilespmem:$0x1A740] =	vst v63  }
0xa2: {  	s13 =	sld [smem:$0x7F9];
	_ =	sdelay $0x2  }
0xa3: {  	[tilespmem:s16], [sflag:$0x2] =	stream.linear.gather [hbm4b:s13+s4], $0x80, $0x38;
	[tilespmem:$0x1A740] =	vst v63  }
0xa4: {  	s13 =	sld [smem:$0x7FA];
	_ =	sdelay $0x2  }
0xa5: {  	[tilespmem:s21], [sflag:$0x2] =	stream.linear.gather [hbm4b:s13+s4], $0x80, $0x38;
	[tilespmem:$0x1A740] =	vst v63  }
0xa6: {  	_ =	swait.ge [sflag:s24], $0x4000  }
0xa7: {  	[sflag:s24] =	ssyncset.done $0x0  }
0xa8: {  	[sflag:s24] =	ssyncadd.s32 $0xFFFFC000  }
0xa9: {  	_ =	swait.ge [sflag:s24], $0x4000  }
0xaa: {  	[sflag:s24] =	ssyncset.done $0x0  }
0xab: {  	s13 =	rddreg [dreg:$0x1a];
	[sflag:s24] =	ssyncadd.s32 $0xFFFFC000  }
0xac: {  	[hbm4b:s13+s4] =	stream.linear.scatter [tilespmem:s20], [sflag:$0xA], $0x8000, $0x38;
	[tilespmem:$0x1A740] =	vst v63  }
0xad: {  	_ =	swait.ge [sflag:s5], $0x8000  }
0xae: {  	[sflag:s5] =	ssyncset.done $0x0  }
0xaf: {  	[sflag:s5] =	ssyncadd.s32 $0xFFFF8000  }
0xb0: {  	_ =	swait.ge [sflag:s1], $0x80  }
0xb1: {  	[sflag:s1] =	ssyncset.done $0x0  }
0xb2: {  	[sflag:s1] =	ssyncadd.s32 $0xFFFFFF80  }
0xb3: {  	_ =	swait.ge [sflag:s1], $0x80  }
0xb4: {  	[sflag:s1] =	ssyncset.done $0x0  }
0xb5: {  	[sflag:s1] =	ssyncadd.s32 $0xFFFFFF80  }
0xb6: {  	[tilespmem:s29], [sflag:$0x9] =	stream.indirect.gather [spmem:s3], $0x80, s14, s9, $0xb8;
	[tilespmem:$0x1A740] =	vst v63  }
0xb7: {  	s25 =	simm.s32 $0x14800;
	s18 =	simm.s32 $0x580;
	s13 =	sld [smem:$0x7FB]  }
0xb8: {  	[tilespmem:s25], [sflag:$0x9] =	stream.indirect.gather [spmem:s3], $0x80, s18, s9, $0xb8;
	[tilespmem:$0x1A740] =	vst v63  }
0xb9: {  	s18 =	simm.s32 $0x200;
	s25 =	sld [smem:$0x7FC]  }
0xba: {  	[tilespmem:s18], [sflag:$0x3] =	stream.linear.gather [hbm4b:s13+s4], $0x80, $0x38;
	[tilespmem:$0x1A740] =	vst v63  }
0xbb: {  	s30 =	simm.s32 $0x280  }
0xbc: {  	[tilespmem:s30], [sflag:$0x3] =	stream.linear.gather [hbm4b:s25+s4], $0x80, $0x38;
	[tilespmem:$0x1A740] =	vst v63  }
0xbd: {  	_ =	swait.ge [sflag:s31], $0x4000  }
0xbe: {  	[sflag:s31] =	ssyncset.done $0x0  }
0xbf: {  	[sflag:s31] =	ssyncadd.s32 $0xFFFFC000  }
0xc0: {  	_ =	swait.ge [sflag:s31], $0x4000  }
0xc1: {  	[sflag:s31] =	ssyncset.done $0x0  }
0xc2: {  	s30 =	rddreg [dreg:$0x1b];
	[sflag:s31] =	ssyncadd.s32 $0xFFFFC000  }
0xc3: {  	[hbm4b:s30+s4] =	stream.linear.scatter [tilespmem:s26], [sflag:$0xB], $0x8000, $0x38;
	[tilespmem:$0x1A740] =	vst v63  }
0xc4: {  	_ =	swait.ge [sflag:s0], $0x8000  }
0xc5: {  	[sflag:s0] =	ssyncset.done $0x0  }
0xc6: {  	[sflag:s0] =	ssyncadd.s32 $0xFFFF8000  }
0xc7: {  	_ =	swait.ge [sflag:s11], $0x80  }
0xc8: {  	[sflag:s11] =	ssyncset.done $0x0  }
0xc9: {  	[sflag:s11] =	ssyncadd.s32 $0xFFFFFF80  }
0xca: {  	_ =	swait.ge [sflag:s11], $0x80  }
0xcb: {  	[sflag:s11] =	ssyncset.done $0x0  }
0xcc: {  	[sflag:s11] =	ssyncadd.s32 $0xFFFFFF80  }
0xcd: {  	[tilespmem:s20], [sflag:$0x7] =	stream.indirect.gather [spmem:s3], $0x80, s4, s9, $0xb8;
	[tilespmem:$0x1A740] =	vst v63  }
0xce: {  	s13 =	rddreg [dreg:$0xd]  }
0xcf: {  	[tilespmem:s28], [sflag:$0x7] =	stream.indirect.gather [spmem:s3], $0x80, s9, s9, $0xb8;
	[tilespmem:$0x1A740] =	vst v63  }
0xd0: {  	s10 =	sadd.s32 $0x0, s13  }
0xd1: {  	[tilespmem:s22], [sflag:$0x4] =	stream.linear.gather [hbm4b:s10+s4], $0x80, $0x38;
	[tilespmem:$0x1A740] =	vst v63  }
0xd2: {  	s10 =	sadd.s32 $0x10, s10  }
0xd3: {  	[tilespmem:s23], [sflag:$0x4] =	stream.linear.gather [hbm4b:s10+s4], $0x80, $0x38;
	[tilespmem:$0x1A740] =	vst v63  }
0xd4: {  	_ =	swait.ge [sflag:s6], $0x4000  }
0xd5: {  	[sflag:s6] =	ssyncset.done $0x0  }
0xd6: {  	[sflag:s6] =	ssyncadd.s32 $0xFFFFC000  }
0xd7: {  	_ =	swait.ge [sflag:s6], $0x4000  }
0xd8: {  	s18 =	rddreg [dreg:$0x9];
	[sflag:s6] =	ssyncset.done $0x0  }
0xd9: {  	s13 =	rddreg [dreg:$0x2]  }
0xda: {  	s10 =	sadd.s32 s13, s18  }
0xdb: {  	[sflag:s6] =	ssyncadd.s32 $0xFFFFC000;
	s30 =	sadd.s32 $0x5000, s10  }
0xdc: {  	[hbm4b:s30+s4] =	stream.linear.scatter [tilespmem:s29], [sflag:$0xC], $0x8000, $0x38;
	[tilespmem:$0x1A740] =	vst v63  }
0xdd: {  	_ =	swait.ge [sflag:s7], $0x8000  }
0xde: {  	[sflag:s7] =	ssyncset.done $0x0  }
0xdf: {  	[sflag:s7] =	ssyncadd.s32 $0xFFFF8000  }
0xe0: {  	_ =	swait.ge [sflag:s19], $0x80  }
0xe1: {  	[sflag:s19] =	ssyncset.done $0x0  }
0xe2: {  	[sflag:s19] =	ssyncadd.s32 $0xFFFFFF80  }
0xe3: {  	_ =	swait.ge [sflag:s19], $0x80  }
0xe4: {  	[sflag:s19] =	ssyncset.done $0x0  }
0xe5: {  	[sflag:s19] =	ssyncadd.s32 $0xFFFFFF80  }
0xe6: {  	[tilespmem:s26], [sflag:$0x8] =	stream.indirect.gather [spmem:s3], $0x80, s16, s9, $0xb8;
	[tilespmem:$0x1A740] =	vst v63  }
0xe7: {  	s17 =	simm.s32 $0xC800;
	s18 =	rddreg [dreg:$0xb]  }
0xe8: {  	[tilespmem:s17], [sflag:$0x8] =	stream.indirect.gather [spmem:s3], $0x80, s21, s9, $0xb8;
	[tilespmem:$0x1A740] =	vst v63  }
0xe9: {  	s11 =	sadd.s32 $0x0, s18  }
0xea: {  	[tilespmem:s15], [sflag:$0x5] =	stream.linear.gather [hbm4b:s11+s4], $0x80, $0x38;
	[tilespmem:$0x1A740] =	vst v63  }
0xeb: {  	s25 =	simm.s32 $0x480;
	s11 =	sadd.s32 $0x10, s11  }
0xec: {  	[tilespmem:s25], [sflag:$0x5] =	stream.linear.gather [hbm4b:s11+s4], $0x80, $0x38;
	[tilespmem:$0x1A740] =	vst v63  }
0xed: {  	_ =	swait.ge [sflag:s24], $0x4000  }
0xee: {  	[sflag:s24] =	ssyncset.done $0x0  }
0xef: {  	[sflag:s24] =	ssyncadd.s32 $0xFFFFC000  }
0xf0: {  	_ =	swait.ge [sflag:s24], $0x4000  }
0xf1: {  	[sflag:s24] =	ssyncset.done $0x0  }
0xf2: {  	s19 =	sadd.s32 $0x6000, s10;
	[sflag:s24] =	ssyncadd.s32 $0xFFFFC000  }
0xf3: {  	[hbm4b:s19+s4] =	stream.linear.scatter [tilespmem:s20], [sflag:$0xA], $0x8000, $0x38;
	[tilespmem:$0x1A740] =	vst v63  }
0xf4: {  	_ =	swait.ge [sflag:s5], $0x8000  }
0xf5: {  	[sflag:s5] =	ssyncset.done $0x0  }
0xf6: {  	[sflag:s5] =	ssyncadd.s32 $0xFFFF8000  }
0xf7: {  	_ =	swait.ge [sflag:s12], $0x80  }
0xf8: {  	[sflag:s12] =	ssyncset.done $0x0  }
0xf9: {  	[sflag:s12] =	ssyncadd.s32 $0xFFFFFF80  }
0xfa: {  	_ =	swait.ge [sflag:s12], $0x80  }
0xfb: {  	[sflag:s12] =	ssyncset.done $0x0  }
0xfc: {  	s19 =	simm.s32 $0x200;
	[sflag:s12] =	ssyncadd.s32 $0xFFFFFF80  }
0xfd: {  	[tilespmem:s29], [sflag:$0x9] =	stream.indirect.gather [spmem:s3], $0x80, s19, s9, $0xb8;
	[tilespmem:$0x1A740] =	vst v63  }
0xfe: {  	s18 =	simm.s32 $0x280;
	s17 =	simm.s32 $0x14800;
	s11 =	rddreg [dreg:$0x8]  }
0xff: {  	[tilespmem:s17], [sflag:$0x9] =	stream.indirect.gather [spmem:s3], $0x80, s18, s9, $0xb8;
	[tilespmem:$0x1A740] =	vst v63  }
0x100: {  	s11 =	sadd.s32 $0x0, s11  }
0x101: {  	[tilespmem:s14], [sflag:$0x6] =	stream.linear.gather [hbm4b:s11+s4], $0x80, $0x38;
	[tilespmem:$0x1A740] =	vst v63  }
0x102: {  	s12 =	simm.s32 $0x580;
	s11 =	sadd.s32 $0x10, s11  }
0x103: {  	[tilespmem:s12], [sflag:$0x6] =	stream.linear.gather [hbm4b:s11+s4], $0x80, $0x38;
	[tilespmem:$0x1A740] =	vst v63  }
0x104: {  	_ =	swait.ge [sflag:s31], $0x4000  }
0x105: {  	[sflag:s31] =	ssyncset.done $0x0  }
0x106: {  	[sflag:s31] =	ssyncadd.s32 $0xFFFFC000  }
0x107: {  	_ =	swait.ge [sflag:s31], $0x4000  }
0x108: {  	[sflag:s31] =	ssyncset.done $0x0  }
0x109: {  	s11 =	sadd.s32 $0x7000, s10;
	[sflag:s31] =	ssyncadd.s32 $0xFFFFC000  }
0x10a: {  	[hbm4b:s11+s4] =	stream.linear.scatter [tilespmem:s26], [sflag:$0xB], $0x8000, $0x38;
	[tilespmem:$0x1A740] =	vst v63  }
0x10b: {  	_ =	swait.ge [sflag:s0], $0x8000  }
0x10c: {  	[sflag:s0] =	ssyncset.done $0x0  }
0x10d: {  	[sflag:s0] =	ssyncadd.s32 $0xFFFF8000  }
0x10e: {  	_ =	swait.ge [sflag:s2], $0x80  }
0x10f: {  	[sflag:s2] =	ssyncset.done $0x0  }
0x110: {  	[sflag:s2] =	ssyncadd.s32 $0xFFFFFF80  }
0x111: {  	_ =	swait.ge [sflag:s2], $0x80  }
0x112: {  	[sflag:s2] =	ssyncset.done $0x0  }
0x113: {  	[sflag:s2] =	ssyncadd.s32 $0xFFFFFF80  }
0x114: {  	[tilespmem:s20], [sflag:$0x7] =	stream.indirect.gather [spmem:s3], $0x80, s22, s9, $0xb8;
	[tilespmem:$0x1A740] =	vst v63  }
0x115: {  	s2 =	rddreg [dreg:$0x7]  }
0x116: {  	[tilespmem:s28], [sflag:$0x7] =	stream.indirect.gather [spmem:s3], $0x80, s23, s9, $0xb8;
	[tilespmem:$0x1A740] =	vst v63  }
0x117: {  	s11 =	sadd.s32 $0x0, s2  }
0x118: {  	[tilespmem:s4], [sflag:$0x1] =	stream.linear.gather [hbm4b:s11+s4], $0x80, $0x38;
	[tilespmem:$0x1A740] =	vst v63  }
0x119: {  	s11 =	sadd.s32 $0x10, s11  }
0x11a: {  	[tilespmem:s9], [sflag:$0x1] =	stream.linear.gather [hbm4b:s11+s4], $0x80, $0x38;
	[tilespmem:$0x1A740] =	vst v63  }
0x11b: {  	_ =	swait.ge [sflag:s6], $0x4000  }
0x11c: {  	[sflag:s6] =	ssyncset.done $0x0  }
0x11d: {  	[sflag:s6] =	ssyncadd.s32 $0xFFFFC000  }
0x11e: {  	_ =	swait.ge [sflag:s6], $0x4000  }
0x11f: {  	[sflag:s6] =	ssyncset.done $0x0  }
0x120: {  	s10 =	sadd.s32 $0x8000, s10;
	[sflag:s6] =	ssyncadd.s32 $0xFFFFC000  }
0x121: {  	[hbm4b:s10+s4] =	stream.linear.scatter [tilespmem:s29], [sflag:$0xC], $0x8000, $0x38;
	[tilespmem:$0x1A740] =	vst v63  }
0x122: {  	_ =	swait.ge [sflag:s7], $0x8000  }
0x123: {  	[sflag:s7] =	ssyncset.done $0x0  }
0x124: {  	[sflag:s7] =	ssyncadd.s32 $0xFFFF8000  }
0x125: {  	_ =	swait.ge [sflag:s8], $0x80  }
0x126: {  	[sflag:s8] =	ssyncset.done $0x0  }
0x127: {  	[sflag:s8] =	ssyncadd.s32 $0xFFFFFF80  }
0x128: {  	_ =	swait.ge [sflag:s8], $0x80  }
0x129: {  	[sflag:s8] =	ssyncset.done $0x0  }
0x12a: {  	[sflag:s8] =	ssyncadd.s32 $0xFFFFFF80  }
0x12b: {  	[tilespmem:s26], [sflag:$0x8] =	stream.indirect.gather [spmem:s3], $0x80, s15, s9, $0xb8;
	[tilespmem:$0x1A740] =	vst v63  }
0x12c: {  	s30 =	simm.s32 $0xC800;
	s23 =	rddreg [dreg:$0x6]  }
0x12d: {  	[tilespmem:s30], [sflag:$0x8] =	stream.indirect.gather [spmem:s3], $0x80, s25, s9, $0xb8;
	[tilespmem:$0x1A740] =	vst v63  }
0x12e: {  	s10 =	sadd.s32 $0x0, s23  }
0x12f: {  	[tilespmem:s16], [sflag:$0x2] =	stream.linear.gather [hbm4b:s10+s4], $0x80, $0x38;
	[tilespmem:$0x1A740] =	vst v63  }
0x130: {  	s10 =	sadd.s32 $0x10, s10  }
0x131: {  	[tilespmem:s21], [sflag:$0x2] =	stream.linear.gather [hbm4b:s10+s4], $0x80, $0x38;
	[tilespmem:$0x1A740] =	vst v63  }
0x132: {  	_ =	swait.ge [sflag:s24], $0x4000  }
0x133: {  	[sflag:s24] =	ssyncset.done $0x0  }
0x134: {  	[sflag:s24] =	ssyncadd.s32 $0xFFFFC000  }
0x135: {  	_ =	swait.ge [sflag:s24], $0x4000  }
0x136: {  	s26 =	rddreg [dreg:$0xc];
	[sflag:s24] =	ssyncset.done $0x0  }
0x137: {  	[sflag:s24] =	ssyncadd.s32 $0xFFFFC000;
	s10 =	sadd.s32 s13, s26  }
0x138: {  	[hbm4b:s10+s4] =	stream.linear.scatter [tilespmem:s20], [sflag:$0xA], $0x8000, $0x38;
	[tilespmem:$0x1A740] =	vst v63  }
0x139: {  	_ =	swait.ge [sflag:s5], $0x8000  }
0x13a: {  	[sflag:s5] =	ssyncset.done $0x0  }
0x13b: {  	[sflag:s5] =	ssyncadd.s32 $0xFFFF8000  }
0x13c: {  	_ =	swait.ge [sflag:s1], $0x80  }
0x13d: {  	[sflag:s1] =	ssyncset.done $0x0  }
0x13e: {  	[sflag:s1] =	ssyncadd.s32 $0xFFFFFF80  }
0x13f: {  	_ =	swait.ge [sflag:s1], $0x80  }
0x140: {  	[sflag:s1] =	ssyncset.done $0x0  }
0x141: {  	[sflag:s1] =	ssyncadd.s32 $0xFFFFFF80  }
0x142: {  	[tilespmem:s29], [sflag:$0x9] =	stream.indirect.gather [spmem:s3], $0x80, s14, s9, $0xb8;
	[tilespmem:$0x1A740] =	vst v63  }
0x143: {  	s17 =	simm.s32 $0x14800;
	s28 =	rddreg [dreg:$0x5]  }
0x144: {  	[tilespmem:s17], [sflag:$0x9] =	stream.indirect.gather [spmem:s3], $0x80, s12, s9, $0xb8;
	[tilespmem:$0x1A740] =	vst v63  }
0x145: {  	s10 =	sadd.s32 $0x0, s28  }
0x146: {  	[tilespmem:s19], [sflag:$0x3] =	stream.linear.gather [hbm4b:s10+s4], $0x80, $0x38;
	[tilespmem:$0x1A740] =	vst v63  }
0x147: {  	s10 =	sadd.s32 $0x10, s10  }
0x148: {  	[tilespmem:s18], [sflag:$0x3] =	stream.linear.gather [hbm4b:s10+s4], $0x80, $0x38;
	[tilespmem:$0x1A740] =	vst v63  }
0x149: {  	_ =	swait.ge [sflag:s31], $0x4000  }
0x14a: {  	[sflag:s31] =	ssyncset.done $0x0  }
0x14b: {  	[sflag:s31] =	ssyncadd.s32 $0xFFFFC000  }
0x14c: {  	_ =	swait.ge [sflag:s31], $0x4000  }
0x14d: {  	s11 =	sadd.s32 $0x6000, s13;
	s30 =	rddreg [dreg:$0xa];
	[sflag:s31] =	ssyncset.done $0x0  }
0x14e: {  	s10 =	simm.s32 $0xC0;
	[sflag:s31] =	ssyncadd.s32 $0xFFFFC000;
	s12 =	sadd.s32 s13, s30  }
.LBB2_2:
0x14f: {  	s26 =	simm.s32 $0x8800;
	s0 =	simm.s32 $0xA  }
0x150: {  	[hbm4b:s12+s4] =	stream.linear.scatter [tilespmem:s26], [sflag:$0xB], $0x8000, $0x38;
	[tilespmem:$0x1A740] =	vst v63  }
0x151: {  	_ =	swait.ge [sflag:s0], $0x8000  }
0x152: {  	[sflag:s0] =	ssyncset.done $0x0  }
0x153: {  	s13 =	simm.s32 $0x1;
	[sflag:s0] =	ssyncadd.s32 $0xFFFF8000  }
0x154: {  	_ =	swait.ge [sflag:s13], $0x80  }
0x155: {  	[sflag:s13] =	ssyncset.done $0x0  }
0x156: {  	[sflag:s13] =	ssyncadd.s32 $0xFFFFFF80  }
0x157: {  	_ =	swait.ge [sflag:s13], $0x80  }
0x158: {  	[sflag:s13] =	ssyncset.done $0x0  }
0x159: {  	s20 =	simm.s32 $0x800;
	[sflag:s13] =	ssyncadd.s32 $0xFFFFFF80  }
0x15a: {  	[tilespmem:s20], [sflag:$0x7] =	stream.indirect.gather [spmem:s3], $0x80, s4, s9, $0xb8;
	[tilespmem:$0x1A740] =	vst v63  }
0x15b: {  	s23 =	simm.s32 $0x4800;
	s12 =	smov.u32 s10;
	s17 =	rddreg [dreg:$0xd]  }
0x15c: {  	[tilespmem:s23], [sflag:$0x7] =	stream.indirect.gather [spmem:s3], $0x80, s9, s9, $0xb8;
	[tilespmem:$0x1A740] =	vst v63  }
0x15d: {  	s28 =	simm.s32 $0x300;
	s13 =	sadd.s32 s12, s17  }
0x15e: {  	[tilespmem:s28], [sflag:$0x4] =	stream.linear.gather [hbm4b:s13+s4], $0x80, $0x38;
	[tilespmem:$0x1A740] =	vst v63  }
0x15f: {  	s29 =	simm.s32 $0x380;
	s13 =	sadd.s32 $0x10, s13  }
0x160: {  	[tilespmem:s29], [sflag:$0x4] =	stream.linear.gather [hbm4b:s13+s4], $0x80, $0x38;
	[tilespmem:$0x1A740] =	vst v63  }
0x161: {  	_ =	swait.ge [sflag:s6], $0x4000  }
0x162: {  	[sflag:s6] =	ssyncset.done $0x0  }
0x163: {  	[sflag:s6] =	ssyncadd.s32 $0xFFFFC000  }
0x164: {  	_ =	swait.ge [sflag:s6], $0x4000  }
0x165: {  	s18 =	rddreg [dreg:$0x9]  }
0x166: {  	s15 =	simm.s32 $0x10800;
	[sflag:s6] =	ssyncset.done $0x0;
	s13 =	sadd.s32 s11, s18  }
0x167: {  	s8 =	simm.s32 $0xB;
	[sflag:s6] =	ssyncadd.s32 $0xFFFFC000;
	s16 =	sadd.s32 $0x5000, s13  }
0x168: {  	[hbm4b:s16+s4] =	stream.linear.scatter [tilespmem:s15], [sflag:$0xC], $0x8000, $0x38;
	[tilespmem:$0x1A740] =	vst v63  }
0x169: {  	_ =	swait.ge [sflag:s8], $0x8000  }
0x16a: {  	[sflag:s8] =	ssyncset.done $0x0  }
0x16b: {  	s14 =	simm.s32 $0x2;
	[sflag:s8] =	ssyncadd.s32 $0xFFFF8000  }
0x16c: {  	_ =	swait.ge [sflag:s14], $0x80  }
0x16d: {  	[sflag:s14] =	ssyncset.done $0x0  }
0x16e: {  	[sflag:s14] =	ssyncadd.s32 $0xFFFFFF80  }
0x16f: {  	_ =	swait.ge [sflag:s14], $0x80  }
0x170: {  	[sflag:s14] =	ssyncset.done $0x0  }
0x171: {  	s17 =	simm.s32 $0x100;
	[sflag:s14] =	ssyncadd.s32 $0xFFFFFF80  }
0x172: {  	[tilespmem:s26], [sflag:$0x8] =	stream.indirect.gather [spmem:s3], $0x80, s17, s9, $0xb8;
	[tilespmem:$0x1A740] =	vst v63  }
0x173: {  	s30 =	simm.s32 $0xC800;
	s18 =	simm.s32 $0x180;
	s19 =	rddreg [dreg:$0xb]  }
0x174: {  	[tilespmem:s30], [sflag:$0x8] =	stream.indirect.gather [spmem:s3], $0x80, s18, s9, $0xb8;
	[tilespmem:$0x1A740] =	vst v63  }
0x175: {  	s2 =	simm.s32 $0x400;
	s16 =	sadd.s32 s12, s19  }
0x176: {  	[tilespmem:s2], [sflag:$0x5] =	stream.linear.gather [hbm4b:s16+s4], $0x80, $0x38;
	[tilespmem:$0x1A740] =	vst v63  }
0x177: {  	s25 =	simm.s32 $0x480;
	s16 =	sadd.s32 $0x10, s16  }
0x178: {  	[tilespmem:s25], [sflag:$0x5] =	stream.linear.gather [hbm4b:s16+s4], $0x80, $0x38;
	[tilespmem:$0x1A740] =	vst v63  }
0x179: {  	_ =	swait.ge [sflag:s24], $0x4000  }
0x17a: {  	[sflag:s24] =	ssyncset.done $0x0  }
0x17b: {  	[sflag:s24] =	ssyncadd.s32 $0xFFFFC000  }
0x17c: {  	_ =	swait.ge [sflag:s24], $0x4000  }
0x17d: {  	[sflag:s24] =	ssyncset.done $0x0  }
0x17e: {  	s21 =	sadd.s32 $0x6000, s13;
	[sflag:s24] =	ssyncadd.s32 $0xFFFFC000  }
0x17f: {  	[hbm4b:s21+s4] =	stream.linear.scatter [tilespmem:s20], [sflag:$0xA], $0x8000, $0x38;
	[tilespmem:$0x1A740] =	vst v63  }
0x180: {  	_ =	swait.ge [sflag:s5], $0x8000  }
0x181: {  	[sflag:s5] =	ssyncset.done $0x0  }
0x182: {  	s22 =	simm.s32 $0x3;
	[sflag:s5] =	ssyncadd.s32 $0xFFFF8000  }
0x183: {  	_ =	swait.ge [sflag:s22], $0x80  }
0x184: {  	[sflag:s22] =	ssyncset.done $0x0  }
0x185: {  	[sflag:s22] =	ssyncadd.s32 $0xFFFFFF80  }
0x186: {  	_ =	swait.ge [sflag:s22], $0x80  }
0x187: {  	[sflag:s22] =	ssyncset.done $0x0  }
0x188: {  	s21 =	simm.s32 $0x200;
	[sflag:s22] =	ssyncadd.s32 $0xFFFFFF80  }
0x189: {  	[tilespmem:s15], [sflag:$0x9] =	stream.indirect.gather [spmem:s3], $0x80, s21, s9, $0xb8;
	[tilespmem:$0x1A740] =	vst v63  }
0x18a: {  	s14 =	simm.s32 $0x14800;
	s7 =	rddreg [dreg:$0x8];
	s22 =	simm.s32 $0x280  }
0x18b: {  	[tilespmem:s14], [sflag:$0x9] =	stream.indirect.gather [spmem:s3], $0x80, s22, s9, $0xb8;
	[tilespmem:$0x1A740] =	vst v63  }
0x18c: {  	s16 =	sadd.s32 s12, s7;
	s7 =	simm.s32 $0x500  }
0x18d: {  	[tilespmem:s7], [sflag:$0x6] =	stream.linear.gather [hbm4b:s16+s4], $0x80, $0x38;
	[tilespmem:$0x1A740] =	vst v63  }
0x18e: {  	s19 =	simm.s32 $0x580;
	s16 =	sadd.s32 $0x10, s16  }
0x18f: {  	[tilespmem:s19], [sflag:$0x6] =	stream.linear.gather [hbm4b:s16+s4], $0x80, $0x38;
	[tilespmem:$0x1A740] =	vst v63  }
0x190: {  	_ =	swait.ge [sflag:s31], $0x4000  }
0x191: {  	[sflag:s31] =	ssyncset.done $0x0  }
0x192: {  	[sflag:s31] =	ssyncadd.s32 $0xFFFFC000  }
0x193: {  	_ =	swait.ge [sflag:s31], $0x4000  }
0x194: {  	[sflag:s31] =	ssyncset.done $0x0  }
0x195: {  	s16 =	sadd.s32 $0x7000, s13;
	[sflag:s31] =	ssyncadd.s32 $0xFFFFC000  }
0x196: {  	[hbm4b:s16+s4] =	stream.linear.scatter [tilespmem:s26], [sflag:$0xB], $0x8000, $0x38;
	[tilespmem:$0x1A740] =	vst v63  }
0x197: {  	_ =	swait.ge [sflag:s0], $0x8000  }
0x198: {  	[sflag:s0] =	ssyncset.done $0x0  }
0x199: {  	s16 =	simm.s32 $0x4;
	[sflag:s0] =	ssyncadd.s32 $0xFFFF8000  }
0x19a: {  	_ =	swait.ge [sflag:s16], $0x80  }
0x19b: {  	[sflag:s16] =	ssyncset.done $0x0  }
0x19c: {  	[sflag:s16] =	ssyncadd.s32 $0xFFFFFF80  }
0x19d: {  	_ =	swait.ge [sflag:s16], $0x80  }
0x19e: {  	[sflag:s16] =	ssyncset.done $0x0  }
0x19f: {  	[sflag:s16] =	ssyncadd.s32 $0xFFFFFF80  }
0x1a0: {  	[tilespmem:s20], [sflag:$0x7] =	stream.indirect.gather [spmem:s3], $0x80, s28, s9, $0xb8;
	[tilespmem:$0x1A740] =	vst v63  }
0x1a1: {  	s0 =	rddreg [dreg:$0x7]  }
0x1a2: {  	[tilespmem:s23], [sflag:$0x7] =	stream.indirect.gather [spmem:s3], $0x80, s29, s9, $0xb8;
	[tilespmem:$0x1A740] =	vst v63  }
0x1a3: {  	s16 =	sadd.s32 s12, s0  }
0x1a4: {  	[tilespmem:s4], [sflag:$0x1] =	stream.linear.gather [hbm4b:s16+s4], $0x80, $0x38;
	[tilespmem:$0x1A740] =	vst v63  }
0x1a5: {  	s16 =	sadd.s32 $0x10, s16  }
0x1a6: {  	[tilespmem:s9], [sflag:$0x1] =	stream.linear.gather [hbm4b:s16+s4], $0x80, $0x38;
	[tilespmem:$0x1A740] =	vst v63  }
0x1a7: {  	_ =	swait.ge [sflag:s6], $0x4000  }
0x1a8: {  	[sflag:s6] =	ssyncset.done $0x0  }
0x1a9: {  	[sflag:s6] =	ssyncadd.s32 $0xFFFFC000  }
0x1aa: {  	_ =	swait.ge [sflag:s6], $0x4000  }
0x1ab: {  	[sflag:s6] =	ssyncset.done $0x0  }
0x1ac: {  	s13 =	sadd.s32 $0x8000, s13;
	[sflag:s6] =	ssyncadd.s32 $0xFFFFC000  }
0x1ad: {  	[hbm4b:s13+s4] =	stream.linear.scatter [tilespmem:s15], [sflag:$0xC], $0x8000, $0x38;
	[tilespmem:$0x1A740] =	vst v63  }
0x1ae: {  	_ =	swait.ge [sflag:s8], $0x8000  }
0x1af: {  	[sflag:s8] =	ssyncset.done $0x0  }
0x1b0: {  	[sflag:s8] =	ssyncadd.s32 $0xFFFF8000;
	s8 =	simm.s32 $0x5  }
0x1b1: {  	_ =	swait.ge [sflag:s8], $0x80  }
0x1b2: {  	[sflag:s8] =	ssyncset.done $0x0  }
0x1b3: {  	[sflag:s8] =	ssyncadd.s32 $0xFFFFFF80  }
0x1b4: {  	_ =	swait.ge [sflag:s8], $0x80  }
0x1b5: {  	[sflag:s8] =	ssyncset.done $0x0  }
0x1b6: {  	[sflag:s8] =	ssyncadd.s32 $0xFFFFFF80  }
0x1b7: {  	[tilespmem:s26], [sflag:$0x8] =	stream.indirect.gather [spmem:s3], $0x80, s2, s9, $0xb8;
	[tilespmem:$0x1A740] =	vst v63  }
0x1b8: {  	s16 =	rddreg [dreg:$0x6]  }
0x1b9: {  	[tilespmem:s30], [sflag:$0x8] =	stream.indirect.gather [spmem:s3], $0x80, s25, s9, $0xb8;
	[tilespmem:$0x1A740] =	vst v63  }
0x1ba: {  	s13 =	sadd.s32 s12, s16  }
0x1bb: {  	[tilespmem:s17], [sflag:$0x2] =	stream.linear.gather [hbm4b:s13+s4], $0x80, $0x38;
	[tilespmem:$0x1A740] =	vst v63  }
0x1bc: {  	s13 =	sadd.s32 $0x10, s13  }
0x1bd: {  	[tilespmem:s18], [sflag:$0x2] =	stream.linear.gather [hbm4b:s13+s4], $0x80, $0x38;
	[tilespmem:$0x1A740] =	vst v63  }
0x1be: {  	_ =	swait.ge [sflag:s24], $0x4000  }
0x1bf: {  	[sflag:s24] =	ssyncset.done $0x0  }
0x1c0: {  	[sflag:s24] =	ssyncadd.s32 $0xFFFFC000  }
0x1c1: {  	_ =	swait.ge [sflag:s24], $0x4000  }
0x1c2: {  	s28 =	rddreg [dreg:$0xc];
	[sflag:s24] =	ssyncset.done $0x0  }
0x1c3: {  	[sflag:s24] =	ssyncadd.s32 $0xFFFFC000;
	s13 =	sadd.s32 s11, s28  }
0x1c4: {  	[hbm4b:s13+s4] =	stream.linear.scatter [tilespmem:s20], [sflag:$0xA], $0x8000, $0x38;
	[tilespmem:$0x1A740] =	vst v63  }
0x1c5: {  	_ =	swait.ge [sflag:s5], $0x8000  }
0x1c6: {  	[sflag:s5] =	ssyncset.done $0x0  }
0x1c7: {  	[sflag:s5] =	ssyncadd.s32 $0xFFFF8000  }
0x1c8: {  	_ =	swait.ge [sflag:s1], $0x80  }
0x1c9: {  	[sflag:s1] =	ssyncset.done $0x0  }
0x1ca: {  	[sflag:s1] =	ssyncadd.s32 $0xFFFFFF80  }
0x1cb: {  	_ =	swait.ge [sflag:s1], $0x80  }
0x1cc: {  	[sflag:s1] =	ssyncset.done $0x0  }
0x1cd: {  	[sflag:s1] =	ssyncadd.s32 $0xFFFFFF80  }
0x1ce: {  	[tilespmem:s15], [sflag:$0x9] =	stream.indirect.gather [spmem:s3], $0x80, s7, s9, $0xb8;
	[tilespmem:$0x1A740] =	vst v63  }
0x1cf: {  	s29 =	rddreg [dreg:$0x5]  }
0x1d0: {  	[tilespmem:s14], [sflag:$0x9] =	stream.indirect.gather [spmem:s3], $0x80, s19, s9, $0xb8;
	[tilespmem:$0x1A740] =	vst v63  }
0x1d1: {  	s12 =	sadd.s32 s12, s29  }
0x1d2: {  	[tilespmem:s21], [sflag:$0x3] =	stream.linear.gather [hbm4b:s12+s4], $0x80, $0x38;
	[tilespmem:$0x1A740] =	vst v63  }
0x1d3: {  	s12 =	sadd.s32 $0x10, s12  }
0x1d4: {  	[tilespmem:s22], [sflag:$0x3] =	stream.linear.gather [hbm4b:s12+s4], $0x80, $0x38;
	[tilespmem:$0x1A740] =	vst v63  }
0x1d5: {  	p1 =	sne.s32 s10, $0x3000;
	s10 =	sadd.s32 $0xC0, s10;
	_ =	swait.ge [sflag:s31], $0x4000  }
.Ltmp0:
0x1d6: {  	s23 =	simm.s32 $0xC800;
	[sflag:s31] =	ssyncset.done $0x0;
	(pc) =	sbr.rel @p1 .LBB2_2-.Ltmp0, $4  }
0x1d7: {  	s16 =	simm.s32 $0x100;
	s26 =	simm.s32 $0x14800;
	[sflag:s31] =	ssyncadd.s32 $0xFFFFC000  }
0x1d8: {  	s17 =	simm.s32 $0x180;
	s18 =	simm.s32 $0x280;
	_ =	swait.ge [sflag:s31], $0x4000  }
0x1d9: {  	s13 =	simm.s32 $0x200;
	[sflag:s31] =	ssyncset.done $0x0;
	s30 =	rddreg [dreg:$0xa]  }
0x1da: {  	[sflag:s31] =	ssyncadd.s32 $0xFFFFC000;
	s12 =	sadd.s32 s11, s30;
	s11 =	sadd.s32 $0x6000, s11  }
0x1db: {  	s20 =	simm.s32 $0x8800;
	s0 =	simm.s32 $0xA  }
0x1dc: {  	[hbm4b:s12+s4] =	stream.linear.scatter [tilespmem:s20], [sflag:$0xB], $0x8000, $0x38;
	[tilespmem:$0x1A740] =	vst v63  }
0x1dd: {  	_ =	swait.ge [sflag:s0], $0x8000  }
0x1de: {  	[sflag:s0] =	ssyncset.done $0x0  }
0x1df: {  	s10 =	simm.s32 $0x1;
	[sflag:s0] =	ssyncadd.s32 $0xFFFF8000  }
0x1e0: {  	_ =	swait.ge [sflag:s10], $0x80  }
0x1e1: {  	[sflag:s10] =	ssyncset.done $0x0  }
0x1e2: {  	[sflag:s10] =	ssyncadd.s32 $0xFFFFFF80  }
0x1e3: {  	_ =	swait.ge [sflag:s10], $0x80  }
0x1e4: {  	[sflag:s10] =	ssyncset.done $0x0  }
0x1e5: {  	s15 =	simm.s32 $0x800;
	[sflag:s10] =	ssyncadd.s32 $0xFFFFFF80  }
0x1e6: {  	[tilespmem:s15], [sflag:$0x7] =	stream.indirect.gather [spmem:s3], $0x80, s4, s9, $0xb8;
	[tilespmem:$0x1A740] =	vst v63  }
0x1e7: {  	s11 =	simm.s32 $0x4800;
	s29 =	rddreg [dreg:$0x1c]  }
0x1e8: {  	[tilespmem:s11], [sflag:$0x7] =	stream.indirect.gather [spmem:s3], $0x80, s9, s9, $0xb8;
	[tilespmem:$0x1A740] =	vst v63  }
0x1e9: {  	s30 =	simm.s32 $0x300;
	s2 =	sld [smem:$0x7FD]  }
0x1ea: {  	[tilespmem:s30], [sflag:$0x4] =	stream.linear.gather [hbm4b:s29+s4], $0x80, $0x38;
	[tilespmem:$0x1A740] =	vst v63  }
0x1eb: {  	s21 =	simm.s32 $0x380  }
0x1ec: {  	[tilespmem:s21], [sflag:$0x4] =	stream.linear.gather [hbm4b:s2+s4], $0x80, $0x38;
	[tilespmem:$0x1A740] =	vst v63  }
0x1ed: {  	_ =	swait.ge [sflag:s6], $0x4000  }
0x1ee: {  	[sflag:s6] =	ssyncset.done $0x0  }
0x1ef: {  	[sflag:s6] =	ssyncadd.s32 $0xFFFFC000  }
0x1f0: {  	_ =	swait.ge [sflag:s6], $0x4000  }
0x1f1: {  	[sflag:s6] =	ssyncset.done $0x0  }
0x1f2: {  	s22 =	simm.s32 $0x10800;
	s7 =	rddreg [dreg:$0x1d];
	[sflag:s6] =	ssyncadd.s32 $0xFFFFC000  }
0x1f3: {  	[hbm4b:s7+s4] =	stream.linear.scatter [tilespmem:s22], [sflag:$0xC], $0x8000, $0x38;
	[tilespmem:$0x1A740] =	vst v63  }
0x1f4: {  	s7 =	simm.s32 $0xB  }
0x1f5: {  	_ =	swait.ge [sflag:s7], $0x8000  }
0x1f6: {  	[sflag:s7] =	ssyncset.done $0x0  }
0x1f7: {  	s14 =	simm.s32 $0x2;
	[sflag:s7] =	ssyncadd.s32 $0xFFFF8000  }
0x1f8: {  	_ =	swait.ge [sflag:s14], $0x80  }
0x1f9: {  	[sflag:s14] =	ssyncset.done $0x0  }
0x1fa: {  	[sflag:s14] =	ssyncadd.s32 $0xFFFFFF80  }
0x1fb: {  	_ =	swait.ge [sflag:s14], $0x80  }
0x1fc: {  	[sflag:s14] =	ssyncset.done $0x0  }
0x1fd: {  	[sflag:s14] =	ssyncadd.s32 $0xFFFFFF80  }
0x1fe: {  	[tilespmem:s20], [sflag:$0x8] =	stream.indirect.gather [spmem:s3], $0x80, s16, s9, $0xb8;
	[tilespmem:$0x1A740] =	vst v63  }
0x1ff: {  	_ = 	snop  }
0x200: {  	[tilespmem:s23], [sflag:$0x8] =	stream.indirect.gather [spmem:s3], $0x80, s17, s9, $0xb8;
	[tilespmem:$0x1A740] =	vst v63  }
0x201: {  	_ =	swait.ge [sflag:s24], $0x4000  }
0x202: {  	[sflag:s24] =	ssyncset.done $0x0  }
0x203: {  	[sflag:s24] =	ssyncadd.s32 $0xFFFFC000  }
0x204: {  	_ =	swait.ge [sflag:s24], $0x4000  }
0x205: {  	[sflag:s24] =	ssyncset.done $0x0  }
0x206: {  	s19 =	rddreg [dreg:$0x1e];
	[sflag:s24] =	ssyncadd.s32 $0xFFFFC000  }
0x207: {  	[hbm4b:s19+s4] =	stream.linear.scatter [tilespmem:s15], [sflag:$0xA], $0x8000, $0x38;
	[tilespmem:$0x1A740] =	vst v63  }
0x208: {  	_ =	swait.ge [sflag:s5], $0x8000  }
0x209: {  	[sflag:s5] =	ssyncset.done $0x0  }
0x20a: {  	s23 =	simm.s32 $0x3;
	[sflag:s5] =	ssyncadd.s32 $0xFFFF8000  }
0x20b: {  	_ =	swait.ge [sflag:s23], $0x80  }
0x20c: {  	[sflag:s23] =	ssyncset.done $0x0  }
0x20d: {  	[sflag:s23] =	ssyncadd.s32 $0xFFFFFF80  }
0x20e: {  	_ =	swait.ge [sflag:s23], $0x80  }
0x20f: {  	[sflag:s23] =	ssyncset.done $0x0  }
0x210: {  	[sflag:s23] =	ssyncadd.s32 $0xFFFFFF80  }
0x211: {  	[tilespmem:s22], [sflag:$0x9] =	stream.indirect.gather [spmem:s3], $0x80, s13, s9, $0xb8;
	[tilespmem:$0x1A740] =	vst v63  }
0x212: {  	_ = 	snop  }
0x213: {  	[tilespmem:s26], [sflag:$0x9] =	stream.indirect.gather [spmem:s3], $0x80, s18, s9, $0xb8;
	[tilespmem:$0x1A740] =	vst v63  }
0x214: {  	_ =	swait.ge [sflag:s31], $0x4000  }
0x215: {  	[sflag:s31] =	ssyncset.done $0x0  }
0x216: {  	[sflag:s31] =	ssyncadd.s32 $0xFFFFC000  }
0x217: {  	_ =	swait.ge [sflag:s31], $0x4000  }
0x218: {  	[sflag:s31] =	ssyncset.done $0x0  }
0x219: {  	s25 =	rddreg [dreg:$0x1f];
	[sflag:s31] =	ssyncadd.s32 $0xFFFFC000  }
0x21a: {  	[hbm4b:s25+s4] =	stream.linear.scatter [tilespmem:s20], [sflag:$0xB], $0x8000, $0x38;
	[tilespmem:$0x1A740] =	vst v63  }
0x21b: {  	_ =	swait.ge [sflag:s0], $0x8000  }
0x21c: {  	[sflag:s0] =	ssyncset.done $0x0  }
0x21d: {  	s2 =	simm.s32 $0x4;
	[sflag:s0] =	ssyncadd.s32 $0xFFFF8000  }
0x21e: {  	_ =	swait.ge [sflag:s2], $0x80  }
0x21f: {  	[sflag:s2] =	ssyncset.done $0x0  }
0x220: {  	[sflag:s2] =	ssyncadd.s32 $0xFFFFFF80  }
0x221: {  	_ =	swait.ge [sflag:s2], $0x80  }
0x222: {  	[sflag:s2] =	ssyncset.done $0x0  }
0x223: {  	[sflag:s2] =	ssyncadd.s32 $0xFFFFFF80  }
0x224: {  	[tilespmem:s15], [sflag:$0x7] =	stream.indirect.gather [spmem:s3], $0x80, s30, s9, $0xb8;
	[tilespmem:$0x1A740] =	vst v63  }
0x225: {  	_ = 	snop  }
0x226: {  	[tilespmem:s11], [sflag:$0x7] =	stream.indirect.gather [spmem:s3], $0x80, s21, s9, $0xb8;
	[tilespmem:$0x1A740] =	vst v63  }
0x227: {  	_ =	swait.ge [sflag:s6], $0x4000  }
0x228: {  	[sflag:s6] =	ssyncset.done $0x0  }
0x229: {  	[sflag:s6] =	ssyncadd.s32 $0xFFFFC000  }
0x22a: {  	_ =	swait.ge [sflag:s6], $0x4000  }
0x22b: {  	s26 =	sld [smem:$0x7F1]  }
0x22c: {  	[sflag:s6] =	ssyncset.done $0x0  }
0x22d: {  	[sflag:s6] =	ssyncadd.s32 $0xFFFFC000  }
0x22e: {  	[hbm4b:s26+s4] =	stream.linear.scatter [tilespmem:s22], [sflag:$0xC], $0x8000, $0x38;
	[tilespmem:$0x1A740] =	vst v63  }
0x22f: {  	_ =	swait.ge [sflag:s24], $0x4000  }
0x230: {  	[sflag:s24] =	ssyncset.done $0x0  }
0x231: {  	[sflag:s24] =	ssyncadd.s32 $0xFFFFC000  }
0x232: {  	_ =	swait.ge [sflag:s24], $0x4000  }
0x233: {  	s28 =	sld [smem:$0x7F2]  }
0x234: {  	[sflag:s24] =	ssyncset.done $0x0  }
0x235: {  	[sflag:s24] =	ssyncadd.s32 $0xFFFFC000  }
0x236: {  	[hbm4b:s28+s4] =	stream.linear.scatter [tilespmem:s15], [sflag:$0xA], $0x8000, $0x38;
	[tilespmem:$0x1A740] =	vst v63  }
0x237: {  	_ =	swait.ge [sflag:s7], $0x8000  }
0x238: {  	[sflag:s7] =	ssyncset.done $0x0  }
0x239: {  	[sflag:s7] =	ssyncadd.s32 $0xFFFF8000  }
0x23a: {  	_ =	swait.ge [sflag:s5], $0x8000  }
0x23b: {  	[sflag:s5] =	ssyncset.done $0x0  }
0x23c: {  	[sflag:s5] =	ssyncadd.s32 $0xFFFF8000  }
0x23d: {  	_ =	swait.ge [sflag:s0], $0x8000  }
0x23e: {  	s29 =	sld [smem:$0x7F0]  }
0x23f: {  	s30 =	sld [smem:$0x7F3];
	_ =	sdelay $0x1  }
0x240: {  	s11 =	sadd.s32 $0x1, s29  }
0x241: {  	p1 =	sne.s32 s11, s30  }
.Ltmp1:
0x242: {  	_ = 	snop;
	(pc) =	sbr.rel @p1 .LBB2_1-.Ltmp1, $3  }
0x243: {  	_ =	sdelay $0x1  }
0x244: {  	s14 =	simm.s32 $0x500;
	[sflag:s0] =	ssyncset.done $0x0  }
0x245: {  	s13 =	simm.s32 $0x480;
	s15 =	simm.s32 $0x400;
	[sflag:s0] =	ssyncadd.s32 $0xFFFF8000  }
0x246: {  	_ =	sfence.sel $0x180000  }
0x247: {  	[bflag:$0x0] =	sbarrier.arrive $0xFFFF  }
0x248: {  	_ =	strace $0x90000047  }
0x249: {  	[bflag:$0x2] =	sbarrier.arrive $0xFFFF  }
0x24a: {  	s0 =	rddreg [dreg:$0x4]  }
0x24b: {  	s0 =	sadd.s32 @!p0 $0x100000, s0  }
0x24c: {  	[sflag:s0] =	ssyncadd.tile.s32 @!p0 $0x1;
	_ =	shalt  }
.Lfunc_end2:
_tile_overlayer_lowered:
.L_overlay_start_2:
0x24d: {  	(tag) =	ssettag $0x2  }
0x24e: {  	s0 =	rddreg [dreg:$0x0];
	s2 =	stileid.u32  }
0x24f: {  	s1 =	rddreg [dreg:$0x1];
	p0 =	sne.s32 s2, $0x0  }
0x250: {  	s3 =	rddreg [dreg:$0x2];
	[bflag:$0x3] =	sbarrier.arrive $0xFFFF;
	s2 =	simm.s32 @!p0 $0x1C0D  }
0x251: {  	[timem:s3], [sflag:s2] =	dma.local @!p0 [hbm:s0], s1  }
0x252: {  	s0 =	simm.s32 @!p0 $0xD  }
0x253: {  	_ =	swait.ge @!p0 [sflag:s0], s1  }
0x254: {  	s1 =	ssub.s32 @!p0 $0x0, s1;
	[sflag:s0] =	ssyncset.done @!p0 $0x0  }
0x255: {  	[sflag:s0] =	ssyncadd.s32 @!p0 s1  }
0x256: {  	[bflag:$0x3] =	sbarrier.arrive $0xFFFF  }
0x257: {  	_ =	shalt  }

</sc_bundles>
